<compile_context>
chip_gen: v7x
topology: tpu7x:2x2x1
jax: 0.10.2.dev20260603
libtpu: 0.0.44.dev20260713+nightly
codegen_flags: <defaults>
</compile_context>

<pallas_src>
import jax
import jax.numpy as jnp
from jax import lax
from jax.experimental import pallas as pl
from jax.experimental.pallas import tpu as pltpu
from jax.experimental.pallas import tpu_sc as plsc

N = 10000
E = 320000
D = 128
NC = 2
NS = 16
NW = NC * NS
K = 128
NB = 81
EPT = NB * K
EPAD = NW * EPT
NACC = 10104
DEGN = 10240
RPT = 624
RPT_LAST = N - (NS - 1) * RPT
DEGZ = DEGN // NS

_mesh = lambda: plsc.VectorSubcoreMesh(core_axis_name="c", subcore_axis_name="s")


def _deg_body(dstb_hbm, deg_hbm, dst_v, ones_v, zer_v, dacc):
  c = lax.axis_index("c")
  s = lax.axis_index("s")
  wid = c * NS + s
  pltpu.sync_copy(dstb_hbm.at[wid], dst_v)
  for j in range(K // 16):
    ones_v[pl.ds(j * 16, 16)] = jnp.ones((16,), jnp.float32)
  for j in range(DEGZ // 16):
    zer_v[pl.ds(j * 16, 16)] = jnp.zeros((16,), jnp.float32)
  pltpu.sync_copy(zer_v, dacc.at[pl.ds(s * DEGZ, DEGZ)])
  plsc.subcore_barrier()

  @pl.loop(0, NB)
  def _edge_batches(b):
    pltpu.sync_copy(ones_v, dacc.at[dst_v.at[b]], add=True)

  plsc.subcore_barrier()
  pltpu.sync_copy(dacc.at[pl.ds(s * DEGZ, DEGZ)],
                  deg_hbm.at[c, 0, pl.ds(s * DEGZ, DEGZ)])


def _deg_call(dstb):
  f = pl.kernel(
      _deg_body,
      out_type=jax.ShapeDtypeStruct((NC, 1, DEGN), jnp.float32),
      mesh=_mesh(),
      scratch_types=[
          pltpu.VMEM((NB, K), jnp.int32),
          pltpu.VMEM((K,), jnp.float32),
          pltpu.VMEM((DEGZ,), jnp.float32),
          pltpu.VMEM_SHARED((DEGN,), jnp.float32),
      ],
  )
  return f(dstb)


def _edge_body(m_hbm, srcb_hbm, dstb_hbm, zrows_hbm, out_hbm,
               sidx0, sidx1, sidx2, didx0, didx1, didx2,
               buf0, buf1, buf2, acc,
               gsem0, gsem1, gsem2, isem0, isem1, isem2,
               dsem0, dsem1, dsem2):
  c = lax.axis_index("c")
  s = lax.axis_index("s")
  wid = c * NS + s
  rbase = s * RPT
  last = s == NS - 1

  @pl.when(jnp.logical_and(c == 0, jnp.logical_not(last)))
  def _():
    pltpu.sync_copy(m_hbm.at[pl.ds(rbase, RPT)], acc.at[pl.ds(rbase, RPT)])

  @pl.when(jnp.logical_and(c == 0, last))
  def _():
    pltpu.sync_copy(m_hbm.at[pl.ds((NS - 1) * RPT, RPT_LAST)],
                    acc.at[pl.ds((NS - 1) * RPT, RPT_LAST)])

  @pl.when(jnp.logical_and(c != 0, jnp.logical_not(last)))
  def _():
    pltpu.sync_copy(zrows_hbm.at[pl.ds(0, RPT)], acc.at[pl.ds(rbase, RPT)])

  @pl.when(jnp.logical_and(c != 0, last))
  def _():
    pltpu.sync_copy(zrows_hbm, acc.at[pl.ds((NS - 1) * RPT, RPT_LAST)])

  plsc.subcore_barrier()

  sidx = (sidx0, sidx1, sidx2)
  didx = (didx0, didx1, didx2)
  bufs = (buf0, buf1, buf2)
  gsem = (gsem0, gsem1, gsem2)
  isem = (isem0, isem1, isem2)
  dsem = (dsem0, dsem1, dsem2)

  def wait_sidx(j):
    pltpu.make_async_copy(srcb_hbm.at[0, 0], sidx[j], isem[j]).wait()

  def wait_didx(j):
    pltpu.make_async_copy(dstb_hbm.at[0, 0], didx[j], dsem[j]).wait()

  def wait_gather(j):
    pltpu.make_async_copy(m_hbm.at[sidx0.at[0]], bufs[j], gsem[j]).wait()

  for j in range(3):
    pltpu.async_copy(srcb_hbm.at[wid, j], sidx[j], isem[j])
    pltpu.async_copy(dstb_hbm.at[wid, j], didx[j], dsem[j])
  for j in range(3):
    wait_sidx(j)
    pltpu.async_copy(m_hbm.at[sidx[j].at[0]], bufs[j], gsem[j])

  @pl.loop(0, NB // 3)
  def _groups(o):
    B = 3 * o
    for j in range(3):
      b = B + j
      wait_gather(j)

      @pl.when(b + 3 < NB)
      def _():
        pltpu.async_copy(srcb_hbm.at[wid, b + 3], sidx[j], isem[j])

      wait_didx(j)
      pltpu.sync_copy(bufs[j], acc.at[didx[j].at[0]], add=True)

      @pl.when(b + 3 < NB)
      def _():
        pltpu.async_copy(dstb_hbm.at[wid, b + 3], didx[j], dsem[j])
        wait_sidx(j)
        pltpu.async_copy(m_hbm.at[sidx[j].at[0]], bufs[j], gsem[j])

  plsc.subcore_barrier()

  @pl.when(jnp.logical_not(last))
  def _():
    pltpu.sync_copy(acc.at[pl.ds(rbase, RPT)],
                    out_hbm.at[c, pl.ds(rbase, RPT)])

  @pl.when(last)
  def _():
    pltpu.sync_copy(acc.at[pl.ds((NS - 1) * RPT, RPT_LAST)],
                    out_hbm.at[c, pl.ds((NS - 1) * RPT, RPT_LAST)])


def _edge_call(m, srcb4, dstb4, zrows):
  f = pl.kernel(
      _edge_body,
      out_type=jax.ShapeDtypeStruct((NC, N, D), jnp.float32),
      mesh=_mesh(),
      scratch_types=(
          [pltpu.VMEM((1, K), jnp.int32)] * 6
          + [pltpu.VMEM((K, D), jnp.float32)] * 3
          + [pltpu.VMEM_SHARED((NACC, D), jnp.float32)]
          + [pltpu.SemaphoreType.DMA] * 9
      ),
  )
  return f(m, srcb4, dstb4, zrows)


RB = 1000


def _tc_first_body(x_ref, wx_ref, bx_ref, w0_ref, dinv_ref, o_ref):
  h0 = jnp.dot(x_ref[...], wx_ref[...],
               preferred_element_type=jnp.float32) + bx_ref[...]
  o_ref[...] = jnp.dot(h0, w0_ref[...],
                       preferred_element_type=jnp.float32) * dinv_ref[...]


def _tc_mid_body(s_ref, b_ref, w_ref, dinv_ref, o_ref):
  h = jnp.maximum(dinv_ref[...] * (s_ref[0] + s_ref[1]) + b_ref[...], 0.0)
  o_ref[...] = jnp.dot(h, w_ref[...],
                       preferred_element_type=jnp.float32) * dinv_ref[...]


def _tc_last_body(s_ref, b_ref, dinv_ref, o_ref):
  o_ref[...] = dinv_ref[...] * (s_ref[0] + s_ref[1]) + b_ref[...]


_row_spec = pl.BlockSpec((RB, D), lambda i: (i, 0))
_w_spec = pl.BlockSpec((D, D), lambda i: (0, 0))
_b_spec = pl.BlockSpec((1, D), lambda i: (0, 0))
_dinv_spec = pl.BlockSpec((RB, 1), lambda i: (i, 0))
_s_spec = pl.BlockSpec((NC, RB, D), lambda i: (0, i, 0))
_out_sds = jax.ShapeDtypeStruct((N, D), jnp.float32)


def _tc_first(x, Wx, bx2, W0, dinv):
  return pl.pallas_call(
      _tc_first_body, grid=(N // RB,),
      in_specs=[_row_spec, _w_spec, _b_spec, _w_spec, _dinv_spec],
      out_specs=_row_spec, out_shape=_out_sds,
  )(x, Wx, bx2, W0, dinv)


def _tc_mid(s2, b2, W, dinv):
  return pl.pallas_call(
      _tc_mid_body, grid=(N // RB,),
      in_specs=[_s_spec, _b_spec, _w_spec, _dinv_spec],
      out_specs=_row_spec, out_shape=_out_sds,
  )(s2, b2, W, dinv)


def _tc_last(s2, b2, dinv):
  return pl.pallas_call(
      _tc_last_body, grid=(N // RB,),
      in_specs=[_s_spec, _b_spec, _dinv_spec],
      out_specs=_row_spec, out_shape=_out_sds,
  )(s2, b2, dinv)


def kernel(x, edge_index, edge_attr, Wx, bx, W0, b0, W1, b1, W2, b2):
  del edge_attr
  src = edge_index[0].astype(jnp.int32)
  dst = edge_index[1].astype(jnp.int32)
  pad = EPAD - E
  ar = jnp.arange(pad, dtype=jnp.int32)
  pad_src = (ar * 97) % N
  pad_dst = N + ar % (NACC - N)
  srcb4 = jnp.concatenate([src, pad_src]).reshape(NW, NB, 1, K)
  dstb4 = jnp.concatenate([dst, pad_dst]).reshape(NW, NB, 1, K)
  zrows = jnp.zeros((RPT_LAST, D), jnp.float32)

  deg2 = _deg_call(dstb4.reshape(NW, NB, K))
  deg = deg2[0, 0, :N] + deg2[1, 0, :N] + 1.0
  dinv = lax.rsqrt(deg).reshape(N, 1)

  bx2 = bx.reshape(1, D)
  m = _tc_first(x, Wx, bx2, W0, dinv)
  s2 = _edge_call(m, srcb4, dstb4, zrows)
  m = _tc_mid(s2, b0.reshape(1, D), W1, dinv)
  s2 = _edge_call(m, srcb4, dstb4, zrows)
  m = _tc_mid(s2, b1.reshape(1, D), W2, dinv)
  s2 = _edge_call(m, srcb4, dstb4, zrows)
  return _tc_last(s2, b2.reshape(1, D), dinv)

# --- scband reference (transcript-rebuilt; emitter-appended) ---
"""Pipeline reference for scband-gnn-1-75986561401171 (READ-ONLY COPY).

The authoritative reference and input builder live on the scoring server;
editing this copy changes nothing except your own understanding.
"""

import jax, jax.numpy as jnp
import numpy as np

N = 10000
E = 320000
D = 128
D_EDGE = 4
NUM_LAYERS = 3


def setup_inputs(seed: int = 0) -> dict:
    key = jax.random.key(seed)
    ks = jax.random.split(key, 12)
    x = jax.random.normal(ks[0], (N, D), dtype=jnp.float32)
    edge_index = jax.random.randint(ks[1], (2, E), 0, N, dtype=jnp.int32)
    edge_attr = jax.random.normal(ks[2], (E, D_EDGE), dtype=jnp.float32)
    scale = 1.0 / np.sqrt(D)
    Wx = jax.random.normal(ks[3], (D, D), dtype=jnp.float32) * scale
    bx = jnp.zeros((D,), dtype=jnp.float32)
    W0 = jax.random.normal(ks[4], (D, D), dtype=jnp.float32) * scale
    b0 = jnp.zeros((D,), dtype=jnp.float32)
    W1 = jax.random.normal(ks[5], (D, D), dtype=jnp.float32) * scale
    b1 = jnp.zeros((D,), dtype=jnp.float32)
    W2 = jax.random.normal(ks[6], (D, D), dtype=jnp.float32) * scale
    b2 = jnp.zeros((D,), dtype=jnp.float32)
    return {"x": x, "edge_index": edge_index, "edge_attr": edge_attr,
            "Wx": Wx, "bx": bx, "W0": W0, "b0": b0, "W1": W1, "b1": b1, "W2": W2, "b2": b2}


def _gcn_conv(h, src, dst, W, b):
    # PyG-style GCNConv: transform, then symmetric-normalized scatter-add aggregation.
    n = h.shape[0]
    m = h @ W
    deg = jnp.zeros((n,), dtype=h.dtype).at[dst].add(1.0)
    dinv = jnp.where(deg > 0, 1.0 / jnp.sqrt(deg), 0.0)
    norm = dinv[src] * dinv[dst]
    msgs = m[src] * norm[:, None]
    out = jnp.zeros_like(m).at[dst].add(msgs)
    return out + b


def reference(x, edge_index, edge_attr, Wx, bx, W0, b0, W1, b1, W2, b2):
    # GNN forward with config: num_layer=3, gnn_type='gcn', JK='last', bn=False,
    # residual_connect=False, drop_ratio=0.0 (dropout is a no-op in eval / p=0).
    # edge_attr is accepted by forward but unused by gcn layers.
    n = x.shape[0]
    loop = jnp.arange(n, dtype=edge_index.dtype)
    src = jnp.concatenate([edge_index[0], loop])
    dst = jnp.concatenate([edge_index[1], loop])
    h = x @ Wx + bx  # linear_x
    h_list = [h]
    Ws = [(W0, b0), (W1, b1), (W2, b2)]
    for layer in range(NUM_LAYERS):
        h = _gcn_conv(h_list[layer], src, dst, Ws[layer][0], Ws[layer][1])
        if layer != NUM_LAYERS - 1:
            h = jax.nn.relu(h)
        h_list.append(h)
    # JK == 'last'
    return h_list[-1]

if __name__ == "__main__":
    import jax
    _d = setup_inputs()
    print(jax.jit(kernel)(*tuple(_d.values())))

</pallas_src>

<mosaic_0001>
#map = affine_map<(d0, d1) -> (0, 0)>
#map1 = affine_map<(d0, d1) -> (0, 0, 0, 0)>
#map2 = affine_map<(d0, d1) -> (0, 0, 0)>
module attributes {stable_mosaic.version = 14 : i64} {
  func.func @_edge_body(%arg0: i32, %arg1: i32, %arg2: memref<10000x128xf32, #tpu.memory_space<hbm>>, %arg3: memref<32x81x1x128xi32, #tpu.memory_space<hbm>>, %arg4: memref<32x81x1x128xi32, #tpu.memory_space<hbm>>, %arg5: memref<640x128xf32, #tpu.memory_space<hbm>>, %arg6: memref<2x10000x128xf32, #tpu.memory_space<hbm>>, %arg7: memref<1x128xi32, #tpu.memory_space<vmem>>, %arg8: memref<1x128xi32, #tpu.memory_space<vmem>>, %arg9: memref<1x128xi32, #tpu.memory_space<vmem>>, %arg10: memref<1x128xi32, #tpu.memory_space<vmem>>, %arg11: memref<1x128xi32, #tpu.memory_space<vmem>>, %arg12: memref<1x128xi32, #tpu.memory_space<vmem>>, %arg13: memref<128x128xf32, #tpu.memory_space<vmem>>, %arg14: memref<128x128xf32, #tpu.memory_space<vmem>>, %arg15: memref<128x128xf32, #tpu.memory_space<vmem>>, %arg16: memref<10104x128xf32, #tpu.memory_space<vmem_shared>>, %arg17: memref<!tpu.dma_semaphore, #tpu.memory_space<semaphore_mem>>, %arg18: memref<!tpu.dma_semaphore, #tpu.memory_space<semaphore_mem>>, %arg19: memref<!tpu.dma_semaphore, #tpu.memory_space<semaphore_mem>>, %arg20: memref<!tpu.dma_semaphore, #tpu.memory_space<semaphore_mem>>, %arg21: memref<!tpu.dma_semaphore, #tpu.memory_space<semaphore_mem>>, %arg22: memref<!tpu.dma_semaphore, #tpu.memory_space<semaphore_mem>>, %arg23: memref<!tpu.dma_semaphore, #tpu.memory_space<semaphore_mem>>, %arg24: memref<!tpu.dma_semaphore, #tpu.memory_space<semaphore_mem>>, %arg25: memref<!tpu.dma_semaphore, #tpu.memory_space<semaphore_mem>>) attributes {dimension_semantics = [#tpu.dimension_semantics<core_parallel>, #tpu.dimension_semantics<subcore_parallel>], iteration_bounds = array<i64: 2, 16>, scalar_prefetch = 0 : i64, scratch_operands = 19 : i64, tpu.core_type = #tpu.core_type<sc_vector_subcore>, window_params = [{transform_indices = #map}, {transform_indices = #map1}, {transform_indices = #map1}, {transform_indices = #map}, {transform_indices = #map2}]} {
    %mul3A = arith.constant 16 : i32
    %mul3A_0 = arith.muli %arg0, %mul3A : i32
    %add3A = arith.addi %mul3A_0, %arg1 : i32
    %mul3A_1 = arith.constant 624 : i32
    %mul3A_2 = arith.muli %arg1, %mul3A_1 : i32
    %eq3A = arith.constant 15 : i32
    %eq3A_3 = arith.cmpi eq, %arg1, %eq3A : i32
    %eq3A_4 = arith.constant 0 : i32
    %eq3A_5 = arith.cmpi eq, %arg0, %eq3A_4 : i32
    %not3A = arith.constant true
    %not3A_6 = arith.xori %eq3A_3, %not3A : i1
    %and3A = arith.andi %eq3A_5, %not3A_6 : i1
    %convert_element_type3A = arith.extui %and3A : i1 to i32
    %cond3A = arith.constant 0 : i32
    %cond3A_7 = arith.cmpi ne, %convert_element_type3A, %cond3A : i32
    scf.if %cond3A_7 {
      "tpu.region"() ({
        %run_scoped3A = tpu.sem_alloc : memref<!tpu.dma_semaphore, #tpu.memory_space<semaphore_mem>>
        %dma_start3A_143 = arith.constant 0 : i32
        %dma_start3A_144 = tpu.memref_slice %arg16[%mul3A_2, %dma_start3A_143] : memref<10104x128xf32, #tpu.memory_space<vmem_shared>> -> memref<624x128xf32, #tpu.memory_space<vmem_shared>>
        %dma_start3A_145 = arith.constant 0 : i32
        %dma_start3A_146 = tpu.memref_slice %arg2[%mul3A_2, %dma_start3A_145] : memref<10000x128xf32, #tpu.memory_space<hbm>> -> memref<624x128xf32, #tpu.memory_space<hbm>>
        tpu.enqueue_dma source(%dma_start3A_146 : memref<624x128xf32, #tpu.memory_space<hbm>>) target(%dma_start3A_144 : memref<624x128xf32, #tpu.memory_space<vmem_shared>>) target_semaphore(%run_scoped3A : memref<!tpu.dma_semaphore, #tpu.memory_space<semaphore_mem>>)
        %dma_wait3A_147 = arith.constant 0 : i32
        %dma_wait3A_148 = tpu.memref_slice %arg16[%mul3A_2, %dma_wait3A_147] : memref<10104x128xf32, #tpu.memory_space<vmem_shared>> -> memref<624x128xf32, #tpu.memory_space<vmem_shared>>
        %dma_wait3A_149 = arith.constant 0 : i32
        %dma_wait3A_150 = tpu.memref_slice %arg2[%mul3A_2, %dma_wait3A_149] : memref<10000x128xf32, #tpu.memory_space<hbm>> -> memref<624x128xf32, #tpu.memory_space<hbm>>
        tpu.wait_dma2 semaphore(%run_scoped3A : memref<!tpu.dma_semaphore, #tpu.memory_space<semaphore_mem>>) src(%dma_wait3A_150 : memref<624x128xf32, #tpu.memory_space<hbm>>) dst(%dma_wait3A_148 : memref<624x128xf32, #tpu.memory_space<vmem_shared>>)
        tpu.yield
      }) : () -> ()
    } else {
    }
    %eq3A_8 = arith.constant 0 : i32
    %eq3A_9 = arith.cmpi eq, %arg0, %eq3A_8 : i32
    %and3A_10 = arith.andi %eq3A_9, %eq3A_3 : i1
    %convert_element_type3A_11 = arith.extui %and3A_10 : i1 to i32
    %cond3A_12 = arith.constant 0 : i32
    %cond3A_13 = arith.cmpi ne, %convert_element_type3A_11, %cond3A_12 : i32
    scf.if %cond3A_13 {
      "tpu.region"() ({
        %run_scoped3A = tpu.sem_alloc : memref<!tpu.dma_semaphore, #tpu.memory_space<semaphore_mem>>
        %dma_start3A_143 = arith.constant 9360 : i32
        %dma_start3A_144 = arith.constant 0 : i32
        %dma_start3A_145 = tpu.memref_slice %arg16[%dma_start3A_143, %dma_start3A_144] : memref<10104x128xf32, #tpu.memory_space<vmem_shared>> -> memref<640x128xf32, #tpu.memory_space<vmem_shared>>
        %dma_start3A_146 = arith.constant 9360 : i32
        %dma_start3A_147 = arith.constant 0 : i32
        %dma_start3A_148 = tpu.memref_slice %arg2[%dma_start3A_146, %dma_start3A_147] : memref<10000x128xf32, #tpu.memory_space<hbm>> -> memref<640x128xf32, #tpu.memory_space<hbm>>
        tpu.enqueue_dma source(%dma_start3A_148 : memref<640x128xf32, #tpu.memory_space<hbm>>) target(%dma_start3A_145 : memref<640x128xf32, #tpu.memory_space<vmem_shared>>) target_semaphore(%run_scoped3A : memref<!tpu.dma_semaphore, #tpu.memory_space<semaphore_mem>>)
        %dma_wait3A_149 = arith.constant 9360 : i32
        %dma_wait3A_150 = arith.constant 0 : i32
        %dma_wait3A_151 = tpu.memref_slice %arg16[%dma_wait3A_149, %dma_wait3A_150] : memref<10104x128xf32, #tpu.memory_space<vmem_shared>> -> memref<640x128xf32, #tpu.memory_space<vmem_shared>>
        %dma_wait3A_152 = arith.constant 9360 : i32
        %dma_wait3A_153 = arith.constant 0 : i32
        %dma_wait3A_154 = tpu.memref_slice %arg2[%dma_wait3A_152, %dma_wait3A_153] : memref<10000x128xf32, #tpu.memory_space<hbm>> -> memref<640x128xf32, #tpu.memory_space<hbm>>
        tpu.wait_dma2 semaphore(%run_scoped3A : memref<!tpu.dma_semaphore, #tpu.memory_space<semaphore_mem>>) src(%dma_wait3A_154 : memref<640x128xf32, #tpu.memory_space<hbm>>) dst(%dma_wait3A_151 : memref<640x128xf32, #tpu.memory_space<vmem_shared>>)
        tpu.yield
      }) : () -> ()
    } else {
    }
    %ne3A = arith.constant 0 : i32
    %ne3A_14 = arith.cmpi ne, %arg0, %ne3A : i32
    %not3A_15 = arith.constant true
    %not3A_16 = arith.xori %eq3A_3, %not3A_15 : i1
    %and3A_17 = arith.andi %ne3A_14, %not3A_16 : i1
    %convert_element_type3A_18 = arith.extui %and3A_17 : i1 to i32
    %cond3A_19 = arith.constant 0 : i32
    %cond3A_20 = arith.cmpi ne, %convert_element_type3A_18, %cond3A_19 : i32
    scf.if %cond3A_20 {
      "tpu.region"() ({
        %run_scoped3A = tpu.sem_alloc : memref<!tpu.dma_semaphore, #tpu.memory_space<semaphore_mem>>
        %dma_start3A_143 = arith.constant 0 : i32
        %dma_start3A_144 = tpu.memref_slice %arg16[%mul3A_2, %dma_start3A_143] : memref<10104x128xf32, #tpu.memory_space<vmem_shared>> -> memref<624x128xf32, #tpu.memory_space<vmem_shared>>
        %dma_start3A_145 = arith.constant 0 : i32
        %dma_start3A_146 = arith.constant 0 : i32
        %dma_start3A_147 = tpu.memref_slice %arg5[%dma_start3A_145, %dma_start3A_146] : memref<640x128xf32, #tpu.memory_space<hbm>> -> memref<624x128xf32, #tpu.memory_space<hbm>>
        tpu.enqueue_dma source(%dma_start3A_147 : memref<624x128xf32, #tpu.memory_space<hbm>>) target(%dma_start3A_144 : memref<624x128xf32, #tpu.memory_space<vmem_shared>>) target_semaphore(%run_scoped3A : memref<!tpu.dma_semaphore, #tpu.memory_space<semaphore_mem>>)
        %dma_wait3A_148 = arith.constant 0 : i32
        %dma_wait3A_149 = tpu.memref_slice %arg16[%mul3A_2, %dma_wait3A_148] : memref<10104x128xf32, #tpu.memory_space<vmem_shared>> -> memref<624x128xf32, #tpu.memory_space<vmem_shared>>
        %dma_wait3A_150 = arith.constant 0 : i32
        %dma_wait3A_151 = arith.constant 0 : i32
        %dma_wait3A_152 = tpu.memref_slice %arg5[%dma_wait3A_150, %dma_wait3A_151] : memref<640x128xf32, #tpu.memory_space<hbm>> -> memref<624x128xf32, #tpu.memory_space<hbm>>
        tpu.wait_dma2 semaphore(%run_scoped3A : memref<!tpu.dma_semaphore, #tpu.memory_space<semaphore_mem>>) src(%dma_wait3A_152 : memref<624x128xf32, #tpu.memory_space<hbm>>) dst(%dma_wait3A_149 : memref<624x128xf32, #tpu.memory_space<vmem_shared>>)
        tpu.yield
      }) : () -> ()
    } else {
    }
    %ne3A_21 = arith.constant 0 : i32
    %ne3A_22 = arith.cmpi ne, %arg0, %ne3A_21 : i32
    %and3A_23 = arith.andi %ne3A_22, %eq3A_3 : i1
    %convert_element_type3A_24 = arith.extui %and3A_23 : i1 to i32
    %cond3A_25 = arith.constant 0 : i32
    %cond3A_26 = arith.cmpi ne, %convert_element_type3A_24, %cond3A_25 : i32
    scf.if %cond3A_26 {
      "tpu.region"() ({
        %run_scoped3A = tpu.sem_alloc : memref<!tpu.dma_semaphore, #tpu.memory_space<semaphore_mem>>
        %dma_start3A_143 = arith.constant 9360 : i32
        %dma_start3A_144 = arith.constant 0 : i32
        %dma_start3A_145 = tpu.memref_slice %arg16[%dma_start3A_143, %dma_start3A_144] : memref<10104x128xf32, #tpu.memory_space<vmem_shared>> -> memref<640x128xf32, #tpu.memory_space<vmem_shared>>
        tpu.enqueue_dma source(%arg5 : memref<640x128xf32, #tpu.memory_space<hbm>>) target(%dma_start3A_145 : memref<640x128xf32, #tpu.memory_space<vmem_shared>>) target_semaphore(%run_scoped3A : memref<!tpu.dma_semaphore, #tpu.memory_space<semaphore_mem>>)
        %dma_wait3A_146 = arith.constant 9360 : i32
        %dma_wait3A_147 = arith.constant 0 : i32
        %dma_wait3A_148 = tpu.memref_slice %arg16[%dma_wait3A_146, %dma_wait3A_147] : memref<10104x128xf32, #tpu.memory_space<vmem_shared>> -> memref<640x128xf32, #tpu.memory_space<vmem_shared>>
        tpu.wait_dma2 semaphore(%run_scoped3A : memref<!tpu.dma_semaphore, #tpu.memory_space<semaphore_mem>>) src(%arg5 : memref<640x128xf32, #tpu.memory_space<hbm>>) dst(%dma_wait3A_148 : memref<640x128xf32, #tpu.memory_space<vmem_shared>>)
        tpu.yield
      }) : () -> ()
    } else {
    }
    %barrier3A = arith.constant 0 : index
    tpu.barrier barrier_id(%barrier3A)
    %dma_start3A = arith.constant 0 : i32
    %dma_start3A_27 = arith.constant 0 : i32
    %dma_start3A_28 = arith.constant 0 : i32
    %dma_start3A_29 = tpu.memref_slice %arg3[%add3A, %dma_start3A, %dma_start3A_27, %dma_start3A_28] : memref<32x81x1x128xi32, #tpu.memory_space<hbm>> -> memref<1x1x1x128xi32, #tpu.memory_space<hbm>>
    %dma_start3A_30 = tpu.memref_squeeze %dma_start3A_29 : memref<1x1x1x128xi32, #tpu.memory_space<hbm>> -> memref<1x128xi32, #tpu.memory_space<hbm>>
    %dma_start3A_31 = arith.constant 0 : i32
    %dma_start3A_32 = arith.constant 0 : i32
    %dma_start3A_33 = tpu.memref_slice %arg3[%add3A, %dma_start3A, %dma_start3A_31, %dma_start3A_32] : memref<32x81x1x128xi32, #tpu.memory_space<hbm>> -> memref<1x1x1x128xi32, #tpu.memory_space<hbm>>
    %dma_start3A_34 = tpu.memref_squeeze %dma_start3A_33 : memref<1x1x1x128xi32, #tpu.memory_space<hbm>> -> memref<1x128xi32, #tpu.memory_space<hbm>>
    tpu.enqueue_dma source(%dma_start3A_34 : memref<1x128xi32, #tpu.memory_space<hbm>>) target(%arg7 : memref<1x128xi32, #tpu.memory_space<vmem>>) target_semaphore(%arg20 : memref<!tpu.dma_semaphore, #tpu.memory_space<semaphore_mem>>)
    %dma_start3A_35 = arith.constant 0 : i32
    %dma_start3A_36 = arith.constant 0 : i32
    %dma_start3A_37 = arith.constant 0 : i32
    %dma_start3A_38 = tpu.memref_slice %arg4[%add3A, %dma_start3A_35, %dma_start3A_36, %dma_start3A_37] : memref<32x81x1x128xi32, #tpu.memory_space<hbm>> -> memref<1x1x1x128xi32, #tpu.memory_space<hbm>>
    %dma_start3A_39 = tpu.memref_squeeze %dma_start3A_38 : memref<1x1x1x128xi32, #tpu.memory_space<hbm>> -> memref<1x128xi32, #tpu.memory_space<hbm>>
    %dma_start3A_40 = arith.constant 0 : i32
    %dma_start3A_41 = arith.constant 0 : i32
    %dma_start3A_42 = tpu.memref_slice %arg4[%add3A, %dma_start3A_35, %dma_start3A_40, %dma_start3A_41] : memref<32x81x1x128xi32, #tpu.memory_space<hbm>> -> memref<1x1x1x128xi32, #tpu.memory_space<hbm>>
    %dma_start3A_43 = tpu.memref_squeeze %dma_start3A_42 : memref<1x1x1x128xi32, #tpu.memory_space<hbm>> -> memref<1x128xi32, #tpu.memory_space<hbm>>
    tpu.enqueue_dma source(%dma_start3A_43 : memref<1x128xi32, #tpu.memory_space<hbm>>) target(%arg10 : memref<1x128xi32, #tpu.memory_space<vmem>>) target_semaphore(%arg23 : memref<!tpu.dma_semaphore, #tpu.memory_space<semaphore_mem>>)
    %dma_start3A_44 = arith.constant 1 : i32
    %dma_start3A_45 = arith.constant 0 : i32
    %dma_start3A_46 = arith.constant 0 : i32
    %dma_start3A_47 = tpu.memref_slice %arg3[%add3A, %dma_start3A_44, %dma_start3A_45, %dma_start3A_46] : memref<32x81x1x128xi32, #tpu.memory_space<hbm>> -> memref<1x1x1x128xi32, #tpu.memory_space<hbm>>
    %dma_start3A_48 = tpu.memref_squeeze %dma_start3A_47 : memref<1x1x1x128xi32, #tpu.memory_space<hbm>> -> memref<1x128xi32, #tpu.memory_space<hbm>>
    %dma_start3A_49 = arith.constant 0 : i32
    %dma_start3A_50 = arith.constant 0 : i32
    %dma_start3A_51 = tpu.memref_slice %arg3[%add3A, %dma_start3A_44, %dma_start3A_49, %dma_start3A_50] : memref<32x81x1x128xi32, #tpu.memory_space<hbm>> -> memref<1x1x1x128xi32, #tpu.memory_space<hbm>>
    %dma_start3A_52 = tpu.memref_squeeze %dma_start3A_51 : memref<1x1x1x128xi32, #tpu.memory_space<hbm>> -> memref<1x128xi32, #tpu.memory_space<hbm>>
    tpu.enqueue_dma source(%dma_start3A_52 : memref<1x128xi32, #tpu.memory_space<hbm>>) target(%arg8 : memref<1x128xi32, #tpu.memory_space<vmem>>) target_semaphore(%arg21 : memref<!tpu.dma_semaphore, #tpu.memory_space<semaphore_mem>>)
    %dma_start3A_53 = arith.constant 1 : i32
    %dma_start3A_54 = arith.constant 0 : i32
    %dma_start3A_55 = arith.constant 0 : i32
    %dma_start3A_56 = tpu.memref_slice %arg4[%add3A, %dma_start3A_53, %dma_start3A_54, %dma_start3A_55] : memref<32x81x1x128xi32, #tpu.memory_space<hbm>> -> memref<1x1x1x128xi32, #tpu.memory_space<hbm>>
    %dma_start3A_57 = tpu.memref_squeeze %dma_start3A_56 : memref<1x1x1x128xi32, #tpu.memory_space<hbm>> -> memref<1x128xi32, #tpu.memory_space<hbm>>
    %dma_start3A_58 = arith.constant 0 : i32
    %dma_start3A_59 = arith.constant 0 : i32
    %dma_start3A_60 = tpu.memref_slice %arg4[%add3A, %dma_start3A_53, %dma_start3A_58, %dma_start3A_59] : memref<32x81x1x128xi32, #tpu.memory_space<hbm>> -> memref<1x1x1x128xi32, #tpu.memory_space<hbm>>
    %dma_start3A_61 = tpu.memref_squeeze %dma_start3A_60 : memref<1x1x1x128xi32, #tpu.memory_space<hbm>> -> memref<1x128xi32, #tpu.memory_space<hbm>>
    tpu.enqueue_dma source(%dma_start3A_61 : memref<1x128xi32, #tpu.memory_space<hbm>>) target(%arg11 : memref<1x128xi32, #tpu.memory_space<vmem>>) target_semaphore(%arg24 : memref<!tpu.dma_semaphore, #tpu.memory_space<semaphore_mem>>)
    %dma_start3A_62 = arith.constant 2 : i32
    %dma_start3A_63 = arith.constant 0 : i32
    %dma_start3A_64 = arith.constant 0 : i32
    %dma_start3A_65 = tpu.memref_slice %arg3[%add3A, %dma_start3A_62, %dma_start3A_63, %dma_start3A_64] : memref<32x81x1x128xi32, #tpu.memory_space<hbm>> -> memref<1x1x1x128xi32, #tpu.memory_space<hbm>>
    %dma_start3A_66 = tpu.memref_squeeze %dma_start3A_65 : memref<1x1x1x128xi32, #tpu.memory_space<hbm>> -> memref<1x128xi32, #tpu.memory_space<hbm>>
    %dma_start3A_67 = arith.constant 0 : i32
    %dma_start3A_68 = arith.constant 0 : i32
    %dma_start3A_69 = tpu.memref_slice %arg3[%add3A, %dma_start3A_62, %dma_start3A_67, %dma_start3A_68] : memref<32x81x1x128xi32, #tpu.memory_space<hbm>> -> memref<1x1x1x128xi32, #tpu.memory_space<hbm>>
    %dma_start3A_70 = tpu.memref_squeeze %dma_start3A_69 : memref<1x1x1x128xi32, #tpu.memory_space<hbm>> -> memref<1x128xi32, #tpu.memory_space<hbm>>
    tpu.enqueue_dma source(%dma_start3A_70 : memref<1x128xi32, #tpu.memory_space<hbm>>) target(%arg9 : memref<1x128xi32, #tpu.memory_space<vmem>>) target_semaphore(%arg22 : memref<!tpu.dma_semaphore, #tpu.memory_space<semaphore_mem>>)
    %dma_start3A_71 = arith.constant 2 : i32
    %dma_start3A_72 = arith.constant 0 : i32
    %dma_start3A_73 = arith.constant 0 : i32
    %dma_start3A_74 = tpu.memref_slice %arg4[%add3A, %dma_start3A_71, %dma_start3A_72, %dma_start3A_73] : memref<32x81x1x128xi32, #tpu.memory_space<hbm>> -> memref<1x1x1x128xi32, #tpu.memory_space<hbm>>
    %dma_start3A_75 = tpu.memref_squeeze %dma_start3A_74 : memref<1x1x1x128xi32, #tpu.memory_space<hbm>> -> memref<1x128xi32, #tpu.memory_space<hbm>>
    %dma_start3A_76 = arith.constant 0 : i32
    %dma_start3A_77 = arith.constant 0 : i32
    %dma_start3A_78 = tpu.memref_slice %arg4[%add3A, %dma_start3A_71, %dma_start3A_76, %dma_start3A_77] : memref<32x81x1x128xi32, #tpu.memory_space<hbm>> -> memref<1x1x1x128xi32, #tpu.memory_space<hbm>>
    %dma_start3A_79 = tpu.memref_squeeze %dma_start3A_78 : memref<1x1x1x128xi32, #tpu.memory_space<hbm>> -> memref<1x128xi32, #tpu.memory_space<hbm>>
    tpu.enqueue_dma source(%dma_start3A_79 : memref<1x128xi32, #tpu.memory_space<hbm>>) target(%arg12 : memref<1x128xi32, #tpu.memory_space<vmem>>) target_semaphore(%arg25 : memref<!tpu.dma_semaphore, #tpu.memory_space<semaphore_mem>>)
    %dma_wait3A = arith.constant 0 : i32
    %dma_wait3A_80 = arith.constant 0 : i32
    %dma_wait3A_81 = arith.constant 0 : i32
    %dma_wait3A_82 = arith.constant 0 : i32
    %dma_wait3A_83 = tpu.memref_slice %arg3[%dma_wait3A, %dma_wait3A_80, %dma_wait3A_81, %dma_wait3A_82] : memref<32x81x1x128xi32, #tpu.memory_space<hbm>> -> memref<1x1x1x128xi32, #tpu.memory_space<hbm>>
    %dma_wait3A_84 = tpu.memref_squeeze %dma_wait3A_83 : memref<1x1x1x128xi32, #tpu.memory_space<hbm>> -> memref<1x128xi32, #tpu.memory_space<hbm>>
    %dma_wait3A_85 = arith.constant 0 : i32
    %dma_wait3A_86 = arith.constant 0 : i32
    %dma_wait3A_87 = tpu.memref_slice %arg3[%dma_wait3A, %dma_wait3A_80, %dma_wait3A_85, %dma_wait3A_86] : memref<32x81x1x128xi32, #tpu.memory_space<hbm>> -> memref<1x1x1x128xi32, #tpu.memory_space<hbm>>
    %dma_wait3A_88 = tpu.memref_squeeze %dma_wait3A_87 : memref<1x1x1x128xi32, #tpu.memory_space<hbm>> -> memref<1x128xi32, #tpu.memory_space<hbm>>
    tpu.wait_dma2 semaphore(%arg20 : memref<!tpu.dma_semaphore, #tpu.memory_space<semaphore_mem>>) src(%dma_wait3A_88 : memref<1x128xi32, #tpu.memory_space<hbm>>) dst(%arg7 : memref<1x128xi32, #tpu.memory_space<vmem>>)
    %dma_start3A_89 = arith.constant 0 : i32
    %dma_start3A_90 = arith.constant 0 : i32
    %dma_start3A_91 = tpu.memref_slice %arg7[%dma_start3A_89, %dma_start3A_90] : memref<1x128xi32, #tpu.memory_space<vmem>> -> memref<1x128xi32, #tpu.memory_space<vmem>>
    %dma_start3A_92 = tpu.memref_squeeze %dma_start3A_91 : memref<1x128xi32, #tpu.memory_space<vmem>> -> memref<128xi32, #tpu.memory_space<vmem>>
    %dma_start3A_93 = arith.constant 0 : i32
    %dma_start3A_94 = arith.constant 0 : i32
    %dma_start3A_95 = tpu.memref_slice %arg2[%dma_start3A_93, %dma_start3A_94] : memref<10000x128xf32, #tpu.memory_space<hbm>> -> memref<10000x128xf32, #tpu.memory_space<hbm>>
    tpu.enqueue_indirect_dma source(%dma_start3A_95 : memref<10000x128xf32, #tpu.memory_space<hbm>>) target(%arg13 : memref<128x128xf32, #tpu.memory_space<vmem>>) offsets(%dma_start3A_92 : memref<128xi32, #tpu.memory_space<vmem>>) semaphore(%arg17 : memref<!tpu.dma_semaphore, #tpu.memory_space<semaphore_mem>>)
    %dma_wait3A_96 = arith.constant 0 : i32
    %dma_wait3A_97 = arith.constant 0 : i32
    %dma_wait3A_98 = arith.constant 0 : i32
    %dma_wait3A_99 = arith.constant 0 : i32
    %dma_wait3A_100 = tpu.memref_slice %arg3[%dma_wait3A_96, %dma_wait3A_97, %dma_wait3A_98, %dma_wait3A_99] : memref<32x81x1x128xi32, #tpu.memory_space<hbm>> -> memref<1x1x1x128xi32, #tpu.memory_space<hbm>>
    %dma_wait3A_101 = tpu.memref_squeeze %dma_wait3A_100 : memref<1x1x1x128xi32, #tpu.memory_space<hbm>> -> memref<1x128xi32, #tpu.memory_space<hbm>>
    %dma_wait3A_102 = arith.constant 0 : i32
    %dma_wait3A_103 = arith.constant 0 : i32
    %dma_wait3A_104 = tpu.memref_slice %arg3[%dma_wait3A_96, %dma_wait3A_97, %dma_wait3A_102, %dma_wait3A_103] : memref<32x81x1x128xi32, #tpu.memory_space<hbm>> -> memref<1x1x1x128xi32, #tpu.memory_space<hbm>>
    %dma_wait3A_105 = tpu.memref_squeeze %dma_wait3A_104 : memref<1x1x1x128xi32, #tpu.memory_space<hbm>> -> memref<1x128xi32, #tpu.memory_space<hbm>>
    tpu.wait_dma2 semaphore(%arg21 : memref<!tpu.dma_semaphore, #tpu.memory_space<semaphore_mem>>) src(%dma_wait3A_105 : memref<1x128xi32, #tpu.memory_space<hbm>>) dst(%arg8 : memref<1x128xi32, #tpu.memory_space<vmem>>)
    %dma_start3A_106 = arith.constant 0 : i32
    %dma_start3A_107 = arith.constant 0 : i32
    %dma_start3A_108 = tpu.memref_slice %arg8[%dma_start3A_106, %dma_start3A_107] : memref<1x128xi32, #tpu.memory_space<vmem>> -> memref<1x128xi32, #tpu.memory_space<vmem>>
    %dma_start3A_109 = tpu.memref_squeeze %dma_start3A_108 : memref<1x128xi32, #tpu.memory_space<vmem>> -> memref<128xi32, #tpu.memory_space<vmem>>
    %dma_start3A_110 = arith.constant 0 : i32
    %dma_start3A_111 = arith.constant 0 : i32
    %dma_start3A_112 = tpu.memref_slice %arg2[%dma_start3A_110, %dma_start3A_111] : memref<10000x128xf32, #tpu.memory_space<hbm>> -> memref<10000x128xf32, #tpu.memory_space<hbm>>
    tpu.enqueue_indirect_dma source(%dma_start3A_112 : memref<10000x128xf32, #tpu.memory_space<hbm>>) target(%arg14 : memref<128x128xf32, #tpu.memory_space<vmem>>) offsets(%dma_start3A_109 : memref<128xi32, #tpu.memory_space<vmem>>) semaphore(%arg18 : memref<!tpu.dma_semaphore, #tpu.memory_space<semaphore_mem>>)
    %dma_wait3A_113 = arith.constant 0 : i32
    %dma_wait3A_114 = arith.constant 0 : i32
    %dma_wait3A_115 = arith.constant 0 : i32
    %dma_wait3A_116 = arith.constant 0 : i32
    %dma_wait3A_117 = tpu.memref_slice %arg3[%dma_wait3A_113, %dma_wait3A_114, %dma_wait3A_115, %dma_wait3A_116] : memref<32x81x1x128xi32, #tpu.memory_space<hbm>> -> memref<1x1x1x128xi32, #tpu.memory_space<hbm>>
    %dma_wait3A_118 = tpu.memref_squeeze %dma_wait3A_117 : memref<1x1x1x128xi32, #tpu.memory_space<hbm>> -> memref<1x128xi32, #tpu.memory_space<hbm>>
    %dma_wait3A_119 = arith.constant 0 : i32
    %dma_wait3A_120 = arith.constant 0 : i32
    %dma_wait3A_121 = tpu.memref_slice %arg3[%dma_wait3A_113, %dma_wait3A_114, %dma_wait3A_119, %dma_wait3A_120] : memref<32x81x1x128xi32, #tpu.memory_space<hbm>> -> memref<1x1x1x128xi32, #tpu.memory_space<hbm>>
    %dma_wait3A_122 = tpu.memref_squeeze %dma_wait3A_121 : memref<1x1x1x128xi32, #tpu.memory_space<hbm>> -> memref<1x128xi32, #tpu.memory_space<hbm>>
    tpu.wait_dma2 semaphore(%arg22 : memref<!tpu.dma_semaphore, #tpu.memory_space<semaphore_mem>>) src(%dma_wait3A_122 : memref<1x128xi32, #tpu.memory_space<hbm>>) dst(%arg9 : memref<1x128xi32, #tpu.memory_space<vmem>>)
    %dma_start3A_123 = arith.constant 0 : i32
    %dma_start3A_124 = arith.constant 0 : i32
    %dma_start3A_125 = tpu.memref_slice %arg9[%dma_start3A_123, %dma_start3A_124] : memref<1x128xi32, #tpu.memory_space<vmem>> -> memref<1x128xi32, #tpu.memory_space<vmem>>
    %dma_start3A_126 = tpu.memref_squeeze %dma_start3A_125 : memref<1x128xi32, #tpu.memory_space<vmem>> -> memref<128xi32, #tpu.memory_space<vmem>>
    %dma_start3A_127 = arith.constant 0 : i32
    %dma_start3A_128 = arith.constant 0 : i32
    %dma_start3A_129 = tpu.memref_slice %arg2[%dma_start3A_127, %dma_start3A_128] : memref<10000x128xf32, #tpu.memory_space<hbm>> -> memref<10000x128xf32, #tpu.memory_space<hbm>>
    tpu.enqueue_indirect_dma source(%dma_start3A_129 : memref<10000x128xf32, #tpu.memory_space<hbm>>) target(%arg15 : memref<128x128xf32, #tpu.memory_space<vmem>>) offsets(%dma_start3A_126 : memref<128xi32, #tpu.memory_space<vmem>>) semaphore(%arg19 : memref<!tpu.dma_semaphore, #tpu.memory_space<semaphore_mem>>)
    %scan3A = arith.constant 0 : i32
    %scan3A_130 = arith.constant 27 : i32
    %scan3A_131 = arith.addi %scan3A, %scan3A_130 : i32
    %scan3A_132 = arith.constant 1 : i32
    scf.for %scan3A_143 = %scan3A to %scan3A_131 step %scan3A_132  : i32 {
      %mul3A_144 = arith.constant 1 : i32
      %mul3A_145 = arith.muli %scan3A_143, %mul3A_144 : i32
      %add3A_146 = arith.constant 0 : i32
      %add3A_147 = arith.addi %add3A_146, %mul3A_145 : i32
      %mul3A_148 = arith.constant 3 : i32
      %mul3A_149 = arith.muli %mul3A_148, %add3A_147 : i32
      %add3A_150 = arith.constant 0 : i32
      %add3A_151 = arith.addi %mul3A_149, %add3A_150 : i32
      %dma_wait3A_152 = arith.constant 0 : i32
      %dma_wait3A_153 = arith.constant 0 : i32
      %dma_wait3A_154 = tpu.memref_slice %arg7[%dma_wait3A_152, %dma_wait3A_153] : memref<1x128xi32, #tpu.memory_space<vmem>> -> memref<1x128xi32, #tpu.memory_space<vmem>>
      %dma_wait3A_155 = tpu.memref_squeeze %dma_wait3A_154 : memref<1x128xi32, #tpu.memory_space<vmem>> -> memref<128xi32, #tpu.memory_space<vmem>>
      %dma_wait3A_156 = arith.constant 0 : i32
      %dma_wait3A_157 = arith.constant 0 : i32
      %dma_wait3A_158 = tpu.memref_slice %arg2[%dma_wait3A_156, %dma_wait3A_157] : memref<10000x128xf32, #tpu.memory_space<hbm>> -> memref<10000x128xf32, #tpu.memory_space<hbm>>
      tpu.wait_indirect_dma semaphore(%arg17 : memref<!tpu.dma_semaphore, #tpu.memory_space<semaphore_mem>>) src(%dma_wait3A_158 : memref<10000x128xf32, #tpu.memory_space<hbm>>) dst(%arg13 : memref<128x128xf32, #tpu.memory_space<vmem>>)
      %add3A_159 = arith.constant 3 : i32
      %add3A_160 = arith.addi %add3A_151, %add3A_159 : i32
      %lt3A = arith.constant 81 : i32
      %lt3A_161 = arith.cmpi slt, %add3A_160, %lt3A : i32
      %convert_element_type3A_162 = arith.extui %lt3A_161 : i1 to i32
      %cond3A_163 = arith.constant 0 : i32
      %cond3A_164 = arith.cmpi ne, %convert_element_type3A_162, %cond3A_163 : i32
      scf.if %cond3A_164 {
        %add3A_250 = arith.constant 3 : i32
        %add3A_251 = arith.addi %add3A_151, %add3A_250 : i32
        %dma_start3A_252 = arith.constant 0 : i32
        %dma_start3A_253 = arith.constant 0 : i32
        %dma_start3A_254 = tpu.memref_slice %arg3[%add3A, %add3A_251, %dma_start3A_252, %dma_start3A_253] : memref<32x81x1x128xi32, #tpu.memory_space<hbm>> -> memref<1x1x1x128xi32, #tpu.memory_space<hbm>>
        %dma_start3A_255 = tpu.memref_squeeze %dma_start3A_254 : memref<1x1x1x128xi32, #tpu.memory_space<hbm>> -> memref<1x128xi32, #tpu.memory_space<hbm>>
        %dma_start3A_256 = arith.constant 0 : i32
        %dma_start3A_257 = arith.constant 0 : i32
        %dma_start3A_258 = tpu.memref_slice %arg3[%add3A, %add3A_251, %dma_start3A_256, %dma_start3A_257] : memref<32x81x1x128xi32, #tpu.memory_space<hbm>> -> memref<1x1x1x128xi32, #tpu.memory_space<hbm>>
        %dma_start3A_259 = tpu.memref_squeeze %dma_start3A_258 : memref<1x1x1x128xi32, #tpu.memory_space<hbm>> -> memref<1x128xi32, #tpu.memory_space<hbm>>
        tpu.enqueue_dma source(%dma_start3A_259 : memref<1x128xi32, #tpu.memory_space<hbm>>) target(%arg7 : memref<1x128xi32, #tpu.memory_space<vmem>>) target_semaphore(%arg20 : memref<!tpu.dma_semaphore, #tpu.memory_space<semaphore_mem>>)
      } else {
      }
      %dma_wait3A_165 = arith.constant 0 : i32
      %dma_wait3A_166 = arith.constant 0 : i32
      %dma_wait3A_167 = arith.constant 0 : i32
      %dma_wait3A_168 = arith.constant 0 : i32
      %dma_wait3A_169 = tpu.memref_slice %arg4[%dma_wait3A_165, %dma_wait3A_166, %dma_wait3A_167, %dma_wait3A_168] : memref<32x81x1x128xi32, #tpu.memory_space<hbm>> -> memref<1x1x1x128xi32, #tpu.memory_space<hbm>>
      %dma_wait3A_170 = tpu.memref_squeeze %dma_wait3A_169 : memref<1x1x1x128xi32, #tpu.memory_space<hbm>> -> memref<1x128xi32, #tpu.memory_space<hbm>>
      %dma_wait3A_171 = arith.constant 0 : i32
      %dma_wait3A_172 = arith.constant 0 : i32
      %dma_wait3A_173 = tpu.memref_slice %arg4[%dma_wait3A_165, %dma_wait3A_166, %dma_wait3A_171, %dma_wait3A_172] : memref<32x81x1x128xi32, #tpu.memory_space<hbm>> -> memref<1x1x1x128xi32, #tpu.memory_space<hbm>>
      %dma_wait3A_174 = tpu.memref_squeeze %dma_wait3A_173 : memref<1x1x1x128xi32, #tpu.memory_space<hbm>> -> memref<1x128xi32, #tpu.memory_space<hbm>>
      tpu.wait_dma2 semaphore(%arg23 : memref<!tpu.dma_semaphore, #tpu.memory_space<semaphore_mem>>) src(%dma_wait3A_174 : memref<1x128xi32, #tpu.memory_space<hbm>>) dst(%arg10 : memref<1x128xi32, #tpu.memory_space<vmem>>)
      %run_scoped3A = arith.constant 0 : i32
      "tpu.region"() ({
        %run_scoped3A_250 = tpu.sem_alloc : memref<!tpu.dma_semaphore, #tpu.memory_space<semaphore_mem>>
        %dma_start3A_251 = arith.constant 0 : i32
        %dma_start3A_252 = tpu.memref_slice %arg10[%run_scoped3A, %dma_start3A_251] : memref<1x128xi32, #tpu.memory_space<vmem>> -> memref<1x128xi32, #tpu.memory_space<vmem>>
        %dma_start3A_253 = tpu.memref_squeeze %dma_start3A_252 : memref<1x128xi32, #tpu.memory_space<vmem>> -> memref<128xi32, #tpu.memory_space<vmem>>
        %dma_start3A_254 = arith.constant 0 : i32
        %dma_start3A_255 = arith.constant 0 : i32
        %dma_start3A_256 = tpu.memref_slice %arg16[%dma_start3A_254, %dma_start3A_255] : memref<10104x128xf32, #tpu.memory_space<vmem_shared>> -> memref<10104x128xf32, #tpu.memory_space<vmem_shared>>
        tpu.enqueue_indirect_dma source(%arg13 : memref<128x128xf32, #tpu.memory_space<vmem>>) target(%dma_start3A_256 : memref<10104x128xf32, #tpu.memory_space<vmem_shared>>) offsets(%dma_start3A_253 : memref<128xi32, #tpu.memory_space<vmem>>) semaphore(%run_scoped3A_250 : memref<!tpu.dma_semaphore, #tpu.memory_space<semaphore_mem>>) {add = true}
        %dma_wait3A_257 = arith.constant 0 : i32
        %dma_wait3A_258 = tpu.memref_slice %arg10[%run_scoped3A, %dma_wait3A_257] : memref<1x128xi32, #tpu.memory_space<vmem>> -> memref<1x128xi32, #tpu.memory_space<vmem>>
        %dma_wait3A_259 = tpu.memref_squeeze %dma_wait3A_258 : memref<1x128xi32, #tpu.memory_space<vmem>> -> memref<128xi32, #tpu.memory_space<vmem>>
        %dma_wait3A_260 = arith.constant 0 : i32
        %dma_wait3A_261 = arith.constant 0 : i32
        %dma_wait3A_262 = tpu.memref_slice %arg16[%dma_wait3A_260, %dma_wait3A_261] : memref<10104x128xf32, #tpu.memory_space<vmem_shared>> -> memref<10104x128xf32, #tpu.memory_space<vmem_shared>>
        tpu.wait_indirect_dma semaphore(%run_scoped3A_250 : memref<!tpu.dma_semaphore, #tpu.memory_space<semaphore_mem>>) src(%arg13 : memref<128x128xf32, #tpu.memory_space<vmem>>) dst(%dma_wait3A_262 : memref<10104x128xf32, #tpu.memory_space<vmem_shared>>)
        tpu.yield
      }) : () -> ()
      %add3A_175 = arith.constant 3 : i32
      %add3A_176 = arith.addi %add3A_151, %add3A_175 : i32
      %lt3A_177 = arith.constant 81 : i32
      %lt3A_178 = arith.cmpi slt, %add3A_176, %lt3A_177 : i32
      %convert_element_type3A_179 = arith.extui %lt3A_178 : i1 to i32
      %cond3A_180 = arith.constant 0 : i32
      %cond3A_181 = arith.cmpi ne, %convert_element_type3A_179, %cond3A_180 : i32
      scf.if %cond3A_181 {
        %add3A_250 = arith.constant 3 : i32
        %add3A_251 = arith.addi %add3A_151, %add3A_250 : i32
        %dma_start3A_252 = arith.constant 0 : i32
        %dma_start3A_253 = arith.constant 0 : i32
        %dma_start3A_254 = tpu.memref_slice %arg4[%add3A, %add3A_251, %dma_start3A_252, %dma_start3A_253] : memref<32x81x1x128xi32, #tpu.memory_space<hbm>> -> memref<1x1x1x128xi32, #tpu.memory_space<hbm>>
        %dma_start3A_255 = tpu.memref_squeeze %dma_start3A_254 : memref<1x1x1x128xi32, #tpu.memory_space<hbm>> -> memref<1x128xi32, #tpu.memory_space<hbm>>
        %dma_start3A_256 = arith.constant 0 : i32
        %dma_start3A_257 = arith.constant 0 : i32
        %dma_start3A_258 = tpu.memref_slice %arg4[%add3A, %add3A_251, %dma_start3A_256, %dma_start3A_257] : memref<32x81x1x128xi32, #tpu.memory_space<hbm>> -> memref<1x1x1x128xi32, #tpu.memory_space<hbm>>
        %dma_start3A_259 = tpu.memref_squeeze %dma_start3A_258 : memref<1x1x1x128xi32, #tpu.memory_space<hbm>> -> memref<1x128xi32, #tpu.memory_space<hbm>>
        tpu.enqueue_dma source(%dma_start3A_259 : memref<1x128xi32, #tpu.memory_space<hbm>>) target(%arg10 : memref<1x128xi32, #tpu.memory_space<vmem>>) target_semaphore(%arg23 : memref<!tpu.dma_semaphore, #tpu.memory_space<semaphore_mem>>)
        %dma_wait3A_260 = arith.constant 0 : i32
        %dma_wait3A_261 = arith.constant 0 : i32
        %dma_wait3A_262 = arith.constant 0 : i32
        %dma_wait3A_263 = arith.constant 0 : i32
        %dma_wait3A_264 = tpu.memref_slice %arg3[%dma_wait3A_260, %dma_wait3A_261, %dma_wait3A_262, %dma_wait3A_263] : memref<32x81x1x128xi32, #tpu.memory_space<hbm>> -> memref<1x1x1x128xi32, #tpu.memory_space<hbm>>
        %dma_wait3A_265 = tpu.memref_squeeze %dma_wait3A_264 : memref<1x1x1x128xi32, #tpu.memory_space<hbm>> -> memref<1x128xi32, #tpu.memory_space<hbm>>
        %dma_wait3A_266 = arith.constant 0 : i32
        %dma_wait3A_267 = arith.constant 0 : i32
        %dma_wait3A_268 = tpu.memref_slice %arg3[%dma_wait3A_260, %dma_wait3A_261, %dma_wait3A_266, %dma_wait3A_267] : memref<32x81x1x128xi32, #tpu.memory_space<hbm>> -> memref<1x1x1x128xi32, #tpu.memory_space<hbm>>
        %dma_wait3A_269 = tpu.memref_squeeze %dma_wait3A_268 : memref<1x1x1x128xi32, #tpu.memory_space<hbm>> -> memref<1x128xi32, #tpu.memory_space<hbm>>
        tpu.wait_dma2 semaphore(%arg20 : memref<!tpu.dma_semaphore, #tpu.memory_space<semaphore_mem>>) src(%dma_wait3A_269 : memref<1x128xi32, #tpu.memory_space<hbm>>) dst(%arg7 : memref<1x128xi32, #tpu.memory_space<vmem>>)
        %dma_start3A_270 = arith.constant 0 : i32
        %dma_start3A_271 = arith.constant 0 : i32
        %dma_start3A_272 = tpu.memref_slice %arg7[%dma_start3A_270, %dma_start3A_271] : memref<1x128xi32, #tpu.memory_space<vmem>> -> memref<1x128xi32, #tpu.memory_space<vmem>>
        %dma_start3A_273 = tpu.memref_squeeze %dma_start3A_272 : memref<1x128xi32, #tpu.memory_space<vmem>> -> memref<128xi32, #tpu.memory_space<vmem>>
        %dma_start3A_274 = arith.constant 0 : i32
        %dma_start3A_275 = arith.constant 0 : i32
        %dma_start3A_276 = tpu.memref_slice %arg2[%dma_start3A_274, %dma_start3A_275] : memref<10000x128xf32, #tpu.memory_space<hbm>> -> memref<10000x128xf32, #tpu.memory_space<hbm>>
        tpu.enqueue_indirect_dma source(%dma_start3A_276 : memref<10000x128xf32, #tpu.memory_space<hbm>>) target(%arg13 : memref<128x128xf32, #tpu.memory_space<vmem>>) offsets(%dma_start3A_273 : memref<128xi32, #tpu.memory_space<vmem>>) semaphore(%arg17 : memref<!tpu.dma_semaphore, #tpu.memory_space<semaphore_mem>>)
      } else {
      }
      %add3A_182 = arith.constant 1 : i32
      %add3A_183 = arith.addi %mul3A_149, %add3A_182 : i32
      %dma_wait3A_184 = arith.constant 0 : i32
      %dma_wait3A_185 = arith.constant 0 : i32
      %dma_wait3A_186 = tpu.memref_slice %arg7[%dma_wait3A_184, %dma_wait3A_185] : memref<1x128xi32, #tpu.memory_space<vmem>> -> memref<1x128xi32, #tpu.memory_space<vmem>>
      %dma_wait3A_187 = tpu.memref_squeeze %dma_wait3A_186 : memref<1x128xi32, #tpu.memory_space<vmem>> -> memref<128xi32, #tpu.memory_space<vmem>>
      %dma_wait3A_188 = arith.constant 0 : i32
      %dma_wait3A_189 = arith.constant 0 : i32
      %dma_wait3A_190 = tpu.memref_slice %arg2[%dma_wait3A_188, %dma_wait3A_189] : memref<10000x128xf32, #tpu.memory_space<hbm>> -> memref<10000x128xf32, #tpu.memory_space<hbm>>
      tpu.wait_indirect_dma semaphore(%arg18 : memref<!tpu.dma_semaphore, #tpu.memory_space<semaphore_mem>>) src(%dma_wait3A_190 : memref<10000x128xf32, #tpu.memory_space<hbm>>) dst(%arg14 : memref<128x128xf32, #tpu.memory_space<vmem>>)
      %add3A_191 = arith.constant 3 : i32
      %add3A_192 = arith.addi %add3A_183, %add3A_191 : i32
      %lt3A_193 = arith.constant 81 : i32
      %lt3A_194 = arith.cmpi slt, %add3A_192, %lt3A_193 : i32
      %convert_element_type3A_195 = arith.extui %lt3A_194 : i1 to i32
      %cond3A_196 = arith.constant 0 : i32
      %cond3A_197 = arith.cmpi ne, %convert_element_type3A_195, %cond3A_196 : i32
      scf.if %cond3A_197 {
        %add3A_250 = arith.constant 3 : i32
        %add3A_251 = arith.addi %add3A_183, %add3A_250 : i32
        %dma_start3A_252 = arith.constant 0 : i32
        %dma_start3A_253 = arith.constant 0 : i32
        %dma_start3A_254 = tpu.memref_slice %arg3[%add3A, %add3A_251, %dma_start3A_252, %dma_start3A_253] : memref<32x81x1x128xi32, #tpu.memory_space<hbm>> -> memref<1x1x1x128xi32, #tpu.memory_space<hbm>>
        %dma_start3A_255 = tpu.memref_squeeze %dma_start3A_254 : memref<1x1x1x128xi32, #tpu.memory_space<hbm>> -> memref<1x128xi32, #tpu.memory_space<hbm>>
        %dma_start3A_256 = arith.constant 0 : i32
        %dma_start3A_257 = arith.constant 0 : i32
        %dma_start3A_258 = tpu.memref_slice %arg3[%add3A, %add3A_251, %dma_start3A_256, %dma_start3A_257] : memref<32x81x1x128xi32, #tpu.memory_space<hbm>> -> memref<1x1x1x128xi32, #tpu.memory_space<hbm>>
        %dma_start3A_259 = tpu.memref_squeeze %dma_start3A_258 : memref<1x1x1x128xi32, #tpu.memory_space<hbm>> -> memref<1x128xi32, #tpu.memory_space<hbm>>
        tpu.enqueue_dma source(%dma_start3A_259 : memref<1x128xi32, #tpu.memory_space<hbm>>) target(%arg8 : memref<1x128xi32, #tpu.memory_space<vmem>>) target_semaphore(%arg21 : memref<!tpu.dma_semaphore, #tpu.memory_space<semaphore_mem>>)
      } else {
      }
      %dma_wait3A_198 = arith.constant 0 : i32
      %dma_wait3A_199 = arith.constant 0 : i32
      %dma_wait3A_200 = arith.constant 0 : i32
      %dma_wait3A_201 = arith.constant 0 : i32
      %dma_wait3A_202 = tpu.memref_slice %arg4[%dma_wait3A_198, %dma_wait3A_199, %dma_wait3A_200, %dma_wait3A_201] : memref<32x81x1x128xi32, #tpu.memory_space<hbm>> -> memref<1x1x1x128xi32, #tpu.memory_space<hbm>>
      %dma_wait3A_203 = tpu.memref_squeeze %dma_wait3A_202 : memref<1x1x1x128xi32, #tpu.memory_space<hbm>> -> memref<1x128xi32, #tpu.memory_space<hbm>>
      %dma_wait3A_204 = arith.constant 0 : i32
      %dma_wait3A_205 = arith.constant 0 : i32
      %dma_wait3A_206 = tpu.memref_slice %arg4[%dma_wait3A_198, %dma_wait3A_199, %dma_wait3A_204, %dma_wait3A_205] : memref<32x81x1x128xi32, #tpu.memory_space<hbm>> -> memref<1x1x1x128xi32, #tpu.memory_space<hbm>>
      %dma_wait3A_207 = tpu.memref_squeeze %dma_wait3A_206 : memref<1x1x1x128xi32, #tpu.memory_space<hbm>> -> memref<1x128xi32, #tpu.memory_space<hbm>>
      tpu.wait_dma2 semaphore(%arg24 : memref<!tpu.dma_semaphore, #tpu.memory_space<semaphore_mem>>) src(%dma_wait3A_207 : memref<1x128xi32, #tpu.memory_space<hbm>>) dst(%arg11 : memref<1x128xi32, #tpu.memory_space<vmem>>)
      %run_scoped3A_208 = arith.constant 0 : i32
      "tpu.region"() ({
        %run_scoped3A_250 = tpu.sem_alloc : memref<!tpu.dma_semaphore, #tpu.memory_space<semaphore_mem>>
        %dma_start3A_251 = arith.constant 0 : i32
        %dma_start3A_252 = tpu.memref_slice %arg11[%run_scoped3A_208, %dma_start3A_251] : memref<1x128xi32, #tpu.memory_space<vmem>> -> memref<1x128xi32, #tpu.memory_space<vmem>>
        %dma_start3A_253 = tpu.memref_squeeze %dma_start3A_252 : memref<1x128xi32, #tpu.memory_space<vmem>> -> memref<128xi32, #tpu.memory_space<vmem>>
        %dma_start3A_254 = arith.constant 0 : i32
        %dma_start3A_255 = arith.constant 0 : i32
        %dma_start3A_256 = tpu.memref_slice %arg16[%dma_start3A_254, %dma_start3A_255] : memref<10104x128xf32, #tpu.memory_space<vmem_shared>> -> memref<10104x128xf32, #tpu.memory_space<vmem_shared>>
        tpu.enqueue_indirect_dma source(%arg14 : memref<128x128xf32, #tpu.memory_space<vmem>>) target(%dma_start3A_256 : memref<10104x128xf32, #tpu.memory_space<vmem_shared>>) offsets(%dma_start3A_253 : memref<128xi32, #tpu.memory_space<vmem>>) semaphore(%run_scoped3A_250 : memref<!tpu.dma_semaphore, #tpu.memory_space<semaphore_mem>>) {add = true}
        %dma_wait3A_257 = arith.constant 0 : i32
        %dma_wait3A_258 = tpu.memref_slice %arg11[%run_scoped3A_208, %dma_wait3A_257] : memref<1x128xi32, #tpu.memory_space<vmem>> -> memref<1x128xi32, #tpu.memory_space<vmem>>
        %dma_wait3A_259 = tpu.memref_squeeze %dma_wait3A_258 : memref<1x128xi32, #tpu.memory_space<vmem>> -> memref<128xi32, #tpu.memory_space<vmem>>
        %dma_wait3A_260 = arith.constant 0 : i32
        %dma_wait3A_261 = arith.constant 0 : i32
        %dma_wait3A_262 = tpu.memref_slice %arg16[%dma_wait3A_260, %dma_wait3A_261] : memref<10104x128xf32, #tpu.memory_space<vmem_shared>> -> memref<10104x128xf32, #tpu.memory_space<vmem_shared>>
        tpu.wait_indirect_dma semaphore(%run_scoped3A_250 : memref<!tpu.dma_semaphore, #tpu.memory_space<semaphore_mem>>) src(%arg14 : memref<128x128xf32, #tpu.memory_space<vmem>>) dst(%dma_wait3A_262 : memref<10104x128xf32, #tpu.memory_space<vmem_shared>>)
        tpu.yield
      }) : () -> ()
      %add3A_209 = arith.constant 3 : i32
      %add3A_210 = arith.addi %add3A_183, %add3A_209 : i32
      %lt3A_211 = arith.constant 81 : i32
      %lt3A_212 = arith.cmpi slt, %add3A_210, %lt3A_211 : i32
      %convert_element_type3A_213 = arith.extui %lt3A_212 : i1 to i32
      %cond3A_214 = arith.constant 0 : i32
      %cond3A_215 = arith.cmpi ne, %convert_element_type3A_213, %cond3A_214 : i32
      scf.if %cond3A_215 {
        %add3A_250 = arith.constant 3 : i32
        %add3A_251 = arith.addi %add3A_183, %add3A_250 : i32
        %dma_start3A_252 = arith.constant 0 : i32
        %dma_start3A_253 = arith.constant 0 : i32
        %dma_start3A_254 = tpu.memref_slice %arg4[%add3A, %add3A_251, %dma_start3A_252, %dma_start3A_253] : memref<32x81x1x128xi32, #tpu.memory_space<hbm>> -> memref<1x1x1x128xi32, #tpu.memory_space<hbm>>
        %dma_start3A_255 = tpu.memref_squeeze %dma_start3A_254 : memref<1x1x1x128xi32, #tpu.memory_space<hbm>> -> memref<1x128xi32, #tpu.memory_space<hbm>>
        %dma_start3A_256 = arith.constant 0 : i32
        %dma_start3A_257 = arith.constant 0 : i32
        %dma_start3A_258 = tpu.memref_slice %arg4[%add3A, %add3A_251, %dma_start3A_256, %dma_start3A_257] : memref<32x81x1x128xi32, #tpu.memory_space<hbm>> -> memref<1x1x1x128xi32, #tpu.memory_space<hbm>>
        %dma_start3A_259 = tpu.memref_squeeze %dma_start3A_258 : memref<1x1x1x128xi32, #tpu.memory_space<hbm>> -> memref<1x128xi32, #tpu.memory_space<hbm>>
        tpu.enqueue_dma source(%dma_start3A_259 : memref<1x128xi32, #tpu.memory_space<hbm>>) target(%arg11 : memref<1x128xi32, #tpu.memory_space<vmem>>) target_semaphore(%arg24 : memref<!tpu.dma_semaphore, #tpu.memory_space<semaphore_mem>>)
        %dma_wait3A_260 = arith.constant 0 : i32
        %dma_wait3A_261 = arith.constant 0 : i32
        %dma_wait3A_262 = arith.constant 0 : i32
        %dma_wait3A_263 = arith.constant 0 : i32
        %dma_wait3A_264 = tpu.memref_slice %arg3[%dma_wait3A_260, %dma_wait3A_261, %dma_wait3A_262, %dma_wait3A_263] : memref<32x81x1x128xi32, #tpu.memory_space<hbm>> -> memref<1x1x1x128xi32, #tpu.memory_space<hbm>>
        %dma_wait3A_265 = tpu.memref_squeeze %dma_wait3A_264 : memref<1x1x1x128xi32, #tpu.memory_space<hbm>> -> memref<1x128xi32, #tpu.memory_space<hbm>>
        %dma_wait3A_266 = arith.constant 0 : i32
        %dma_wait3A_267 = arith.constant 0 : i32
        %dma_wait3A_268 = tpu.memref_slice %arg3[%dma_wait3A_260, %dma_wait3A_261, %dma_wait3A_266, %dma_wait3A_267] : memref<32x81x1x128xi32, #tpu.memory_space<hbm>> -> memref<1x1x1x128xi32, #tpu.memory_space<hbm>>
        %dma_wait3A_269 = tpu.memref_squeeze %dma_wait3A_268 : memref<1x1x1x128xi32, #tpu.memory_space<hbm>> -> memref<1x128xi32, #tpu.memory_space<hbm>>
        tpu.wait_dma2 semaphore(%arg21 : memref<!tpu.dma_semaphore, #tpu.memory_space<semaphore_mem>>) src(%dma_wait3A_269 : memref<1x128xi32, #tpu.memory_space<hbm>>) dst(%arg8 : memref<1x128xi32, #tpu.memory_space<vmem>>)
        %dma_start3A_270 = arith.constant 0 : i32
        %dma_start3A_271 = arith.constant 0 : i32
        %dma_start3A_272 = tpu.memref_slice %arg8[%dma_start3A_270, %dma_start3A_271] : memref<1x128xi32, #tpu.memory_space<vmem>> -> memref<1x128xi32, #tpu.memory_space<vmem>>
        %dma_start3A_273 = tpu.memref_squeeze %dma_start3A_272 : memref<1x128xi32, #tpu.memory_space<vmem>> -> memref<128xi32, #tpu.memory_space<vmem>>
        %dma_start3A_274 = arith.constant 0 : i32
        %dma_start3A_275 = arith.constant 0 : i32
        %dma_start3A_276 = tpu.memref_slice %arg2[%dma_start3A_274, %dma_start3A_275] : memref<10000x128xf32, #tpu.memory_space<hbm>> -> memref<10000x128xf32, #tpu.memory_space<hbm>>
        tpu.enqueue_indirect_dma source(%dma_start3A_276 : memref<10000x128xf32, #tpu.memory_space<hbm>>) target(%arg14 : memref<128x128xf32, #tpu.memory_space<vmem>>) offsets(%dma_start3A_273 : memref<128xi32, #tpu.memory_space<vmem>>) semaphore(%arg18 : memref<!tpu.dma_semaphore, #tpu.memory_space<semaphore_mem>>)
      } else {
      }
      %add3A_216 = arith.constant 2 : i32
      %add3A_217 = arith.addi %mul3A_149, %add3A_216 : i32
      %dma_wait3A_218 = arith.constant 0 : i32
      %dma_wait3A_219 = arith.constant 0 : i32
      %dma_wait3A_220 = tpu.memref_slice %arg7[%dma_wait3A_218, %dma_wait3A_219] : memref<1x128xi32, #tpu.memory_space<vmem>> -> memref<1x128xi32, #tpu.memory_space<vmem>>
      %dma_wait3A_221 = tpu.memref_squeeze %dma_wait3A_220 : memref<1x128xi32, #tpu.memory_space<vmem>> -> memref<128xi32, #tpu.memory_space<vmem>>
      %dma_wait3A_222 = arith.constant 0 : i32
      %dma_wait3A_223 = arith.constant 0 : i32
      %dma_wait3A_224 = tpu.memref_slice %arg2[%dma_wait3A_222, %dma_wait3A_223] : memref<10000x128xf32, #tpu.memory_space<hbm>> -> memref<10000x128xf32, #tpu.memory_space<hbm>>
      tpu.wait_indirect_dma semaphore(%arg19 : memref<!tpu.dma_semaphore, #tpu.memory_space<semaphore_mem>>) src(%dma_wait3A_224 : memref<10000x128xf32, #tpu.memory_space<hbm>>) dst(%arg15 : memref<128x128xf32, #tpu.memory_space<vmem>>)
      %add3A_225 = arith.constant 3 : i32
      %add3A_226 = arith.addi %add3A_217, %add3A_225 : i32
      %lt3A_227 = arith.constant 81 : i32
      %lt3A_228 = arith.cmpi slt, %add3A_226, %lt3A_227 : i32
      %convert_element_type3A_229 = arith.extui %lt3A_228 : i1 to i32
      %cond3A_230 = arith.constant 0 : i32
      %cond3A_231 = arith.cmpi ne, %convert_element_type3A_229, %cond3A_230 : i32
      scf.if %cond3A_231 {
        %add3A_250 = arith.constant 3 : i32
        %add3A_251 = arith.addi %add3A_217, %add3A_250 : i32
        %dma_start3A_252 = arith.constant 0 : i32
        %dma_start3A_253 = arith.constant 0 : i32
        %dma_start3A_254 = tpu.memref_slice %arg3[%add3A, %add3A_251, %dma_start3A_252, %dma_start3A_253] : memref<32x81x1x128xi32, #tpu.memory_space<hbm>> -> memref<1x1x1x128xi32, #tpu.memory_space<hbm>>
        %dma_start3A_255 = tpu.memref_squeeze %dma_start3A_254 : memref<1x1x1x128xi32, #tpu.memory_space<hbm>> -> memref<1x128xi32, #tpu.memory_space<hbm>>
        %dma_start3A_256 = arith.constant 0 : i32
        %dma_start3A_257 = arith.constant 0 : i32
        %dma_start3A_258 = tpu.memref_slice %arg3[%add3A, %add3A_251, %dma_start3A_256, %dma_start3A_257] : memref<32x81x1x128xi32, #tpu.memory_space<hbm>> -> memref<1x1x1x128xi32, #tpu.memory_space<hbm>>
        %dma_start3A_259 = tpu.memref_squeeze %dma_start3A_258 : memref<1x1x1x128xi32, #tpu.memory_space<hbm>> -> memref<1x128xi32, #tpu.memory_space<hbm>>
        tpu.enqueue_dma source(%dma_start3A_259 : memref<1x128xi32, #tpu.memory_space<hbm>>) target(%arg9 : memref<1x128xi32, #tpu.memory_space<vmem>>) target_semaphore(%arg22 : memref<!tpu.dma_semaphore, #tpu.memory_space<semaphore_mem>>)
      } else {
      }
      %dma_wait3A_232 = arith.constant 0 : i32
      %dma_wait3A_233 = arith.constant 0 : i32
      %dma_wait3A_234 = arith.constant 0 : i32
      %dma_wait3A_235 = arith.constant 0 : i32
      %dma_wait3A_236 = tpu.memref_slice %arg4[%dma_wait3A_232, %dma_wait3A_233, %dma_wait3A_234, %dma_wait3A_235] : memref<32x81x1x128xi32, #tpu.memory_space<hbm>> -> memref<1x1x1x128xi32, #tpu.memory_space<hbm>>
      %dma_wait3A_237 = tpu.memref_squeeze %dma_wait3A_236 : memref<1x1x1x128xi32, #tpu.memory_space<hbm>> -> memref<1x128xi32, #tpu.memory_space<hbm>>
      %dma_wait3A_238 = arith.constant 0 : i32
      %dma_wait3A_239 = arith.constant 0 : i32
      %dma_wait3A_240 = tpu.memref_slice %arg4[%dma_wait3A_232, %dma_wait3A_233, %dma_wait3A_238, %dma_wait3A_239] : memref<32x81x1x128xi32, #tpu.memory_space<hbm>> -> memref<1x1x1x128xi32, #tpu.memory_space<hbm>>
      %dma_wait3A_241 = tpu.memref_squeeze %dma_wait3A_240 : memref<1x1x1x128xi32, #tpu.memory_space<hbm>> -> memref<1x128xi32, #tpu.memory_space<hbm>>
      tpu.wait_dma2 semaphore(%arg25 : memref<!tpu.dma_semaphore, #tpu.memory_space<semaphore_mem>>) src(%dma_wait3A_241 : memref<1x128xi32, #tpu.memory_space<hbm>>) dst(%arg12 : memref<1x128xi32, #tpu.memory_space<vmem>>)
      %run_scoped3A_242 = arith.constant 0 : i32
      "tpu.region"() ({
        %run_scoped3A_250 = tpu.sem_alloc : memref<!tpu.dma_semaphore, #tpu.memory_space<semaphore_mem>>
        %dma_start3A_251 = arith.constant 0 : i32
        %dma_start3A_252 = tpu.memref_slice %arg12[%run_scoped3A_242, %dma_start3A_251] : memref<1x128xi32, #tpu.memory_space<vmem>> -> memref<1x128xi32, #tpu.memory_space<vmem>>
        %dma_start3A_253 = tpu.memref_squeeze %dma_start3A_252 : memref<1x128xi32, #tpu.memory_space<vmem>> -> memref<128xi32, #tpu.memory_space<vmem>>
        %dma_start3A_254 = arith.constant 0 : i32
        %dma_start3A_255 = arith.constant 0 : i32
        %dma_start3A_256 = tpu.memref_slice %arg16[%dma_start3A_254, %dma_start3A_255] : memref<10104x128xf32, #tpu.memory_space<vmem_shared>> -> memref<10104x128xf32, #tpu.memory_space<vmem_shared>>
        tpu.enqueue_indirect_dma source(%arg15 : memref<128x128xf32, #tpu.memory_space<vmem>>) target(%dma_start3A_256 : memref<10104x128xf32, #tpu.memory_space<vmem_shared>>) offsets(%dma_start3A_253 : memref<128xi32, #tpu.memory_space<vmem>>) semaphore(%run_scoped3A_250 : memref<!tpu.dma_semaphore, #tpu.memory_space<semaphore_mem>>) {add = true}
        %dma_wait3A_257 = arith.constant 0 : i32
        %dma_wait3A_258 = tpu.memref_slice %arg12[%run_scoped3A_242, %dma_wait3A_257] : memref<1x128xi32, #tpu.memory_space<vmem>> -> memref<1x128xi32, #tpu.memory_space<vmem>>
        %dma_wait3A_259 = tpu.memref_squeeze %dma_wait3A_258 : memref<1x128xi32, #tpu.memory_space<vmem>> -> memref<128xi32, #tpu.memory_space<vmem>>
        %dma_wait3A_260 = arith.constant 0 : i32
        %dma_wait3A_261 = arith.constant 0 : i32
        %dma_wait3A_262 = tpu.memref_slice %arg16[%dma_wait3A_260, %dma_wait3A_261] : memref<10104x128xf32, #tpu.memory_space<vmem_shared>> -> memref<10104x128xf32, #tpu.memory_space<vmem_shared>>
        tpu.wait_indirect_dma semaphore(%run_scoped3A_250 : memref<!tpu.dma_semaphore, #tpu.memory_space<semaphore_mem>>) src(%arg15 : memref<128x128xf32, #tpu.memory_space<vmem>>) dst(%dma_wait3A_262 : memref<10104x128xf32, #tpu.memory_space<vmem_shared>>)
        tpu.yield
      }) : () -> ()
      %add3A_243 = arith.constant 3 : i32
      %add3A_244 = arith.addi %add3A_217, %add3A_243 : i32
      %lt3A_245 = arith.constant 81 : i32
      %lt3A_246 = arith.cmpi slt, %add3A_244, %lt3A_245 : i32
      %convert_element_type3A_247 = arith.extui %lt3A_246 : i1 to i32
      %cond3A_248 = arith.constant 0 : i32
      %cond3A_249 = arith.cmpi ne, %convert_element_type3A_247, %cond3A_248 : i32
      scf.if %cond3A_249 {
        %add3A_250 = arith.constant 3 : i32
        %add3A_251 = arith.addi %add3A_217, %add3A_250 : i32
        %dma_start3A_252 = arith.constant 0 : i32
        %dma_start3A_253 = arith.constant 0 : i32
        %dma_start3A_254 = tpu.memref_slice %arg4[%add3A, %add3A_251, %dma_start3A_252, %dma_start3A_253] : memref<32x81x1x128xi32, #tpu.memory_space<hbm>> -> memref<1x1x1x128xi32, #tpu.memory_space<hbm>>
        %dma_start3A_255 = tpu.memref_squeeze %dma_start3A_254 : memref<1x1x1x128xi32, #tpu.memory_space<hbm>> -> memref<1x128xi32, #tpu.memory_space<hbm>>
        %dma_start3A_256 = arith.constant 0 : i32
        %dma_start3A_257 = arith.constant 0 : i32
        %dma_start3A_258 = tpu.memref_slice %arg4[%add3A, %add3A_251, %dma_start3A_256, %dma_start3A_257] : memref<32x81x1x128xi32, #tpu.memory_space<hbm>> -> memref<1x1x1x128xi32, #tpu.memory_space<hbm>>
        %dma_start3A_259 = tpu.memref_squeeze %dma_start3A_258 : memref<1x1x1x128xi32, #tpu.memory_space<hbm>> -> memref<1x128xi32, #tpu.memory_space<hbm>>
        tpu.enqueue_dma source(%dma_start3A_259 : memref<1x128xi32, #tpu.memory_space<hbm>>) target(%arg12 : memref<1x128xi32, #tpu.memory_space<vmem>>) target_semaphore(%arg25 : memref<!tpu.dma_semaphore, #tpu.memory_space<semaphore_mem>>)
        %dma_wait3A_260 = arith.constant 0 : i32
        %dma_wait3A_261 = arith.constant 0 : i32
        %dma_wait3A_262 = arith.constant 0 : i32
        %dma_wait3A_263 = arith.constant 0 : i32
        %dma_wait3A_264 = tpu.memref_slice %arg3[%dma_wait3A_260, %dma_wait3A_261, %dma_wait3A_262, %dma_wait3A_263] : memref<32x81x1x128xi32, #tpu.memory_space<hbm>> -> memref<1x1x1x128xi32, #tpu.memory_space<hbm>>
        %dma_wait3A_265 = tpu.memref_squeeze %dma_wait3A_264 : memref<1x1x1x128xi32, #tpu.memory_space<hbm>> -> memref<1x128xi32, #tpu.memory_space<hbm>>
        %dma_wait3A_266 = arith.constant 0 : i32
        %dma_wait3A_267 = arith.constant 0 : i32
        %dma_wait3A_268 = tpu.memref_slice %arg3[%dma_wait3A_260, %dma_wait3A_261, %dma_wait3A_266, %dma_wait3A_267] : memref<32x81x1x128xi32, #tpu.memory_space<hbm>> -> memref<1x1x1x128xi32, #tpu.memory_space<hbm>>
        %dma_wait3A_269 = tpu.memref_squeeze %dma_wait3A_268 : memref<1x1x1x128xi32, #tpu.memory_space<hbm>> -> memref<1x128xi32, #tpu.memory_space<hbm>>
        tpu.wait_dma2 semaphore(%arg22 : memref<!tpu.dma_semaphore, #tpu.memory_space<semaphore_mem>>) src(%dma_wait3A_269 : memref<1x128xi32, #tpu.memory_space<hbm>>) dst(%arg9 : memref<1x128xi32, #tpu.memory_space<vmem>>)
        %dma_start3A_270 = arith.constant 0 : i32
        %dma_start3A_271 = arith.constant 0 : i32
        %dma_start3A_272 = tpu.memref_slice %arg9[%dma_start3A_270, %dma_start3A_271] : memref<1x128xi32, #tpu.memory_space<vmem>> -> memref<1x128xi32, #tpu.memory_space<vmem>>
        %dma_start3A_273 = tpu.memref_squeeze %dma_start3A_272 : memref<1x128xi32, #tpu.memory_space<vmem>> -> memref<128xi32, #tpu.memory_space<vmem>>
        %dma_start3A_274 = arith.constant 0 : i32
        %dma_start3A_275 = arith.constant 0 : i32
        %dma_start3A_276 = tpu.memref_slice %arg2[%dma_start3A_274, %dma_start3A_275] : memref<10000x128xf32, #tpu.memory_space<hbm>> -> memref<10000x128xf32, #tpu.memory_space<hbm>>
        tpu.enqueue_indirect_dma source(%dma_start3A_276 : memref<10000x128xf32, #tpu.memory_space<hbm>>) target(%arg15 : memref<128x128xf32, #tpu.memory_space<vmem>>) offsets(%dma_start3A_273 : memref<128xi32, #tpu.memory_space<vmem>>) semaphore(%arg19 : memref<!tpu.dma_semaphore, #tpu.memory_space<semaphore_mem>>)
      } else {
      }
    }
    %scan3A_133 = arith.constant 27 : i32
    %barrier3A_134 = arith.constant 0 : index
    tpu.barrier barrier_id(%barrier3A_134)
    %not3A_135 = arith.constant true
    %not3A_136 = arith.xori %eq3A_3, %not3A_135 : i1
    %convert_element_type3A_137 = arith.extui %not3A_136 : i1 to i32
    %cond3A_138 = arith.constant 0 : i32
    %cond3A_139 = arith.cmpi ne, %convert_element_type3A_137, %cond3A_138 : i32
    scf.if %cond3A_139 {
      "tpu.region"() ({
        %run_scoped3A = tpu.sem_alloc : memref<!tpu.dma_semaphore, #tpu.memory_space<semaphore_mem>>
        %dma_start3A_143 = arith.constant 0 : i32
        %dma_start3A_144 = tpu.memref_slice %arg6[%arg0, %mul3A_2, %dma_start3A_143] : memref<2x10000x128xf32, #tpu.memory_space<hbm>> -> memref<1x624x128xf32, #tpu.memory_space<hbm>>
        %dma_start3A_145 = tpu.memref_squeeze %dma_start3A_144 : memref<1x624x128xf32, #tpu.memory_space<hbm>> -> memref<624x128xf32, #tpu.memory_space<hbm>>
        %dma_start3A_146 = arith.constant 0 : i32
        %dma_start3A_147 = tpu.memref_slice %arg16[%mul3A_2, %dma_start3A_146] : memref<10104x128xf32, #tpu.memory_space<vmem_shared>> -> memref<624x128xf32, #tpu.memory_space<vmem_shared>>
        tpu.enqueue_dma source(%dma_start3A_147 : memref<624x128xf32, #tpu.memory_space<vmem_shared>>) target(%dma_start3A_145 : memref<624x128xf32, #tpu.memory_space<hbm>>) target_semaphore(%run_scoped3A : memref<!tpu.dma_semaphore, #tpu.memory_space<semaphore_mem>>)
        %dma_wait3A_148 = arith.constant 0 : i32
        %dma_wait3A_149 = tpu.memref_slice %arg6[%arg0, %mul3A_2, %dma_wait3A_148] : memref<2x10000x128xf32, #tpu.memory_space<hbm>> -> memref<1x624x128xf32, #tpu.memory_space<hbm>>
        %dma_wait3A_150 = tpu.memref_squeeze %dma_wait3A_149 : memref<1x624x128xf32, #tpu.memory_space<hbm>> -> memref<624x128xf32, #tpu.memory_space<hbm>>
        %dma_wait3A_151 = arith.constant 0 : i32
        %dma_wait3A_152 = tpu.memref_slice %arg16[%mul3A_2, %dma_wait3A_151] : memref<10104x128xf32, #tpu.memory_space<vmem_shared>> -> memref<624x128xf32, #tpu.memory_space<vmem_shared>>
        tpu.wait_dma2 semaphore(%run_scoped3A : memref<!tpu.dma_semaphore, #tpu.memory_space<semaphore_mem>>) src(%dma_wait3A_152 : memref<624x128xf32, #tpu.memory_space<vmem_shared>>) dst(%dma_wait3A_150 : memref<624x128xf32, #tpu.memory_space<hbm>>)
        tpu.yield
      }) : () -> ()
    } else {
    }
    %convert_element_type3A_140 = arith.extui %eq3A_3 : i1 to i32
    %cond3A_141 = arith.constant 0 : i32
    %cond3A_142 = arith.cmpi ne, %convert_element_type3A_140, %cond3A_141 : i32
    scf.if %cond3A_142 {
      "tpu.region"() ({
        %run_scoped3A = tpu.sem_alloc : memref<!tpu.dma_semaphore, #tpu.memory_space<semaphore_mem>>
        %dma_start3A_143 = arith.constant 9360 : i32
        %dma_start3A_144 = arith.constant 0 : i32
        %dma_start3A_145 = tpu.memref_slice %arg6[%arg0, %dma_start3A_143, %dma_start3A_144] : memref<2x10000x128xf32, #tpu.memory_space<hbm>> -> memref<1x640x128xf32, #tpu.memory_space<hbm>>
        %dma_start3A_146 = tpu.memref_squeeze %dma_start3A_145 : memref<1x640x128xf32, #tpu.memory_space<hbm>> -> memref<640x128xf32, #tpu.memory_space<hbm>>
        %dma_start3A_147 = arith.constant 9360 : i32
        %dma_start3A_148 = arith.constant 0 : i32
        %dma_start3A_149 = tpu.memref_slice %arg16[%dma_start3A_147, %dma_start3A_148] : memref<10104x128xf32, #tpu.memory_space<vmem_shared>> -> memref<640x128xf32, #tpu.memory_space<vmem_shared>>
        tpu.enqueue_dma source(%dma_start3A_149 : memref<640x128xf32, #tpu.memory_space<vmem_shared>>) target(%dma_start3A_146 : memref<640x128xf32, #tpu.memory_space<hbm>>) target_semaphore(%run_scoped3A : memref<!tpu.dma_semaphore, #tpu.memory_space<semaphore_mem>>)
        %dma_wait3A_150 = arith.constant 9360 : i32
        %dma_wait3A_151 = arith.constant 0 : i32
        %dma_wait3A_152 = tpu.memref_slice %arg6[%arg0, %dma_wait3A_150, %dma_wait3A_151] : memref<2x10000x128xf32, #tpu.memory_space<hbm>> -> memref<1x640x128xf32, #tpu.memory_space<hbm>>
        %dma_wait3A_153 = tpu.memref_squeeze %dma_wait3A_152 : memref<1x640x128xf32, #tpu.memory_space<hbm>> -> memref<640x128xf32, #tpu.memory_space<hbm>>
        %dma_wait3A_154 = arith.constant 9360 : i32
        %dma_wait3A_155 = arith.constant 0 : i32
        %dma_wait3A_156 = tpu.memref_slice %arg16[%dma_wait3A_154, %dma_wait3A_155] : memref<10104x128xf32, #tpu.memory_space<vmem_shared>> -> memref<640x128xf32, #tpu.memory_space<vmem_shared>>
        tpu.wait_dma2 semaphore(%run_scoped3A : memref<!tpu.dma_semaphore, #tpu.memory_space<semaphore_mem>>) src(%dma_wait3A_156 : memref<640x128xf32, #tpu.memory_space<vmem_shared>>) dst(%dma_wait3A_153 : memref<640x128xf32, #tpu.memory_space<hbm>>)
        tpu.yield
      }) : () -> ()
    } else {
    }
    return
  }
}

#map = affine_map<(d0, d1) -> (0, 0, 0)>
module attributes {stable_mosaic.version = 14 : i64} {
  func.func @_deg_body(%arg0: i32, %arg1: i32, %arg2: memref<32x81x128xi32, #tpu.memory_space<hbm>>, %arg3: memref<2x1x10240xf32, #tpu.memory_space<hbm>>, %arg4: memref<81x128xi32, #tpu.memory_space<vmem>>, %arg5: memref<128xf32, #tpu.memory_space<vmem>>, %arg6: memref<640xf32, #tpu.memory_space<vmem>>, %arg7: memref<10240xf32, #tpu.memory_space<vmem_shared>>) attributes {dimension_semantics = [#tpu.dimension_semantics<core_parallel>, #tpu.dimension_semantics<subcore_parallel>], iteration_bounds = array<i64: 2, 16>, scalar_prefetch = 0 : i64, scratch_operands = 4 : i64, tpu.core_type = #tpu.core_type<sc_vector_subcore>, window_params = [{transform_indices = #map}, {transform_indices = #map}]} {
    %mul3A = arith.constant 16 : i32
    %mul3A_0 = arith.muli %arg0, %mul3A : i32
    %add3A = arith.addi %mul3A_0, %arg1 : i32
    "tpu.region"() ({
      %run_scoped3A_298 = tpu.sem_alloc : memref<!tpu.dma_semaphore, #tpu.memory_space<semaphore_mem>>
      %dma_start3A = arith.constant 0 : i32
      %dma_start3A_299 = arith.constant 0 : i32
      %dma_start3A_300 = tpu.memref_slice %arg2[%add3A, %dma_start3A, %dma_start3A_299] : memref<32x81x128xi32, #tpu.memory_space<hbm>> -> memref<1x81x128xi32, #tpu.memory_space<hbm>>
      %dma_start3A_301 = tpu.memref_squeeze %dma_start3A_300 : memref<1x81x128xi32, #tpu.memory_space<hbm>> -> memref<81x128xi32, #tpu.memory_space<hbm>>
      %dma_start3A_302 = arith.constant 0 : i32
      %dma_start3A_303 = arith.constant 0 : i32
      %dma_start3A_304 = tpu.memref_slice %arg2[%add3A, %dma_start3A_302, %dma_start3A_303] : memref<32x81x128xi32, #tpu.memory_space<hbm>> -> memref<1x81x128xi32, #tpu.memory_space<hbm>>
      %dma_start3A_305 = tpu.memref_squeeze %dma_start3A_304 : memref<1x81x128xi32, #tpu.memory_space<hbm>> -> memref<81x128xi32, #tpu.memory_space<hbm>>
      tpu.enqueue_dma source(%dma_start3A_305 : memref<81x128xi32, #tpu.memory_space<hbm>>) target(%arg4 : memref<81x128xi32, #tpu.memory_space<vmem>>) target_semaphore(%run_scoped3A_298 : memref<!tpu.dma_semaphore, #tpu.memory_space<semaphore_mem>>)
      %dma_wait3A = arith.constant 0 : i32
      %dma_wait3A_306 = arith.constant 0 : i32
      %dma_wait3A_307 = tpu.memref_slice %arg2[%add3A, %dma_wait3A, %dma_wait3A_306] : memref<32x81x128xi32, #tpu.memory_space<hbm>> -> memref<1x81x128xi32, #tpu.memory_space<hbm>>
      %dma_wait3A_308 = tpu.memref_squeeze %dma_wait3A_307 : memref<1x81x128xi32, #tpu.memory_space<hbm>> -> memref<81x128xi32, #tpu.memory_space<hbm>>
      %dma_wait3A_309 = arith.constant 0 : i32
      %dma_wait3A_310 = arith.constant 0 : i32
      %dma_wait3A_311 = tpu.memref_slice %arg2[%add3A, %dma_wait3A_309, %dma_wait3A_310] : memref<32x81x128xi32, #tpu.memory_space<hbm>> -> memref<1x81x128xi32, #tpu.memory_space<hbm>>
      %dma_wait3A_312 = tpu.memref_squeeze %dma_wait3A_311 : memref<1x81x128xi32, #tpu.memory_space<hbm>> -> memref<81x128xi32, #tpu.memory_space<hbm>>
      tpu.wait_dma2 semaphore(%run_scoped3A_298 : memref<!tpu.dma_semaphore, #tpu.memory_space<semaphore_mem>>) src(%dma_wait3A_312 : memref<81x128xi32, #tpu.memory_space<hbm>>) dst(%arg4 : memref<81x128xi32, #tpu.memory_space<vmem>>)
      tpu.yield
    }) : () -> ()
    %broadcast_in_dim3A = arith.constant 1.000000e+00 : f32
    %broadcast_in_dim3A_1 = vector.broadcast %broadcast_in_dim3A : f32 to vector<16xf32>
    %swap3A = arith.constant 0 : index
    %swap3A_2 = tpu.vector_load %arg5[%swap3A] {strides = array<i32>} : memref<128xf32, #tpu.memory_space<vmem>>, vector<16xf32>,
    %swap3A_3 = vector.shape_cast %swap3A_2 : vector<16xf32> to vector<16xf32>
    %swap3A_4 = vector.shape_cast %broadcast_in_dim3A_1 : vector<16xf32> to vector<16xf32>
    tpu.vector_store %arg5[%swap3A], %swap3A_4 {strides = array<i32>} : memref<128xf32, #tpu.memory_space<vmem>>, vector<16xf32>,
    %broadcast_in_dim3A_5 = arith.constant 1.000000e+00 : f32
    %broadcast_in_dim3A_6 = vector.broadcast %broadcast_in_dim3A_5 : f32 to vector<16xf32>
    %swap3A_7 = arith.constant 16 : index
    %swap3A_8 = tpu.vector_load %arg5[%swap3A_7] {strides = array<i32>} : memref<128xf32, #tpu.memory_space<vmem>>, vector<16xf32>,
    %swap3A_9 = vector.shape_cast %swap3A_8 : vector<16xf32> to vector<16xf32>
    %swap3A_10 = vector.shape_cast %broadcast_in_dim3A_6 : vector<16xf32> to vector<16xf32>
    tpu.vector_store %arg5[%swap3A_7], %swap3A_10 {strides = array<i32>} : memref<128xf32, #tpu.memory_space<vmem>>, vector<16xf32>,
    %broadcast_in_dim3A_11 = arith.constant 1.000000e+00 : f32
    %broadcast_in_dim3A_12 = vector.broadcast %broadcast_in_dim3A_11 : f32 to vector<16xf32>
    %swap3A_13 = arith.constant 32 : index
    %swap3A_14 = tpu.vector_load %arg5[%swap3A_13] {strides = array<i32>} : memref<128xf32, #tpu.memory_space<vmem>>, vector<16xf32>,
    %swap3A_15 = vector.shape_cast %swap3A_14 : vector<16xf32> to vector<16xf32>
    %swap3A_16 = vector.shape_cast %broadcast_in_dim3A_12 : vector<16xf32> to vector<16xf32>
    tpu.vector_store %arg5[%swap3A_13], %swap3A_16 {strides = array<i32>} : memref<128xf32, #tpu.memory_space<vmem>>, vector<16xf32>,
    %broadcast_in_dim3A_17 = arith.constant 1.000000e+00 : f32
    %broadcast_in_dim3A_18 = vector.broadcast %broadcast_in_dim3A_17 : f32 to vector<16xf32>
    %swap3A_19 = arith.constant 48 : index
    %swap3A_20 = tpu.vector_load %arg5[%swap3A_19] {strides = array<i32>} : memref<128xf32, #tpu.memory_space<vmem>>, vector<16xf32>,
    %swap3A_21 = vector.shape_cast %swap3A_20 : vector<16xf32> to vector<16xf32>
    %swap3A_22 = vector.shape_cast %broadcast_in_dim3A_18 : vector<16xf32> to vector<16xf32>
    tpu.vector_store %arg5[%swap3A_19], %swap3A_22 {strides = array<i32>} : memref<128xf32, #tpu.memory_space<vmem>>, vector<16xf32>,
    %broadcast_in_dim3A_23 = arith.constant 1.000000e+00 : f32
    %broadcast_in_dim3A_24 = vector.broadcast %broadcast_in_dim3A_23 : f32 to vector<16xf32>
    %swap3A_25 = arith.constant 64 : index
    %swap3A_26 = tpu.vector_load %arg5[%swap3A_25] {strides = array<i32>} : memref<128xf32, #tpu.memory_space<vmem>>, vector<16xf32>,
    %swap3A_27 = vector.shape_cast %swap3A_26 : vector<16xf32> to vector<16xf32>
    %swap3A_28 = vector.shape_cast %broadcast_in_dim3A_24 : vector<16xf32> to vector<16xf32>
    tpu.vector_store %arg5[%swap3A_25], %swap3A_28 {strides = array<i32>} : memref<128xf32, #tpu.memory_space<vmem>>, vector<16xf32>,
    %broadcast_in_dim3A_29 = arith.constant 1.000000e+00 : f32
    %broadcast_in_dim3A_30 = vector.broadcast %broadcast_in_dim3A_29 : f32 to vector<16xf32>
    %swap3A_31 = arith.constant 80 : index
    %swap3A_32 = tpu.vector_load %arg5[%swap3A_31] {strides = array<i32>} : memref<128xf32, #tpu.memory_space<vmem>>, vector<16xf32>,
    %swap3A_33 = vector.shape_cast %swap3A_32 : vector<16xf32> to vector<16xf32>
    %swap3A_34 = vector.shape_cast %broadcast_in_dim3A_30 : vector<16xf32> to vector<16xf32>
    tpu.vector_store %arg5[%swap3A_31], %swap3A_34 {strides = array<i32>} : memref<128xf32, #tpu.memory_space<vmem>>, vector<16xf32>,
    %broadcast_in_dim3A_35 = arith.constant 1.000000e+00 : f32
    %broadcast_in_dim3A_36 = vector.broadcast %broadcast_in_dim3A_35 : f32 to vector<16xf32>
    %swap3A_37 = arith.constant 96 : index
    %swap3A_38 = tpu.vector_load %arg5[%swap3A_37] {strides = array<i32>} : memref<128xf32, #tpu.memory_space<vmem>>, vector<16xf32>,
    %swap3A_39 = vector.shape_cast %swap3A_38 : vector<16xf32> to vector<16xf32>
    %swap3A_40 = vector.shape_cast %broadcast_in_dim3A_36 : vector<16xf32> to vector<16xf32>
    tpu.vector_store %arg5[%swap3A_37], %swap3A_40 {strides = array<i32>} : memref<128xf32, #tpu.memory_space<vmem>>, vector<16xf32>,
    %broadcast_in_dim3A_41 = arith.constant 1.000000e+00 : f32
    %broadcast_in_dim3A_42 = vector.broadcast %broadcast_in_dim3A_41 : f32 to vector<16xf32>
    %swap3A_43 = arith.constant 112 : index
    %swap3A_44 = tpu.vector_load %arg5[%swap3A_43] {strides = array<i32>} : memref<128xf32, #tpu.memory_space<vmem>>, vector<16xf32>,
    %swap3A_45 = vector.shape_cast %swap3A_44 : vector<16xf32> to vector<16xf32>
    %swap3A_46 = vector.shape_cast %broadcast_in_dim3A_42 : vector<16xf32> to vector<16xf32>
    tpu.vector_store %arg5[%swap3A_43], %swap3A_46 {strides = array<i32>} : memref<128xf32, #tpu.memory_space<vmem>>, vector<16xf32>,
    %broadcast_in_dim3A_47 = arith.constant 0.000000e+00 : f32
    %broadcast_in_dim3A_48 = vector.broadcast %broadcast_in_dim3A_47 : f32 to vector<16xf32>
    %swap3A_49 = arith.constant 0 : index
    %swap3A_50 = tpu.vector_load %arg6[%swap3A_49] {strides = array<i32>} : memref<640xf32, #tpu.memory_space<vmem>>, vector<16xf32>,
    %swap3A_51 = vector.shape_cast %swap3A_50 : vector<16xf32> to vector<16xf32>
    %swap3A_52 = vector.shape_cast %broadcast_in_dim3A_48 : vector<16xf32> to vector<16xf32>
    tpu.vector_store %arg6[%swap3A_49], %swap3A_52 {strides = array<i32>} : memref<640xf32, #tpu.memory_space<vmem>>, vector<16xf32>,
    %broadcast_in_dim3A_53 = arith.constant 0.000000e+00 : f32
    %broadcast_in_dim3A_54 = vector.broadcast %broadcast_in_dim3A_53 : f32 to vector<16xf32>
    %swap3A_55 = arith.constant 16 : index
    %swap3A_56 = tpu.vector_load %arg6[%swap3A_55] {strides = array<i32>} : memref<640xf32, #tpu.memory_space<vmem>>, vector<16xf32>,
    %swap3A_57 = vector.shape_cast %swap3A_56 : vector<16xf32> to vector<16xf32>
    %swap3A_58 = vector.shape_cast %broadcast_in_dim3A_54 : vector<16xf32> to vector<16xf32>
    tpu.vector_store %arg6[%swap3A_55], %swap3A_58 {strides = array<i32>} : memref<640xf32, #tpu.memory_space<vmem>>, vector<16xf32>,
    %broadcast_in_dim3A_59 = arith.constant 0.000000e+00 : f32
    %broadcast_in_dim3A_60 = vector.broadcast %broadcast_in_dim3A_59 : f32 to vector<16xf32>
    %swap3A_61 = arith.constant 32 : index
    %swap3A_62 = tpu.vector_load %arg6[%swap3A_61] {strides = array<i32>} : memref<640xf32, #tpu.memory_space<vmem>>, vector<16xf32>,
    %swap3A_63 = vector.shape_cast %swap3A_62 : vector<16xf32> to vector<16xf32>
    %swap3A_64 = vector.shape_cast %broadcast_in_dim3A_60 : vector<16xf32> to vector<16xf32>
    tpu.vector_store %arg6[%swap3A_61], %swap3A_64 {strides = array<i32>} : memref<640xf32, #tpu.memory_space<vmem>>, vector<16xf32>,
    %broadcast_in_dim3A_65 = arith.constant 0.000000e+00 : f32
    %broadcast_in_dim3A_66 = vector.broadcast %broadcast_in_dim3A_65 : f32 to vector<16xf32>
    %swap3A_67 = arith.constant 48 : index
    %swap3A_68 = tpu.vector_load %arg6[%swap3A_67] {strides = array<i32>} : memref<640xf32, #tpu.memory_space<vmem>>, vector<16xf32>,
    %swap3A_69 = vector.shape_cast %swap3A_68 : vector<16xf32> to vector<16xf32>
    %swap3A_70 = vector.shape_cast %broadcast_in_dim3A_66 : vector<16xf32> to vector<16xf32>
    tpu.vector_store %arg6[%swap3A_67], %swap3A_70 {strides = array<i32>} : memref<640xf32, #tpu.memory_space<vmem>>, vector<16xf32>,
    %broadcast_in_dim3A_71 = arith.constant 0.000000e+00 : f32
    %broadcast_in_dim3A_72 = vector.broadcast %broadcast_in_dim3A_71 : f32 to vector<16xf32>
    %swap3A_73 = arith.constant 64 : index
    %swap3A_74 = tpu.vector_load %arg6[%swap3A_73] {strides = array<i32>} : memref<640xf32, #tpu.memory_space<vmem>>, vector<16xf32>,
    %swap3A_75 = vector.shape_cast %swap3A_74 : vector<16xf32> to vector<16xf32>
    %swap3A_76 = vector.shape_cast %broadcast_in_dim3A_72 : vector<16xf32> to vector<16xf32>
    tpu.vector_store %arg6[%swap3A_73], %swap3A_76 {strides = array<i32>} : memref<640xf32, #tpu.memory_space<vmem>>, vector<16xf32>,
    %broadcast_in_dim3A_77 = arith.constant 0.000000e+00 : f32
    %broadcast_in_dim3A_78 = vector.broadcast %broadcast_in_dim3A_77 : f32 to vector<16xf32>
    %swap3A_79 = arith.constant 80 : index
    %swap3A_80 = tpu.vector_load %arg6[%swap3A_79] {strides = array<i32>} : memref<640xf32, #tpu.memory_space<vmem>>, vector<16xf32>,
    %swap3A_81 = vector.shape_cast %swap3A_80 : vector<16xf32> to vector<16xf32>
    %swap3A_82 = vector.shape_cast %broadcast_in_dim3A_78 : vector<16xf32> to vector<16xf32>
    tpu.vector_store %arg6[%swap3A_79], %swap3A_82 {strides = array<i32>} : memref<640xf32, #tpu.memory_space<vmem>>, vector<16xf32>,
    %broadcast_in_dim3A_83 = arith.constant 0.000000e+00 : f32
    %broadcast_in_dim3A_84 = vector.broadcast %broadcast_in_dim3A_83 : f32 to vector<16xf32>
    %swap3A_85 = arith.constant 96 : index
    %swap3A_86 = tpu.vector_load %arg6[%swap3A_85] {strides = array<i32>} : memref<640xf32, #tpu.memory_space<vmem>>, vector<16xf32>,
    %swap3A_87 = vector.shape_cast %swap3A_86 : vector<16xf32> to vector<16xf32>
    %swap3A_88 = vector.shape_cast %broadcast_in_dim3A_84 : vector<16xf32> to vector<16xf32>
    tpu.vector_store %arg6[%swap3A_85], %swap3A_88 {strides = array<i32>} : memref<640xf32, #tpu.memory_space<vmem>>, vector<16xf32>,
    %broadcast_in_dim3A_89 = arith.constant 0.000000e+00 : f32
    %broadcast_in_dim3A_90 = vector.broadcast %broadcast_in_dim3A_89 : f32 to vector<16xf32>
    %swap3A_91 = arith.constant 112 : index
    %swap3A_92 = tpu.vector_load %arg6[%swap3A_91] {strides = array<i32>} : memref<640xf32, #tpu.memory_space<vmem>>, vector<16xf32>,
    %swap3A_93 = vector.shape_cast %swap3A_92 : vector<16xf32> to vector<16xf32>
    %swap3A_94 = vector.shape_cast %broadcast_in_dim3A_90 : vector<16xf32> to vector<16xf32>
    tpu.vector_store %arg6[%swap3A_91], %swap3A_94 {strides = array<i32>} : memref<640xf32, #tpu.memory_space<vmem>>, vector<16xf32>,
    %broadcast_in_dim3A_95 = arith.constant 0.000000e+00 : f32
    %broadcast_in_dim3A_96 = vector.broadcast %broadcast_in_dim3A_95 : f32 to vector<16xf32>
    %swap3A_97 = arith.constant 128 : index
    %swap3A_98 = tpu.vector_load %arg6[%swap3A_97] {strides = array<i32>} : memref<640xf32, #tpu.memory_space<vmem>>, vector<16xf32>,
    %swap3A_99 = vector.shape_cast %swap3A_98 : vector<16xf32> to vector<16xf32>
    %swap3A_100 = vector.shape_cast %broadcast_in_dim3A_96 : vector<16xf32> to vector<16xf32>
    tpu.vector_store %arg6[%swap3A_97], %swap3A_100 {strides = array<i32>} : memref<640xf32, #tpu.memory_space<vmem>>, vector<16xf32>,
    %broadcast_in_dim3A_101 = arith.constant 0.000000e+00 : f32
    %broadcast_in_dim3A_102 = vector.broadcast %broadcast_in_dim3A_101 : f32 to vector<16xf32>
    %swap3A_103 = arith.constant 144 : index
    %swap3A_104 = tpu.vector_load %arg6[%swap3A_103] {strides = array<i32>} : memref<640xf32, #tpu.memory_space<vmem>>, vector<16xf32>,
    %swap3A_105 = vector.shape_cast %swap3A_104 : vector<16xf32> to vector<16xf32>
    %swap3A_106 = vector.shape_cast %broadcast_in_dim3A_102 : vector<16xf32> to vector<16xf32>
    tpu.vector_store %arg6[%swap3A_103], %swap3A_106 {strides = array<i32>} : memref<640xf32, #tpu.memory_space<vmem>>, vector<16xf32>,
    %broadcast_in_dim3A_107 = arith.constant 0.000000e+00 : f32
    %broadcast_in_dim3A_108 = vector.broadcast %broadcast_in_dim3A_107 : f32 to vector<16xf32>
    %swap3A_109 = arith.constant 160 : index
    %swap3A_110 = tpu.vector_load %arg6[%swap3A_109] {strides = array<i32>} : memref<640xf32, #tpu.memory_space<vmem>>, vector<16xf32>,
    %swap3A_111 = vector.shape_cast %swap3A_110 : vector<16xf32> to vector<16xf32>
    %swap3A_112 = vector.shape_cast %broadcast_in_dim3A_108 : vector<16xf32> to vector<16xf32>
    tpu.vector_store %arg6[%swap3A_109], %swap3A_112 {strides = array<i32>} : memref<640xf32, #tpu.memory_space<vmem>>, vector<16xf32>,
    %broadcast_in_dim3A_113 = arith.constant 0.000000e+00 : f32
    %broadcast_in_dim3A_114 = vector.broadcast %broadcast_in_dim3A_113 : f32 to vector<16xf32>
    %swap3A_115 = arith.constant 176 : index
    %swap3A_116 = tpu.vector_load %arg6[%swap3A_115] {strides = array<i32>} : memref<640xf32, #tpu.memory_space<vmem>>, vector<16xf32>,
    %swap3A_117 = vector.shape_cast %swap3A_116 : vector<16xf32> to vector<16xf32>
    %swap3A_118 = vector.shape_cast %broadcast_in_dim3A_114 : vector<16xf32> to vector<16xf32>
    tpu.vector_store %arg6[%swap3A_115], %swap3A_118 {strides = array<i32>} : memref<640xf32, #tpu.memory_space<vmem>>, vector<16xf32>,
    %broadcast_in_dim3A_119 = arith.constant 0.000000e+00 : f32
    %broadcast_in_dim3A_120 = vector.broadcast %broadcast_in_dim3A_119 : f32 to vector<16xf32>
    %swap3A_121 = arith.constant 192 : index
    %swap3A_122 = tpu.vector_load %arg6[%swap3A_121] {strides = array<i32>} : memref<640xf32, #tpu.memory_space<vmem>>, vector<16xf32>,
    %swap3A_123 = vector.shape_cast %swap3A_122 : vector<16xf32> to vector<16xf32>
    %swap3A_124 = vector.shape_cast %broadcast_in_dim3A_120 : vector<16xf32> to vector<16xf32>
    tpu.vector_store %arg6[%swap3A_121], %swap3A_124 {strides = array<i32>} : memref<640xf32, #tpu.memory_space<vmem>>, vector<16xf32>,
    %broadcast_in_dim3A_125 = arith.constant 0.000000e+00 : f32
    %broadcast_in_dim3A_126 = vector.broadcast %broadcast_in_dim3A_125 : f32 to vector<16xf32>
    %swap3A_127 = arith.constant 208 : index
    %swap3A_128 = tpu.vector_load %arg6[%swap3A_127] {strides = array<i32>} : memref<640xf32, #tpu.memory_space<vmem>>, vector<16xf32>,
    %swap3A_129 = vector.shape_cast %swap3A_128 : vector<16xf32> to vector<16xf32>
    %swap3A_130 = vector.shape_cast %broadcast_in_dim3A_126 : vector<16xf32> to vector<16xf32>
    tpu.vector_store %arg6[%swap3A_127], %swap3A_130 {strides = array<i32>} : memref<640xf32, #tpu.memory_space<vmem>>, vector<16xf32>,
    %broadcast_in_dim3A_131 = arith.constant 0.000000e+00 : f32
    %broadcast_in_dim3A_132 = vector.broadcast %broadcast_in_dim3A_131 : f32 to vector<16xf32>
    %swap3A_133 = arith.constant 224 : index
    %swap3A_134 = tpu.vector_load %arg6[%swap3A_133] {strides = array<i32>} : memref<640xf32, #tpu.memory_space<vmem>>, vector<16xf32>,
    %swap3A_135 = vector.shape_cast %swap3A_134 : vector<16xf32> to vector<16xf32>
    %swap3A_136 = vector.shape_cast %broadcast_in_dim3A_132 : vector<16xf32> to vector<16xf32>
    tpu.vector_store %arg6[%swap3A_133], %swap3A_136 {strides = array<i32>} : memref<640xf32, #tpu.memory_space<vmem>>, vector<16xf32>,
    %broadcast_in_dim3A_137 = arith.constant 0.000000e+00 : f32
    %broadcast_in_dim3A_138 = vector.broadcast %broadcast_in_dim3A_137 : f32 to vector<16xf32>
    %swap3A_139 = arith.constant 240 : index
    %swap3A_140 = tpu.vector_load %arg6[%swap3A_139] {strides = array<i32>} : memref<640xf32, #tpu.memory_space<vmem>>, vector<16xf32>,
    %swap3A_141 = vector.shape_cast %swap3A_140 : vector<16xf32> to vector<16xf32>
    %swap3A_142 = vector.shape_cast %broadcast_in_dim3A_138 : vector<16xf32> to vector<16xf32>
    tpu.vector_store %arg6[%swap3A_139], %swap3A_142 {strides = array<i32>} : memref<640xf32, #tpu.memory_space<vmem>>, vector<16xf32>,
    %broadcast_in_dim3A_143 = arith.constant 0.000000e+00 : f32
    %broadcast_in_dim3A_144 = vector.broadcast %broadcast_in_dim3A_143 : f32 to vector<16xf32>
    %swap3A_145 = arith.constant 256 : index
    %swap3A_146 = tpu.vector_load %arg6[%swap3A_145] {strides = array<i32>} : memref<640xf32, #tpu.memory_space<vmem>>, vector<16xf32>,
    %swap3A_147 = vector.shape_cast %swap3A_146 : vector<16xf32> to vector<16xf32>
    %swap3A_148 = vector.shape_cast %broadcast_in_dim3A_144 : vector<16xf32> to vector<16xf32>
    tpu.vector_store %arg6[%swap3A_145], %swap3A_148 {strides = array<i32>} : memref<640xf32, #tpu.memory_space<vmem>>, vector<16xf32>,
    %broadcast_in_dim3A_149 = arith.constant 0.000000e+00 : f32
    %broadcast_in_dim3A_150 = vector.broadcast %broadcast_in_dim3A_149 : f32 to vector<16xf32>
    %swap3A_151 = arith.constant 272 : index
    %swap3A_152 = tpu.vector_load %arg6[%swap3A_151] {strides = array<i32>} : memref<640xf32, #tpu.memory_space<vmem>>, vector<16xf32>,
    %swap3A_153 = vector.shape_cast %swap3A_152 : vector<16xf32> to vector<16xf32>
    %swap3A_154 = vector.shape_cast %broadcast_in_dim3A_150 : vector<16xf32> to vector<16xf32>
    tpu.vector_store %arg6[%swap3A_151], %swap3A_154 {strides = array<i32>} : memref<640xf32, #tpu.memory_space<vmem>>, vector<16xf32>,
    %broadcast_in_dim3A_155 = arith.constant 0.000000e+00 : f32
    %broadcast_in_dim3A_156 = vector.broadcast %broadcast_in_dim3A_155 : f32 to vector<16xf32>
    %swap3A_157 = arith.constant 288 : index
    %swap3A_158 = tpu.vector_load %arg6[%swap3A_157] {strides = array<i32>} : memref<640xf32, #tpu.memory_space<vmem>>, vector<16xf32>,
    %swap3A_159 = vector.shape_cast %swap3A_158 : vector<16xf32> to vector<16xf32>
    %swap3A_160 = vector.shape_cast %broadcast_in_dim3A_156 : vector<16xf32> to vector<16xf32>
    tpu.vector_store %arg6[%swap3A_157], %swap3A_160 {strides = array<i32>} : memref<640xf32, #tpu.memory_space<vmem>>, vector<16xf32>,
    %broadcast_in_dim3A_161 = arith.constant 0.000000e+00 : f32
    %broadcast_in_dim3A_162 = vector.broadcast %broadcast_in_dim3A_161 : f32 to vector<16xf32>
    %swap3A_163 = arith.constant 304 : index
    %swap3A_164 = tpu.vector_load %arg6[%swap3A_163] {strides = array<i32>} : memref<640xf32, #tpu.memory_space<vmem>>, vector<16xf32>,
    %swap3A_165 = vector.shape_cast %swap3A_164 : vector<16xf32> to vector<16xf32>
    %swap3A_166 = vector.shape_cast %broadcast_in_dim3A_162 : vector<16xf32> to vector<16xf32>
    tpu.vector_store %arg6[%swap3A_163], %swap3A_166 {strides = array<i32>} : memref<640xf32, #tpu.memory_space<vmem>>, vector<16xf32>,
    %broadcast_in_dim3A_167 = arith.constant 0.000000e+00 : f32
    %broadcast_in_dim3A_168 = vector.broadcast %broadcast_in_dim3A_167 : f32 to vector<16xf32>
    %swap3A_169 = arith.constant 320 : index
    %swap3A_170 = tpu.vector_load %arg6[%swap3A_169] {strides = array<i32>} : memref<640xf32, #tpu.memory_space<vmem>>, vector<16xf32>,
    %swap3A_171 = vector.shape_cast %swap3A_170 : vector<16xf32> to vector<16xf32>
    %swap3A_172 = vector.shape_cast %broadcast_in_dim3A_168 : vector<16xf32> to vector<16xf32>
    tpu.vector_store %arg6[%swap3A_169], %swap3A_172 {strides = array<i32>} : memref<640xf32, #tpu.memory_space<vmem>>, vector<16xf32>,
    %broadcast_in_dim3A_173 = arith.constant 0.000000e+00 : f32
    %broadcast_in_dim3A_174 = vector.broadcast %broadcast_in_dim3A_173 : f32 to vector<16xf32>
    %swap3A_175 = arith.constant 336 : index
    %swap3A_176 = tpu.vector_load %arg6[%swap3A_175] {strides = array<i32>} : memref<640xf32, #tpu.memory_space<vmem>>, vector<16xf32>,
    %swap3A_177 = vector.shape_cast %swap3A_176 : vector<16xf32> to vector<16xf32>
    %swap3A_178 = vector.shape_cast %broadcast_in_dim3A_174 : vector<16xf32> to vector<16xf32>
    tpu.vector_store %arg6[%swap3A_175], %swap3A_178 {strides = array<i32>} : memref<640xf32, #tpu.memory_space<vmem>>, vector<16xf32>,
    %broadcast_in_dim3A_179 = arith.constant 0.000000e+00 : f32
    %broadcast_in_dim3A_180 = vector.broadcast %broadcast_in_dim3A_179 : f32 to vector<16xf32>
    %swap3A_181 = arith.constant 352 : index
    %swap3A_182 = tpu.vector_load %arg6[%swap3A_181] {strides = array<i32>} : memref<640xf32, #tpu.memory_space<vmem>>, vector<16xf32>,
    %swap3A_183 = vector.shape_cast %swap3A_182 : vector<16xf32> to vector<16xf32>
    %swap3A_184 = vector.shape_cast %broadcast_in_dim3A_180 : vector<16xf32> to vector<16xf32>
    tpu.vector_store %arg6[%swap3A_181], %swap3A_184 {strides = array<i32>} : memref<640xf32, #tpu.memory_space<vmem>>, vector<16xf32>,
    %broadcast_in_dim3A_185 = arith.constant 0.000000e+00 : f32
    %broadcast_in_dim3A_186 = vector.broadcast %broadcast_in_dim3A_185 : f32 to vector<16xf32>
    %swap3A_187 = arith.constant 368 : index
    %swap3A_188 = tpu.vector_load %arg6[%swap3A_187] {strides = array<i32>} : memref<640xf32, #tpu.memory_space<vmem>>, vector<16xf32>,
    %swap3A_189 = vector.shape_cast %swap3A_188 : vector<16xf32> to vector<16xf32>
    %swap3A_190 = vector.shape_cast %broadcast_in_dim3A_186 : vector<16xf32> to vector<16xf32>
    tpu.vector_store %arg6[%swap3A_187], %swap3A_190 {strides = array<i32>} : memref<640xf32, #tpu.memory_space<vmem>>, vector<16xf32>,
    %broadcast_in_dim3A_191 = arith.constant 0.000000e+00 : f32
    %broadcast_in_dim3A_192 = vector.broadcast %broadcast_in_dim3A_191 : f32 to vector<16xf32>
    %swap3A_193 = arith.constant 384 : index
    %swap3A_194 = tpu.vector_load %arg6[%swap3A_193] {strides = array<i32>} : memref<640xf32, #tpu.memory_space<vmem>>, vector<16xf32>,
    %swap3A_195 = vector.shape_cast %swap3A_194 : vector<16xf32> to vector<16xf32>
    %swap3A_196 = vector.shape_cast %broadcast_in_dim3A_192 : vector<16xf32> to vector<16xf32>
    tpu.vector_store %arg6[%swap3A_193], %swap3A_196 {strides = array<i32>} : memref<640xf32, #tpu.memory_space<vmem>>, vector<16xf32>,
    %broadcast_in_dim3A_197 = arith.constant 0.000000e+00 : f32
    %broadcast_in_dim3A_198 = vector.broadcast %broadcast_in_dim3A_197 : f32 to vector<16xf32>
    %swap3A_199 = arith.constant 400 : index
    %swap3A_200 = tpu.vector_load %arg6[%swap3A_199] {strides = array<i32>} : memref<640xf32, #tpu.memory_space<vmem>>, vector<16xf32>,
    %swap3A_201 = vector.shape_cast %swap3A_200 : vector<16xf32> to vector<16xf32>
    %swap3A_202 = vector.shape_cast %broadcast_in_dim3A_198 : vector<16xf32> to vector<16xf32>
    tpu.vector_store %arg6[%swap3A_199], %swap3A_202 {strides = array<i32>} : memref<640xf32, #tpu.memory_space<vmem>>, vector<16xf32>,
    %broadcast_in_dim3A_203 = arith.constant 0.000000e+00 : f32
    %broadcast_in_dim3A_204 = vector.broadcast %broadcast_in_dim3A_203 : f32 to vector<16xf32>
    %swap3A_205 = arith.constant 416 : index
    %swap3A_206 = tpu.vector_load %arg6[%swap3A_205] {strides = array<i32>} : memref<640xf32, #tpu.memory_space<vmem>>, vector<16xf32>,
    %swap3A_207 = vector.shape_cast %swap3A_206 : vector<16xf32> to vector<16xf32>
    %swap3A_208 = vector.shape_cast %broadcast_in_dim3A_204 : vector<16xf32> to vector<16xf32>
    tpu.vector_store %arg6[%swap3A_205], %swap3A_208 {strides = array<i32>} : memref<640xf32, #tpu.memory_space<vmem>>, vector<16xf32>,
    %broadcast_in_dim3A_209 = arith.constant 0.000000e+00 : f32
    %broadcast_in_dim3A_210 = vector.broadcast %broadcast_in_dim3A_209 : f32 to vector<16xf32>
    %swap3A_211 = arith.constant 432 : index
    %swap3A_212 = tpu.vector_load %arg6[%swap3A_211] {strides = array<i32>} : memref<640xf32, #tpu.memory_space<vmem>>, vector<16xf32>,
    %swap3A_213 = vector.shape_cast %swap3A_212 : vector<16xf32> to vector<16xf32>
    %swap3A_214 = vector.shape_cast %broadcast_in_dim3A_210 : vector<16xf32> to vector<16xf32>
    tpu.vector_store %arg6[%swap3A_211], %swap3A_214 {strides = array<i32>} : memref<640xf32, #tpu.memory_space<vmem>>, vector<16xf32>,
    %broadcast_in_dim3A_215 = arith.constant 0.000000e+00 : f32
    %broadcast_in_dim3A_216 = vector.broadcast %broadcast_in_dim3A_215 : f32 to vector<16xf32>
    %swap3A_217 = arith.constant 448 : index
    %swap3A_218 = tpu.vector_load %arg6[%swap3A_217] {strides = array<i32>} : memref<640xf32, #tpu.memory_space<vmem>>, vector<16xf32>,
    %swap3A_219 = vector.shape_cast %swap3A_218 : vector<16xf32> to vector<16xf32>
    %swap3A_220 = vector.shape_cast %broadcast_in_dim3A_216 : vector<16xf32> to vector<16xf32>
    tpu.vector_store %arg6[%swap3A_217], %swap3A_220 {strides = array<i32>} : memref<640xf32, #tpu.memory_space<vmem>>, vector<16xf32>,
    %broadcast_in_dim3A_221 = arith.constant 0.000000e+00 : f32
    %broadcast_in_dim3A_222 = vector.broadcast %broadcast_in_dim3A_221 : f32 to vector<16xf32>
    %swap3A_223 = arith.constant 464 : index
    %swap3A_224 = tpu.vector_load %arg6[%swap3A_223] {strides = array<i32>} : memref<640xf32, #tpu.memory_space<vmem>>, vector<16xf32>,
    %swap3A_225 = vector.shape_cast %swap3A_224 : vector<16xf32> to vector<16xf32>
    %swap3A_226 = vector.shape_cast %broadcast_in_dim3A_222 : vector<16xf32> to vector<16xf32>
    tpu.vector_store %arg6[%swap3A_223], %swap3A_226 {strides = array<i32>} : memref<640xf32, #tpu.memory_space<vmem>>, vector<16xf32>,
    %broadcast_in_dim3A_227 = arith.constant 0.000000e+00 : f32
    %broadcast_in_dim3A_228 = vector.broadcast %broadcast_in_dim3A_227 : f32 to vector<16xf32>
    %swap3A_229 = arith.constant 480 : index
    %swap3A_230 = tpu.vector_load %arg6[%swap3A_229] {strides = array<i32>} : memref<640xf32, #tpu.memory_space<vmem>>, vector<16xf32>,
    %swap3A_231 = vector.shape_cast %swap3A_230 : vector<16xf32> to vector<16xf32>
    %swap3A_232 = vector.shape_cast %broadcast_in_dim3A_228 : vector<16xf32> to vector<16xf32>
    tpu.vector_store %arg6[%swap3A_229], %swap3A_232 {strides = array<i32>} : memref<640xf32, #tpu.memory_space<vmem>>, vector<16xf32>,
    %broadcast_in_dim3A_233 = arith.constant 0.000000e+00 : f32
    %broadcast_in_dim3A_234 = vector.broadcast %broadcast_in_dim3A_233 : f32 to vector<16xf32>
    %swap3A_235 = arith.constant 496 : index
    %swap3A_236 = tpu.vector_load %arg6[%swap3A_235] {strides = array<i32>} : memref<640xf32, #tpu.memory_space<vmem>>, vector<16xf32>,
    %swap3A_237 = vector.shape_cast %swap3A_236 : vector<16xf32> to vector<16xf32>
    %swap3A_238 = vector.shape_cast %broadcast_in_dim3A_234 : vector<16xf32> to vector<16xf32>
    tpu.vector_store %arg6[%swap3A_235], %swap3A_238 {strides = array<i32>} : memref<640xf32, #tpu.memory_space<vmem>>, vector<16xf32>,
    %broadcast_in_dim3A_239 = arith.constant 0.000000e+00 : f32
    %broadcast_in_dim3A_240 = vector.broadcast %broadcast_in_dim3A_239 : f32 to vector<16xf32>
    %swap3A_241 = arith.constant 512 : index
    %swap3A_242 = tpu.vector_load %arg6[%swap3A_241] {strides = array<i32>} : memref<640xf32, #tpu.memory_space<vmem>>, vector<16xf32>,
    %swap3A_243 = vector.shape_cast %swap3A_242 : vector<16xf32> to vector<16xf32>
    %swap3A_244 = vector.shape_cast %broadcast_in_dim3A_240 : vector<16xf32> to vector<16xf32>
    tpu.vector_store %arg6[%swap3A_241], %swap3A_244 {strides = array<i32>} : memref<640xf32, #tpu.memory_space<vmem>>, vector<16xf32>,
    %broadcast_in_dim3A_245 = arith.constant 0.000000e+00 : f32
    %broadcast_in_dim3A_246 = vector.broadcast %broadcast_in_dim3A_245 : f32 to vector<16xf32>
    %swap3A_247 = arith.constant 528 : index
    %swap3A_248 = tpu.vector_load %arg6[%swap3A_247] {strides = array<i32>} : memref<640xf32, #tpu.memory_space<vmem>>, vector<16xf32>,
    %swap3A_249 = vector.shape_cast %swap3A_248 : vector<16xf32> to vector<16xf32>
    %swap3A_250 = vector.shape_cast %broadcast_in_dim3A_246 : vector<16xf32> to vector<16xf32>
    tpu.vector_store %arg6[%swap3A_247], %swap3A_250 {strides = array<i32>} : memref<640xf32, #tpu.memory_space<vmem>>, vector<16xf32>,
    %broadcast_in_dim3A_251 = arith.constant 0.000000e+00 : f32
    %broadcast_in_dim3A_252 = vector.broadcast %broadcast_in_dim3A_251 : f32 to vector<16xf32>
    %swap3A_253 = arith.constant 544 : index
    %swap3A_254 = tpu.vector_load %arg6[%swap3A_253] {strides = array<i32>} : memref<640xf32, #tpu.memory_space<vmem>>, vector<16xf32>,
    %swap3A_255 = vector.shape_cast %swap3A_254 : vector<16xf32> to vector<16xf32>
    %swap3A_256 = vector.shape_cast %broadcast_in_dim3A_252 : vector<16xf32> to vector<16xf32>
    tpu.vector_store %arg6[%swap3A_253], %swap3A_256 {strides = array<i32>} : memref<640xf32, #tpu.memory_space<vmem>>, vector<16xf32>,
    %broadcast_in_dim3A_257 = arith.constant 0.000000e+00 : f32
    %broadcast_in_dim3A_258 = vector.broadcast %broadcast_in_dim3A_257 : f32 to vector<16xf32>
    %swap3A_259 = arith.constant 560 : index
    %swap3A_260 = tpu.vector_load %arg6[%swap3A_259] {strides = array<i32>} : memref<640xf32, #tpu.memory_space<vmem>>, vector<16xf32>,
    %swap3A_261 = vector.shape_cast %swap3A_260 : vector<16xf32> to vector<16xf32>
    %swap3A_262 = vector.shape_cast %broadcast_in_dim3A_258 : vector<16xf32> to vector<16xf32>
    tpu.vector_store %arg6[%swap3A_259], %swap3A_262 {strides = array<i32>} : memref<640xf32, #tpu.memory_space<vmem>>, vector<16xf32>,
    %broadcast_in_dim3A_263 = arith.constant 0.000000e+00 : f32
    %broadcast_in_dim3A_264 = vector.broadcast %broadcast_in_dim3A_263 : f32 to vector<16xf32>
    %swap3A_265 = arith.constant 576 : index
    %swap3A_266 = tpu.vector_load %arg6[%swap3A_265] {strides = array<i32>} : memref<640xf32, #tpu.memory_space<vmem>>, vector<16xf32>,
    %swap3A_267 = vector.shape_cast %swap3A_266 : vector<16xf32> to vector<16xf32>
    %swap3A_268 = vector.shape_cast %broadcast_in_dim3A_264 : vector<16xf32> to vector<16xf32>
    tpu.vector_store %arg6[%swap3A_265], %swap3A_268 {strides = array<i32>} : memref<640xf32, #tpu.memory_space<vmem>>, vector<16xf32>,
    %broadcast_in_dim3A_269 = arith.constant 0.000000e+00 : f32
    %broadcast_in_dim3A_270 = vector.broadcast %broadcast_in_dim3A_269 : f32 to vector<16xf32>
    %swap3A_271 = arith.constant 592 : index
    %swap3A_272 = tpu.vector_load %arg6[%swap3A_271] {strides = array<i32>} : memref<640xf32, #tpu.memory_space<vmem>>, vector<16xf32>,
    %swap3A_273 = vector.shape_cast %swap3A_272 : vector<16xf32> to vector<16xf32>
    %swap3A_274 = vector.shape_cast %broadcast_in_dim3A_270 : vector<16xf32> to vector<16xf32>
    tpu.vector_store %arg6[%swap3A_271], %swap3A_274 {strides = array<i32>} : memref<640xf32, #tpu.memory_space<vmem>>, vector<16xf32>,
    %broadcast_in_dim3A_275 = arith.constant 0.000000e+00 : f32
    %broadcast_in_dim3A_276 = vector.broadcast %broadcast_in_dim3A_275 : f32 to vector<16xf32>
    %swap3A_277 = arith.constant 608 : index
    %swap3A_278 = tpu.vector_load %arg6[%swap3A_277] {strides = array<i32>} : memref<640xf32, #tpu.memory_space<vmem>>, vector<16xf32>,
    %swap3A_279 = vector.shape_cast %swap3A_278 : vector<16xf32> to vector<16xf32>
    %swap3A_280 = vector.shape_cast %broadcast_in_dim3A_276 : vector<16xf32> to vector<16xf32>
    tpu.vector_store %arg6[%swap3A_277], %swap3A_280 {strides = array<i32>} : memref<640xf32, #tpu.memory_space<vmem>>, vector<16xf32>,
    %broadcast_in_dim3A_281 = arith.constant 0.000000e+00 : f32
    %broadcast_in_dim3A_282 = vector.broadcast %broadcast_in_dim3A_281 : f32 to vector<16xf32>
    %swap3A_283 = arith.constant 624 : index
    %swap3A_284 = tpu.vector_load %arg6[%swap3A_283] {strides = array<i32>} : memref<640xf32, #tpu.memory_space<vmem>>, vector<16xf32>,
    %swap3A_285 = vector.shape_cast %swap3A_284 : vector<16xf32> to vector<16xf32>
    %swap3A_286 = vector.shape_cast %broadcast_in_dim3A_282 : vector<16xf32> to vector<16xf32>
    tpu.vector_store %arg6[%swap3A_283], %swap3A_286 {strides = array<i32>} : memref<640xf32, #tpu.memory_space<vmem>>, vector<16xf32>,
    %mul3A_287 = arith.constant 640 : i32
    %mul3A_288 = arith.muli %arg1, %mul3A_287 : i32
    "tpu.region"() ({
      %run_scoped3A_298 = tpu.sem_alloc : memref<!tpu.dma_semaphore, #tpu.memory_space<semaphore_mem>>
      %dma_start3A = tpu.memref_slice %arg7[%mul3A_288] : memref<10240xf32, #tpu.memory_space<vmem_shared>> -> memref<640xf32, #tpu.memory_space<vmem_shared>>
      %dma_start3A_299 = tpu.memref_slice %arg7[%mul3A_288] : memref<10240xf32, #tpu.memory_space<vmem_shared>> -> memref<640xf32, #tpu.memory_space<vmem_shared>>
      tpu.enqueue_dma source(%arg6 : memref<640xf32, #tpu.memory_space<vmem>>) target(%dma_start3A_299 : memref<640xf32, #tpu.memory_space<vmem_shared>>) target_semaphore(%run_scoped3A_298 : memref<!tpu.dma_semaphore, #tpu.memory_space<semaphore_mem>>)
      %dma_wait3A = tpu.memref_slice %arg7[%mul3A_288] : memref<10240xf32, #tpu.memory_space<vmem_shared>> -> memref<640xf32, #tpu.memory_space<vmem_shared>>
      %dma_wait3A_300 = tpu.memref_slice %arg7[%mul3A_288] : memref<10240xf32, #tpu.memory_space<vmem_shared>> -> memref<640xf32, #tpu.memory_space<vmem_shared>>
      tpu.wait_dma2 semaphore(%run_scoped3A_298 : memref<!tpu.dma_semaphore, #tpu.memory_space<semaphore_mem>>) src(%arg6 : memref<640xf32, #tpu.memory_space<vmem>>) dst(%dma_wait3A_300 : memref<640xf32, #tpu.memory_space<vmem_shared>>)
      tpu.yield
    }) : () -> ()
    %barrier3A = arith.constant 0 : index
    tpu.barrier barrier_id(%barrier3A)
    %scan3A = arith.constant 0 : i32
    %scan3A_289 = arith.constant 81 : i32
    %scan3A_290 = arith.addi %scan3A, %scan3A_289 : i32
    %scan3A_291 = arith.constant 1 : i32
    scf.for %scan3A_298 = %scan3A to %scan3A_290 step %scan3A_291  : i32 {
      %mul3A_299 = arith.constant 1 : i32
      %mul3A_300 = arith.muli %scan3A_298, %mul3A_299 : i32
      %add3A_301 = arith.constant 0 : i32
      %add3A_302 = arith.addi %add3A_301, %mul3A_300 : i32
      "tpu.region"() ({
        %run_scoped3A_303 = tpu.sem_alloc : memref<!tpu.dma_semaphore, #tpu.memory_space<semaphore_mem>>
        %dma_start3A = arith.constant 0 : i32
        %dma_start3A_304 = tpu.memref_slice %arg4[%add3A_302, %dma_start3A] : memref<81x128xi32, #tpu.memory_space<vmem>> -> memref<1x128xi32, #tpu.memory_space<vmem>>
        %dma_start3A_305 = tpu.memref_squeeze %dma_start3A_304 : memref<1x128xi32, #tpu.memory_space<vmem>> -> memref<128xi32, #tpu.memory_space<vmem>>
        %dma_start3A_306 = arith.constant 0 : i32
        %dma_start3A_307 = tpu.memref_slice %arg7[%dma_start3A_306] : memref<10240xf32, #tpu.memory_space<vmem_shared>> -> memref<10240xf32, #tpu.memory_space<vmem_shared>>
        tpu.enqueue_indirect_dma source(%arg5 : memref<128xf32, #tpu.memory_space<vmem>>) target(%dma_start3A_307 : memref<10240xf32, #tpu.memory_space<vmem_shared>>) offsets(%dma_start3A_305 : memref<128xi32, #tpu.memory_space<vmem>>) semaphore(%run_scoped3A_303 : memref<!tpu.dma_semaphore, #tpu.memory_space<semaphore_mem>>) {add = true}
        %dma_wait3A = arith.constant 0 : i32
        %dma_wait3A_308 = tpu.memref_slice %arg4[%add3A_302, %dma_wait3A] : memref<81x128xi32, #tpu.memory_space<vmem>> -> memref<1x128xi32, #tpu.memory_space<vmem>>
        %dma_wait3A_309 = tpu.memref_squeeze %dma_wait3A_308 : memref<1x128xi32, #tpu.memory_space<vmem>> -> memref<128xi32, #tpu.memory_space<vmem>>
        %dma_wait3A_310 = arith.constant 0 : i32
        %dma_wait3A_311 = tpu.memref_slice %arg7[%dma_wait3A_310] : memref<10240xf32, #tpu.memory_space<vmem_shared>> -> memref<10240xf32, #tpu.memory_space<vmem_shared>>
        tpu.wait_indirect_dma semaphore(%run_scoped3A_303 : memref<!tpu.dma_semaphore, #tpu.memory_space<semaphore_mem>>) src(%arg5 : memref<128xf32, #tpu.memory_space<vmem>>) dst(%dma_wait3A_311 : memref<10240xf32, #tpu.memory_space<vmem_shared>>)
        tpu.yield
      }) : () -> ()
    }
    %scan3A_292 = arith.constant 81 : i32
    %barrier3A_293 = arith.constant 0 : index
    tpu.barrier barrier_id(%barrier3A_293)
    %mul3A_294 = arith.constant 640 : i32
    %mul3A_295 = arith.muli %arg1, %mul3A_294 : i32
    %mul3A_296 = arith.constant 640 : i32
    %mul3A_297 = arith.muli %arg1, %mul3A_296 : i32
    %run_scoped3A = arith.constant 0 : i32
    "tpu.region"() ({
      %run_scoped3A_298 = tpu.sem_alloc : memref<!tpu.dma_semaphore, #tpu.memory_space<semaphore_mem>>
      %dma_start3A = tpu.memref_slice %arg3[%arg0, %run_scoped3A, %mul3A_297] : memref<2x1x10240xf32, #tpu.memory_space<hbm>> -> memref<1x1x640xf32, #tpu.memory_space<hbm>>
      %dma_start3A_299 = tpu.memref_squeeze %dma_start3A : memref<1x1x640xf32, #tpu.memory_space<hbm>> -> memref<640xf32, #tpu.memory_space<hbm>>
      %dma_start3A_300 = tpu.memref_slice %arg7[%mul3A_295] : memref<10240xf32, #tpu.memory_space<vmem_shared>> -> memref<640xf32, #tpu.memory_space<vmem_shared>>
      tpu.enqueue_dma source(%dma_start3A_300 : memref<640xf32, #tpu.memory_space<vmem_shared>>) target(%dma_start3A_299 : memref<640xf32, #tpu.memory_space<hbm>>) target_semaphore(%run_scoped3A_298 : memref<!tpu.dma_semaphore, #tpu.memory_space<semaphore_mem>>)
      %dma_wait3A = tpu.memref_slice %arg3[%arg0, %run_scoped3A, %mul3A_297] : memref<2x1x10240xf32, #tpu.memory_space<hbm>> -> memref<1x1x640xf32, #tpu.memory_space<hbm>>
      %dma_wait3A_301 = tpu.memref_squeeze %dma_wait3A : memref<1x1x640xf32, #tpu.memory_space<hbm>> -> memref<640xf32, #tpu.memory_space<hbm>>
      %dma_wait3A_302 = tpu.memref_slice %arg7[%mul3A_295] : memref<10240xf32, #tpu.memory_space<vmem_shared>> -> memref<640xf32, #tpu.memory_space<vmem_shared>>
      tpu.wait_dma2 semaphore(%run_scoped3A_298 : memref<!tpu.dma_semaphore, #tpu.memory_space<semaphore_mem>>) src(%dma_wait3A_302 : memref<640xf32, #tpu.memory_space<vmem_shared>>) dst(%dma_wait3A_301 : memref<640xf32, #tpu.memory_space<hbm>>)
      tpu.yield
    }) : () -> ()
    return
  }
}

#map = affine_map<(d0, d1) -> (0, 0)>
#map1 = affine_map<(d0, d1) -> (0, 0, 0, 0)>
#map2 = affine_map<(d0, d1) -> (0, 0, 0)>
module attributes {stable_mosaic.version = 14 : i64} {
  func.func @_edge_body(%arg0: i32, %arg1: i32, %arg2: memref<10000x128xf32, #tpu.memory_space<hbm>>, %arg3: memref<32x81x1x128xi32, #tpu.memory_space<hbm>>, %arg4: memref<32x81x1x128xi32, #tpu.memory_space<hbm>>, %arg5: memref<640x128xf32, #tpu.memory_space<hbm>>, %arg6: memref<2x10000x128xf32, #tpu.memory_space<hbm>>, %arg7: memref<1x128xi32, #tpu.memory_space<vmem>>, %arg8: memref<1x128xi32, #tpu.memory_space<vmem>>, %arg9: memref<1x128xi32, #tpu.memory_space<vmem>>, %arg10: memref<1x128xi32, #tpu.memory_space<vmem>>, %arg11: memref<1x128xi32, #tpu.memory_space<vmem>>, %arg12: memref<1x128xi32, #tpu.memory_space<vmem>>, %arg13: memref<128x128xf32, #tpu.memory_space<vmem>>, %arg14: memref<128x128xf32, #tpu.memory_space<vmem>>, %arg15: memref<128x128xf32, #tpu.memory_space<vmem>>, %arg16: memref<10104x128xf32, #tpu.memory_space<vmem_shared>>, %arg17: memref<!tpu.dma_semaphore, #tpu.memory_space<semaphore_mem>>, %arg18: memref<!tpu.dma_semaphore, #tpu.memory_space<semaphore_mem>>, %arg19: memref<!tpu.dma_semaphore, #tpu.memory_space<semaphore_mem>>, %arg20: memref<!tpu.dma_semaphore, #tpu.memory_space<semaphore_mem>>, %arg21: memref<!tpu.dma_semaphore, #tpu.memory_space<semaphore_mem>>, %arg22: memref<!tpu.dma_semaphore, #tpu.memory_space<semaphore_mem>>, %arg23: memref<!tpu.dma_semaphore, #tpu.memory_space<semaphore_mem>>, %arg24: memref<!tpu.dma_semaphore, #tpu.memory_space<semaphore_mem>>, %arg25: memref<!tpu.dma_semaphore, #tpu.memory_space<semaphore_mem>>) attributes {dimension_semantics = [#tpu.dimension_semantics<core_parallel>, #tpu.dimension_semantics<subcore_parallel>], iteration_bounds = array<i64: 2, 16>, scalar_prefetch = 0 : i64, scratch_operands = 19 : i64, tpu.core_type = #tpu.core_type<sc_vector_subcore>, window_params = [{transform_indices = #map}, {transform_indices = #map1}, {transform_indices = #map1}, {transform_indices = #map}, {transform_indices = #map2}]} {
    %mul3A = arith.constant 16 : i32
    %mul3A_0 = arith.muli %arg0, %mul3A : i32
    %add3A = arith.addi %mul3A_0, %arg1 : i32
    %mul3A_1 = arith.constant 624 : i32
    %mul3A_2 = arith.muli %arg1, %mul3A_1 : i32
    %eq3A = arith.constant 15 : i32
    %eq3A_3 = arith.cmpi eq, %arg1, %eq3A : i32
    %eq3A_4 = arith.constant 0 : i32
    %eq3A_5 = arith.cmpi eq, %arg0, %eq3A_4 : i32
    %not3A = arith.constant true
    %not3A_6 = arith.xori %eq3A_3, %not3A : i1
    %and3A = arith.andi %eq3A_5, %not3A_6 : i1
    %convert_element_type3A = arith.extui %and3A : i1 to i32
    %cond3A = arith.constant 0 : i32
    %cond3A_7 = arith.cmpi ne, %convert_element_type3A, %cond3A : i32
    scf.if %cond3A_7 {
      "tpu.region"() ({
        %run_scoped3A = tpu.sem_alloc : memref<!tpu.dma_semaphore, #tpu.memory_space<semaphore_mem>>
        %dma_start3A_143 = arith.constant 0 : i32
        %dma_start3A_144 = tpu.memref_slice %arg16[%mul3A_2, %dma_start3A_143] : memref<10104x128xf32, #tpu.memory_space<vmem_shared>> -> memref<624x128xf32, #tpu.memory_space<vmem_shared>>
        %dma_start3A_145 = arith.constant 0 : i32
        %dma_start3A_146 = tpu.memref_slice %arg2[%mul3A_2, %dma_start3A_145] : memref<10000x128xf32, #tpu.memory_space<hbm>> -> memref<624x128xf32, #tpu.memory_space<hbm>>
        tpu.enqueue_dma source(%dma_start3A_146 : memref<624x128xf32, #tpu.memory_space<hbm>>) target(%dma_start3A_144 : memref<624x128xf32, #tpu.memory_space<vmem_shared>>) target_semaphore(%run_scoped3A : memref<!tpu.dma_semaphore, #tpu.memory_space<semaphore_mem>>)
        %dma_wait3A_147 = arith.constant 0 : i32
        %dma_wait3A_148 = tpu.memref_slice %arg16[%mul3A_2, %dma_wait3A_147] : memref<10104x128xf32, #tpu.memory_space<vmem_shared>> -> memref<624x128xf32, #tpu.memory_space<vmem_shared>>
        %dma_wait3A_149 = arith.constant 0 : i32
        %dma_wait3A_150 = tpu.memref_slice %arg2[%mul3A_2, %dma_wait3A_149] : memref<10000x128xf32, #tpu.memory_space<hbm>> -> memref<624x128xf32, #tpu.memory_space<hbm>>
        tpu.wait_dma2 semaphore(%run_scoped3A : memref<!tpu.dma_semaphore, #tpu.memory_space<semaphore_mem>>) src(%dma_wait3A_150 : memref<624x128xf32, #tpu.memory_space<hbm>>) dst(%dma_wait3A_148 : memref<624x128xf32, #tpu.memory_space<vmem_shared>>)
        tpu.yield
      }) : () -> ()
    } else {
    }
    %eq3A_8 = arith.constant 0 : i32
    %eq3A_9 = arith.cmpi eq, %arg0, %eq3A_8 : i32
    %and3A_10 = arith.andi %eq3A_9, %eq3A_3 : i1
    %convert_element_type3A_11 = arith.extui %and3A_10 : i1 to i32
    %cond3A_12 = arith.constant 0 : i32
    %cond3A_13 = arith.cmpi ne, %convert_element_type3A_11, %cond3A_12 : i32
    scf.if %cond3A_13 {
      "tpu.region"() ({
        %run_scoped3A = tpu.sem_alloc : memref<!tpu.dma_semaphore, #tpu.memory_space<semaphore_mem>>
        %dma_start3A_143 = arith.constant 9360 : i32
        %dma_start3A_144 = arith.constant 0 : i32
        %dma_start3A_145 = tpu.memref_slice %arg16[%dma_start3A_143, %dma_start3A_144] : memref<10104x128xf32, #tpu.memory_space<vmem_shared>> -> memref<640x128xf32, #tpu.memory_space<vmem_shared>>
        %dma_start3A_146 = arith.constant 9360 : i32
        %dma_start3A_147 = arith.constant 0 : i32
        %dma_start3A_148 = tpu.memref_slice %arg2[%dma_start3A_146, %dma_start3A_147] : memref<10000x128xf32, #tpu.memory_space<hbm>> -> memref<640x128xf32, #tpu.memory_space<hbm>>
        tpu.enqueue_dma source(%dma_start3A_148 : memref<640x128xf32, #tpu.memory_space<hbm>>) target(%dma_start3A_145 : memref<640x128xf32, #tpu.memory_space<vmem_shared>>) target_semaphore(%run_scoped3A : memref<!tpu.dma_semaphore, #tpu.memory_space<semaphore_mem>>)
        %dma_wait3A_149 = arith.constant 9360 : i32
        %dma_wait3A_150 = arith.constant 0 : i32
        %dma_wait3A_151 = tpu.memref_slice %arg16[%dma_wait3A_149, %dma_wait3A_150] : memref<10104x128xf32, #tpu.memory_space<vmem_shared>> -> memref<640x128xf32, #tpu.memory_space<vmem_shared>>
        %dma_wait3A_152 = arith.constant 9360 : i32
        %dma_wait3A_153 = arith.constant 0 : i32
        %dma_wait3A_154 = tpu.memref_slice %arg2[%dma_wait3A_152, %dma_wait3A_153] : memref<10000x128xf32, #tpu.memory_space<hbm>> -> memref<640x128xf32, #tpu.memory_space<hbm>>
        tpu.wait_dma2 semaphore(%run_scoped3A : memref<!tpu.dma_semaphore, #tpu.memory_space<semaphore_mem>>) src(%dma_wait3A_154 : memref<640x128xf32, #tpu.memory_space<hbm>>) dst(%dma_wait3A_151 : memref<640x128xf32, #tpu.memory_space<vmem_shared>>)
        tpu.yield
      }) : () -> ()
    } else {
    }
    %ne3A = arith.constant 0 : i32
    %ne3A_14 = arith.cmpi ne, %arg0, %ne3A : i32
    %not3A_15 = arith.constant true
    %not3A_16 = arith.xori %eq3A_3, %not3A_15 : i1
    %and3A_17 = arith.andi %ne3A_14, %not3A_16 : i1
    %convert_element_type3A_18 = arith.extui %and3A_17 : i1 to i32
    %cond3A_19 = arith.constant 0 : i32
    %cond3A_20 = arith.cmpi ne, %convert_element_type3A_18, %cond3A_19 : i32
    scf.if %cond3A_20 {
      "tpu.region"() ({
        %run_scoped3A = tpu.sem_alloc : memref<!tpu.dma_semaphore, #tpu.memory_space<semaphore_mem>>
        %dma_start3A_143 = arith.constant 0 : i32
        %dma_start3A_144 = tpu.memref_slice %arg16[%mul3A_2, %dma_start3A_143] : memref<10104x128xf32, #tpu.memory_space<vmem_shared>> -> memref<624x128xf32, #tpu.memory_space<vmem_shared>>
        %dma_start3A_145 = arith.constant 0 : i32
        %dma_start3A_146 = arith.constant 0 : i32
        %dma_start3A_147 = tpu.memref_slice %arg5[%dma_start3A_145, %dma_start3A_146] : memref<640x128xf32, #tpu.memory_space<hbm>> -> memref<624x128xf32, #tpu.memory_space<hbm>>
        tpu.enqueue_dma source(%dma_start3A_147 : memref<624x128xf32, #tpu.memory_space<hbm>>) target(%dma_start3A_144 : memref<624x128xf32, #tpu.memory_space<vmem_shared>>) target_semaphore(%run_scoped3A : memref<!tpu.dma_semaphore, #tpu.memory_space<semaphore_mem>>)
        %dma_wait3A_148 = arith.constant 0 : i32
        %dma_wait3A_149 = tpu.memref_slice %arg16[%mul3A_2, %dma_wait3A_148] : memref<10104x128xf32, #tpu.memory_space<vmem_shared>> -> memref<624x128xf32, #tpu.memory_space<vmem_shared>>
        %dma_wait3A_150 = arith.constant 0 : i32
        %dma_wait3A_151 = arith.constant 0 : i32
        %dma_wait3A_152 = tpu.memref_slice %arg5[%dma_wait3A_150, %dma_wait3A_151] : memref<640x128xf32, #tpu.memory_space<hbm>> -> memref<624x128xf32, #tpu.memory_space<hbm>>
        tpu.wait_dma2 semaphore(%run_scoped3A : memref<!tpu.dma_semaphore, #tpu.memory_space<semaphore_mem>>) src(%dma_wait3A_152 : memref<624x128xf32, #tpu.memory_space<hbm>>) dst(%dma_wait3A_149 : memref<624x128xf32, #tpu.memory_space<vmem_shared>>)
        tpu.yield
      }) : () -> ()
    } else {
    }
    %ne3A_21 = arith.constant 0 : i32
    %ne3A_22 = arith.cmpi ne, %arg0, %ne3A_21 : i32
    %and3A_23 = arith.andi %ne3A_22, %eq3A_3 : i1
    %convert_element_type3A_24 = arith.extui %and3A_23 : i1 to i32
    %cond3A_25 = arith.constant 0 : i32
    %cond3A_26 = arith.cmpi ne, %convert_element_type3A_24, %cond3A_25 : i32
    scf.if %cond3A_26 {
      "tpu.region"() ({
        %run_scoped3A = tpu.sem_alloc : memref<!tpu.dma_semaphore, #tpu.memory_space<semaphore_mem>>
        %dma_start3A_143 = arith.constant 9360 : i32
        %dma_start3A_144 = arith.constant 0 : i32
        %dma_start3A_145 = tpu.memref_slice %arg16[%dma_start3A_143, %dma_start3A_144] : memref<10104x128xf32, #tpu.memory_space<vmem_shared>> -> memref<640x128xf32, #tpu.memory_space<vmem_shared>>
        tpu.enqueue_dma source(%arg5 : memref<640x128xf32, #tpu.memory_space<hbm>>) target(%dma_start3A_145 : memref<640x128xf32, #tpu.memory_space<vmem_shared>>) target_semaphore(%run_scoped3A : memref<!tpu.dma_semaphore, #tpu.memory_space<semaphore_mem>>)
        %dma_wait3A_146 = arith.constant 9360 : i32
        %dma_wait3A_147 = arith.constant 0 : i32
        %dma_wait3A_148 = tpu.memref_slice %arg16[%dma_wait3A_146, %dma_wait3A_147] : memref<10104x128xf32, #tpu.memory_space<vmem_shared>> -> memref<640x128xf32, #tpu.memory_space<vmem_shared>>
        tpu.wait_dma2 semaphore(%run_scoped3A : memref<!tpu.dma_semaphore, #tpu.memory_space<semaphore_mem>>) src(%arg5 : memref<640x128xf32, #tpu.memory_space<hbm>>) dst(%dma_wait3A_148 : memref<640x128xf32, #tpu.memory_space<vmem_shared>>)
        tpu.yield
      }) : () -> ()
    } else {
    }
    %barrier3A = arith.constant 0 : index
    tpu.barrier barrier_id(%barrier3A)
    %dma_start3A = arith.constant 0 : i32
    %dma_start3A_27 = arith.constant 0 : i32
    %dma_start3A_28 = arith.constant 0 : i32
    %dma_start3A_29 = tpu.memref_slice %arg3[%add3A, %dma_start3A, %dma_start3A_27, %dma_start3A_28] : memref<32x81x1x128xi32, #tpu.memory_space<hbm>> -> memref<1x1x1x128xi32, #tpu.memory_space<hbm>>
    %dma_start3A_30 = tpu.memref_squeeze %dma_start3A_29 : memref<1x1x1x128xi32, #tpu.memory_space<hbm>> -> memref<1x128xi32, #tpu.memory_space<hbm>>
    %dma_start3A_31 = arith.constant 0 : i32
    %dma_start3A_32 = arith.constant 0 : i32
    %dma_start3A_33 = tpu.memref_slice %arg3[%add3A, %dma_start3A, %dma_start3A_31, %dma_start3A_32] : memref<32x81x1x128xi32, #tpu.memory_space<hbm>> -> memref<1x1x1x128xi32, #tpu.memory_space<hbm>>
    %dma_start3A_34 = tpu.memref_squeeze %dma_start3A_33 : memref<1x1x1x128xi32, #tpu.memory_space<hbm>> -> memref<1x128xi32, #tpu.memory_space<hbm>>
    tpu.enqueue_dma source(%dma_start3A_34 : memref<1x128xi32, #tpu.memory_space<hbm>>) target(%arg7 : memref<1x128xi32, #tpu.memory_space<vmem>>) target_semaphore(%arg20 : memref<!tpu.dma_semaphore, #tpu.memory_space<semaphore_mem>>)
    %dma_start3A_35 = arith.constant 0 : i32
    %dma_start3A_36 = arith.constant 0 : i32
    %dma_start3A_37 = arith.constant 0 : i32
    %dma_start3A_38 = tpu.memref_slice %arg4[%add3A, %dma_start3A_35, %dma_start3A_36, %dma_start3A_37] : memref<32x81x1x128xi32, #tpu.memory_space<hbm>> -> memref<1x1x1x128xi32, #tpu.memory_space<hbm>>
    %dma_start3A_39 = tpu.memref_squeeze %dma_start3A_38 : memref<1x1x1x128xi32, #tpu.memory_space<hbm>> -> memref<1x128xi32, #tpu.memory_space<hbm>>
    %dma_start3A_40 = arith.constant 0 : i32
    %dma_start3A_41 = arith.constant 0 : i32
    %dma_start3A_42 = tpu.memref_slice %arg4[%add3A, %dma_start3A_35, %dma_start3A_40, %dma_start3A_41] : memref<32x81x1x128xi32, #tpu.memory_space<hbm>> -> memref<1x1x1x128xi32, #tpu.memory_space<hbm>>
    %dma_start3A_43 = tpu.memref_squeeze %dma_start3A_42 : memref<1x1x1x128xi32, #tpu.memory_space<hbm>> -> memref<1x128xi32, #tpu.memory_space<hbm>>
    tpu.enqueue_dma source(%dma_start3A_43 : memref<1x128xi32, #tpu.memory_space<hbm>>) target(%arg10 : memref<1x128xi32, #tpu.memory_space<vmem>>) target_semaphore(%arg23 : memref<!tpu.dma_semaphore, #tpu.memory_space<semaphore_mem>>)
    %dma_start3A_44 = arith.constant 1 : i32
    %dma_start3A_45 = arith.constant 0 : i32
    %dma_start3A_46 = arith.constant 0 : i32
    %dma_start3A_47 = tpu.memref_slice %arg3[%add3A, %dma_start3A_44, %dma_start3A_45, %dma_start3A_46] : memref<32x81x1x128xi32, #tpu.memory_space<hbm>> -> memref<1x1x1x128xi32, #tpu.memory_space<hbm>>
    %dma_start3A_48 = tpu.memref_squeeze %dma_start3A_47 : memref<1x1x1x128xi32, #tpu.memory_space<hbm>> -> memref<1x128xi32, #tpu.memory_space<hbm>>
    %dma_start3A_49 = arith.constant 0 : i32
    %dma_start3A_50 = arith.constant 0 : i32
    %dma_start3A_51 = tpu.memref_slice %arg3[%add3A, %dma_start3A_44, %dma_start3A_49, %dma_start3A_50] : memref<32x81x1x128xi32, #tpu.memory_space<hbm>> -> memref<1x1x1x128xi32, #tpu.memory_space<hbm>>
    %dma_start3A_52 = tpu.memref_squeeze %dma_start3A_51 : memref<1x1x1x128xi32, #tpu.memory_space<hbm>> -> memref<1x128xi32, #tpu.memory_space<hbm>>
    tpu.enqueue_dma source(%dma_start3A_52 : memref<1x128xi32, #tpu.memory_space<hbm>>) target(%arg8 : memref<1x128xi32, #tpu.memory_space<vmem>>) target_semaphore(%arg21 : memref<!tpu.dma_semaphore, #tpu.memory_space<semaphore_mem>>)
    %dma_start3A_53 = arith.constant 1 : i32
    %dma_start3A_54 = arith.constant 0 : i32
    %dma_start3A_55 = arith.constant 0 : i32
    %dma_start3A_56 = tpu.memref_slice %arg4[%add3A, %dma_start3A_53, %dma_start3A_54, %dma_start3A_55] : memref<32x81x1x128xi32, #tpu.memory_space<hbm>> -> memref<1x1x1x128xi32, #tpu.memory_space<hbm>>
    %dma_start3A_57 = tpu.memref_squeeze %dma_start3A_56 : memref<1x1x1x128xi32, #tpu.memory_space<hbm>> -> memref<1x128xi32, #tpu.memory_space<hbm>>
    %dma_start3A_58 = arith.constant 0 : i32
    %dma_start3A_59 = arith.constant 0 : i32
    %dma_start3A_60 = tpu.memref_slice %arg4[%add3A, %dma_start3A_53, %dma_start3A_58, %dma_start3A_59] : memref<32x81x1x128xi32, #tpu.memory_space<hbm>> -> memref<1x1x1x128xi32, #tpu.memory_space<hbm>>
    %dma_start3A_61 = tpu.memref_squeeze %dma_start3A_60 : memref<1x1x1x128xi32, #tpu.memory_space<hbm>> -> memref<1x128xi32, #tpu.memory_space<hbm>>
    tpu.enqueue_dma source(%dma_start3A_61 : memref<1x128xi32, #tpu.memory_space<hbm>>) target(%arg11 : memref<1x128xi32, #tpu.memory_space<vmem>>) target_semaphore(%arg24 : memref<!tpu.dma_semaphore, #tpu.memory_space<semaphore_mem>>)
    %dma_start3A_62 = arith.constant 2 : i32
    %dma_start3A_63 = arith.constant 0 : i32
    %dma_start3A_64 = arith.constant 0 : i32
    %dma_start3A_65 = tpu.memref_slice %arg3[%add3A, %dma_start3A_62, %dma_start3A_63, %dma_start3A_64] : memref<32x81x1x128xi32, #tpu.memory_space<hbm>> -> memref<1x1x1x128xi32, #tpu.memory_space<hbm>>
    %dma_start3A_66 = tpu.memref_squeeze %dma_start3A_65 : memref<1x1x1x128xi32, #tpu.memory_space<hbm>> -> memref<1x128xi32, #tpu.memory_space<hbm>>
    %dma_start3A_67 = arith.constant 0 : i32
    %dma_start3A_68 = arith.constant 0 : i32
    %dma_start3A_69 = tpu.memref_slice %arg3[%add3A, %dma_start3A_62, %dma_start3A_67, %dma_start3A_68] : memref<32x81x1x128xi32, #tpu.memory_space<hbm>> -> memref<1x1x1x128xi32, #tpu.memory_space<hbm>>
    %dma_start3A_70 = tpu.memref_squeeze %dma_start3A_69 : memref<1x1x1x128xi32, #tpu.memory_space<hbm>> -> memref<1x128xi32, #tpu.memory_space<hbm>>
    tpu.enqueue_dma source(%dma_start3A_70 : memref<1x128xi32, #tpu.memory_space<hbm>>) target(%arg9 : memref<1x128xi32, #tpu.memory_space<vmem>>) target_semaphore(%arg22 : memref<!tpu.dma_semaphore, #tpu.memory_space<semaphore_mem>>)
    %dma_start3A_71 = arith.constant 2 : i32
    %dma_start3A_72 = arith.constant 0 : i32
    %dma_start3A_73 = arith.constant 0 : i32
    %dma_start3A_74 = tpu.memref_slice %arg4[%add3A, %dma_start3A_71, %dma_start3A_72, %dma_start3A_73] : memref<32x81x1x128xi32, #tpu.memory_space<hbm>> -> memref<1x1x1x128xi32, #tpu.memory_space<hbm>>
    %dma_start3A_75 = tpu.memref_squeeze %dma_start3A_74 : memref<1x1x1x128xi32, #tpu.memory_space<hbm>> -> memref<1x128xi32, #tpu.memory_space<hbm>>
    %dma_start3A_76 = arith.constant 0 : i32
    %dma_start3A_77 = arith.constant 0 : i32
    %dma_start3A_78 = tpu.memref_slice %arg4[%add3A, %dma_start3A_71, %dma_start3A_76, %dma_start3A_77] : memref<32x81x1x128xi32, #tpu.memory_space<hbm>> -> memref<1x1x1x128xi32, #tpu.memory_space<hbm>>
    %dma_start3A_79 = tpu.memref_squeeze %dma_start3A_78 : memref<1x1x1x128xi32, #tpu.memory_space<hbm>> -> memref<1x128xi32, #tpu.memory_space<hbm>>
    tpu.enqueue_dma source(%dma_start3A_79 : memref<1x128xi32, #tpu.memory_space<hbm>>) target(%arg12 : memref<1x128xi32, #tpu.memory_space<vmem>>) target_semaphore(%arg25 : memref<!tpu.dma_semaphore, #tpu.memory_space<semaphore_mem>>)
    %dma_wait3A = arith.constant 0 : i32
    %dma_wait3A_80 = arith.constant 0 : i32
    %dma_wait3A_81 = arith.constant 0 : i32
    %dma_wait3A_82 = arith.constant 0 : i32
    %dma_wait3A_83 = tpu.memref_slice %arg3[%dma_wait3A, %dma_wait3A_80, %dma_wait3A_81, %dma_wait3A_82] : memref<32x81x1x128xi32, #tpu.memory_space<hbm>> -> memref<1x1x1x128xi32, #tpu.memory_space<hbm>>
    %dma_wait3A_84 = tpu.memref_squeeze %dma_wait3A_83 : memref<1x1x1x128xi32, #tpu.memory_space<hbm>> -> memref<1x128xi32, #tpu.memory_space<hbm>>
    %dma_wait3A_85 = arith.constant 0 : i32
    %dma_wait3A_86 = arith.constant 0 : i32
    %dma_wait3A_87 = tpu.memref_slice %arg3[%dma_wait3A, %dma_wait3A_80, %dma_wait3A_85, %dma_wait3A_86] : memref<32x81x1x128xi32, #tpu.memory_space<hbm>> -> memref<1x1x1x128xi32, #tpu.memory_space<hbm>>
    %dma_wait3A_88 = tpu.memref_squeeze %dma_wait3A_87 : memref<1x1x1x128xi32, #tpu.memory_space<hbm>> -> memref<1x128xi32, #tpu.memory_space<hbm>>
    tpu.wait_dma2 semaphore(%arg20 : memref<!tpu.dma_semaphore, #tpu.memory_space<semaphore_mem>>) src(%dma_wait3A_88 : memref<1x128xi32, #tpu.memory_space<hbm>>) dst(%arg7 : memref<1x128xi32, #tpu.memory_space<vmem>>)
    %dma_start3A_89 = arith.constant 0 : i32
    %dma_start3A_90 = arith.constant 0 : i32
    %dma_start3A_91 = tpu.memref_slice %arg7[%dma_start3A_89, %dma_start3A_90] : memref<1x128xi32, #tpu.memory_space<vmem>> -> memref<1x128xi32, #tpu.memory_space<vmem>>
    %dma_start3A_92 = tpu.memref_squeeze %dma_start3A_91 : memref<1x128xi32, #tpu.memory_space<vmem>> -> memref<128xi32, #tpu.memory_space<vmem>>
    %dma_start3A_93 = arith.constant 0 : i32
    %dma_start3A_94 = arith.constant 0 : i32
    %dma_start3A_95 = tpu.memref_slice %arg2[%dma_start3A_93, %dma_start3A_94] : memref<10000x128xf32, #tpu.memory_space<hbm>> -> memref<10000x128xf32, #tpu.memory_space<hbm>>
    tpu.enqueue_indirect_dma source(%dma_start3A_95 : memref<10000x128xf32, #tpu.memory_space<hbm>>) target(%arg13 : memref<128x128xf32, #tpu.memory_space<vmem>>) offsets(%dma_start3A_92 : memref<128xi32, #tpu.memory_space<vmem>>) semaphore(%arg17 : memref<!tpu.dma_semaphore, #tpu.memory_space<semaphore_mem>>)
    %dma_wait3A_96 = arith.constant 0 : i32
    %dma_wait3A_97 = arith.constant 0 : i32
    %dma_wait3A_98 = arith.constant 0 : i32
    %dma_wait3A_99 = arith.constant 0 : i32
    %dma_wait3A_100 = tpu.memref_slice %arg3[%dma_wait3A_96, %dma_wait3A_97, %dma_wait3A_98, %dma_wait3A_99] : memref<32x81x1x128xi32, #tpu.memory_space<hbm>> -> memref<1x1x1x128xi32, #tpu.memory_space<hbm>>
    %dma_wait3A_101 = tpu.memref_squeeze %dma_wait3A_100 : memref<1x1x1x128xi32, #tpu.memory_space<hbm>> -> memref<1x128xi32, #tpu.memory_space<hbm>>
    %dma_wait3A_102 = arith.constant 0 : i32
    %dma_wait3A_103 = arith.constant 0 : i32
    %dma_wait3A_104 = tpu.memref_slice %arg3[%dma_wait3A_96, %dma_wait3A_97, %dma_wait3A_102, %dma_wait3A_103] : memref<32x81x1x128xi32, #tpu.memory_space<hbm>> -> memref<1x1x1x128xi32, #tpu.memory_space<hbm>>
    %dma_wait3A_105 = tpu.memref_squeeze %dma_wait3A_104 : memref<1x1x1x128xi32, #tpu.memory_space<hbm>> -> memref<1x128xi32, #tpu.memory_space<hbm>>
    tpu.wait_dma2 semaphore(%arg21 : memref<!tpu.dma_semaphore, #tpu.memory_space<semaphore_mem>>) src(%dma_wait3A_105 : memref<1x128xi32, #tpu.memory_space<hbm>>) dst(%arg8 : memref<1x128xi32, #tpu.memory_space<vmem>>)
    %dma_start3A_106 = arith.constant 0 : i32
    %dma_start3A_107 = arith.constant 0 : i32
    %dma_start3A_108 = tpu.memref_slice %arg8[%dma_start3A_106, %dma_start3A_107] : memref<1x128xi32, #tpu.memory_space<vmem>> -> memref<1x128xi32, #tpu.memory_space<vmem>>
    %dma_start3A_109 = tpu.memref_squeeze %dma_start3A_108 : memref<1x128xi32, #tpu.memory_space<vmem>> -> memref<128xi32, #tpu.memory_space<vmem>>
    %dma_start3A_110 = arith.constant 0 : i32
    %dma_start3A_111 = arith.constant 0 : i32
    %dma_start3A_112 = tpu.memref_slice %arg2[%dma_start3A_110, %dma_start3A_111] : memref<10000x128xf32, #tpu.memory_space<hbm>> -> memref<10000x128xf32, #tpu.memory_space<hbm>>
    tpu.enqueue_indirect_dma source(%dma_start3A_112 : memref<10000x128xf32, #tpu.memory_space<hbm>>) target(%arg14 : memref<128x128xf32, #tpu.memory_space<vmem>>) offsets(%dma_start3A_109 : memref<128xi32, #tpu.memory_space<vmem>>) semaphore(%arg18 : memref<!tpu.dma_semaphore, #tpu.memory_space<semaphore_mem>>)
    %dma_wait3A_113 = arith.constant 0 : i32
    %dma_wait3A_114 = arith.constant 0 : i32
    %dma_wait3A_115 = arith.constant 0 : i32
    %dma_wait3A_116 = arith.constant 0 : i32
    %dma_wait3A_117 = tpu.memref_slice %arg3[%dma_wait3A_113, %dma_wait3A_114, %dma_wait3A_115, %dma_wait3A_116] : memref<32x81x1x128xi32, #tpu.memory_space<hbm>> -> memref<1x1x1x128xi32, #tpu.memory_space<hbm>>
    %dma_wait3A_118 = tpu.memref_squeeze %dma_wait3A_117 : memref<1x1x1x128xi32, #tpu.memory_space<hbm>> -> memref<1x128xi32, #tpu.memory_space<hbm>>
    %dma_wait3A_119 = arith.constant 0 : i32
    %dma_wait3A_120 = arith.constant 0 : i32
    %dma_wait3A_121 = tpu.memref_slice %arg3[%dma_wait3A_113, %dma_wait3A_114, %dma_wait3A_119, %dma_wait3A_120] : memref<32x81x1x128xi32, #tpu.memory_space<hbm>> -> memref<1x1x1x128xi32, #tpu.memory_space<hbm>>
    %dma_wait3A_122 = tpu.memref_squeeze %dma_wait3A_121 : memref<1x1x1x128xi32, #tpu.memory_space<hbm>> -> memref<1x128xi32, #tpu.memory_space<hbm>>
    tpu.wait_dma2 semaphore(%arg22 : memref<!tpu.dma_semaphore, #tpu.memory_space<semaphore_mem>>) src(%dma_wait3A_122 : memref<1x128xi32, #tpu.memory_space<hbm>>) dst(%arg9 : memref<1x128xi32, #tpu.memory_space<vmem>>)
    %dma_start3A_123 = arith.constant 0 : i32
    %dma_start3A_124 = arith.constant 0 : i32
    %dma_start3A_125 = tpu.memref_slice %arg9[%dma_start3A_123, %dma_start3A_124] : memref<1x128xi32, #tpu.memory_space<vmem>> -> memref<1x128xi32, #tpu.memory_space<vmem>>
    %dma_start3A_126 = tpu.memref_squeeze %dma_start3A_125 : memref<1x128xi32, #tpu.memory_space<vmem>> -> memref<128xi32, #tpu.memory_space<vmem>>
    %dma_start3A_127 = arith.constant 0 : i32
    %dma_start3A_128 = arith.constant 0 : i32
    %dma_start3A_129 = tpu.memref_slice %arg2[%dma_start3A_127, %dma_start3A_128] : memref<10000x128xf32, #tpu.memory_space<hbm>> -> memref<10000x128xf32, #tpu.memory_space<hbm>>
    tpu.enqueue_indirect_dma source(%dma_start3A_129 : memref<10000x128xf32, #tpu.memory_space<hbm>>) target(%arg15 : memref<128x128xf32, #tpu.memory_space<vmem>>) offsets(%dma_start3A_126 : memref<128xi32, #tpu.memory_space<vmem>>) semaphore(%arg19 : memref<!tpu.dma_semaphore, #tpu.memory_space<semaphore_mem>>)
    %scan3A = arith.constant 0 : i32
    %scan3A_130 = arith.constant 27 : i32
    %scan3A_131 = arith.addi %scan3A, %scan3A_130 : i32
    %scan3A_132 = arith.constant 1 : i32
    scf.for %scan3A_143 = %scan3A to %scan3A_131 step %scan3A_132  : i32 {
      %mul3A_144 = arith.constant 1 : i32
      %mul3A_145 = arith.muli %scan3A_143, %mul3A_144 : i32
      %add3A_146 = arith.constant 0 : i32
      %add3A_147 = arith.addi %add3A_146, %mul3A_145 : i32
      %mul3A_148 = arith.constant 3 : i32
      %mul3A_149 = arith.muli %mul3A_148, %add3A_147 : i32
      %add3A_150 = arith.constant 0 : i32
      %add3A_151 = arith.addi %mul3A_149, %add3A_150 : i32
      %dma_wait3A_152 = arith.constant 0 : i32
      %dma_wait3A_153 = arith.constant 0 : i32
      %dma_wait3A_154 = tpu.memref_slice %arg7[%dma_wait3A_152, %dma_wait3A_153] : memref<1x128xi32, #tpu.memory_space<vmem>> -> memref<1x128xi32, #tpu.memory_space<vmem>>
      %dma_wait3A_155 = tpu.memref_squeeze %dma_wait3A_154 : memref<1x128xi32, #tpu.memory_space<vmem>> -> memref<128xi32, #tpu.memory_space<vmem>>
      %dma_wait3A_156 = arith.constant 0 : i32
      %dma_wait3A_157 = arith.constant 0 : i32
      %dma_wait3A_158 = tpu.memref_slice %arg2[%dma_wait3A_156, %dma_wait3A_157] : memref<10000x128xf32, #tpu.memory_space<hbm>> -> memref<10000x128xf32, #tpu.memory_space<hbm>>
      tpu.wait_indirect_dma semaphore(%arg17 : memref<!tpu.dma_semaphore, #tpu.memory_space<semaphore_mem>>) src(%dma_wait3A_158 : memref<10000x128xf32, #tpu.memory_space<hbm>>) dst(%arg13 : memref<128x128xf32, #tpu.memory_space<vmem>>)
      %add3A_159 = arith.constant 3 : i32
      %add3A_160 = arith.addi %add3A_151, %add3A_159 : i32
      %lt3A = arith.constant 81 : i32
      %lt3A_161 = arith.cmpi slt, %add3A_160, %lt3A : i32
      %convert_element_type3A_162 = arith.extui %lt3A_161 : i1 to i32
      %cond3A_163 = arith.constant 0 : i32
      %cond3A_164 = arith.cmpi ne, %convert_element_type3A_162, %cond3A_163 : i32
      scf.if %cond3A_164 {
        %add3A_250 = arith.constant 3 : i32
        %add3A_251 = arith.addi %add3A_151, %add3A_250 : i32
        %dma_start3A_252 = arith.constant 0 : i32
        %dma_start3A_253 = arith.constant 0 : i32
        %dma_start3A_254 = tpu.memref_slice %arg3[%add3A, %add3A_251, %dma_start3A_252, %dma_start3A_253] : memref<32x81x1x128xi32, #tpu.memory_space<hbm>> -> memref<1x1x1x128xi32, #tpu.memory_space<hbm>>
        %dma_start3A_255 = tpu.memref_squeeze %dma_start3A_254 : memref<1x1x1x128xi32, #tpu.memory_space<hbm>> -> memref<1x128xi32, #tpu.memory_space<hbm>>
        %dma_start3A_256 = arith.constant 0 : i32
        %dma_start3A_257 = arith.constant 0 : i32
        %dma_start3A_258 = tpu.memref_slice %arg3[%add3A, %add3A_251, %dma_start3A_256, %dma_start3A_257] : memref<32x81x1x128xi32, #tpu.memory_space<hbm>> -> memref<1x1x1x128xi32, #tpu.memory_space<hbm>>
        %dma_start3A_259 = tpu.memref_squeeze %dma_start3A_258 : memref<1x1x1x128xi32, #tpu.memory_space<hbm>> -> memref<1x128xi32, #tpu.memory_space<hbm>>
        tpu.enqueue_dma source(%dma_start3A_259 : memref<1x128xi32, #tpu.memory_space<hbm>>) target(%arg7 : memref<1x128xi32, #tpu.memory_space<vmem>>) target_semaphore(%arg20 : memref<!tpu.dma_semaphore, #tpu.memory_space<semaphore_mem>>)
      } else {
      }
      %dma_wait3A_165 = arith.constant 0 : i32
      %dma_wait3A_166 = arith.constant 0 : i32
      %dma_wait3A_167 = arith.constant 0 : i32
      %dma_wait3A_168 = arith.constant 0 : i32
      %dma_wait3A_169 = tpu.memref_slice %arg4[%dma_wait3A_165, %dma_wait3A_166, %dma_wait3A_167, %dma_wait3A_168] : memref<32x81x1x128xi32, #tpu.memory_space<hbm>> -> memref<1x1x1x128xi32, #tpu.memory_space<hbm>>
      %dma_wait3A_170 = tpu.memref_squeeze %dma_wait3A_169 : memref<1x1x1x128xi32, #tpu.memory_space<hbm>> -> memref<1x128xi32, #tpu.memory_space<hbm>>
      %dma_wait3A_171 = arith.constant 0 : i32
      %dma_wait3A_172 = arith.constant 0 : i32
      %dma_wait3A_173 = tpu.memref_slice %arg4[%dma_wait3A_165, %dma_wait3A_166, %dma_wait3A_171, %dma_wait3A_172] : memref<32x81x1x128xi32, #tpu.memory_space<hbm>> -> memref<1x1x1x128xi32, #tpu.memory_space<hbm>>
      %dma_wait3A_174 = tpu.memref_squeeze %dma_wait3A_173 : memref<1x1x1x128xi32, #tpu.memory_space<hbm>> -> memref<1x128xi32, #tpu.memory_space<hbm>>
      tpu.wait_dma2 semaphore(%arg23 : memref<!tpu.dma_semaphore, #tpu.memory_space<semaphore_mem>>) src(%dma_wait3A_174 : memref<1x128xi32, #tpu.memory_space<hbm>>) dst(%arg10 : memref<1x128xi32, #tpu.memory_space<vmem>>)
      %run_scoped3A = arith.constant 0 : i32
      "tpu.region"() ({
        %run_scoped3A_250 = tpu.sem_alloc : memref<!tpu.dma_semaphore, #tpu.memory_space<semaphore_mem>>
        %dma_start3A_251 = arith.constant 0 : i32
        %dma_start3A_252 = tpu.memref_slice %arg10[%run_scoped3A, %dma_start3A_251] : memref<1x128xi32, #tpu.memory_space<vmem>> -> memref<1x128xi32, #tpu.memory_space<vmem>>
        %dma_start3A_253 = tpu.memref_squeeze %dma_start3A_252 : memref<1x128xi32, #tpu.memory_space<vmem>> -> memref<128xi32, #tpu.memory_space<vmem>>
        %dma_start3A_254 = arith.constant 0 : i32
        %dma_start3A_255 = arith.constant 0 : i32
        %dma_start3A_256 = tpu.memref_slice %arg16[%dma_start3A_254, %dma_start3A_255] : memref<10104x128xf32, #tpu.memory_space<vmem_shared>> -> memref<10104x128xf32, #tpu.memory_space<vmem_shared>>
        tpu.enqueue_indirect_dma source(%arg13 : memref<128x128xf32, #tpu.memory_space<vmem>>) target(%dma_start3A_256 : memref<10104x128xf32, #tpu.memory_space<vmem_shared>>) offsets(%dma_start3A_253 : memref<128xi32, #tpu.memory_space<vmem>>) semaphore(%run_scoped3A_250 : memref<!tpu.dma_semaphore, #tpu.memory_space<semaphore_mem>>) {add = true}
        %dma_wait3A_257 = arith.constant 0 : i32
        %dma_wait3A_258 = tpu.memref_slice %arg10[%run_scoped3A, %dma_wait3A_257] : memref<1x128xi32, #tpu.memory_space<vmem>> -> memref<1x128xi32, #tpu.memory_space<vmem>>
        %dma_wait3A_259 = tpu.memref_squeeze %dma_wait3A_258 : memref<1x128xi32, #tpu.memory_space<vmem>> -> memref<128xi32, #tpu.memory_space<vmem>>
        %dma_wait3A_260 = arith.constant 0 : i32
        %dma_wait3A_261 = arith.constant 0 : i32
        %dma_wait3A_262 = tpu.memref_slice %arg16[%dma_wait3A_260, %dma_wait3A_261] : memref<10104x128xf32, #tpu.memory_space<vmem_shared>> -> memref<10104x128xf32, #tpu.memory_space<vmem_shared>>
        tpu.wait_indirect_dma semaphore(%run_scoped3A_250 : memref<!tpu.dma_semaphore, #tpu.memory_space<semaphore_mem>>) src(%arg13 : memref<128x128xf32, #tpu.memory_space<vmem>>) dst(%dma_wait3A_262 : memref<10104x128xf32, #tpu.memory_space<vmem_shared>>)
        tpu.yield
      }) : () -> ()
      %add3A_175 = arith.constant 3 : i32
      %add3A_176 = arith.addi %add3A_151, %add3A_175 : i32
      %lt3A_177 = arith.constant 81 : i32
      %lt3A_178 = arith.cmpi slt, %add3A_176, %lt3A_177 : i32
      %convert_element_type3A_179 = arith.extui %lt3A_178 : i1 to i32
      %cond3A_180 = arith.constant 0 : i32
      %cond3A_181 = arith.cmpi ne, %convert_element_type3A_179, %cond3A_180 : i32
      scf.if %cond3A_181 {
        %add3A_250 = arith.constant 3 : i32
        %add3A_251 = arith.addi %add3A_151, %add3A_250 : i32
        %dma_start3A_252 = arith.constant 0 : i32
        %dma_start3A_253 = arith.constant 0 : i32
        %dma_start3A_254 = tpu.memref_slice %arg4[%add3A, %add3A_251, %dma_start3A_252, %dma_start3A_253] : memref<32x81x1x128xi32, #tpu.memory_space<hbm>> -> memref<1x1x1x128xi32, #tpu.memory_space<hbm>>
        %dma_start3A_255 = tpu.memref_squeeze %dma_start3A_254 : memref<1x1x1x128xi32, #tpu.memory_space<hbm>> -> memref<1x128xi32, #tpu.memory_space<hbm>>
        %dma_start3A_256 = arith.constant 0 : i32
        %dma_start3A_257 = arith.constant 0 : i32
        %dma_start3A_258 = tpu.memref_slice %arg4[%add3A, %add3A_251, %dma_start3A_256, %dma_start3A_257] : memref<32x81x1x128xi32, #tpu.memory_space<hbm>> -> memref<1x1x1x128xi32, #tpu.memory_space<hbm>>
        %dma_start3A_259 = tpu.memref_squeeze %dma_start3A_258 : memref<1x1x1x128xi32, #tpu.memory_space<hbm>> -> memref<1x128xi32, #tpu.memory_space<hbm>>
        tpu.enqueue_dma source(%dma_start3A_259 : memref<1x128xi32, #tpu.memory_space<hbm>>) target(%arg10 : memref<1x128xi32, #tpu.memory_space<vmem>>) target_semaphore(%arg23 : memref<!tpu.dma_semaphore, #tpu.memory_space<semaphore_mem>>)
        %dma_wait3A_260 = arith.constant 0 : i32
        %dma_wait3A_261 = arith.constant 0 : i32
        %dma_wait3A_262 = arith.constant 0 : i32
        %dma_wait3A_263 = arith.constant 0 : i32
        %dma_wait3A_264 = tpu.memref_slice %arg3[%dma_wait3A_260, %dma_wait3A_261, %dma_wait3A_262, %dma_wait3A_263] : memref<32x81x1x128xi32, #tpu.memory_space<hbm>> -> memref<1x1x1x128xi32, #tpu.memory_space<hbm>>
        %dma_wait3A_265 = tpu.memref_squeeze %dma_wait3A_264 : memref<1x1x1x128xi32, #tpu.memory_space<hbm>> -> memref<1x128xi32, #tpu.memory_space<hbm>>
        %dma_wait3A_266 = arith.constant 0 : i32
        %dma_wait3A_267 = arith.constant 0 : i32
        %dma_wait3A_268 = tpu.memref_slice %arg3[%dma_wait3A_260, %dma_wait3A_261, %dma_wait3A_266, %dma_wait3A_267] : memref<32x81x1x128xi32, #tpu.memory_space<hbm>> -> memref<1x1x1x128xi32, #tpu.memory_space<hbm>>
        %dma_wait3A_269 = tpu.memref_squeeze %dma_wait3A_268 : memref<1x1x1x128xi32, #tpu.memory_space<hbm>> -> memref<1x128xi32, #tpu.memory_space<hbm>>
        tpu.wait_dma2 semaphore(%arg20 : memref<!tpu.dma_semaphore, #tpu.memory_space<semaphore_mem>>) src(%dma_wait3A_269 : memref<1x128xi32, #tpu.memory_space<hbm>>) dst(%arg7 : memref<1x128xi32, #tpu.memory_space<vmem>>)
        %dma_start3A_270 = arith.constant 0 : i32
        %dma_start3A_271 = arith.constant 0 : i32
        %dma_start3A_272 = tpu.memref_slice %arg7[%dma_start3A_270, %dma_start3A_271] : memref<1x128xi32, #tpu.memory_space<vmem>> -> memref<1x128xi32, #tpu.memory_space<vmem>>
        %dma_start3A_273 = tpu.memref_squeeze %dma_start3A_272 : memref<1x128xi32, #tpu.memory_space<vmem>> -> memref<128xi32, #tpu.memory_space<vmem>>
        %dma_start3A_274 = arith.constant 0 : i32
        %dma_start3A_275 = arith.constant 0 : i32
        %dma_start3A_276 = tpu.memref_slice %arg2[%dma_start3A_274, %dma_start3A_275] : memref<10000x128xf32, #tpu.memory_space<hbm>> -> memref<10000x128xf32, #tpu.memory_space<hbm>>
        tpu.enqueue_indirect_dma source(%dma_start3A_276 : memref<10000x128xf32, #tpu.memory_space<hbm>>) target(%arg13 : memref<128x128xf32, #tpu.memory_space<vmem>>) offsets(%dma_start3A_273 : memref<128xi32, #tpu.memory_space<vmem>>) semaphore(%arg17 : memref<!tpu.dma_semaphore, #tpu.memory_space<semaphore_mem>>)
      } else {
      }
      %add3A_182 = arith.constant 1 : i32
      %add3A_183 = arith.addi %mul3A_149, %add3A_182 : i32
      %dma_wait3A_184 = arith.constant 0 : i32
      %dma_wait3A_185 = arith.constant 0 : i32
      %dma_wait3A_186 = tpu.memref_slice %arg7[%dma_wait3A_184, %dma_wait3A_185] : memref<1x128xi32, #tpu.memory_space<vmem>> -> memref<1x128xi32, #tpu.memory_space<vmem>>
      %dma_wait3A_187 = tpu.memref_squeeze %dma_wait3A_186 : memref<1x128xi32, #tpu.memory_space<vmem>> -> memref<128xi32, #tpu.memory_space<vmem>>
      %dma_wait3A_188 = arith.constant 0 : i32
      %dma_wait3A_189 = arith.constant 0 : i32
      %dma_wait3A_190 = tpu.memref_slice %arg2[%dma_wait3A_188, %dma_wait3A_189] : memref<10000x128xf32, #tpu.memory_space<hbm>> -> memref<10000x128xf32, #tpu.memory_space<hbm>>
      tpu.wait_indirect_dma semaphore(%arg18 : memref<!tpu.dma_semaphore, #tpu.memory_space<semaphore_mem>>) src(%dma_wait3A_190 : memref<10000x128xf32, #tpu.memory_space<hbm>>) dst(%arg14 : memref<128x128xf32, #tpu.memory_space<vmem>>)
      %add3A_191 = arith.constant 3 : i32
      %add3A_192 = arith.addi %add3A_183, %add3A_191 : i32
      %lt3A_193 = arith.constant 81 : i32
      %lt3A_194 = arith.cmpi slt, %add3A_192, %lt3A_193 : i32
      %convert_element_type3A_195 = arith.extui %lt3A_194 : i1 to i32
      %cond3A_196 = arith.constant 0 : i32
      %cond3A_197 = arith.cmpi ne, %convert_element_type3A_195, %cond3A_196 : i32
      scf.if %cond3A_197 {
        %add3A_250 = arith.constant 3 : i32
        %add3A_251 = arith.addi %add3A_183, %add3A_250 : i32
        %dma_start3A_252 = arith.constant 0 : i32
        %dma_start3A_253 = arith.constant 0 : i32
        %dma_start3A_254 = tpu.memref_slice %arg3[%add3A, %add3A_251, %dma_start3A_252, %dma_start3A_253] : memref<32x81x1x128xi32, #tpu.memory_space<hbm>> -> memref<1x1x1x128xi32, #tpu.memory_space<hbm>>
        %dma_start3A_255 = tpu.memref_squeeze %dma_start3A_254 : memref<1x1x1x128xi32, #tpu.memory_space<hbm>> -> memref<1x128xi32, #tpu.memory_space<hbm>>
        %dma_start3A_256 = arith.constant 0 : i32
        %dma_start3A_257 = arith.constant 0 : i32
        %dma_start3A_258 = tpu.memref_slice %arg3[%add3A, %add3A_251, %dma_start3A_256, %dma_start3A_257] : memref<32x81x1x128xi32, #tpu.memory_space<hbm>> -> memref<1x1x1x128xi32, #tpu.memory_space<hbm>>
        %dma_start3A_259 = tpu.memref_squeeze %dma_start3A_258 : memref<1x1x1x128xi32, #tpu.memory_space<hbm>> -> memref<1x128xi32, #tpu.memory_space<hbm>>
        tpu.enqueue_dma source(%dma_start3A_259 : memref<1x128xi32, #tpu.memory_space<hbm>>) target(%arg8 : memref<1x128xi32, #tpu.memory_space<vmem>>) target_semaphore(%arg21 : memref<!tpu.dma_semaphore, #tpu.memory_space<semaphore_mem>>)
      } else {
      }
      %dma_wait3A_198 = arith.constant 0 : i32
      %dma_wait3A_199 = arith.constant 0 : i32
      %dma_wait3A_200 = arith.constant 0 : i32
      %dma_wait3A_201 = arith.constant 0 : i32
      %dma_wait3A_202 = tpu.memref_slice %arg4[%dma_wait3A_198, %dma_wait3A_199, %dma_wait3A_200, %dma_wait3A_201] : memref<32x81x1x128xi32, #tpu.memory_space<hbm>> -> memref<1x1x1x128xi32, #tpu.memory_space<hbm>>
      %dma_wait3A_203 = tpu.memref_squeeze %dma_wait3A_202 : memref<1x1x1x128xi32, #tpu.memory_space<hbm>> -> memref<1x128xi32, #tpu.memory_space<hbm>>
      %dma_wait3A_204 = arith.constant 0 : i32
      %dma_wait3A_205 = arith.constant 0 : i32
      %dma_wait3A_206 = tpu.memref_slice %arg4[%dma_wait3A_198, %dma_wait3A_199, %dma_wait3A_204, %dma_wait3A_205] : memref<32x81x1x128xi32, #tpu.memory_space<hbm>> -> memref<1x1x1x128xi32, #tpu.memory_space<hbm>>
      %dma_wait3A_207 = tpu.memref_squeeze %dma_wait3A_206 : memref<1x1x1x128xi32, #tpu.memory_space<hbm>> -> memref<1x128xi32, #tpu.memory_space<hbm>>
      tpu.wait_dma2 semaphore(%arg24 : memref<!tpu.dma_semaphore, #tpu.memory_space<semaphore_mem>>) src(%dma_wait3A_207 : memref<1x128xi32, #tpu.memory_space<hbm>>) dst(%arg11 : memref<1x128xi32, #tpu.memory_space<vmem>>)
      %run_scoped3A_208 = arith.constant 0 : i32
      "tpu.region"() ({
        %run_scoped3A_250 = tpu.sem_alloc : memref<!tpu.dma_semaphore, #tpu.memory_space<semaphore_mem>>
        %dma_start3A_251 = arith.constant 0 : i32
        %dma_start3A_252 = tpu.memref_slice %arg11[%run_scoped3A_208, %dma_start3A_251] : memref<1x128xi32, #tpu.memory_space<vmem>> -> memref<1x128xi32, #tpu.memory_space<vmem>>
        %dma_start3A_253 = tpu.memref_squeeze %dma_start3A_252 : memref<1x128xi32, #tpu.memory_space<vmem>> -> memref<128xi32, #tpu.memory_space<vmem>>
        %dma_start3A_254 = arith.constant 0 : i32
        %dma_start3A_255 = arith.constant 0 : i32
        %dma_start3A_256 = tpu.memref_slice %arg16[%dma_start3A_254, %dma_start3A_255] : memref<10104x128xf32, #tpu.memory_space<vmem_shared>> -> memref<10104x128xf32, #tpu.memory_space<vmem_shared>>
        tpu.enqueue_indirect_dma source(%arg14 : memref<128x128xf32, #tpu.memory_space<vmem>>) target(%dma_start3A_256 : memref<10104x128xf32, #tpu.memory_space<vmem_shared>>) offsets(%dma_start3A_253 : memref<128xi32, #tpu.memory_space<vmem>>) semaphore(%run_scoped3A_250 : memref<!tpu.dma_semaphore, #tpu.memory_space<semaphore_mem>>) {add = true}
        %dma_wait3A_257 = arith.constant 0 : i32
        %dma_wait3A_258 = tpu.memref_slice %arg11[%run_scoped3A_208, %dma_wait3A_257] : memref<1x128xi32, #tpu.memory_space<vmem>> -> memref<1x128xi32, #tpu.memory_space<vmem>>
        %dma_wait3A_259 = tpu.memref_squeeze %dma_wait3A_258 : memref<1x128xi32, #tpu.memory_space<vmem>> -> memref<128xi32, #tpu.memory_space<vmem>>
        %dma_wait3A_260 = arith.constant 0 : i32
        %dma_wait3A_261 = arith.constant 0 : i32
        %dma_wait3A_262 = tpu.memref_slice %arg16[%dma_wait3A_260, %dma_wait3A_261] : memref<10104x128xf32, #tpu.memory_space<vmem_shared>> -> memref<10104x128xf32, #tpu.memory_space<vmem_shared>>
        tpu.wait_indirect_dma semaphore(%run_scoped3A_250 : memref<!tpu.dma_semaphore, #tpu.memory_space<semaphore_mem>>) src(%arg14 : memref<128x128xf32, #tpu.memory_space<vmem>>) dst(%dma_wait3A_262 : memref<10104x128xf32, #tpu.memory_space<vmem_shared>>)
        tpu.yield
      }) : () -> ()
      %add3A_209 = arith.constant 3 : i32
      %add3A_210 = arith.addi %add3A_183, %add3A_209 : i32
      %lt3A_211 = arith.constant 81 : i32
      %lt3A_212 = arith.cmpi slt, %add3A_210, %lt3A_211 : i32
      %convert_element_type3A_213 = arith.extui %lt3A_212 : i1 to i32
      %cond3A_214 = arith.constant 0 : i32
      %cond3A_215 = arith.cmpi ne, %convert_element_type3A_213, %cond3A_214 : i32
      scf.if %cond3A_215 {
        %add3A_250 = arith.constant 3 : i32
        %add3A_251 = arith.addi %add3A_183, %add3A_250 : i32
        %dma_start3A_252 = arith.constant 0 : i32
        %dma_start3A_253 = arith.constant 0 : i32
        %dma_start3A_254 = tpu.memref_slice %arg4[%add3A, %add3A_251, %dma_start3A_252, %dma_start3A_253] : memref<32x81x1x128xi32, #tpu.memory_space<hbm>> -> memref<1x1x1x128xi32, #tpu.memory_space<hbm>>
        %dma_start3A_255 = tpu.memref_squeeze %dma_start3A_254 : memref<1x1x1x128xi32, #tpu.memory_space<hbm>> -> memref<1x128xi32, #tpu.memory_space<hbm>>
        %dma_start3A_256 = arith.constant 0 : i32
        %dma_start3A_257 = arith.constant 0 : i32
        %dma_start3A_258 = tpu.memref_slice %arg4[%add3A, %add3A_251, %dma_start3A_256, %dma_start3A_257] : memref<32x81x1x128xi32, #tpu.memory_space<hbm>> -> memref<1x1x1x128xi32, #tpu.memory_space<hbm>>
        %dma_start3A_259 = tpu.memref_squeeze %dma_start3A_258 : memref<1x1x1x128xi32, #tpu.memory_space<hbm>> -> memref<1x128xi32, #tpu.memory_space<hbm>>
        tpu.enqueue_dma source(%dma_start3A_259 : memref<1x128xi32, #tpu.memory_space<hbm>>) target(%arg11 : memref<1x128xi32, #tpu.memory_space<vmem>>) target_semaphore(%arg24 : memref<!tpu.dma_semaphore, #tpu.memory_space<semaphore_mem>>)
        %dma_wait3A_260 = arith.constant 0 : i32
        %dma_wait3A_261 = arith.constant 0 : i32
        %dma_wait3A_262 = arith.constant 0 : i32
        %dma_wait3A_263 = arith.constant 0 : i32
        %dma_wait3A_264 = tpu.memref_slice %arg3[%dma_wait3A_260, %dma_wait3A_261, %dma_wait3A_262, %dma_wait3A_263] : memref<32x81x1x128xi32, #tpu.memory_space<hbm>> -> memref<1x1x1x128xi32, #tpu.memory_space<hbm>>
        %dma_wait3A_265 = tpu.memref_squeeze %dma_wait3A_264 : memref<1x1x1x128xi32, #tpu.memory_space<hbm>> -> memref<1x128xi32, #tpu.memory_space<hbm>>
        %dma_wait3A_266 = arith.constant 0 : i32
        %dma_wait3A_267 = arith.constant 0 : i32
        %dma_wait3A_268 = tpu.memref_slice %arg3[%dma_wait3A_260, %dma_wait3A_261, %dma_wait3A_266, %dma_wait3A_267] : memref<32x81x1x128xi32, #tpu.memory_space<hbm>> -> memref<1x1x1x128xi32, #tpu.memory_space<hbm>>
        %dma_wait3A_269 = tpu.memref_squeeze %dma_wait3A_268 : memref<1x1x1x128xi32, #tpu.memory_space<hbm>> -> memref<1x128xi32, #tpu.memory_space<hbm>>
        tpu.wait_dma2 semaphore(%arg21 : memref<!tpu.dma_semaphore, #tpu.memory_space<semaphore_mem>>) src(%dma_wait3A_269 : memref<1x128xi32, #tpu.memory_space<hbm>>) dst(%arg8 : memref<1x128xi32, #tpu.memory_space<vmem>>)
        %dma_start3A_270 = arith.constant 0 : i32
        %dma_start3A_271 = arith.constant 0 : i32
        %dma_start3A_272 = tpu.memref_slice %arg8[%dma_start3A_270, %dma_start3A_271] : memref<1x128xi32, #tpu.memory_space<vmem>> -> memref<1x128xi32, #tpu.memory_space<vmem>>
        %dma_start3A_273 = tpu.memref_squeeze %dma_start3A_272 : memref<1x128xi32, #tpu.memory_space<vmem>> -> memref<128xi32, #tpu.memory_space<vmem>>
        %dma_start3A_274 = arith.constant 0 : i32
        %dma_start3A_275 = arith.constant 0 : i32
        %dma_start3A_276 = tpu.memref_slice %arg2[%dma_start3A_274, %dma_start3A_275] : memref<10000x128xf32, #tpu.memory_space<hbm>> -> memref<10000x128xf32, #tpu.memory_space<hbm>>
        tpu.enqueue_indirect_dma source(%dma_start3A_276 : memref<10000x128xf32, #tpu.memory_space<hbm>>) target(%arg14 : memref<128x128xf32, #tpu.memory_space<vmem>>) offsets(%dma_start3A_273 : memref<128xi32, #tpu.memory_space<vmem>>) semaphore(%arg18 : memref<!tpu.dma_semaphore, #tpu.memory_space<semaphore_mem>>)
      } else {
      }
      %add3A_216 = arith.constant 2 : i32
      %add3A_217 = arith.addi %mul3A_149, %add3A_216 : i32
      %dma_wait3A_218 = arith.constant 0 : i32
      %dma_wait3A_219 = arith.constant 0 : i32
      %dma_wait3A_220 = tpu.memref_slice %arg7[%dma_wait3A_218, %dma_wait3A_219] : memref<1x128xi32, #tpu.memory_space<vmem>> -> memref<1x128xi32, #tpu.memory_space<vmem>>
      %dma_wait3A_221 = tpu.memref_squeeze %dma_wait3A_220 : memref<1x128xi32, #tpu.memory_space<vmem>> -> memref<128xi32, #tpu.memory_space<vmem>>
      %dma_wait3A_222 = arith.constant 0 : i32
      %dma_wait3A_223 = arith.constant 0 : i32
      %dma_wait3A_224 = tpu.memref_slice %arg2[%dma_wait3A_222, %dma_wait3A_223] : memref<10000x128xf32, #tpu.memory_space<hbm>> -> memref<10000x128xf32, #tpu.memory_space<hbm>>
      tpu.wait_indirect_dma semaphore(%arg19 : memref<!tpu.dma_semaphore, #tpu.memory_space<semaphore_mem>>) src(%dma_wait3A_224 : memref<10000x128xf32, #tpu.memory_space<hbm>>) dst(%arg15 : memref<128x128xf32, #tpu.memory_space<vmem>>)
      %add3A_225 = arith.constant 3 : i32
      %add3A_226 = arith.addi %add3A_217, %add3A_225 : i32
      %lt3A_227 = arith.constant 81 : i32
      %lt3A_228 = arith.cmpi slt, %add3A_226, %lt3A_227 : i32
      %convert_element_type3A_229 = arith.extui %lt3A_228 : i1 to i32
      %cond3A_230 = arith.constant 0 : i32
      %cond3A_231 = arith.cmpi ne, %convert_element_type3A_229, %cond3A_230 : i32
      scf.if %cond3A_231 {
        %add3A_250 = arith.constant 3 : i32
        %add3A_251 = arith.addi %add3A_217, %add3A_250 : i32
        %dma_start3A_252 = arith.constant 0 : i32
        %dma_start3A_253 = arith.constant 0 : i32
        %dma_start3A_254 = tpu.memref_slice %arg3[%add3A, %add3A_251, %dma_start3A_252, %dma_start3A_253] : memref<32x81x1x128xi32, #tpu.memory_space<hbm>> -> memref<1x1x1x128xi32, #tpu.memory_space<hbm>>
        %dma_start3A_255 = tpu.memref_squeeze %dma_start3A_254 : memref<1x1x1x128xi32, #tpu.memory_space<hbm>> -> memref<1x128xi32, #tpu.memory_space<hbm>>
        %dma_start3A_256 = arith.constant 0 : i32
        %dma_start3A_257 = arith.constant 0 : i32
        %dma_start3A_258 = tpu.memref_slice %arg3[%add3A, %add3A_251, %dma_start3A_256, %dma_start3A_257] : memref<32x81x1x128xi32, #tpu.memory_space<hbm>> -> memref<1x1x1x128xi32, #tpu.memory_space<hbm>>
        %dma_start3A_259 = tpu.memref_squeeze %dma_start3A_258 : memref<1x1x1x128xi32, #tpu.memory_space<hbm>> -> memref<1x128xi32, #tpu.memory_space<hbm>>
        tpu.enqueue_dma source(%dma_start3A_259 : memref<1x128xi32, #tpu.memory_space<hbm>>) target(%arg9 : memref<1x128xi32, #tpu.memory_space<vmem>>) target_semaphore(%arg22 : memref<!tpu.dma_semaphore, #tpu.memory_space<semaphore_mem>>)
      } else {
      }
      %dma_wait3A_232 = arith.constant 0 : i32
      %dma_wait3A_233 = arith.constant 0 : i32
      %dma_wait3A_234 = arith.constant 0 : i32
      %dma_wait3A_235 = arith.constant 0 : i32
      %dma_wait3A_236 = tpu.memref_slice %arg4[%dma_wait3A_232, %dma_wait3A_233, %dma_wait3A_234, %dma_wait3A_235] : memref<32x81x1x128xi32, #tpu.memory_space<hbm>> -> memref<1x1x1x128xi32, #tpu.memory_space<hbm>>
      %dma_wait3A_237 = tpu.memref_squeeze %dma_wait3A_236 : memref<1x1x1x128xi32, #tpu.memory_space<hbm>> -> memref<1x128xi32, #tpu.memory_space<hbm>>
      %dma_wait3A_238 = arith.constant 0 : i32
      %dma_wait3A_239 = arith.constant 0 : i32
      %dma_wait3A_240 = tpu.memref_slice %arg4[%dma_wait3A_232, %dma_wait3A_233, %dma_wait3A_238, %dma_wait3A_239] : memref<32x81x1x128xi32, #tpu.memory_space<hbm>> -> memref<1x1x1x128xi32, #tpu.memory_space<hbm>>
      %dma_wait3A_241 = tpu.memref_squeeze %dma_wait3A_240 : memref<1x1x1x128xi32, #tpu.memory_space<hbm>> -> memref<1x128xi32, #tpu.memory_space<hbm>>
      tpu.wait_dma2 semaphore(%arg25 : memref<!tpu.dma_semaphore, #tpu.memory_space<semaphore_mem>>) src(%dma_wait3A_241 : memref<1x128xi32, #tpu.memory_space<hbm>>) dst(%arg12 : memref<1x128xi32, #tpu.memory_space<vmem>>)
      %run_scoped3A_242 = arith.constant 0 : i32
      "tpu.region"() ({
        %run_scoped3A_250 = tpu.sem_alloc : memref<!tpu.dma_semaphore, #tpu.memory_space<semaphore_mem>>
        %dma_start3A_251 = arith.constant 0 : i32
        %dma_start3A_252 = tpu.memref_slice %arg12[%run_scoped3A_242, %dma_start3A_251] : memref<1x128xi32, #tpu.memory_space<vmem>> -> memref<1x128xi32, #tpu.memory_space<vmem>>
        %dma_start3A_253 = tpu.memref_squeeze %dma_start3A_252 : memref<1x128xi32, #tpu.memory_space<vmem>> -> memref<128xi32, #tpu.memory_space<vmem>>
        %dma_start3A_254 = arith.constant 0 : i32
        %dma_start3A_255 = arith.constant 0 : i32
        %dma_start3A_256 = tpu.memref_slice %arg16[%dma_start3A_254, %dma_start3A_255] : memref<10104x128xf32, #tpu.memory_space<vmem_shared>> -> memref<10104x128xf32, #tpu.memory_space<vmem_shared>>
        tpu.enqueue_indirect_dma source(%arg15 : memref<128x128xf32, #tpu.memory_space<vmem>>) target(%dma_start3A_256 : memref<10104x128xf32, #tpu.memory_space<vmem_shared>>) offsets(%dma_start3A_253 : memref<128xi32, #tpu.memory_space<vmem>>) semaphore(%run_scoped3A_250 : memref<!tpu.dma_semaphore, #tpu.memory_space<semaphore_mem>>) {add = true}
        %dma_wait3A_257 = arith.constant 0 : i32
        %dma_wait3A_258 = tpu.memref_slice %arg12[%run_scoped3A_242, %dma_wait3A_257] : memref<1x128xi32, #tpu.memory_space<vmem>> -> memref<1x128xi32, #tpu.memory_space<vmem>>
        %dma_wait3A_259 = tpu.memref_squeeze %dma_wait3A_258 : memref<1x128xi32, #tpu.memory_space<vmem>> -> memref<128xi32, #tpu.memory_space<vmem>>
        %dma_wait3A_260 = arith.constant 0 : i32
        %dma_wait3A_261 = arith.constant 0 : i32
        %dma_wait3A_262 = tpu.memref_slice %arg16[%dma_wait3A_260, %dma_wait3A_261] : memref<10104x128xf32, #tpu.memory_space<vmem_shared>> -> memref<10104x128xf32, #tpu.memory_space<vmem_shared>>
        tpu.wait_indirect_dma semaphore(%run_scoped3A_250 : memref<!tpu.dma_semaphore, #tpu.memory_space<semaphore_mem>>) src(%arg15 : memref<128x128xf32, #tpu.memory_space<vmem>>) dst(%dma_wait3A_262 : memref<10104x128xf32, #tpu.memory_space<vmem_shared>>)
        tpu.yield
      }) : () -> ()
      %add3A_243 = arith.constant 3 : i32
      %add3A_244 = arith.addi %add3A_217, %add3A_243 : i32
      %lt3A_245 = arith.constant 81 : i32
      %lt3A_246 = arith.cmpi slt, %add3A_244, %lt3A_245 : i32
      %convert_element_type3A_247 = arith.extui %lt3A_246 : i1 to i32
      %cond3A_248 = arith.constant 0 : i32
      %cond3A_249 = arith.cmpi ne, %convert_element_type3A_247, %cond3A_248 : i32
      scf.if %cond3A_249 {
        %add3A_250 = arith.constant 3 : i32
        %add3A_251 = arith.addi %add3A_217, %add3A_250 : i32
        %dma_start3A_252 = arith.constant 0 : i32
        %dma_start3A_253 = arith.constant 0 : i32
        %dma_start3A_254 = tpu.memref_slice %arg4[%add3A, %add3A_251, %dma_start3A_252, %dma_start3A_253] : memref<32x81x1x128xi32, #tpu.memory_space<hbm>> -> memref<1x1x1x128xi32, #tpu.memory_space<hbm>>
        %dma_start3A_255 = tpu.memref_squeeze %dma_start3A_254 : memref<1x1x1x128xi32, #tpu.memory_space<hbm>> -> memref<1x128xi32, #tpu.memory_space<hbm>>
        %dma_start3A_256 = arith.constant 0 : i32
        %dma_start3A_257 = arith.constant 0 : i32
        %dma_start3A_258 = tpu.memref_slice %arg4[%add3A, %add3A_251, %dma_start3A_256, %dma_start3A_257] : memref<32x81x1x128xi32, #tpu.memory_space<hbm>> -> memref<1x1x1x128xi32, #tpu.memory_space<hbm>>
        %dma_start3A_259 = tpu.memref_squeeze %dma_start3A_258 : memref<1x1x1x128xi32, #tpu.memory_space<hbm>> -> memref<1x128xi32, #tpu.memory_space<hbm>>
        tpu.enqueue_dma source(%dma_start3A_259 : memref<1x128xi32, #tpu.memory_space<hbm>>) target(%arg12 : memref<1x128xi32, #tpu.memory_space<vmem>>) target_semaphore(%arg25 : memref<!tpu.dma_semaphore, #tpu.memory_space<semaphore_mem>>)
        %dma_wait3A_260 = arith.constant 0 : i32
        %dma_wait3A_261 = arith.constant 0 : i32
        %dma_wait3A_262 = arith.constant 0 : i32
        %dma_wait3A_263 = arith.constant 0 : i32
        %dma_wait3A_264 = tpu.memref_slice %arg3[%dma_wait3A_260, %dma_wait3A_261, %dma_wait3A_262, %dma_wait3A_263] : memref<32x81x1x128xi32, #tpu.memory_space<hbm>> -> memref<1x1x1x128xi32, #tpu.memory_space<hbm>>
        %dma_wait3A_265 = tpu.memref_squeeze %dma_wait3A_264 : memref<1x1x1x128xi32, #tpu.memory_space<hbm>> -> memref<1x128xi32, #tpu.memory_space<hbm>>
        %dma_wait3A_266 = arith.constant 0 : i32
        %dma_wait3A_267 = arith.constant 0 : i32
        %dma_wait3A_268 = tpu.memref_slice %arg3[%dma_wait3A_260, %dma_wait3A_261, %dma_wait3A_266, %dma_wait3A_267] : memref<32x81x1x128xi32, #tpu.memory_space<hbm>> -> memref<1x1x1x128xi32, #tpu.memory_space<hbm>>
        %dma_wait3A_269 = tpu.memref_squeeze %dma_wait3A_268 : memref<1x1x1x128xi32, #tpu.memory_space<hbm>> -> memref<1x128xi32, #tpu.memory_space<hbm>>
        tpu.wait_dma2 semaphore(%arg22 : memref<!tpu.dma_semaphore, #tpu.memory_space<semaphore_mem>>) src(%dma_wait3A_269 : memref<1x128xi32, #tpu.memory_space<hbm>>) dst(%arg9 : memref<1x128xi32, #tpu.memory_space<vmem>>)
        %dma_start3A_270 = arith.constant 0 : i32
        %dma_start3A_271 = arith.constant 0 : i32
        %dma_start3A_272 = tpu.memref_slice %arg9[%dma_start3A_270, %dma_start3A_271] : memref<1x128xi32, #tpu.memory_space<vmem>> -> memref<1x128xi32, #tpu.memory_space<vmem>>
        %dma_start3A_273 = tpu.memref_squeeze %dma_start3A_272 : memref<1x128xi32, #tpu.memory_space<vmem>> -> memref<128xi32, #tpu.memory_space<vmem>>
        %dma_start3A_274 = arith.constant 0 : i32
        %dma_start3A_275 = arith.constant 0 : i32
        %dma_start3A_276 = tpu.memref_slice %arg2[%dma_start3A_274, %dma_start3A_275] : memref<10000x128xf32, #tpu.memory_space<hbm>> -> memref<10000x128xf32, #tpu.memory_space<hbm>>
        tpu.enqueue_indirect_dma source(%dma_start3A_276 : memref<10000x128xf32, #tpu.memory_space<hbm>>) target(%arg15 : memref<128x128xf32, #tpu.memory_space<vmem>>) offsets(%dma_start3A_273 : memref<128xi32, #tpu.memory_space<vmem>>) semaphore(%arg19 : memref<!tpu.dma_semaphore, #tpu.memory_space<semaphore_mem>>)
      } else {
      }
    }
    %scan3A_133 = arith.constant 27 : i32
    %barrier3A_134 = arith.constant 0 : index
    tpu.barrier barrier_id(%barrier3A_134)
    %not3A_135 = arith.constant true
    %not3A_136 = arith.xori %eq3A_3, %not3A_135 : i1
    %convert_element_type3A_137 = arith.extui %not3A_136 : i1 to i32
    %cond3A_138 = arith.constant 0 : i32
    %cond3A_139 = arith.cmpi ne, %convert_element_type3A_137, %cond3A_138 : i32
    scf.if %cond3A_139 {
      "tpu.region"() ({
        %run_scoped3A = tpu.sem_alloc : memref<!tpu.dma_semaphore, #tpu.memory_space<semaphore_mem>>
        %dma_start3A_143 = arith.constant 0 : i32
        %dma_start3A_144 = tpu.memref_slice %arg6[%arg0, %mul3A_2, %dma_start3A_143] : memref<2x10000x128xf32, #tpu.memory_space<hbm>> -> memref<1x624x128xf32, #tpu.memory_space<hbm>>
        %dma_start3A_145 = tpu.memref_squeeze %dma_start3A_144 : memref<1x624x128xf32, #tpu.memory_space<hbm>> -> memref<624x128xf32, #tpu.memory_space<hbm>>
        %dma_start3A_146 = arith.constant 0 : i32
        %dma_start3A_147 = tpu.memref_slice %arg16[%mul3A_2, %dma_start3A_146] : memref<10104x128xf32, #tpu.memory_space<vmem_shared>> -> memref<624x128xf32, #tpu.memory_space<vmem_shared>>
        tpu.enqueue_dma source(%dma_start3A_147 : memref<624x128xf32, #tpu.memory_space<vmem_shared>>) target(%dma_start3A_145 : memref<624x128xf32, #tpu.memory_space<hbm>>) target_semaphore(%run_scoped3A : memref<!tpu.dma_semaphore, #tpu.memory_space<semaphore_mem>>)
        %dma_wait3A_148 = arith.constant 0 : i32
        %dma_wait3A_149 = tpu.memref_slice %arg6[%arg0, %mul3A_2, %dma_wait3A_148] : memref<2x10000x128xf32, #tpu.memory_space<hbm>> -> memref<1x624x128xf32, #tpu.memory_space<hbm>>
        %dma_wait3A_150 = tpu.memref_squeeze %dma_wait3A_149 : memref<1x624x128xf32, #tpu.memory_space<hbm>> -> memref<624x128xf32, #tpu.memory_space<hbm>>
        %dma_wait3A_151 = arith.constant 0 : i32
        %dma_wait3A_152 = tpu.memref_slice %arg16[%mul3A_2, %dma_wait3A_151] : memref<10104x128xf32, #tpu.memory_space<vmem_shared>> -> memref<624x128xf32, #tpu.memory_space<vmem_shared>>
        tpu.wait_dma2 semaphore(%run_scoped3A : memref<!tpu.dma_semaphore, #tpu.memory_space<semaphore_mem>>) src(%dma_wait3A_152 : memref<624x128xf32, #tpu.memory_space<vmem_shared>>) dst(%dma_wait3A_150 : memref<624x128xf32, #tpu.memory_space<hbm>>)
        tpu.yield
      }) : () -> ()
    } else {
    }
    %convert_element_type3A_140 = arith.extui %eq3A_3 : i1 to i32
    %cond3A_141 = arith.constant 0 : i32
    %cond3A_142 = arith.cmpi ne, %convert_element_type3A_140, %cond3A_141 : i32
    scf.if %cond3A_142 {
      "tpu.region"() ({
        %run_scoped3A = tpu.sem_alloc : memref<!tpu.dma_semaphore, #tpu.memory_space<semaphore_mem>>
        %dma_start3A_143 = arith.constant 9360 : i32
        %dma_start3A_144 = arith.constant 0 : i32
        %dma_start3A_145 = tpu.memref_slice %arg6[%arg0, %dma_start3A_143, %dma_start3A_144] : memref<2x10000x128xf32, #tpu.memory_space<hbm>> -> memref<1x640x128xf32, #tpu.memory_space<hbm>>
        %dma_start3A_146 = tpu.memref_squeeze %dma_start3A_145 : memref<1x640x128xf32, #tpu.memory_space<hbm>> -> memref<640x128xf32, #tpu.memory_space<hbm>>
        %dma_start3A_147 = arith.constant 9360 : i32
        %dma_start3A_148 = arith.constant 0 : i32
        %dma_start3A_149 = tpu.memref_slice %arg16[%dma_start3A_147, %dma_start3A_148] : memref<10104x128xf32, #tpu.memory_space<vmem_shared>> -> memref<640x128xf32, #tpu.memory_space<vmem_shared>>
        tpu.enqueue_dma source(%dma_start3A_149 : memref<640x128xf32, #tpu.memory_space<vmem_shared>>) target(%dma_start3A_146 : memref<640x128xf32, #tpu.memory_space<hbm>>) target_semaphore(%run_scoped3A : memref<!tpu.dma_semaphore, #tpu.memory_space<semaphore_mem>>)
        %dma_wait3A_150 = arith.constant 9360 : i32
        %dma_wait3A_151 = arith.constant 0 : i32
        %dma_wait3A_152 = tpu.memref_slice %arg6[%arg0, %dma_wait3A_150, %dma_wait3A_151] : memref<2x10000x128xf32, #tpu.memory_space<hbm>> -> memref<1x640x128xf32, #tpu.memory_space<hbm>>
        %dma_wait3A_153 = tpu.memref_squeeze %dma_wait3A_152 : memref<1x640x128xf32, #tpu.memory_space<hbm>> -> memref<640x128xf32, #tpu.memory_space<hbm>>
        %dma_wait3A_154 = arith.constant 9360 : i32
        %dma_wait3A_155 = arith.constant 0 : i32
        %dma_wait3A_156 = tpu.memref_slice %arg16[%dma_wait3A_154, %dma_wait3A_155] : memref<10104x128xf32, #tpu.memory_space<vmem_shared>> -> memref<640x128xf32, #tpu.memory_space<vmem_shared>>
        tpu.wait_dma2 semaphore(%run_scoped3A : memref<!tpu.dma_semaphore, #tpu.memory_space<semaphore_mem>>) src(%dma_wait3A_156 : memref<640x128xf32, #tpu.memory_space<vmem_shared>>) dst(%dma_wait3A_153 : memref<640x128xf32, #tpu.memory_space<hbm>>)
        tpu.yield
      }) : () -> ()
    } else {
    }
    return
  }
}

#map = affine_map<(d0, d1) -> (0, 0)>
#map1 = affine_map<(d0, d1) -> (0, 0, 0, 0)>
#map2 = affine_map<(d0, d1) -> (0, 0, 0)>
module attributes {stable_mosaic.version = 14 : i64} {
  func.func @_edge_body(%arg0: i32, %arg1: i32, %arg2: memref<10000x128xf32, #tpu.memory_space<hbm>>, %arg3: memref<32x81x1x128xi32, #tpu.memory_space<hbm>>, %arg4: memref<32x81x1x128xi32, #tpu.memory_space<hbm>>, %arg5: memref<640x128xf32, #tpu.memory_space<hbm>>, %arg6: memref<2x10000x128xf32, #tpu.memory_space<hbm>>, %arg7: memref<1x128xi32, #tpu.memory_space<vmem>>, %arg8: memref<1x128xi32, #tpu.memory_space<vmem>>, %arg9: memref<1x128xi32, #tpu.memory_space<vmem>>, %arg10: memref<1x128xi32, #tpu.memory_space<vmem>>, %arg11: memref<1x128xi32, #tpu.memory_space<vmem>>, %arg12: memref<1x128xi32, #tpu.memory_space<vmem>>, %arg13: memref<128x128xf32, #tpu.memory_space<vmem>>, %arg14: memref<128x128xf32, #tpu.memory_space<vmem>>, %arg15: memref<128x128xf32, #tpu.memory_space<vmem>>, %arg16: memref<10104x128xf32, #tpu.memory_space<vmem_shared>>, %arg17: memref<!tpu.dma_semaphore, #tpu.memory_space<semaphore_mem>>, %arg18: memref<!tpu.dma_semaphore, #tpu.memory_space<semaphore_mem>>, %arg19: memref<!tpu.dma_semaphore, #tpu.memory_space<semaphore_mem>>, %arg20: memref<!tpu.dma_semaphore, #tpu.memory_space<semaphore_mem>>, %arg21: memref<!tpu.dma_semaphore, #tpu.memory_space<semaphore_mem>>, %arg22: memref<!tpu.dma_semaphore, #tpu.memory_space<semaphore_mem>>, %arg23: memref<!tpu.dma_semaphore, #tpu.memory_space<semaphore_mem>>, %arg24: memref<!tpu.dma_semaphore, #tpu.memory_space<semaphore_mem>>, %arg25: memref<!tpu.dma_semaphore, #tpu.memory_space<semaphore_mem>>) attributes {dimension_semantics = [#tpu.dimension_semantics<core_parallel>, #tpu.dimension_semantics<subcore_parallel>], iteration_bounds = array<i64: 2, 16>, scalar_prefetch = 0 : i64, scratch_operands = 19 : i64, tpu.core_type = #tpu.core_type<sc_vector_subcore>, window_params = [{transform_indices = #map}, {transform_indices = #map1}, {transform_indices = #map1}, {transform_indices = #map}, {transform_indices = #map2}]} {
    %mul3A = arith.constant 16 : i32
    %mul3A_0 = arith.muli %arg0, %mul3A : i32
    %add3A = arith.addi %mul3A_0, %arg1 : i32
    %mul3A_1 = arith.constant 624 : i32
    %mul3A_2 = arith.muli %arg1, %mul3A_1 : i32
    %eq3A = arith.constant 15 : i32
    %eq3A_3 = arith.cmpi eq, %arg1, %eq3A : i32
    %eq3A_4 = arith.constant 0 : i32
    %eq3A_5 = arith.cmpi eq, %arg0, %eq3A_4 : i32
    %not3A = arith.constant true
    %not3A_6 = arith.xori %eq3A_3, %not3A : i1
    %and3A = arith.andi %eq3A_5, %not3A_6 : i1
    %convert_element_type3A = arith.extui %and3A : i1 to i32
    %cond3A = arith.constant 0 : i32
    %cond3A_7 = arith.cmpi ne, %convert_element_type3A, %cond3A : i32
    scf.if %cond3A_7 {
      "tpu.region"() ({
        %run_scoped3A = tpu.sem_alloc : memref<!tpu.dma_semaphore, #tpu.memory_space<semaphore_mem>>
        %dma_start3A_143 = arith.constant 0 : i32
        %dma_start3A_144 = tpu.memref_slice %arg16[%mul3A_2, %dma_start3A_143] : memref<10104x128xf32, #tpu.memory_space<vmem_shared>> -> memref<624x128xf32, #tpu.memory_space<vmem_shared>>
        %dma_start3A_145 = arith.constant 0 : i32
        %dma_start3A_146 = tpu.memref_slice %arg2[%mul3A_2, %dma_start3A_145] : memref<10000x128xf32, #tpu.memory_space<hbm>> -> memref<624x128xf32, #tpu.memory_space<hbm>>
        tpu.enqueue_dma source(%dma_start3A_146 : memref<624x128xf32, #tpu.memory_space<hbm>>) target(%dma_start3A_144 : memref<624x128xf32, #tpu.memory_space<vmem_shared>>) target_semaphore(%run_scoped3A : memref<!tpu.dma_semaphore, #tpu.memory_space<semaphore_mem>>)
        %dma_wait3A_147 = arith.constant 0 : i32
        %dma_wait3A_148 = tpu.memref_slice %arg16[%mul3A_2, %dma_wait3A_147] : memref<10104x128xf32, #tpu.memory_space<vmem_shared>> -> memref<624x128xf32, #tpu.memory_space<vmem_shared>>
        %dma_wait3A_149 = arith.constant 0 : i32
        %dma_wait3A_150 = tpu.memref_slice %arg2[%mul3A_2, %dma_wait3A_149] : memref<10000x128xf32, #tpu.memory_space<hbm>> -> memref<624x128xf32, #tpu.memory_space<hbm>>
        tpu.wait_dma2 semaphore(%run_scoped3A : memref<!tpu.dma_semaphore, #tpu.memory_space<semaphore_mem>>) src(%dma_wait3A_150 : memref<624x128xf32, #tpu.memory_space<hbm>>) dst(%dma_wait3A_148 : memref<624x128xf32, #tpu.memory_space<vmem_shared>>)
        tpu.yield
      }) : () -> ()
    } else {
    }
    %eq3A_8 = arith.constant 0 : i32
    %eq3A_9 = arith.cmpi eq, %arg0, %eq3A_8 : i32
    %and3A_10 = arith.andi %eq3A_9, %eq3A_3 : i1
    %convert_element_type3A_11 = arith.extui %and3A_10 : i1 to i32
    %cond3A_12 = arith.constant 0 : i32
    %cond3A_13 = arith.cmpi ne, %convert_element_type3A_11, %cond3A_12 : i32
    scf.if %cond3A_13 {
      "tpu.region"() ({
        %run_scoped3A = tpu.sem_alloc : memref<!tpu.dma_semaphore, #tpu.memory_space<semaphore_mem>>
        %dma_start3A_143 = arith.constant 9360 : i32
        %dma_start3A_144 = arith.constant 0 : i32
        %dma_start3A_145 = tpu.memref_slice %arg16[%dma_start3A_143, %dma_start3A_144] : memref<10104x128xf32, #tpu.memory_space<vmem_shared>> -> memref<640x128xf32, #tpu.memory_space<vmem_shared>>
        %dma_start3A_146 = arith.constant 9360 : i32
        %dma_start3A_147 = arith.constant 0 : i32
        %dma_start3A_148 = tpu.memref_slice %arg2[%dma_start3A_146, %dma_start3A_147] : memref<10000x128xf32, #tpu.memory_space<hbm>> -> memref<640x128xf32, #tpu.memory_space<hbm>>
        tpu.enqueue_dma source(%dma_start3A_148 : memref<640x128xf32, #tpu.memory_space<hbm>>) target(%dma_start3A_145 : memref<640x128xf32, #tpu.memory_space<vmem_shared>>) target_semaphore(%run_scoped3A : memref<!tpu.dma_semaphore, #tpu.memory_space<semaphore_mem>>)
        %dma_wait3A_149 = arith.constant 9360 : i32
        %dma_wait3A_150 = arith.constant 0 : i32
        %dma_wait3A_151 = tpu.memref_slice %arg16[%dma_wait3A_149, %dma_wait3A_150] : memref<10104x128xf32, #tpu.memory_space<vmem_shared>> -> memref<640x128xf32, #tpu.memory_space<vmem_shared>>
        %dma_wait3A_152 = arith.constant 9360 : i32
        %dma_wait3A_153 = arith.constant 0 : i32
        %dma_wait3A_154 = tpu.memref_slice %arg2[%dma_wait3A_152, %dma_wait3A_153] : memref<10000x128xf32, #tpu.memory_space<hbm>> -> memref<640x128xf32, #tpu.memory_space<hbm>>
        tpu.wait_dma2 semaphore(%run_scoped3A : memref<!tpu.dma_semaphore, #tpu.memory_space<semaphore_mem>>) src(%dma_wait3A_154 : memref<640x128xf32, #tpu.memory_space<hbm>>) dst(%dma_wait3A_151 : memref<640x128xf32, #tpu.memory_space<vmem_shared>>)
        tpu.yield
      }) : () -> ()
    } else {
    }
    %ne3A = arith.constant 0 : i32
    %ne3A_14 = arith.cmpi ne, %arg0, %ne3A : i32
    %not3A_15 = arith.constant true
    %not3A_16 = arith.xori %eq3A_3, %not3A_15 : i1
    %and3A_17 = arith.andi %ne3A_14, %not3A_16 : i1
    %convert_element_type3A_18 = arith.extui %and3A_17 : i1 to i32
    %cond3A_19 = arith.constant 0 : i32
    %cond3A_20 = arith.cmpi ne, %convert_element_type3A_18, %cond3A_19 : i32
    scf.if %cond3A_20 {
      "tpu.region"() ({
        %run_scoped3A = tpu.sem_alloc : memref<!tpu.dma_semaphore, #tpu.memory_space<semaphore_mem>>
        %dma_start3A_143 = arith.constant 0 : i32
        %dma_start3A_144 = tpu.memref_slice %arg16[%mul3A_2, %dma_start3A_143] : memref<10104x128xf32, #tpu.memory_space<vmem_shared>> -> memref<624x128xf32, #tpu.memory_space<vmem_shared>>
        %dma_start3A_145 = arith.constant 0 : i32
        %dma_start3A_146 = arith.constant 0 : i32
        %dma_start3A_147 = tpu.memref_slice %arg5[%dma_start3A_145, %dma_start3A_146] : memref<640x128xf32, #tpu.memory_space<hbm>> -> memref<624x128xf32, #tpu.memory_space<hbm>>
        tpu.enqueue_dma source(%dma_start3A_147 : memref<624x128xf32, #tpu.memory_space<hbm>>) target(%dma_start3A_144 : memref<624x128xf32, #tpu.memory_space<vmem_shared>>) target_semaphore(%run_scoped3A : memref<!tpu.dma_semaphore, #tpu.memory_space<semaphore_mem>>)
        %dma_wait3A_148 = arith.constant 0 : i32
        %dma_wait3A_149 = tpu.memref_slice %arg16[%mul3A_2, %dma_wait3A_148] : memref<10104x128xf32, #tpu.memory_space<vmem_shared>> -> memref<624x128xf32, #tpu.memory_space<vmem_shared>>
        %dma_wait3A_150 = arith.constant 0 : i32
        %dma_wait3A_151 = arith.constant 0 : i32
        %dma_wait3A_152 = tpu.memref_slice %arg5[%dma_wait3A_150, %dma_wait3A_151] : memref<640x128xf32, #tpu.memory_space<hbm>> -> memref<624x128xf32, #tpu.memory_space<hbm>>
        tpu.wait_dma2 semaphore(%run_scoped3A : memref<!tpu.dma_semaphore, #tpu.memory_space<semaphore_mem>>) src(%dma_wait3A_152 : memref<624x128xf32, #tpu.memory_space<hbm>>) dst(%dma_wait3A_149 : memref<624x128xf32, #tpu.memory_space<vmem_shared>>)
        tpu.yield
      }) : () -> ()
    } else {
    }
    %ne3A_21 = arith.constant 0 : i32
    %ne3A_22 = arith.cmpi ne, %arg0, %ne3A_21 : i32
    %and3A_23 = arith.andi %ne3A_22, %eq3A_3 : i1
    %convert_element_type3A_24 = arith.extui %and3A_23 : i1 to i32
    %cond3A_25 = arith.constant 0 : i32
    %cond3A_26 = arith.cmpi ne, %convert_element_type3A_24, %cond3A_25 : i32
    scf.if %cond3A_26 {
      "tpu.region"() ({
        %run_scoped3A = tpu.sem_alloc : memref<!tpu.dma_semaphore, #tpu.memory_space<semaphore_mem>>
        %dma_start3A_143 = arith.constant 9360 : i32
        %dma_start3A_144 = arith.constant 0 : i32
        %dma_start3A_145 = tpu.memref_slice %arg16[%dma_start3A_143, %dma_start3A_144] : memref<10104x128xf32, #tpu.memory_space<vmem_shared>> -> memref<640x128xf32, #tpu.memory_space<vmem_shared>>
        tpu.enqueue_dma source(%arg5 : memref<640x128xf32, #tpu.memory_space<hbm>>) target(%dma_start3A_145 : memref<640x128xf32, #tpu.memory_space<vmem_shared>>) target_semaphore(%run_scoped3A : memref<!tpu.dma_semaphore, #tpu.memory_space<semaphore_mem>>)
        %dma_wait3A_146 = arith.constant 9360 : i32
        %dma_wait3A_147 = arith.constant 0 : i32
        %dma_wait3A_148 = tpu.memref_slice %arg16[%dma_wait3A_146, %dma_wait3A_147] : memref<10104x128xf32, #tpu.memory_space<vmem_shared>> -> memref<640x128xf32, #tpu.memory_space<vmem_shared>>
        tpu.wait_dma2 semaphore(%run_scoped3A : memref<!tpu.dma_semaphore, #tpu.memory_space<semaphore_mem>>) src(%arg5 : memref<640x128xf32, #tpu.memory_space<hbm>>) dst(%dma_wait3A_148 : memref<640x128xf32, #tpu.memory_space<vmem_shared>>)
        tpu.yield
      }) : () -> ()
    } else {
    }
    %barrier3A = arith.constant 0 : index
    tpu.barrier barrier_id(%barrier3A)
    %dma_start3A = arith.constant 0 : i32
    %dma_start3A_27 = arith.constant 0 : i32
    %dma_start3A_28 = arith.constant 0 : i32
    %dma_start3A_29 = tpu.memref_slice %arg3[%add3A, %dma_start3A, %dma_start3A_27, %dma_start3A_28] : memref<32x81x1x128xi32, #tpu.memory_space<hbm>> -> memref<1x1x1x128xi32, #tpu.memory_space<hbm>>
    %dma_start3A_30 = tpu.memref_squeeze %dma_start3A_29 : memref<1x1x1x128xi32, #tpu.memory_space<hbm>> -> memref<1x128xi32, #tpu.memory_space<hbm>>
    %dma_start3A_31 = arith.constant 0 : i32
    %dma_start3A_32 = arith.constant 0 : i32
    %dma_start3A_33 = tpu.memref_slice %arg3[%add3A, %dma_start3A, %dma_start3A_31, %dma_start3A_32] : memref<32x81x1x128xi32, #tpu.memory_space<hbm>> -> memref<1x1x1x128xi32, #tpu.memory_space<hbm>>
    %dma_start3A_34 = tpu.memref_squeeze %dma_start3A_33 : memref<1x1x1x128xi32, #tpu.memory_space<hbm>> -> memref<1x128xi32, #tpu.memory_space<hbm>>
    tpu.enqueue_dma source(%dma_start3A_34 : memref<1x128xi32, #tpu.memory_space<hbm>>) target(%arg7 : memref<1x128xi32, #tpu.memory_space<vmem>>) target_semaphore(%arg20 : memref<!tpu.dma_semaphore, #tpu.memory_space<semaphore_mem>>)
    %dma_start3A_35 = arith.constant 0 : i32
    %dma_start3A_36 = arith.constant 0 : i32
    %dma_start3A_37 = arith.constant 0 : i32
    %dma_start3A_38 = tpu.memref_slice %arg4[%add3A, %dma_start3A_35, %dma_start3A_36, %dma_start3A_37] : memref<32x81x1x128xi32, #tpu.memory_space<hbm>> -> memref<1x1x1x128xi32, #tpu.memory_space<hbm>>
    %dma_start3A_39 = tpu.memref_squeeze %dma_start3A_38 : memref<1x1x1x128xi32, #tpu.memory_space<hbm>> -> memref<1x128xi32, #tpu.memory_space<hbm>>
    %dma_start3A_40 = arith.constant 0 : i32
    %dma_start3A_41 = arith.constant 0 : i32
    %dma_start3A_42 = tpu.memref_slice %arg4[%add3A, %dma_start3A_35, %dma_start3A_40, %dma_start3A_41] : memref<32x81x1x128xi32, #tpu.memory_space<hbm>> -> memref<1x1x1x128xi32, #tpu.memory_space<hbm>>
    %dma_start3A_43 = tpu.memref_squeeze %dma_start3A_42 : memref<1x1x1x128xi32, #tpu.memory_space<hbm>> -> memref<1x128xi32, #tpu.memory_space<hbm>>
    tpu.enqueue_dma source(%dma_start3A_43 : memref<1x128xi32, #tpu.memory_space<hbm>>) target(%arg10 : memref<1x128xi32, #tpu.memory_space<vmem>>) target_semaphore(%arg23 : memref<!tpu.dma_semaphore, #tpu.memory_space<semaphore_mem>>)
    %dma_start3A_44 = arith.constant 1 : i32
    %dma_start3A_45 = arith.constant 0 : i32
    %dma_start3A_46 = arith.constant 0 : i32
    %dma_start3A_47 = tpu.memref_slice %arg3[%add3A, %dma_start3A_44, %dma_start3A_45, %dma_start3A_46] : memref<32x81x1x128xi32, #tpu.memory_space<hbm>> -> memref<1x1x1x128xi32, #tpu.memory_space<hbm>>
    %dma_start3A_48 = tpu.memref_squeeze %dma_start3A_47 : memref<1x1x1x128xi32, #tpu.memory_space<hbm>> -> memref<1x128xi32, #tpu.memory_space<hbm>>
    %dma_start3A_49 = arith.constant 0 : i32
    %dma_start3A_50 = arith.constant 0 : i32
    %dma_start3A_51 = tpu.memref_slice %arg3[%add3A, %dma_start3A_44, %dma_start3A_49, %dma_start3A_50] : memref<32x81x1x128xi32, #tpu.memory_space<hbm>> -> memref<1x1x1x128xi32, #tpu.memory_space<hbm>>
    %dma_start3A_52 = tpu.memref_squeeze %dma_start3A_51 : memref<1x1x1x128xi32, #tpu.memory_space<hbm>> -> memref<1x128xi32, #tpu.memory_space<hbm>>
    tpu.enqueue_dma source(%dma_start3A_52 : memref<1x128xi32, #tpu.memory_space<hbm>>) target(%arg8 : memref<1x128xi32, #tpu.memory_space<vmem>>) target_semaphore(%arg21 : memref<!tpu.dma_semaphore, #tpu.memory_space<semaphore_mem>>)
    %dma_start3A_53 = arith.constant 1 : i32
    %dma_start3A_54 = arith.constant 0 : i32
    %dma_start3A_55 = arith.constant 0 : i32
    %dma_start3A_56 = tpu.memref_slice %arg4[%add3A, %dma_start3A_53, %dma_start3A_54, %dma_start3A_55] : memref<32x81x1x128xi32, #tpu.memory_space<hbm>> -> memref<1x1x1x128xi32, #tpu.memory_space<hbm>>
    %dma_start3A_57 = tpu.memref_squeeze %dma_start3A_56 : memref<1x1x1x128xi32, #tpu.memory_space<hbm>> -> memref<1x128xi32, #tpu.memory_space<hbm>>
    %dma_start3A_58 = arith.constant 0 : i32
    %dma_start3A_59 = arith.constant 0 : i32
    %dma_start3A_60 = tpu.memref_slice %arg4[%add3A, %dma_start3A_53, %dma_start3A_58, %dma_start3A_59] : memref<32x81x1x128xi32, #tpu.memory_space<hbm>> -> memref<1x1x1x128xi32, #tpu.memory_space<hbm>>
    %dma_start3A_61 = tpu.memref_squeeze %dma_start3A_60 : memref<1x1x1x128xi32, #tpu.memory_space<hbm>> -> memref<1x128xi32, #tpu.memory_space<hbm>>
    tpu.enqueue_dma source(%dma_start3A_61 : memref<1x128xi32, #tpu.memory_space<hbm>>) target(%arg11 : memref<1x128xi32, #tpu.memory_space<vmem>>) target_semaphore(%arg24 : memref<!tpu.dma_semaphore, #tpu.memory_space<semaphore_mem>>)
    %dma_start3A_62 = arith.constant 2 : i32
    %dma_start3A_63 = arith.constant 0 : i32
    %dma_start3A_64 = arith.constant 0 : i32
    %dma_start3A_65 = tpu.memref_slice %arg3[%add3A, %dma_start3A_62, %dma_start3A_63, %dma_start3A_64] : memref<32x81x1x128xi32, #tpu.memory_space<hbm>> -> memref<1x1x1x128xi32, #tpu.memory_space<hbm>>
    %dma_start3A_66 = tpu.memref_squeeze %dma_start3A_65 : memref<1x1x1x128xi32, #tpu.memory_space<hbm>> -> memref<1x128xi32, #tpu.memory_space<hbm>>
    %dma_start3A_67 = arith.constant 0 : i32
    %dma_start3A_68 = arith.constant 0 : i32
    %dma_start3A_69 = tpu.memref_slice %arg3[%add3A, %dma_start3A_62, %dma_start3A_67, %dma_start3A_68] : memref<32x81x1x128xi32, #tpu.memory_space<hbm>> -> memref<1x1x1x128xi32, #tpu.memory_space<hbm>>
    %dma_start3A_70 = tpu.memref_squeeze %dma_start3A_69 : memref<1x1x1x128xi32, #tpu.memory_space<hbm>> -> memref<1x128xi32, #tpu.memory_space<hbm>>
    tpu.enqueue_dma source(%dma_start3A_70 : memref<1x128xi32, #tpu.memory_space<hbm>>) target(%arg9 : memref<1x128xi32, #tpu.memory_space<vmem>>) target_semaphore(%arg22 : memref<!tpu.dma_semaphore, #tpu.memory_space<semaphore_mem>>)
    %dma_start3A_71 = arith.constant 2 : i32
    %dma_start3A_72 = arith.constant 0 : i32
    %dma_start3A_73 = arith.constant 0 : i32
    %dma_start3A_74 = tpu.memref_slice %arg4[%add3A, %dma_start3A_71, %dma_start3A_72, %dma_start3A_73] : memref<32x81x1x128xi32, #tpu.memory_space<hbm>> -> memref<1x1x1x128xi32, #tpu.memory_space<hbm>>
    %dma_start3A_75 = tpu.memref_squeeze %dma_start3A_74 : memref<1x1x1x128xi32, #tpu.memory_space<hbm>> -> memref<1x128xi32, #tpu.memory_space<hbm>>
    %dma_start3A_76 = arith.constant 0 : i32
    %dma_start3A_77 = arith.constant 0 : i32
    %dma_start3A_78 = tpu.memref_slice %arg4[%add3A, %dma_start3A_71, %dma_start3A_76, %dma_start3A_77] : memref<32x81x1x128xi32, #tpu.memory_space<hbm>> -> memref<1x1x1x128xi32, #tpu.memory_space<hbm>>
    %dma_start3A_79 = tpu.memref_squeeze %dma_start3A_78 : memref<1x1x1x128xi32, #tpu.memory_space<hbm>> -> memref<1x128xi32, #tpu.memory_space<hbm>>
    tpu.enqueue_dma source(%dma_start3A_79 : memref<1x128xi32, #tpu.memory_space<hbm>>) target(%arg12 : memref<1x128xi32, #tpu.memory_space<vmem>>) target_semaphore(%arg25 : memref<!tpu.dma_semaphore, #tpu.memory_space<semaphore_mem>>)
    %dma_wait3A = arith.constant 0 : i32
    %dma_wait3A_80 = arith.constant 0 : i32
    %dma_wait3A_81 = arith.constant 0 : i32
    %dma_wait3A_82 = arith.constant 0 : i32
    %dma_wait3A_83 = tpu.memref_slice %arg3[%dma_wait3A, %dma_wait3A_80, %dma_wait3A_81, %dma_wait3A_82] : memref<32x81x1x128xi32, #tpu.memory_space<hbm>> -> memref<1x1x1x128xi32, #tpu.memory_space<hbm>>
    %dma_wait3A_84 = tpu.memref_squeeze %dma_wait3A_83 : memref<1x1x1x128xi32, #tpu.memory_space<hbm>> -> memref<1x128xi32, #tpu.memory_space<hbm>>
    %dma_wait3A_85 = arith.constant 0 : i32
    %dma_wait3A_86 = arith.constant 0 : i32
    %dma_wait3A_87 = tpu.memref_slice %arg3[%dma_wait3A, %dma_wait3A_80, %dma_wait3A_85, %dma_wait3A_86] : memref<32x81x1x128xi32, #tpu.memory_space<hbm>> -> memref<1x1x1x128xi32, #tpu.memory_space<hbm>>
    %dma_wait3A_88 = tpu.memref_squeeze %dma_wait3A_87 : memref<1x1x1x128xi32, #tpu.memory_space<hbm>> -> memref<1x128xi32, #tpu.memory_space<hbm>>
    tpu.wait_dma2 semaphore(%arg20 : memref<!tpu.dma_semaphore, #tpu.memory_space<semaphore_mem>>) src(%dma_wait3A_88 : memref<1x128xi32, #tpu.memory_space<hbm>>) dst(%arg7 : memref<1x128xi32, #tpu.memory_space<vmem>>)
    %dma_start3A_89 = arith.constant 0 : i32
    %dma_start3A_90 = arith.constant 0 : i32
    %dma_start3A_91 = tpu.memref_slice %arg7[%dma_start3A_89, %dma_start3A_90] : memref<1x128xi32, #tpu.memory_space<vmem>> -> memref<1x128xi32, #tpu.memory_space<vmem>>
    %dma_start3A_92 = tpu.memref_squeeze %dma_start3A_91 : memref<1x128xi32, #tpu.memory_space<vmem>> -> memref<128xi32, #tpu.memory_space<vmem>>
    %dma_start3A_93 = arith.constant 0 : i32
    %dma_start3A_94 = arith.constant 0 : i32
    %dma_start3A_95 = tpu.memref_slice %arg2[%dma_start3A_93, %dma_start3A_94] : memref<10000x128xf32, #tpu.memory_space<hbm>> -> memref<10000x128xf32, #tpu.memory_space<hbm>>
    tpu.enqueue_indirect_dma source(%dma_start3A_95 : memref<10000x128xf32, #tpu.memory_space<hbm>>) target(%arg13 : memref<128x128xf32, #tpu.memory_space<vmem>>) offsets(%dma_start3A_92 : memref<128xi32, #tpu.memory_space<vmem>>) semaphore(%arg17 : memref<!tpu.dma_semaphore, #tpu.memory_space<semaphore_mem>>)
    %dma_wait3A_96 = arith.constant 0 : i32
    %dma_wait3A_97 = arith.constant 0 : i32
    %dma_wait3A_98 = arith.constant 0 : i32
    %dma_wait3A_99 = arith.constant 0 : i32
    %dma_wait3A_100 = tpu.memref_slice %arg3[%dma_wait3A_96, %dma_wait3A_97, %dma_wait3A_98, %dma_wait3A_99] : memref<32x81x1x128xi32, #tpu.memory_space<hbm>> -> memref<1x1x1x128xi32, #tpu.memory_space<hbm>>
    %dma_wait3A_101 = tpu.memref_squeeze %dma_wait3A_100 : memref<1x1x1x128xi32, #tpu.memory_space<hbm>> -> memref<1x128xi32, #tpu.memory_space<hbm>>
    %dma_wait3A_102 = arith.constant 0 : i32
    %dma_wait3A_103 = arith.constant 0 : i32
    %dma_wait3A_104 = tpu.memref_slice %arg3[%dma_wait3A_96, %dma_wait3A_97, %dma_wait3A_102, %dma_wait3A_103] : memref<32x81x1x128xi32, #tpu.memory_space<hbm>> -> memref<1x1x1x128xi32, #tpu.memory_space<hbm>>
    %dma_wait3A_105 = tpu.memref_squeeze %dma_wait3A_104 : memref<1x1x1x128xi32, #tpu.memory_space<hbm>> -> memref<1x128xi32, #tpu.memory_space<hbm>>
    tpu.wait_dma2 semaphore(%arg21 : memref<!tpu.dma_semaphore, #tpu.memory_space<semaphore_mem>>) src(%dma_wait3A_105 : memref<1x128xi32, #tpu.memory_space<hbm>>) dst(%arg8 : memref<1x128xi32, #tpu.memory_space<vmem>>)
    %dma_start3A_106 = arith.constant 0 : i32
    %dma_start3A_107 = arith.constant 0 : i32
    %dma_start3A_108 = tpu.memref_slice %arg8[%dma_start3A_106, %dma_start3A_107] : memref<1x128xi32, #tpu.memory_space<vmem>> -> memref<1x128xi32, #tpu.memory_space<vmem>>
    %dma_start3A_109 = tpu.memref_squeeze %dma_start3A_108 : memref<1x128xi32, #tpu.memory_space<vmem>> -> memref<128xi32, #tpu.memory_space<vmem>>
    %dma_start3A_110 = arith.constant 0 : i32
    %dma_start3A_111 = arith.constant 0 : i32
    %dma_start3A_112 = tpu.memref_slice %arg2[%dma_start3A_110, %dma_start3A_111] : memref<10000x128xf32, #tpu.memory_space<hbm>> -> memref<10000x128xf32, #tpu.memory_space<hbm>>
    tpu.enqueue_indirect_dma source(%dma_start3A_112 : memref<10000x128xf32, #tpu.memory_space<hbm>>) target(%arg14 : memref<128x128xf32, #tpu.memory_space<vmem>>) offsets(%dma_start3A_109 : memref<128xi32, #tpu.memory_space<vmem>>) semaphore(%arg18 : memref<!tpu.dma_semaphore, #tpu.memory_space<semaphore_mem>>)
    %dma_wait3A_113 = arith.constant 0 : i32
    %dma_wait3A_114 = arith.constant 0 : i32
    %dma_wait3A_115 = arith.constant 0 : i32
    %dma_wait3A_116 = arith.constant 0 : i32
    %dma_wait3A_117 = tpu.memref_slice %arg3[%dma_wait3A_113, %dma_wait3A_114, %dma_wait3A_115, %dma_wait3A_116] : memref<32x81x1x128xi32, #tpu.memory_space<hbm>> -> memref<1x1x1x128xi32, #tpu.memory_space<hbm>>
    %dma_wait3A_118 = tpu.memref_squeeze %dma_wait3A_117 : memref<1x1x1x128xi32, #tpu.memory_space<hbm>> -> memref<1x128xi32, #tpu.memory_space<hbm>>
    %dma_wait3A_119 = arith.constant 0 : i32
    %dma_wait3A_120 = arith.constant 0 : i32
    %dma_wait3A_121 = tpu.memref_slice %arg3[%dma_wait3A_113, %dma_wait3A_114, %dma_wait3A_119, %dma_wait3A_120] : memref<32x81x1x128xi32, #tpu.memory_space<hbm>> -> memref<1x1x1x128xi32, #tpu.memory_space<hbm>>
    %dma_wait3A_122 = tpu.memref_squeeze %dma_wait3A_121 : memref<1x1x1x128xi32, #tpu.memory_space<hbm>> -> memref<1x128xi32, #tpu.memory_space<hbm>>
    tpu.wait_dma2 semaphore(%arg22 : memref<!tpu.dma_semaphore, #tpu.memory_space<semaphore_mem>>) src(%dma_wait3A_122 : memref<1x128xi32, #tpu.memory_space<hbm>>) dst(%arg9 : memref<1x128xi32, #tpu.memory_space<vmem>>)
    %dma_start3A_123 = arith.constant 0 : i32
    %dma_start3A_124 = arith.constant 0 : i32
    %dma_start3A_125 = tpu.memref_slice %arg9[%dma_start3A_123, %dma_start3A_124] : memref<1x128xi32, #tpu.memory_space<vmem>> -> memref<1x128xi32, #tpu.memory_space<vmem>>
    %dma_start3A_126 = tpu.memref_squeeze %dma_start3A_125 : memref<1x128xi32, #tpu.memory_space<vmem>> -> memref<128xi32, #tpu.memory_space<vmem>>
    %dma_start3A_127 = arith.constant 0 : i32
    %dma_start3A_128 = arith.constant 0 : i32
    %dma_start3A_129 = tpu.memref_slice %arg2[%dma_start3A_127, %dma_start3A_128] : memref<10000x128xf32, #tpu.memory_space<hbm>> -> memref<10000x128xf32, #tpu.memory_space<hbm>>
    tpu.enqueue_indirect_dma source(%dma_start3A_129 : memref<10000x128xf32, #tpu.memory_space<hbm>>) target(%arg15 : memref<128x128xf32, #tpu.memory_space<vmem>>) offsets(%dma_start3A_126 : memref<128xi32, #tpu.memory_space<vmem>>) semaphore(%arg19 : memref<!tpu.dma_semaphore, #tpu.memory_space<semaphore_mem>>)
    %scan3A = arith.constant 0 : i32
    %scan3A_130 = arith.constant 27 : i32
    %scan3A_131 = arith.addi %scan3A, %scan3A_130 : i32
    %scan3A_132 = arith.constant 1 : i32
    scf.for %scan3A_143 = %scan3A to %scan3A_131 step %scan3A_132  : i32 {
      %mul3A_144 = arith.constant 1 : i32
      %mul3A_145 = arith.muli %scan3A_143, %mul3A_144 : i32
      %add3A_146 = arith.constant 0 : i32
      %add3A_147 = arith.addi %add3A_146, %mul3A_145 : i32
      %mul3A_148 = arith.constant 3 : i32
      %mul3A_149 = arith.muli %mul3A_148, %add3A_147 : i32
      %add3A_150 = arith.constant 0 : i32
      %add3A_151 = arith.addi %mul3A_149, %add3A_150 : i32
      %dma_wait3A_152 = arith.constant 0 : i32
      %dma_wait3A_153 = arith.constant 0 : i32
      %dma_wait3A_154 = tpu.memref_slice %arg7[%dma_wait3A_152, %dma_wait3A_153] : memref<1x128xi32, #tpu.memory_space<vmem>> -> memref<1x128xi32, #tpu.memory_space<vmem>>
      %dma_wait3A_155 = tpu.memref_squeeze %dma_wait3A_154 : memref<1x128xi32, #tpu.memory_space<vmem>> -> memref<128xi32, #tpu.memory_space<vmem>>
      %dma_wait3A_156 = arith.constant 0 : i32
      %dma_wait3A_157 = arith.constant 0 : i32
      %dma_wait3A_158 = tpu.memref_slice %arg2[%dma_wait3A_156, %dma_wait3A_157] : memref<10000x128xf32, #tpu.memory_space<hbm>> -> memref<10000x128xf32, #tpu.memory_space<hbm>>
      tpu.wait_indirect_dma semaphore(%arg17 : memref<!tpu.dma_semaphore, #tpu.memory_space<semaphore_mem>>) src(%dma_wait3A_158 : memref<10000x128xf32, #tpu.memory_space<hbm>>) dst(%arg13 : memref<128x128xf32, #tpu.memory_space<vmem>>)
      %add3A_159 = arith.constant 3 : i32
      %add3A_160 = arith.addi %add3A_151, %add3A_159 : i32
      %lt3A = arith.constant 81 : i32
      %lt3A_161 = arith.cmpi slt, %add3A_160, %lt3A : i32
      %convert_element_type3A_162 = arith.extui %lt3A_161 : i1 to i32
      %cond3A_163 = arith.constant 0 : i32
      %cond3A_164 = arith.cmpi ne, %convert_element_type3A_162, %cond3A_163 : i32
      scf.if %cond3A_164 {
        %add3A_250 = arith.constant 3 : i32
        %add3A_251 = arith.addi %add3A_151, %add3A_250 : i32
        %dma_start3A_252 = arith.constant 0 : i32
        %dma_start3A_253 = arith.constant 0 : i32
        %dma_start3A_254 = tpu.memref_slice %arg3[%add3A, %add3A_251, %dma_start3A_252, %dma_start3A_253] : memref<32x81x1x128xi32, #tpu.memory_space<hbm>> -> memref<1x1x1x128xi32, #tpu.memory_space<hbm>>
        %dma_start3A_255 = tpu.memref_squeeze %dma_start3A_254 : memref<1x1x1x128xi32, #tpu.memory_space<hbm>> -> memref<1x128xi32, #tpu.memory_space<hbm>>
        %dma_start3A_256 = arith.constant 0 : i32
        %dma_start3A_257 = arith.constant 0 : i32
        %dma_start3A_258 = tpu.memref_slice %arg3[%add3A, %add3A_251, %dma_start3A_256, %dma_start3A_257] : memref<32x81x1x128xi32, #tpu.memory_space<hbm>> -> memref<1x1x1x128xi32, #tpu.memory_space<hbm>>
        %dma_start3A_259 = tpu.memref_squeeze %dma_start3A_258 : memref<1x1x1x128xi32, #tpu.memory_space<hbm>> -> memref<1x128xi32, #tpu.memory_space<hbm>>
        tpu.enqueue_dma source(%dma_start3A_259 : memref<1x128xi32, #tpu.memory_space<hbm>>) target(%arg7 : memref<1x128xi32, #tpu.memory_space<vmem>>) target_semaphore(%arg20 : memref<!tpu.dma_semaphore, #tpu.memory_space<semaphore_mem>>)
      } else {
      }
      %dma_wait3A_165 = arith.constant 0 : i32
      %dma_wait3A_166 = arith.constant 0 : i32
      %dma_wait3A_167 = arith.constant 0 : i32
      %dma_wait3A_168 = arith.constant 0 : i32
      %dma_wait3A_169 = tpu.memref_slice %arg4[%dma_wait3A_165, %dma_wait3A_166, %dma_wait3A_167, %dma_wait3A_168] : memref<32x81x1x128xi32, #tpu.memory_space<hbm>> -> memref<1x1x1x128xi32, #tpu.memory_space<hbm>>
      %dma_wait3A_170 = tpu.memref_squeeze %dma_wait3A_169 : memref<1x1x1x128xi32, #tpu.memory_space<hbm>> -> memref<1x128xi32, #tpu.memory_space<hbm>>
      %dma_wait3A_171 = arith.constant 0 : i32
      %dma_wait3A_172 = arith.constant 0 : i32
      %dma_wait3A_173 = tpu.memref_slice %arg4[%dma_wait3A_165, %dma_wait3A_166, %dma_wait3A_171, %dma_wait3A_172] : memref<32x81x1x128xi32, #tpu.memory_space<hbm>> -> memref<1x1x1x128xi32, #tpu.memory_space<hbm>>
      %dma_wait3A_174 = tpu.memref_squeeze %dma_wait3A_173 : memref<1x1x1x128xi32, #tpu.memory_space<hbm>> -> memref<1x128xi32, #tpu.memory_space<hbm>>
      tpu.wait_dma2 semaphore(%arg23 : memref<!tpu.dma_semaphore, #tpu.memory_space<semaphore_mem>>) src(%dma_wait3A_174 : memref<1x128xi32, #tpu.memory_space<hbm>>) dst(%arg10 : memref<1x128xi32, #tpu.memory_space<vmem>>)
      %run_scoped3A = arith.constant 0 : i32
      "tpu.region"() ({
        %run_scoped3A_250 = tpu.sem_alloc : memref<!tpu.dma_semaphore, #tpu.memory_space<semaphore_mem>>
        %dma_start3A_251 = arith.constant 0 : i32
        %dma_start3A_252 = tpu.memref_slice %arg10[%run_scoped3A, %dma_start3A_251] : memref<1x128xi32, #tpu.memory_space<vmem>> -> memref<1x128xi32, #tpu.memory_space<vmem>>
        %dma_start3A_253 = tpu.memref_squeeze %dma_start3A_252 : memref<1x128xi32, #tpu.memory_space<vmem>> -> memref<128xi32, #tpu.memory_space<vmem>>
        %dma_start3A_254 = arith.constant 0 : i32
        %dma_start3A_255 = arith.constant 0 : i32
        %dma_start3A_256 = tpu.memref_slice %arg16[%dma_start3A_254, %dma_start3A_255] : memref<10104x128xf32, #tpu.memory_space<vmem_shared>> -> memref<10104x128xf32, #tpu.memory_space<vmem_shared>>
        tpu.enqueue_indirect_dma source(%arg13 : memref<128x128xf32, #tpu.memory_space<vmem>>) target(%dma_start3A_256 : memref<10104x128xf32, #tpu.memory_space<vmem_shared>>) offsets(%dma_start3A_253 : memref<128xi32, #tpu.memory_space<vmem>>) semaphore(%run_scoped3A_250 : memref<!tpu.dma_semaphore, #tpu.memory_space<semaphore_mem>>) {add = true}
        %dma_wait3A_257 = arith.constant 0 : i32
        %dma_wait3A_258 = tpu.memref_slice %arg10[%run_scoped3A, %dma_wait3A_257] : memref<1x128xi32, #tpu.memory_space<vmem>> -> memref<1x128xi32, #tpu.memory_space<vmem>>
        %dma_wait3A_259 = tpu.memref_squeeze %dma_wait3A_258 : memref<1x128xi32, #tpu.memory_space<vmem>> -> memref<128xi32, #tpu.memory_space<vmem>>
        %dma_wait3A_260 = arith.constant 0 : i32
        %dma_wait3A_261 = arith.constant 0 : i32
        %dma_wait3A_262 = tpu.memref_slice %arg16[%dma_wait3A_260, %dma_wait3A_261] : memref<10104x128xf32, #tpu.memory_space<vmem_shared>> -> memref<10104x128xf32, #tpu.memory_space<vmem_shared>>
        tpu.wait_indirect_dma semaphore(%run_scoped3A_250 : memref<!tpu.dma_semaphore, #tpu.memory_space<semaphore_mem>>) src(%arg13 : memref<128x128xf32, #tpu.memory_space<vmem>>) dst(%dma_wait3A_262 : memref<10104x128xf32, #tpu.memory_space<vmem_shared>>)
        tpu.yield
      }) : () -> ()
      %add3A_175 = arith.constant 3 : i32
      %add3A_176 = arith.addi %add3A_151, %add3A_175 : i32
      %lt3A_177 = arith.constant 81 : i32
      %lt3A_178 = arith.cmpi slt, %add3A_176, %lt3A_177 : i32
      %convert_element_type3A_179 = arith.extui %lt3A_178 : i1 to i32
      %cond3A_180 = arith.constant 0 : i32
      %cond3A_181 = arith.cmpi ne, %convert_element_type3A_179, %cond3A_180 : i32
      scf.if %cond3A_181 {
        %add3A_250 = arith.constant 3 : i32
        %add3A_251 = arith.addi %add3A_151, %add3A_250 : i32
        %dma_start3A_252 = arith.constant 0 : i32
        %dma_start3A_253 = arith.constant 0 : i32
        %dma_start3A_254 = tpu.memref_slice %arg4[%add3A, %add3A_251, %dma_start3A_252, %dma_start3A_253] : memref<32x81x1x128xi32, #tpu.memory_space<hbm>> -> memref<1x1x1x128xi32, #tpu.memory_space<hbm>>
        %dma_start3A_255 = tpu.memref_squeeze %dma_start3A_254 : memref<1x1x1x128xi32, #tpu.memory_space<hbm>> -> memref<1x128xi32, #tpu.memory_space<hbm>>
        %dma_start3A_256 = arith.constant 0 : i32
        %dma_start3A_257 = arith.constant 0 : i32
        %dma_start3A_258 = tpu.memref_slice %arg4[%add3A, %add3A_251, %dma_start3A_256, %dma_start3A_257] : memref<32x81x1x128xi32, #tpu.memory_space<hbm>> -> memref<1x1x1x128xi32, #tpu.memory_space<hbm>>
        %dma_start3A_259 = tpu.memref_squeeze %dma_start3A_258 : memref<1x1x1x128xi32, #tpu.memory_space<hbm>> -> memref<1x128xi32, #tpu.memory_space<hbm>>
        tpu.enqueue_dma source(%dma_start3A_259 : memref<1x128xi32, #tpu.memory_space<hbm>>) target(%arg10 : memref<1x128xi32, #tpu.memory_space<vmem>>) target_semaphore(%arg23 : memref<!tpu.dma_semaphore, #tpu.memory_space<semaphore_mem>>)
        %dma_wait3A_260 = arith.constant 0 : i32
        %dma_wait3A_261 = arith.constant 0 : i32
        %dma_wait3A_262 = arith.constant 0 : i32
        %dma_wait3A_263 = arith.constant 0 : i32
        %dma_wait3A_264 = tpu.memref_slice %arg3[%dma_wait3A_260, %dma_wait3A_261, %dma_wait3A_262, %dma_wait3A_263] : memref<32x81x1x128xi32, #tpu.memory_space<hbm>> -> memref<1x1x1x128xi32, #tpu.memory_space<hbm>>
        %dma_wait3A_265 = tpu.memref_squeeze %dma_wait3A_264 : memref<1x1x1x128xi32, #tpu.memory_space<hbm>> -> memref<1x128xi32, #tpu.memory_space<hbm>>
        %dma_wait3A_266 = arith.constant 0 : i32
        %dma_wait3A_267 = arith.constant 0 : i32
        %dma_wait3A_268 = tpu.memref_slice %arg3[%dma_wait3A_260, %dma_wait3A_261, %dma_wait3A_266, %dma_wait3A_267] : memref<32x81x1x128xi32, #tpu.memory_space<hbm>> -> memref<1x1x1x128xi32, #tpu.memory_space<hbm>>
        %dma_wait3A_269 = tpu.memref_squeeze %dma_wait3A_268 : memref<1x1x1x128xi32, #tpu.memory_space<hbm>> -> memref<1x128xi32, #tpu.memory_space<hbm>>
        tpu.wait_dma2 semaphore(%arg20 : memref<!tpu.dma_semaphore, #tpu.memory_space<semaphore_mem>>) src(%dma_wait3A_269 : memref<1x128xi32, #tpu.memory_space<hbm>>) dst(%arg7 : memref<1x128xi32, #tpu.memory_space<vmem>>)
        %dma_start3A_270 = arith.constant 0 : i32
        %dma_start3A_271 = arith.constant 0 : i32
        %dma_start3A_272 = tpu.memref_slice %arg7[%dma_start3A_270, %dma_start3A_271] : memref<1x128xi32, #tpu.memory_space<vmem>> -> memref<1x128xi32, #tpu.memory_space<vmem>>
        %dma_start3A_273 = tpu.memref_squeeze %dma_start3A_272 : memref<1x128xi32, #tpu.memory_space<vmem>> -> memref<128xi32, #tpu.memory_space<vmem>>
        %dma_start3A_274 = arith.constant 0 : i32
        %dma_start3A_275 = arith.constant 0 : i32
        %dma_start3A_276 = tpu.memref_slice %arg2[%dma_start3A_274, %dma_start3A_275] : memref<10000x128xf32, #tpu.memory_space<hbm>> -> memref<10000x128xf32, #tpu.memory_space<hbm>>
        tpu.enqueue_indirect_dma source(%dma_start3A_276 : memref<10000x128xf32, #tpu.memory_space<hbm>>) target(%arg13 : memref<128x128xf32, #tpu.memory_space<vmem>>) offsets(%dma_start3A_273 : memref<128xi32, #tpu.memory_space<vmem>>) semaphore(%arg17 : memref<!tpu.dma_semaphore, #tpu.memory_space<semaphore_mem>>)
      } else {
      }
      %add3A_182 = arith.constant 1 : i32
      %add3A_183 = arith.addi %mul3A_149, %add3A_182 : i32
      %dma_wait3A_184 = arith.constant 0 : i32
      %dma_wait3A_185 = arith.constant 0 : i32
      %dma_wait3A_186 = tpu.memref_slice %arg7[%dma_wait3A_184, %dma_wait3A_185] : memref<1x128xi32, #tpu.memory_space<vmem>> -> memref<1x128xi32, #tpu.memory_space<vmem>>
      %dma_wait3A_187 = tpu.memref_squeeze %dma_wait3A_186 : memref<1x128xi32, #tpu.memory_space<vmem>> -> memref<128xi32, #tpu.memory_space<vmem>>
      %dma_wait3A_188 = arith.constant 0 : i32
      %dma_wait3A_189 = arith.constant 0 : i32
      %dma_wait3A_190 = tpu.memref_slice %arg2[%dma_wait3A_188, %dma_wait3A_189] : memref<10000x128xf32, #tpu.memory_space<hbm>> -> memref<10000x128xf32, #tpu.memory_space<hbm>>
      tpu.wait_indirect_dma semaphore(%arg18 : memref<!tpu.dma_semaphore, #tpu.memory_space<semaphore_mem>>) src(%dma_wait3A_190 : memref<10000x128xf32, #tpu.memory_space<hbm>>) dst(%arg14 : memref<128x128xf32, #tpu.memory_space<vmem>>)
      %add3A_191 = arith.constant 3 : i32
      %add3A_192 = arith.addi %add3A_183, %add3A_191 : i32
      %lt3A_193 = arith.constant 81 : i32
      %lt3A_194 = arith.cmpi slt, %add3A_192, %lt3A_193 : i32
      %convert_element_type3A_195 = arith.extui %lt3A_194 : i1 to i32
      %cond3A_196 = arith.constant 0 : i32
      %cond3A_197 = arith.cmpi ne, %convert_element_type3A_195, %cond3A_196 : i32
      scf.if %cond3A_197 {
        %add3A_250 = arith.constant 3 : i32
        %add3A_251 = arith.addi %add3A_183, %add3A_250 : i32
        %dma_start3A_252 = arith.constant 0 : i32
        %dma_start3A_253 = arith.constant 0 : i32
        %dma_start3A_254 = tpu.memref_slice %arg3[%add3A, %add3A_251, %dma_start3A_252, %dma_start3A_253] : memref<32x81x1x128xi32, #tpu.memory_space<hbm>> -> memref<1x1x1x128xi32, #tpu.memory_space<hbm>>
        %dma_start3A_255 = tpu.memref_squeeze %dma_start3A_254 : memref<1x1x1x128xi32, #tpu.memory_space<hbm>> -> memref<1x128xi32, #tpu.memory_space<hbm>>
        %dma_start3A_256 = arith.constant 0 : i32
        %dma_start3A_257 = arith.constant 0 : i32
        %dma_start3A_258 = tpu.memref_slice %arg3[%add3A, %add3A_251, %dma_start3A_256, %dma_start3A_257] : memref<32x81x1x128xi32, #tpu.memory_space<hbm>> -> memref<1x1x1x128xi32, #tpu.memory_space<hbm>>
        %dma_start3A_259 = tpu.memref_squeeze %dma_start3A_258 : memref<1x1x1x128xi32, #tpu.memory_space<hbm>> -> memref<1x128xi32, #tpu.memory_space<hbm>>
        tpu.enqueue_dma source(%dma_start3A_259 : memref<1x128xi32, #tpu.memory_space<hbm>>) target(%arg8 : memref<1x128xi32, #tpu.memory_space<vmem>>) target_semaphore(%arg21 : memref<!tpu.dma_semaphore, #tpu.memory_space<semaphore_mem>>)
      } else {
      }
      %dma_wait3A_198 = arith.constant 0 : i32
      %dma_wait3A_199 = arith.constant 0 : i32
      %dma_wait3A_200 = arith.constant 0 : i32
      %dma_wait3A_201 = arith.constant 0 : i32
      %dma_wait3A_202 = tpu.memref_slice %arg4[%dma_wait3A_198, %dma_wait3A_199, %dma_wait3A_200, %dma_wait3A_201] : memref<32x81x1x128xi32, #tpu.memory_space<hbm>> -> memref<1x1x1x128xi32, #tpu.memory_space<hbm>>
      %dma_wait3A_203 = tpu.memref_squeeze %dma_wait3A_202 : memref<1x1x1x128xi32, #tpu.memory_space<hbm>> -> memref<1x128xi32, #tpu.memory_space<hbm>>
      %dma_wait3A_204 = arith.constant 0 : i32
      %dma_wait3A_205 = arith.constant 0 : i32
      %dma_wait3A_206 = tpu.memref_slice %arg4[%dma_wait3A_198, %dma_wait3A_199, %dma_wait3A_204, %dma_wait3A_205] : memref<32x81x1x128xi32, #tpu.memory_space<hbm>> -> memref<1x1x1x128xi32, #tpu.memory_space<hbm>>
      %dma_wait3A_207 = tpu.memref_squeeze %dma_wait3A_206 : memref<1x1x1x128xi32, #tpu.memory_space<hbm>> -> memref<1x128xi32, #tpu.memory_space<hbm>>
      tpu.wait_dma2 semaphore(%arg24 : memref<!tpu.dma_semaphore, #tpu.memory_space<semaphore_mem>>) src(%dma_wait3A_207 : memref<1x128xi32, #tpu.memory_space<hbm>>) dst(%arg11 : memref<1x128xi32, #tpu.memory_space<vmem>>)
      %run_scoped3A_208 = arith.constant 0 : i32
      "tpu.region"() ({
        %run_scoped3A_250 = tpu.sem_alloc : memref<!tpu.dma_semaphore, #tpu.memory_space<semaphore_mem>>
        %dma_start3A_251 = arith.constant 0 : i32
        %dma_start3A_252 = tpu.memref_slice %arg11[%run_scoped3A_208, %dma_start3A_251] : memref<1x128xi32, #tpu.memory_space<vmem>> -> memref<1x128xi32, #tpu.memory_space<vmem>>
        %dma_start3A_253 = tpu.memref_squeeze %dma_start3A_252 : memref<1x128xi32, #tpu.memory_space<vmem>> -> memref<128xi32, #tpu.memory_space<vmem>>
        %dma_start3A_254 = arith.constant 0 : i32
        %dma_start3A_255 = arith.constant 0 : i32
        %dma_start3A_256 = tpu.memref_slice %arg16[%dma_start3A_254, %dma_start3A_255] : memref<10104x128xf32, #tpu.memory_space<vmem_shared>> -> memref<10104x128xf32, #tpu.memory_space<vmem_shared>>
        tpu.enqueue_indirect_dma source(%arg14 : memref<128x128xf32, #tpu.memory_space<vmem>>) target(%dma_start3A_256 : memref<10104x128xf32, #tpu.memory_space<vmem_shared>>) offsets(%dma_start3A_253 : memref<128xi32, #tpu.memory_space<vmem>>) semaphore(%run_scoped3A_250 : memref<!tpu.dma_semaphore, #tpu.memory_space<semaphore_mem>>) {add = true}
        %dma_wait3A_257 = arith.constant 0 : i32
        %dma_wait3A_258 = tpu.memref_slice %arg11[%run_scoped3A_208, %dma_wait3A_257] : memref<1x128xi32, #tpu.memory_space<vmem>> -> memref<1x128xi32, #tpu.memory_space<vmem>>
        %dma_wait3A_259 = tpu.memref_squeeze %dma_wait3A_258 : memref<1x128xi32, #tpu.memory_space<vmem>> -> memref<128xi32, #tpu.memory_space<vmem>>
        %dma_wait3A_260 = arith.constant 0 : i32
        %dma_wait3A_261 = arith.constant 0 : i32
        %dma_wait3A_262 = tpu.memref_slice %arg16[%dma_wait3A_260, %dma_wait3A_261] : memref<10104x128xf32, #tpu.memory_space<vmem_shared>> -> memref<10104x128xf32, #tpu.memory_space<vmem_shared>>
        tpu.wait_indirect_dma semaphore(%run_scoped3A_250 : memref<!tpu.dma_semaphore, #tpu.memory_space<semaphore_mem>>) src(%arg14 : memref<128x128xf32, #tpu.memory_space<vmem>>) dst(%dma_wait3A_262 : memref<10104x128xf32, #tpu.memory_space<vmem_shared>>)
        tpu.yield
      }) : () -> ()
      %add3A_209 = arith.constant 3 : i32
      %add3A_210 = arith.addi %add3A_183, %add3A_209 : i32
      %lt3A_211 = arith.constant 81 : i32
      %lt3A_212 = arith.cmpi slt, %add3A_210, %lt3A_211 : i32
      %convert_element_type3A_213 = arith.extui %lt3A_212 : i1 to i32
      %cond3A_214 = arith.constant 0 : i32
      %cond3A_215 = arith.cmpi ne, %convert_element_type3A_213, %cond3A_214 : i32
      scf.if %cond3A_215 {
        %add3A_250 = arith.constant 3 : i32
        %add3A_251 = arith.addi %add3A_183, %add3A_250 : i32
        %dma_start3A_252 = arith.constant 0 : i32
        %dma_start3A_253 = arith.constant 0 : i32
        %dma_start3A_254 = tpu.memref_slice %arg4[%add3A, %add3A_251, %dma_start3A_252, %dma_start3A_253] : memref<32x81x1x128xi32, #tpu.memory_space<hbm>> -> memref<1x1x1x128xi32, #tpu.memory_space<hbm>>
        %dma_start3A_255 = tpu.memref_squeeze %dma_start3A_254 : memref<1x1x1x128xi32, #tpu.memory_space<hbm>> -> memref<1x128xi32, #tpu.memory_space<hbm>>
        %dma_start3A_256 = arith.constant 0 : i32
        %dma_start3A_257 = arith.constant 0 : i32
        %dma_start3A_258 = tpu.memref_slice %arg4[%add3A, %add3A_251, %dma_start3A_256, %dma_start3A_257] : memref<32x81x1x128xi32, #tpu.memory_space<hbm>> -> memref<1x1x1x128xi32, #tpu.memory_space<hbm>>
        %dma_start3A_259 = tpu.memref_squeeze %dma_start3A_258 : memref<1x1x1x128xi32, #tpu.memory_space<hbm>> -> memref<1x128xi32, #tpu.memory_space<hbm>>
        tpu.enqueue_dma source(%dma_start3A_259 : memref<1x128xi32, #tpu.memory_space<hbm>>) target(%arg11 : memref<1x128xi32, #tpu.memory_space<vmem>>) target_semaphore(%arg24 : memref<!tpu.dma_semaphore, #tpu.memory_space<semaphore_mem>>)
        %dma_wait3A_260 = arith.constant 0 : i32
        %dma_wait3A_261 = arith.constant 0 : i32
        %dma_wait3A_262 = arith.constant 0 : i32
        %dma_wait3A_263 = arith.constant 0 : i32
        %dma_wait3A_264 = tpu.memref_slice %arg3[%dma_wait3A_260, %dma_wait3A_261, %dma_wait3A_262, %dma_wait3A_263] : memref<32x81x1x128xi32, #tpu.memory_space<hbm>> -> memref<1x1x1x128xi32, #tpu.memory_space<hbm>>
        %dma_wait3A_265 = tpu.memref_squeeze %dma_wait3A_264 : memref<1x1x1x128xi32, #tpu.memory_space<hbm>> -> memref<1x128xi32, #tpu.memory_space<hbm>>
        %dma_wait3A_266 = arith.constant 0 : i32
        %dma_wait3A_267 = arith.constant 0 : i32
        %dma_wait3A_268 = tpu.memref_slice %arg3[%dma_wait3A_260, %dma_wait3A_261, %dma_wait3A_266, %dma_wait3A_267] : memref<32x81x1x128xi32, #tpu.memory_space<hbm>> -> memref<1x1x1x128xi32, #tpu.memory_space<hbm>>
        %dma_wait3A_269 = tpu.memref_squeeze %dma_wait3A_268 : memref<1x1x1x128xi32, #tpu.memory_space<hbm>> -> memref<1x128xi32, #tpu.memory_space<hbm>>
        tpu.wait_dma2 semaphore(%arg21 : memref<!tpu.dma_semaphore, #tpu.memory_space<semaphore_mem>>) src(%dma_wait3A_269 : memref<1x128xi32, #tpu.memory_space<hbm>>) dst(%arg8 : memref<1x128xi32, #tpu.memory_space<vmem>>)
        %dma_start3A_270 = arith.constant 0 : i32
        %dma_start3A_271 = arith.constant 0 : i32
        %dma_start3A_272 = tpu.memref_slice %arg8[%dma_start3A_270, %dma_start3A_271] : memref<1x128xi32, #tpu.memory_space<vmem>> -> memref<1x128xi32, #tpu.memory_space<vmem>>
        %dma_start3A_273 = tpu.memref_squeeze %dma_start3A_272 : memref<1x128xi32, #tpu.memory_space<vmem>> -> memref<128xi32, #tpu.memory_space<vmem>>
        %dma_start3A_274 = arith.constant 0 : i32
        %dma_start3A_275 = arith.constant 0 : i32
        %dma_start3A_276 = tpu.memref_slice %arg2[%dma_start3A_274, %dma_start3A_275] : memref<10000x128xf32, #tpu.memory_space<hbm>> -> memref<10000x128xf32, #tpu.memory_space<hbm>>
        tpu.enqueue_indirect_dma source(%dma_start3A_276 : memref<10000x128xf32, #tpu.memory_space<hbm>>) target(%arg14 : memref<128x128xf32, #tpu.memory_space<vmem>>) offsets(%dma_start3A_273 : memref<128xi32, #tpu.memory_space<vmem>>) semaphore(%arg18 : memref<!tpu.dma_semaphore, #tpu.memory_space<semaphore_mem>>)
      } else {
      }
      %add3A_216 = arith.constant 2 : i32
      %add3A_217 = arith.addi %mul3A_149, %add3A_216 : i32
      %dma_wait3A_218 = arith.constant 0 : i32
      %dma_wait3A_219 = arith.constant 0 : i32
      %dma_wait3A_220 = tpu.memref_slice %arg7[%dma_wait3A_218, %dma_wait3A_219] : memref<1x128xi32, #tpu.memory_space<vmem>> -> memref<1x128xi32, #tpu.memory_space<vmem>>
      %dma_wait3A_221 = tpu.memref_squeeze %dma_wait3A_220 : memref<1x128xi32, #tpu.memory_space<vmem>> -> memref<128xi32, #tpu.memory_space<vmem>>
      %dma_wait3A_222 = arith.constant 0 : i32
      %dma_wait3A_223 = arith.constant 0 : i32
      %dma_wait3A_224 = tpu.memref_slice %arg2[%dma_wait3A_222, %dma_wait3A_223] : memref<10000x128xf32, #tpu.memory_space<hbm>> -> memref<10000x128xf32, #tpu.memory_space<hbm>>
      tpu.wait_indirect_dma semaphore(%arg19 : memref<!tpu.dma_semaphore, #tpu.memory_space<semaphore_mem>>) src(%dma_wait3A_224 : memref<10000x128xf32, #tpu.memory_space<hbm>>) dst(%arg15 : memref<128x128xf32, #tpu.memory_space<vmem>>)
      %add3A_225 = arith.constant 3 : i32
      %add3A_226 = arith.addi %add3A_217, %add3A_225 : i32
      %lt3A_227 = arith.constant 81 : i32
      %lt3A_228 = arith.cmpi slt, %add3A_226, %lt3A_227 : i32
      %convert_element_type3A_229 = arith.extui %lt3A_228 : i1 to i32
      %cond3A_230 = arith.constant 0 : i32
      %cond3A_231 = arith.cmpi ne, %convert_element_type3A_229, %cond3A_230 : i32
      scf.if %cond3A_231 {
        %add3A_250 = arith.constant 3 : i32
        %add3A_251 = arith.addi %add3A_217, %add3A_250 : i32
        %dma_start3A_252 = arith.constant 0 : i32
        %dma_start3A_253 = arith.constant 0 : i32
        %dma_start3A_254 = tpu.memref_slice %arg3[%add3A, %add3A_251, %dma_start3A_252, %dma_start3A_253] : memref<32x81x1x128xi32, #tpu.memory_space<hbm>> -> memref<1x1x1x128xi32, #tpu.memory_space<hbm>>
        %dma_start3A_255 = tpu.memref_squeeze %dma_start3A_254 : memref<1x1x1x128xi32, #tpu.memory_space<hbm>> -> memref<1x128xi32, #tpu.memory_space<hbm>>
        %dma_start3A_256 = arith.constant 0 : i32
        %dma_start3A_257 = arith.constant 0 : i32
        %dma_start3A_258 = tpu.memref_slice %arg3[%add3A, %add3A_251, %dma_start3A_256, %dma_start3A_257] : memref<32x81x1x128xi32, #tpu.memory_space<hbm>> -> memref<1x1x1x128xi32, #tpu.memory_space<hbm>>
        %dma_start3A_259 = tpu.memref_squeeze %dma_start3A_258 : memref<1x1x1x128xi32, #tpu.memory_space<hbm>> -> memref<1x128xi32, #tpu.memory_space<hbm>>
        tpu.enqueue_dma source(%dma_start3A_259 : memref<1x128xi32, #tpu.memory_space<hbm>>) target(%arg9 : memref<1x128xi32, #tpu.memory_space<vmem>>) target_semaphore(%arg22 : memref<!tpu.dma_semaphore, #tpu.memory_space<semaphore_mem>>)
      } else {
      }
      %dma_wait3A_232 = arith.constant 0 : i32
      %dma_wait3A_233 = arith.constant 0 : i32
      %dma_wait3A_234 = arith.constant 0 : i32
      %dma_wait3A_235 = arith.constant 0 : i32
      %dma_wait3A_236 = tpu.memref_slice %arg4[%dma_wait3A_232, %dma_wait3A_233, %dma_wait3A_234, %dma_wait3A_235] : memref<32x81x1x128xi32, #tpu.memory_space<hbm>> -> memref<1x1x1x128xi32, #tpu.memory_space<hbm>>
      %dma_wait3A_237 = tpu.memref_squeeze %dma_wait3A_236 : memref<1x1x1x128xi32, #tpu.memory_space<hbm>> -> memref<1x128xi32, #tpu.memory_space<hbm>>
      %dma_wait3A_238 = arith.constant 0 : i32
      %dma_wait3A_239 = arith.constant 0 : i32
      %dma_wait3A_240 = tpu.memref_slice %arg4[%dma_wait3A_232, %dma_wait3A_233, %dma_wait3A_238, %dma_wait3A_239] : memref<32x81x1x128xi32, #tpu.memory_space<hbm>> -> memref<1x1x1x128xi32, #tpu.memory_space<hbm>>
      %dma_wait3A_241 = tpu.memref_squeeze %dma_wait3A_240 : memref<1x1x1x128xi32, #tpu.memory_space<hbm>> -> memref<1x128xi32, #tpu.memory_space<hbm>>
      tpu.wait_dma2 semaphore(%arg25 : memref<!tpu.dma_semaphore, #tpu.memory_space<semaphore_mem>>) src(%dma_wait3A_241 : memref<1x128xi32, #tpu.memory_space<hbm>>) dst(%arg12 : memref<1x128xi32, #tpu.memory_space<vmem>>)
      %run_scoped3A_242 = arith.constant 0 : i32
      "tpu.region"() ({
        %run_scoped3A_250 = tpu.sem_alloc : memref<!tpu.dma_semaphore, #tpu.memory_space<semaphore_mem>>
        %dma_start3A_251 = arith.constant 0 : i32
        %dma_start3A_252 = tpu.memref_slice %arg12[%run_scoped3A_242, %dma_start3A_251] : memref<1x128xi32, #tpu.memory_space<vmem>> -> memref<1x128xi32, #tpu.memory_space<vmem>>
        %dma_start3A_253 = tpu.memref_squeeze %dma_start3A_252 : memref<1x128xi32, #tpu.memory_space<vmem>> -> memref<128xi32, #tpu.memory_space<vmem>>
        %dma_start3A_254 = arith.constant 0 : i32
        %dma_start3A_255 = arith.constant 0 : i32
        %dma_start3A_256 = tpu.memref_slice %arg16[%dma_start3A_254, %dma_start3A_255] : memref<10104x128xf32, #tpu.memory_space<vmem_shared>> -> memref<10104x128xf32, #tpu.memory_space<vmem_shared>>
        tpu.enqueue_indirect_dma source(%arg15 : memref<128x128xf32, #tpu.memory_space<vmem>>) target(%dma_start3A_256 : memref<10104x128xf32, #tpu.memory_space<vmem_shared>>) offsets(%dma_start3A_253 : memref<128xi32, #tpu.memory_space<vmem>>) semaphore(%run_scoped3A_250 : memref<!tpu.dma_semaphore, #tpu.memory_space<semaphore_mem>>) {add = true}
        %dma_wait3A_257 = arith.constant 0 : i32
        %dma_wait3A_258 = tpu.memref_slice %arg12[%run_scoped3A_242, %dma_wait3A_257] : memref<1x128xi32, #tpu.memory_space<vmem>> -> memref<1x128xi32, #tpu.memory_space<vmem>>
        %dma_wait3A_259 = tpu.memref_squeeze %dma_wait3A_258 : memref<1x128xi32, #tpu.memory_space<vmem>> -> memref<128xi32, #tpu.memory_space<vmem>>
        %dma_wait3A_260 = arith.constant 0 : i32
        %dma_wait3A_261 = arith.constant 0 : i32
        %dma_wait3A_262 = tpu.memref_slice %arg16[%dma_wait3A_260, %dma_wait3A_261] : memref<10104x128xf32, #tpu.memory_space<vmem_shared>> -> memref<10104x128xf32, #tpu.memory_space<vmem_shared>>
        tpu.wait_indirect_dma semaphore(%run_scoped3A_250 : memref<!tpu.dma_semaphore, #tpu.memory_space<semaphore_mem>>) src(%arg15 : memref<128x128xf32, #tpu.memory_space<vmem>>) dst(%dma_wait3A_262 : memref<10104x128xf32, #tpu.memory_space<vmem_shared>>)
        tpu.yield
      }) : () -> ()
      %add3A_243 = arith.constant 3 : i32
      %add3A_244 = arith.addi %add3A_217, %add3A_243 : i32
      %lt3A_245 = arith.constant 81 : i32
      %lt3A_246 = arith.cmpi slt, %add3A_244, %lt3A_245 : i32
      %convert_element_type3A_247 = arith.extui %lt3A_246 : i1 to i32
      %cond3A_248 = arith.constant 0 : i32
      %cond3A_249 = arith.cmpi ne, %convert_element_type3A_247, %cond3A_248 : i32
      scf.if %cond3A_249 {
        %add3A_250 = arith.constant 3 : i32
        %add3A_251 = arith.addi %add3A_217, %add3A_250 : i32
        %dma_start3A_252 = arith.constant 0 : i32
        %dma_start3A_253 = arith.constant 0 : i32
        %dma_start3A_254 = tpu.memref_slice %arg4[%add3A, %add3A_251, %dma_start3A_252, %dma_start3A_253] : memref<32x81x1x128xi32, #tpu.memory_space<hbm>> -> memref<1x1x1x128xi32, #tpu.memory_space<hbm>>
        %dma_start3A_255 = tpu.memref_squeeze %dma_start3A_254 : memref<1x1x1x128xi32, #tpu.memory_space<hbm>> -> memref<1x128xi32, #tpu.memory_space<hbm>>
        %dma_start3A_256 = arith.constant 0 : i32
        %dma_start3A_257 = arith.constant 0 : i32
        %dma_start3A_258 = tpu.memref_slice %arg4[%add3A, %add3A_251, %dma_start3A_256, %dma_start3A_257] : memref<32x81x1x128xi32, #tpu.memory_space<hbm>> -> memref<1x1x1x128xi32, #tpu.memory_space<hbm>>
        %dma_start3A_259 = tpu.memref_squeeze %dma_start3A_258 : memref<1x1x1x128xi32, #tpu.memory_space<hbm>> -> memref<1x128xi32, #tpu.memory_space<hbm>>
        tpu.enqueue_dma source(%dma_start3A_259 : memref<1x128xi32, #tpu.memory_space<hbm>>) target(%arg12 : memref<1x128xi32, #tpu.memory_space<vmem>>) target_semaphore(%arg25 : memref<!tpu.dma_semaphore, #tpu.memory_space<semaphore_mem>>)
        %dma_wait3A_260 = arith.constant 0 : i32
        %dma_wait3A_261 = arith.constant 0 : i32
        %dma_wait3A_262 = arith.constant 0 : i32
        %dma_wait3A_263 = arith.constant 0 : i32
        %dma_wait3A_264 = tpu.memref_slice %arg3[%dma_wait3A_260, %dma_wait3A_261, %dma_wait3A_262, %dma_wait3A_263] : memref<32x81x1x128xi32, #tpu.memory_space<hbm>> -> memref<1x1x1x128xi32, #tpu.memory_space<hbm>>
        %dma_wait3A_265 = tpu.memref_squeeze %dma_wait3A_264 : memref<1x1x1x128xi32, #tpu.memory_space<hbm>> -> memref<1x128xi32, #tpu.memory_space<hbm>>
        %dma_wait3A_266 = arith.constant 0 : i32
        %dma_wait3A_267 = arith.constant 0 : i32
        %dma_wait3A_268 = tpu.memref_slice %arg3[%dma_wait3A_260, %dma_wait3A_261, %dma_wait3A_266, %dma_wait3A_267] : memref<32x81x1x128xi32, #tpu.memory_space<hbm>> -> memref<1x1x1x128xi32, #tpu.memory_space<hbm>>
        %dma_wait3A_269 = tpu.memref_squeeze %dma_wait3A_268 : memref<1x1x1x128xi32, #tpu.memory_space<hbm>> -> memref<1x128xi32, #tpu.memory_space<hbm>>
        tpu.wait_dma2 semaphore(%arg22 : memref<!tpu.dma_semaphore, #tpu.memory_space<semaphore_mem>>) src(%dma_wait3A_269 : memref<1x128xi32, #tpu.memory_space<hbm>>) dst(%arg9 : memref<1x128xi32, #tpu.memory_space<vmem>>)
        %dma_start3A_270 = arith.constant 0 : i32
        %dma_start3A_271 = arith.constant 0 : i32
        %dma_start3A_272 = tpu.memref_slice %arg9[%dma_start3A_270, %dma_start3A_271] : memref<1x128xi32, #tpu.memory_space<vmem>> -> memref<1x128xi32, #tpu.memory_space<vmem>>
        %dma_start3A_273 = tpu.memref_squeeze %dma_start3A_272 : memref<1x128xi32, #tpu.memory_space<vmem>> -> memref<128xi32, #tpu.memory_space<vmem>>
        %dma_start3A_274 = arith.constant 0 : i32
        %dma_start3A_275 = arith.constant 0 : i32
        %dma_start3A_276 = tpu.memref_slice %arg2[%dma_start3A_274, %dma_start3A_275] : memref<10000x128xf32, #tpu.memory_space<hbm>> -> memref<10000x128xf32, #tpu.memory_space<hbm>>
        tpu.enqueue_indirect_dma source(%dma_start3A_276 : memref<10000x128xf32, #tpu.memory_space<hbm>>) target(%arg15 : memref<128x128xf32, #tpu.memory_space<vmem>>) offsets(%dma_start3A_273 : memref<128xi32, #tpu.memory_space<vmem>>) semaphore(%arg19 : memref<!tpu.dma_semaphore, #tpu.memory_space<semaphore_mem>>)
      } else {
      }
    }
    %scan3A_133 = arith.constant 27 : i32
    %barrier3A_134 = arith.constant 0 : index
    tpu.barrier barrier_id(%barrier3A_134)
    %not3A_135 = arith.constant true
    %not3A_136 = arith.xori %eq3A_3, %not3A_135 : i1
    %convert_element_type3A_137 = arith.extui %not3A_136 : i1 to i32
    %cond3A_138 = arith.constant 0 : i32
    %cond3A_139 = arith.cmpi ne, %convert_element_type3A_137, %cond3A_138 : i32
    scf.if %cond3A_139 {
      "tpu.region"() ({
        %run_scoped3A = tpu.sem_alloc : memref<!tpu.dma_semaphore, #tpu.memory_space<semaphore_mem>>
        %dma_start3A_143 = arith.constant 0 : i32
        %dma_start3A_144 = tpu.memref_slice %arg6[%arg0, %mul3A_2, %dma_start3A_143] : memref<2x10000x128xf32, #tpu.memory_space<hbm>> -> memref<1x624x128xf32, #tpu.memory_space<hbm>>
        %dma_start3A_145 = tpu.memref_squeeze %dma_start3A_144 : memref<1x624x128xf32, #tpu.memory_space<hbm>> -> memref<624x128xf32, #tpu.memory_space<hbm>>
        %dma_start3A_146 = arith.constant 0 : i32
        %dma_start3A_147 = tpu.memref_slice %arg16[%mul3A_2, %dma_start3A_146] : memref<10104x128xf32, #tpu.memory_space<vmem_shared>> -> memref<624x128xf32, #tpu.memory_space<vmem_shared>>
        tpu.enqueue_dma source(%dma_start3A_147 : memref<624x128xf32, #tpu.memory_space<vmem_shared>>) target(%dma_start3A_145 : memref<624x128xf32, #tpu.memory_space<hbm>>) target_semaphore(%run_scoped3A : memref<!tpu.dma_semaphore, #tpu.memory_space<semaphore_mem>>)
        %dma_wait3A_148 = arith.constant 0 : i32
        %dma_wait3A_149 = tpu.memref_slice %arg6[%arg0, %mul3A_2, %dma_wait3A_148] : memref<2x10000x128xf32, #tpu.memory_space<hbm>> -> memref<1x624x128xf32, #tpu.memory_space<hbm>>
        %dma_wait3A_150 = tpu.memref_squeeze %dma_wait3A_149 : memref<1x624x128xf32, #tpu.memory_space<hbm>> -> memref<624x128xf32, #tpu.memory_space<hbm>>
        %dma_wait3A_151 = arith.constant 0 : i32
        %dma_wait3A_152 = tpu.memref_slice %arg16[%mul3A_2, %dma_wait3A_151] : memref<10104x128xf32, #tpu.memory_space<vmem_shared>> -> memref<624x128xf32, #tpu.memory_space<vmem_shared>>
        tpu.wait_dma2 semaphore(%run_scoped3A : memref<!tpu.dma_semaphore, #tpu.memory_space<semaphore_mem>>) src(%dma_wait3A_152 : memref<624x128xf32, #tpu.memory_space<vmem_shared>>) dst(%dma_wait3A_150 : memref<624x128xf32, #tpu.memory_space<hbm>>)
        tpu.yield
      }) : () -> ()
    } else {
    }
    %convert_element_type3A_140 = arith.extui %eq3A_3 : i1 to i32
    %cond3A_141 = arith.constant 0 : i32
    %cond3A_142 = arith.cmpi ne, %convert_element_type3A_140, %cond3A_141 : i32
    scf.if %cond3A_142 {
      "tpu.region"() ({
        %run_scoped3A = tpu.sem_alloc : memref<!tpu.dma_semaphore, #tpu.memory_space<semaphore_mem>>
        %dma_start3A_143 = arith.constant 9360 : i32
        %dma_start3A_144 = arith.constant 0 : i32
        %dma_start3A_145 = tpu.memref_slice %arg6[%arg0, %dma_start3A_143, %dma_start3A_144] : memref<2x10000x128xf32, #tpu.memory_space<hbm>> -> memref<1x640x128xf32, #tpu.memory_space<hbm>>
        %dma_start3A_146 = tpu.memref_squeeze %dma_start3A_145 : memref<1x640x128xf32, #tpu.memory_space<hbm>> -> memref<640x128xf32, #tpu.memory_space<hbm>>
        %dma_start3A_147 = arith.constant 9360 : i32
        %dma_start3A_148 = arith.constant 0 : i32
        %dma_start3A_149 = tpu.memref_slice %arg16[%dma_start3A_147, %dma_start3A_148] : memref<10104x128xf32, #tpu.memory_space<vmem_shared>> -> memref<640x128xf32, #tpu.memory_space<vmem_shared>>
        tpu.enqueue_dma source(%dma_start3A_149 : memref<640x128xf32, #tpu.memory_space<vmem_shared>>) target(%dma_start3A_146 : memref<640x128xf32, #tpu.memory_space<hbm>>) target_semaphore(%run_scoped3A : memref<!tpu.dma_semaphore, #tpu.memory_space<semaphore_mem>>)
        %dma_wait3A_150 = arith.constant 9360 : i32
        %dma_wait3A_151 = arith.constant 0 : i32
        %dma_wait3A_152 = tpu.memref_slice %arg6[%arg0, %dma_wait3A_150, %dma_wait3A_151] : memref<2x10000x128xf32, #tpu.memory_space<hbm>> -> memref<1x640x128xf32, #tpu.memory_space<hbm>>
        %dma_wait3A_153 = tpu.memref_squeeze %dma_wait3A_152 : memref<1x640x128xf32, #tpu.memory_space<hbm>> -> memref<640x128xf32, #tpu.memory_space<hbm>>
        %dma_wait3A_154 = arith.constant 9360 : i32
        %dma_wait3A_155 = arith.constant 0 : i32
        %dma_wait3A_156 = tpu.memref_slice %arg16[%dma_wait3A_154, %dma_wait3A_155] : memref<10104x128xf32, #tpu.memory_space<vmem_shared>> -> memref<640x128xf32, #tpu.memory_space<vmem_shared>>
        tpu.wait_dma2 semaphore(%run_scoped3A : memref<!tpu.dma_semaphore, #tpu.memory_space<semaphore_mem>>) src(%dma_wait3A_156 : memref<640x128xf32, #tpu.memory_space<vmem_shared>>) dst(%dma_wait3A_153 : memref<640x128xf32, #tpu.memory_space<hbm>>)
        tpu.yield
      }) : () -> ()
    } else {
    }
    return
  }
}

module attributes {stable_mosaic.version = 14 : i64} {
  func.func @_tc_first_body(%arg0: i32, %arg1: memref<1000x128xf32, #tpu.memory_space<vmem>>, %arg2: memref<128x128xf32, #tpu.memory_space<vmem>>, %arg3: memref<1x128xf32, #tpu.memory_space<vmem>>, %arg4: memref<128x128xf32, #tpu.memory_space<vmem>>, %arg5: memref<1000x1xf32, #tpu.memory_space<vmem>>, %arg6: memref<1000x128xf32, #tpu.memory_space<vmem>>) attributes {dimension_semantics = [#tpu.dimension_semantics<arbitrary>], iteration_bounds = array<i64: 10>, scalar_prefetch = 0 : i64, scratch_operands = 0 : i64, tpu.core_type = #tpu.core_type<tc>, window_params = [{transform_indices = @transform_0, window_bounds = array<i64: 1000, 128>}, {pipeline_mode = #tpu.pipeline_mode<synchronous>, transform_indices = @transform_1, window_bounds = array<i64: 128, 128>}, {pipeline_mode = #tpu.pipeline_mode<synchronous>, transform_indices = @transform_2, window_bounds = array<i64: 1, 128>}, {pipeline_mode = #tpu.pipeline_mode<synchronous>, transform_indices = @transform_3, window_bounds = array<i64: 128, 128>}, {transform_indices = @transform_4, window_bounds = array<i64: 1000, 1>}, {transform_indices = @transform_5, window_bounds = array<i64: 1000, 128>}]} {
    %get3A = arith.constant 0 : index
    %get3A_0 = arith.constant 0 : index
    %get3A_1 = vector.load %arg1[%get3A, %get3A_0] : memref<1000x128xf32, #tpu.memory_space<vmem>>, vector<1000x128xf32>
    %get3A_2 = arith.constant 0 : index
    %get3A_3 = arith.constant 0 : index
    %get3A_4 = vector.load %arg2[%get3A_2, %get3A_3] : memref<128x128xf32, #tpu.memory_space<vmem>>, vector<128x128xf32>
    %dot_general3A = arith.constant dense<0.000000e+00> : vector<1000x128xf32>
    %dot_general3A_5 = tpu.matmul %get3A_1, %get3A_4, %dot_general3A {dimension_numbers = #tpu.dot_dimension_numbers<[1], [0], [0], [1], [0, 0, 1, 1], [], []>, transpose_lhs_hint = false} : vector<1000x128xf32>, vector<128x128xf32>, vector<1000x128xf32> -> vector<1000x128xf32>
    %get3A_6 = arith.constant 0 : index
    %get3A_7 = arith.constant 0 : index
    %get3A_8 = vector.load %arg3[%get3A_6, %get3A_7] : memref<1x128xf32, #tpu.memory_space<vmem>>, vector<1x128xf32>
    %add3A = vector.broadcast %get3A_8 : vector<1x128xf32> to vector<1000x128xf32>
    %add3A_9 = arith.addf %dot_general3A_5, %add3A : vector<1000x128xf32>
    %get3A_10 = arith.constant 0 : index
    %get3A_11 = arith.constant 0 : index
    %get3A_12 = vector.load %arg4[%get3A_10, %get3A_11] : memref<128x128xf32, #tpu.memory_space<vmem>>, vector<128x128xf32>
    %dot_general3A_13 = arith.constant dense<0.000000e+00> : vector<1000x128xf32>
    %dot_general3A_14 = tpu.matmul %add3A_9, %get3A_12, %dot_general3A_13 {dimension_numbers = #tpu.dot_dimension_numbers<[1], [0], [0], [1], [0, 0, 1, 1], [], []>, transpose_lhs_hint = false} : vector<1000x128xf32>, vector<128x128xf32>, vector<1000x128xf32> -> vector<1000x128xf32>
    %get3A_15 = arith.constant 0 : index
    %get3A_16 = arith.constant 0 : index
    %get3A_17 = vector.load %arg5[%get3A_15, %get3A_16] : memref<1000x1xf32, #tpu.memory_space<vmem>>, vector<1000x1xf32>
    %mul3A = vector.broadcast %get3A_17 : vector<1000x1xf32> to vector<1000x128xf32>
    %mul3A_18 = arith.mulf %dot_general3A_14, %mul3A : vector<1000x128xf32>
    %swap3A = arith.constant 0 : index
    %swap3A_19 = arith.constant 0 : index
    %swap3A_20 = vector.load %arg6[%swap3A, %swap3A_19] : memref<1000x128xf32, #tpu.memory_space<vmem>>, vector<1000x128xf32>
    tpu.vector_store %arg6[%swap3A, %swap3A_19], %mul3A_18 {strides = array<i32>} : memref<1000x128xf32, #tpu.memory_space<vmem>>, vector<1000x128xf32>,
    return
  }
  func.func @transform_0(%arg0: i32) -> (i32, i32) {
    %c0_i32 = arith.constant 0 : i32
    %c0_i32_0 = arith.constant 0 : i32
    return %arg0, %c0_i32 : i32, i32
  }
  func.func @transform_1(%arg0: i32) -> (i32, i32) {
    %c0_i32 = arith.constant 0 : i32
    %c0_i32_0 = arith.constant 0 : i32
    %c0_i32_1 = arith.constant 0 : i32
    return %c0_i32, %c0_i32_0 : i32, i32
  }
  func.func @transform_2(%arg0: i32) -> (i32, i32) {
    %c0_i32 = arith.constant 0 : i32
    %c0_i32_0 = arith.constant 0 : i32
    %c0_i32_1 = arith.constant 0 : i32
    return %c0_i32, %c0_i32_0 : i32, i32
  }
  func.func @transform_3(%arg0: i32) -> (i32, i32) {
    %c0_i32 = arith.constant 0 : i32
    %c0_i32_0 = arith.constant 0 : i32
    %c0_i32_1 = arith.constant 0 : i32
    return %c0_i32, %c0_i32_0 : i32, i32
  }
  func.func @transform_4(%arg0: i32) -> (i32, i32) {
    %c0_i32 = arith.constant 0 : i32
    %c0_i32_0 = arith.constant 0 : i32
    return %arg0, %c0_i32 : i32, i32
  }
  func.func @transform_5(%arg0: i32) -> (i32, i32) {
    %c0_i32 = arith.constant 0 : i32
    %c0_i32_0 = arith.constant 0 : i32
    return %arg0, %c0_i32 : i32, i32
  }
}

module attributes {stable_mosaic.version = 14 : i64} {
  func.func @_tc_mid_body(%arg0: i32, %arg1: memref<2x1000x128xf32, #tpu.memory_space<vmem>>, %arg2: memref<1x128xf32, #tpu.memory_space<vmem>>, %arg3: memref<128x128xf32, #tpu.memory_space<vmem>>, %arg4: memref<1000x1xf32, #tpu.memory_space<vmem>>, %arg5: memref<1000x128xf32, #tpu.memory_space<vmem>>) attributes {dimension_semantics = [#tpu.dimension_semantics<arbitrary>], iteration_bounds = array<i64: 10>, scalar_prefetch = 0 : i64, scratch_operands = 0 : i64, tpu.core_type = #tpu.core_type<tc>, window_params = [{transform_indices = @transform_0, window_bounds = array<i64: 2, 1000, 128>}, {pipeline_mode = #tpu.pipeline_mode<synchronous>, transform_indices = @transform_1, window_bounds = array<i64: 1, 128>}, {pipeline_mode = #tpu.pipeline_mode<synchronous>, transform_indices = @transform_2, window_bounds = array<i64: 128, 128>}, {transform_indices = @transform_3, window_bounds = array<i64: 1000, 1>}, {transform_indices = @transform_4, window_bounds = array<i64: 1000, 128>}]} {
    %get3A = arith.constant 0 : index
    %get3A_0 = arith.constant 0 : index
    %get3A_1 = vector.load %arg4[%get3A, %get3A_0] : memref<1000x1xf32, #tpu.memory_space<vmem>>, vector<1000x1xf32>
    %get3A_2 = arith.constant 0 : index
    %get3A_3 = arith.constant 0 : index
    %get3A_4 = arith.constant 0 : index
    %get3A_5 = vector.load %arg1[%get3A_2, %get3A_3, %get3A_4] : memref<2x1000x128xf32, #tpu.memory_space<vmem>>, vector<1x1000x128xf32>
    %get3A_6 = vector.shape_cast %get3A_5 : vector<1x1000x128xf32> to vector<1000x128xf32>
    %get3A_7 = arith.constant 1 : index
    %get3A_8 = arith.constant 0 : index
    %get3A_9 = arith.constant 0 : index
    %get3A_10 = vector.load %arg1[%get3A_7, %get3A_8, %get3A_9] : memref<2x1000x128xf32, #tpu.memory_space<vmem>>, vector<1x1000x128xf32>
    %get3A_11 = vector.shape_cast %get3A_10 : vector<1x1000x128xf32> to vector<1000x128xf32>
    %add3A = arith.addf %get3A_6, %get3A_11 : vector<1000x128xf32>
    %mul3A = vector.broadcast %get3A_1 : vector<1000x1xf32> to vector<1000x128xf32>
    %mul3A_12 = arith.mulf %mul3A, %add3A : vector<1000x128xf32>
    %get3A_13 = arith.constant 0 : index
    %get3A_14 = arith.constant 0 : index
    %get3A_15 = vector.load %arg2[%get3A_13, %get3A_14] : memref<1x128xf32, #tpu.memory_space<vmem>>, vector<1x128xf32>
    %add3A_16 = vector.broadcast %get3A_15 : vector<1x128xf32> to vector<1000x128xf32>
    %add3A_17 = arith.addf %mul3A_12, %add3A_16 : vector<1000x128xf32>
    %max3A = arith.constant 0.000000e+00 : f32
    %max3A_18 = vector.broadcast %max3A : f32 to vector<1000x128xf32>
    %max3A_19 = arith.maximumf %add3A_17, %max3A_18 : vector<1000x128xf32>
    %get3A_20 = arith.constant 0 : index
    %get3A_21 = arith.constant 0 : index
    %get3A_22 = vector.load %arg3[%get3A_20, %get3A_21] : memref<128x128xf32, #tpu.memory_space<vmem>>, vector<128x128xf32>
    %dot_general3A = arith.constant dense<0.000000e+00> : vector<1000x128xf32>
    %dot_general3A_23 = tpu.matmul %max3A_19, %get3A_22, %dot_general3A {dimension_numbers = #tpu.dot_dimension_numbers<[1], [0], [0], [1], [0, 0, 1, 1], [], []>, transpose_lhs_hint = false} : vector<1000x128xf32>, vector<128x128xf32>, vector<1000x128xf32> -> vector<1000x128xf32>
    %get3A_24 = arith.constant 0 : index
    %get3A_25 = arith.constant 0 : index
    %get3A_26 = vector.load %arg4[%get3A_24, %get3A_25] : memref<1000x1xf32, #tpu.memory_space<vmem>>, vector<1000x1xf32>
    %mul3A_27 = vector.broadcast %get3A_26 : vector<1000x1xf32> to vector<1000x128xf32>
    %mul3A_28 = arith.mulf %dot_general3A_23, %mul3A_27 : vector<1000x128xf32>
    %swap3A = arith.constant 0 : index
    %swap3A_29 = arith.constant 0 : index
    %swap3A_30 = vector.load %arg5[%swap3A, %swap3A_29] : memref<1000x128xf32, #tpu.memory_space<vmem>>, vector<1000x128xf32>
    tpu.vector_store %arg5[%swap3A, %swap3A_29], %mul3A_28 {strides = array<i32>} : memref<1000x128xf32, #tpu.memory_space<vmem>>, vector<1000x128xf32>,
    return
  }
  func.func @transform_0(%arg0: i32) -> (i32, i32, i32) {
    %c0_i32 = arith.constant 0 : i32
    %c0_i32_0 = arith.constant 0 : i32
    %c0_i32_1 = arith.constant 0 : i32
    return %c0_i32, %arg0, %c0_i32_0 : i32, i32, i32
  }
  func.func @transform_1(%arg0: i32) -> (i32, i32) {
    %c0_i32 = arith.constant 0 : i32
    %c0_i32_0 = arith.constant 0 : i32
    %c0_i32_1 = arith.constant 0 : i32
    return %c0_i32, %c0_i32_0 : i32, i32
  }
  func.func @transform_2(%arg0: i32) -> (i32, i32) {
    %c0_i32 = arith.constant 0 : i32
    %c0_i32_0 = arith.constant 0 : i32
    %c0_i32_1 = arith.constant 0 : i32
    return %c0_i32, %c0_i32_0 : i32, i32
  }
  func.func @transform_3(%arg0: i32) -> (i32, i32) {
    %c0_i32 = arith.constant 0 : i32
    %c0_i32_0 = arith.constant 0 : i32
    return %arg0, %c0_i32 : i32, i32
  }
  func.func @transform_4(%arg0: i32) -> (i32, i32) {
    %c0_i32 = arith.constant 0 : i32
    %c0_i32_0 = arith.constant 0 : i32
    return %arg0, %c0_i32 : i32, i32
  }
}

module attributes {stable_mosaic.version = 14 : i64} {
  func.func @_tc_last_body(%arg0: i32, %arg1: memref<2x1000x128xf32, #tpu.memory_space<vmem>>, %arg2: memref<1x128xf32, #tpu.memory_space<vmem>>, %arg3: memref<1000x1xf32, #tpu.memory_space<vmem>>, %arg4: memref<1000x128xf32, #tpu.memory_space<vmem>>) attributes {dimension_semantics = [#tpu.dimension_semantics<arbitrary>], iteration_bounds = array<i64: 10>, scalar_prefetch = 0 : i64, scratch_operands = 0 : i64, tpu.core_type = #tpu.core_type<tc>, window_params = [{transform_indices = @transform_0, window_bounds = array<i64: 2, 1000, 128>}, {pipeline_mode = #tpu.pipeline_mode<synchronous>, transform_indices = @transform_1, window_bounds = array<i64: 1, 128>}, {transform_indices = @transform_2, window_bounds = array<i64: 1000, 1>}, {transform_indices = @transform_3, window_bounds = array<i64: 1000, 128>}]} {
    %get3A = arith.constant 0 : index
    %get3A_0 = arith.constant 0 : index
    %get3A_1 = vector.load %arg3[%get3A, %get3A_0] : memref<1000x1xf32, #tpu.memory_space<vmem>>, vector<1000x1xf32>
    %get3A_2 = arith.constant 0 : index
    %get3A_3 = arith.constant 0 : index
    %get3A_4 = arith.constant 0 : index
    %get3A_5 = vector.load %arg1[%get3A_2, %get3A_3, %get3A_4] : memref<2x1000x128xf32, #tpu.memory_space<vmem>>, vector<1x1000x128xf32>
    %get3A_6 = vector.shape_cast %get3A_5 : vector<1x1000x128xf32> to vector<1000x128xf32>
    %get3A_7 = arith.constant 1 : index
    %get3A_8 = arith.constant 0 : index
    %get3A_9 = arith.constant 0 : index
    %get3A_10 = vector.load %arg1[%get3A_7, %get3A_8, %get3A_9] : memref<2x1000x128xf32, #tpu.memory_space<vmem>>, vector<1x1000x128xf32>
    %get3A_11 = vector.shape_cast %get3A_10 : vector<1x1000x128xf32> to vector<1000x128xf32>
    %add3A = arith.addf %get3A_6, %get3A_11 : vector<1000x128xf32>
    %mul3A = vector.broadcast %get3A_1 : vector<1000x1xf32> to vector<1000x128xf32>
    %mul3A_12 = arith.mulf %mul3A, %add3A : vector<1000x128xf32>
    %get3A_13 = arith.constant 0 : index
    %get3A_14 = arith.constant 0 : index
    %get3A_15 = vector.load %arg2[%get3A_13, %get3A_14] : memref<1x128xf32, #tpu.memory_space<vmem>>, vector<1x128xf32>
    %add3A_16 = vector.broadcast %get3A_15 : vector<1x128xf32> to vector<1000x128xf32>
    %add3A_17 = arith.addf %mul3A_12, %add3A_16 : vector<1000x128xf32>
    %swap3A = arith.constant 0 : index
    %swap3A_18 = arith.constant 0 : index
    %swap3A_19 = vector.load %arg4[%swap3A, %swap3A_18] : memref<1000x128xf32, #tpu.memory_space<vmem>>, vector<1000x128xf32>
    tpu.vector_store %arg4[%swap3A, %swap3A_18], %add3A_17 {strides = array<i32>} : memref<1000x128xf32, #tpu.memory_space<vmem>>, vector<1000x128xf32>,
    return
  }
  func.func @transform_0(%arg0: i32) -> (i32, i32, i32) {
    %c0_i32 = arith.constant 0 : i32
    %c0_i32_0 = arith.constant 0 : i32
    %c0_i32_1 = arith.constant 0 : i32
    return %c0_i32, %arg0, %c0_i32_0 : i32, i32, i32
  }
  func.func @transform_1(%arg0: i32) -> (i32, i32) {
    %c0_i32 = arith.constant 0 : i32
    %c0_i32_0 = arith.constant 0 : i32
    %c0_i32_1 = arith.constant 0 : i32
    return %c0_i32, %c0_i32_0 : i32, i32
  }
  func.func @transform_2(%arg0: i32) -> (i32, i32) {
    %c0_i32 = arith.constant 0 : i32
    %c0_i32_0 = arith.constant 0 : i32
    return %arg0, %c0_i32 : i32, i32
  }
  func.func @transform_3(%arg0: i32) -> (i32, i32) {
    %c0_i32 = arith.constant 0 : i32
    %c0_i32_0 = arith.constant 0 : i32
    return %arg0, %c0_i32 : i32, i32
  }
}

</mosaic_0001>

<sc_bundles>
// kernel: kernel.10.cloned.1.call-start
scs
__scs_entry_jumppad:
0x0: {  	(pc) =	sbr.rel $0x88, $3  }
0x1: {  	(tag) =	ssettag $0x0;
	lr =	simm.s32 $0x1  }
0x2: {  	[smem:$0x3F97] =	sst lr;
	_ =	strace $0xD0000000  }
0x3: {  	_ = 	snop  }
0x4: {  	_ = 	snop  }
0x5: {  	_ = 	snop  }
0x6: {  	_ = 	snop  }
0x7: {  	_ = 	snop  }
__scs_overlays_trampoline_lowered:
0x8: {  	[smem:$0x3FA6] =	sst s0  }
0x9: {  	[smem:$0x3FA7] =	sst s1  }
0xa: {  	[smem:$0x3FA8] =	sst s2  }
0xb: {  	[smem:$0x3FA9] =	sst s3  }
0xc: {  	[smem:$0x3FAA] =	sst s4  }
0xd: {  	[smem:$0x3FAB] =	sst s5  }
0xe: {  	[smem:$0x3FAC] =	sst s6  }
0xf: {  	[smem:$0x3FAD] =	sst s7  }
0x10: {  	[smem:$0x3FAE] =	sst s8  }
0x11: {  	[smem:$0x3FAF] =	sst s9;
	s0 =	simm.s32 @!p0 $0x0  }
0x12: {  	s1 =	sld [smem:$0x3F95];
	s0 =	simm.s32 @p0 $0x1  }
0x13: {  	[smem:$0x3FB0] =	sst s0;
	s0 =	simm.s32 @!p1 $0x0  }
0x14: {  	s2 =	sld [smem:$0x3F94];
	s0 =	simm.s32 @p1 $0x1  }
0x15: {  	[smem:$0x3FB1] =	sst s0;
	s0 =	simm.s32 @!p2 $0x0  }
0x16: {  	s3 =	sld [smem:$0x3FDB];
	s0 =	simm.s32 @p2 $0x1  }
0x17: {  	s4 =	simm.s32 $0x1BF5;
	[smem:$0x3FB3] =	sst s0  }
0x18: {  	s0 =	sld [smem:$0x3F96];
	_ =	swait.ge [sflag:s4], $0x0  }
0x19: {  	s7 =	sld [smem:$0x3F97]  }
0x1a: {  	s8 =	sadd.s32 $0xFFFFE003, lr  }
0x1b: {  	s9 =	sadd.s32 $0xFFFFFEF7, lr;
	s5 =	simm.s32 $0xFFFFFFFF;
	p2 =	slt.u32 s8, $0xFFFFF086  }
0x1c: {  	p1 =	slt.u32 s9, $0xF7A;
	s5 =	simm.s32 @!p2 $0x0  }
0x1d: {  	s5 =	simm.s32 @p1 $0x1;
	p0 =	seq.s32 s7, s2  }
0x1e: {  	s7 =	smul.u32 @!p0 $0xF7A, s2;
	p2 =	seq.s32 @!p0 s5, $0x0  }
0x1f: {  	s9 =	smul.u32 $0xF7A, s1;
	s8 =	simm.s32 @!p0 $0x1BF5;
	p2 =	por !p2, p0  }
0x20: {  	[sflag:s8] =	ssyncset.s32 @!p0 $0xFFFFF086;
	s6 =	sadd.s32 @!p0 s3, s7;
	s7 =	simm.s32 @!p0 $0x108  }
0x21: {  	s3 =	sadd.s32 s3, s9;
	s6 =	sadd.s32 @!p0 $0x88, s6;
	s7 =	simm.s32 @p2 $0x1082  }
0x22: {  	[simem:s7], [sflag:s8] =	dma.local @!p0 [hbm:s6], $0xF7A  }
0x23: {  	s9 =	sor.u32 $0xD0000000, s2;
	s6 =	simm.s32 $0x108;
	_ =	swait.ge @!p0 [sflag:s8], $0x0  }
0x24: {  	s3 =	sadd.s32 $0x88, s3;
	s6 =	simm.s32 @!p1 $0x1082;
	[sflag:s4] =	ssyncset.s32 $0xFFFFF086  }
0x25: {  	[simem:s6], [sflag:s4] =	dma.local [hbm:s3], $0xF7A  }
0x26: {  	[smem:$0x3F97] =	sst s1;
	(tag) =	ssettag s2;
	_ =	strace s9  }
0x27: {  	s1 =	sld [smem:$0x3FA7]  }
0x28: {  	s2 =	sld [smem:$0x3FA8]  }
0x29: {  	s4 =	sld [smem:$0x3FAA]  }
0x2a: {  	p0 =	seq.s32 s5, $0x0;
	s5 =	sld [smem:$0x3FAB]  }
0x2b: {  	s6 =	sld [smem:$0x3FAC]  }
0x2c: {  	s7 =	sld [smem:$0x3FAD]  }
0x2d: {  	s3 =	simm.s32 $0x108;
	s8 =	sld [smem:$0x3FAE]  }
0x2e: {  	s3 =	simm.s32 @!p0 $0x1082;
	s9 =	sld [smem:$0x3FAF]  }
0x2f: {  	lr =	sadd.s32 s0, s3;
	s0 =	sld [smem:$0x3FA6]  }
0x30: {  	s3 =	sld [smem:$0x3FA9]  }
0x31: {  	[smem:$0x3FB2] =	sst s10  }
0x32: {  	s10 =	sld [smem:$0x3FB0];
	_ =	sdelay $0x3  }
0x33: {  	p0 =	seq.s32 s10, $0x1;
	s10 =	sld [smem:$0x3FB2];
	_ =	sdelay $0x3  }
0x34: {  	[smem:$0x3FB2] =	sst s10  }
0x35: {  	s10 =	sld [smem:$0x3FB1];
	_ =	sdelay $0x3  }
0x36: {  	p1 =	seq.s32 s10, $0x1;
	s10 =	sld [smem:$0x3FB2];
	_ =	sdelay $0x3  }
0x37: {  	[smem:$0x3FB2] =	sst s10  }
0x38: {  	s10 =	sld [smem:$0x3FB3]  }
0x39: {  	_ = 	snop;
	(pc) =	sbr.ind lr, $3  }
0x3a: {  	_ = 	snop  }
0x3b: {  	_ = 	snop  }
0x3c: {  	p2 =	seq.s32 s10, $0x1;
	s10 =	sld [smem:$0x3FB2]  }
0x3d: {  	_ =	shalt  }
0x3e: {  	_ =	shalt  }
0x3f: {  	_ =	shalt  }
0x40: {  	_ =	shalt  }
0x41: {  	_ =	shalt  }
0x42: {  	_ =	shalt  }
0x43: {  	_ =	shalt  }
0x44: {  	_ =	shalt  }
0x45: {  	_ =	shalt  }
0x46: {  	_ =	shalt  }
0x47: {  	_ =	shalt  }
0x48: {  	_ =	shalt  }
0x49: {  	_ =	shalt  }
0x4a: {  	_ =	shalt  }
0x4b: {  	_ =	shalt  }
0x4c: {  	_ =	shalt  }
0x4d: {  	_ =	shalt  }
0x4e: {  	_ =	shalt  }
0x4f: {  	_ =	shalt  }
0x50: {  	_ =	shalt  }
0x51: {  	_ =	shalt  }
0x52: {  	_ =	shalt  }
0x53: {  	_ =	shalt  }
0x54: {  	_ =	shalt  }
0x55: {  	_ =	shalt  }
0x56: {  	_ =	shalt  }
0x57: {  	_ =	shalt  }
0x58: {  	_ =	shalt  }
0x59: {  	_ =	shalt  }
0x5a: {  	_ =	shalt  }
0x5b: {  	_ =	shalt  }
0x5c: {  	_ =	shalt  }
0x5d: {  	_ =	shalt  }
0x5e: {  	_ =	shalt  }
0x5f: {  	_ =	shalt  }
0x60: {  	_ =	shalt  }
0x61: {  	_ =	shalt  }
0x62: {  	_ =	shalt  }
0x63: {  	_ =	shalt  }
0x64: {  	_ =	shalt  }
0x65: {  	_ =	shalt  }
0x66: {  	_ =	shalt  }
0x67: {  	_ =	shalt  }
0x68: {  	_ =	shalt  }
0x69: {  	_ =	shalt  }
0x6a: {  	_ =	shalt  }
0x6b: {  	_ =	shalt  }
0x6c: {  	_ =	shalt  }
0x6d: {  	_ =	shalt  }
0x6e: {  	_ =	shalt  }
0x6f: {  	_ =	shalt  }
0x70: {  	_ =	shalt  }
0x71: {  	_ =	shalt  }
0x72: {  	_ =	shalt  }
0x73: {  	_ =	shalt  }
0x74: {  	_ =	shalt  }
0x75: {  	_ =	shalt  }
0x76: {  	_ =	shalt  }
0x77: {  	_ =	shalt  }
0x78: {  	_ =	shalt  }
0x79: {  	_ =	shalt  }
0x7a: {  	_ =	shalt  }
0x7b: {  	_ =	shalt  }
0x7c: {  	_ =	shalt  }
0x7d: {  	_ =	shalt  }
0x7e: {  	_ =	shalt  }
0x7f: {  	_ =	shalt  }
0x80: {  	_ =	shalt  }
0x81: {  	_ =	shalt  }
0x82: {  	_ =	shalt  }
0x83: {  	_ =	shalt  }
0x84: {  	_ =	shalt  }
0x85: {  	_ =	shalt  }
0x86: {  	_ =	shalt  }
0x87: {  	_ =	shalt  }
.Lfunc_end0:
.L_simem_size_0:
called_computation_lowered:
.L_overlay_start_0:
0x88: {  	s2 =	sld [smem:$0x3FD9]  }
0x89: {  	s3 =	sld [smem:$0x3FFE];
	_ =	sdelay $0x1  }
0x8a: {  	s1 =	srdreg.scid  }
0x8b: {  	s0 =	sand.u32 $0x1, s1  }
0x8c: {  	s17 =	sshll.u32 s0, $0xA;
	s2 =	sadd.s32 s3, s2  }
0x8d: {  	s2 =	sadd.s32 s2, s17  }
0x8e: {  	[smem:$0x3FBE] =	sst s2  }
0x8f: {  	_ = 	snop  }
0x90: {  	s2 =	sld [smem:$0x3FD0];
	(tm) =	ssettm $0x1  }
0x91: {  	s18 =	sld [smem:$0x3FFB];
	_ =	sdelay $0x3  }
0x92: {  	_ =	strace s18  }
0x93: {  	s3 =	sld [smem:$0x3FFC];
	_ =	sdelay $0x3  }
0x94: {  	_ =	strace s3  }
0x95: {  	s3 =	sld [smem:$0x3FFD];
	_ =	sdelay $0x3  }
0x96: {  	_ =	strace s3  }
0x97: {  	_ =	strace $0x8FFFFFFF  }
0x98: {  	s19 =	sld [smem:$0x3FDB];
	_ =	sdelay $0x1  }
0x99: {  	s4 =	simm.s32 $_scs_section_size  }
0x9a: {  	s5 =	simm.s32 $_size__tile_overlayer_lowered;
	s6 =	simm.s32 $_tile_overlayer_lowered  }
0x9b: {  	s22 =	simm.s32 $0x1BFF;
	s21 =	sshll.u32 s6, $0x1;
	s3 =	sadd.s32 s4, s19  }
0x9c: {  	s7 =	simm.s32 $0x0;
	s20 =	sshll.u32 s5, $0x1;
	s5 =	sadd.s32 s21, s3  }
0x9d: {  	[timem:s7], [sflag:s22] =	dma.local [hbm:s5], s20  }
0x9e: {  	_ =	swait.ge [sflag:s22], s20  }
0x9f: {  	s4 =	ssub.s32 $0x0, s20;
	[sflag:s22] =	ssyncset.done $0x0  }
0xa0: {  	[sflag:s22] =	ssyncadd.s32 s4;
	_ =	sdelay $0x1  }
0xa1: {  	s23 =	simm.s32 $0x1B8B  }
0xa2: {  	_ =	swait.ge [sflag:s23], $0x1  }
0xa3: {  	[sflag:s23] =	ssyncset.done $0x0  }
0xa4: {  	s25 =	simm.s32 $0x1B8E;
	s24 =	sld [smem:$0x3FFE];
	[sflag:s23] =	ssyncadd.s32 $0xFFFFFFFF  }
0xa5: {  	s26 =	simm.s32 $execute0_lowered;
	[smem:$0x3FD2] =	sst s25  }
0xa6: {  	s5 =	sshll.u32 s26, $0x1;
	_ =	strace $0x80000046;
	[dreg:$0x1] =	wrdreg $0xFFFFFFFF  }
0xa7: {  	s28 =	simm.s32 $_size_execute0_lowered;
	s3 =	sadd.s32 s3, s5;
	[dreg:$0x0] =	wrdreg $0x0  }
0xa8: {  	s5 =	sshll.u32 s28, $0x1;
	[dreg:$0x2] =	wrdreg s3  }
0xa9: {  	[dreg:$0x3] =	wrdreg s5  }
0xaa: {  	[dreg:$0x4] =	wrdreg $0xC0  }
0xab: {  	_ =	task [dreg:s7], $0x5FFFF  }
0xac: {  	[dreg:$0x1] =	wrdreg $0xFFFFFFFF  }
0xad: {  	[dreg:$0x0] =	wrdreg $0x60  }
0xae: {  	[dreg:$0x2] =	wrdreg s2  }
0xaf: {  	[dreg:$0x3] =	wrdreg s24  }
0xb0: {  	[dreg:$0x4] =	wrdreg $0x2F000  }
0xb1: {  	[dreg:$0x5] =	wrdreg $0x9  }
0xb2: {  	_ =	task.clear_ibuf [dreg:s7], $0x6FFFF;
	_ =	strace $0x90000046  }
0xb3: {  	s29 =	simm.s32 $0x9;
	_ =	strace $0x80000048  }
0xb4: {  	_ =	swait.ge [sflag:s29], $0x1  }
0xb5: {  	[sflag:s29] =	ssyncadd.s32 $0xFFFFFFFF  }
0xb6: {  	_ =	strace $0x90000048  }
0xb7: {  	_ =	sfence  }
0xb8: {  	s30 =	sld [smem:$0x0];
	_ =	sdelay $0x2  }
0xb9: {  	s31 =	sshll.u32 s1, $0xD;
	s1 =	sshrl.u32 s1, $0x2  }
0xba: {  	s3 =	sand.u32 $0x4000, s31;
	s1 =	sadd.s32 s1, s30  }
0xbb: {  	s0 =	sor.u32 s3, s0;
	s1 =	sshll.u32 s1, $0x11  }
0xbc: {  	s0 =	sor.u32 s1, s0  }
0xbd: {  	s0 =	sadd.s32 $0x8F2B, s0  }
0xbe: {  	[sflag:s0] =	ssyncadd.remote.s32 $0x1  }
0xbf: {  	_ =	sfence.sel $0xFFFF  }
0xc0: {  	[dreg:$0x0] =	wrdreg $0xFFFFFFFF;
	(pc) =	sbr.abs _section_cstart, $3  }
0xc1: {  	[dreg:$0x1] =	wrdreg $0xFFFFFFFF  }
0xc2: {  	_ =	task.clear_ibuf [dreg:s7], $0x2FFFF;
	_ =	strace $0x9FFFFFFF  }
0xc3: {  	(tm) =	ssettm $0x7FFFFFFF  }
tec
execute0_lowered:
.L_overlay_start_1:
0x0: {  	(tag) =	ssettag $0x1  }
0x1: {  	s4 =	rddreg [dreg:$0x0]  }
0x2: {  	s5 =	rddreg [dreg:$0x1];
	s1 =	srdreg.scid  }
0x3: {  	s0 =	stileid.u32;
	s2 =	rddreg [dreg:$0x2];
	s3 =	simm.s32 $0x0  }
0x4: {  	s11 =	simm.s32 $0x2C00;
	s6 =	sand.u32 $0x1, s1;
	s1 =	rddreg [dreg:$0x3]  }
0x5: {  	s14 =	simm.s32 $0x0;
	s7 =	smul.u32 $0x280, s0;
	[smem:$0x7FF] =	sst s3  }
0x6: {  	s12 =	sshll.u32 s0, $0x6;
	s8 =	smul.u32 $0x2800, s6;
	s9 =	sshll.u32 s6, $0x4  }
0x7: {  	s6 =	ssub.s32 $0x2, s6;
	_ =	strace $0x80000047;
	s9 =	sor.u32 s0, s9  }
0x8: {  	s10 =	sshrl.u32 s6, $0x1;
	s8 =	sadd.s32 s7, s8;
	s9 =	smul.u32 $0x580, s9  }
0x9: {  	s12 =	sor.u32 $0x1C01, s12;
	s10 =	ssub.s32 s6, s10;
	s8 =	sshrl.u32 s8, $0x3  }
0xa: {  	s8 =	sadd.s32 s8, s5;
	s4 =	sadd.s32 s4, s9;
	s5 =	sadd.s32 s7, s2  }
0xb: {  	s7 =	smax.u32 s10, $0x1;
	s9 =	simm.s32 $0x2C80;
	s10 =	simm.s32 $0x80  }
0xc: {  	v0 =	vimm.f32 $1.000000000e+00;
	v1 =	vimm.f32 $0.0e+00;
	s6 =	sadd.s32 $0x17400, s8;
	s8 =	simm.s32 $0x1;
	s13 =	sshrl.u32 s5, $0x3  }
.LBB2_1:
0xd: {  	[tilespmem:s3], [sflag:$0x1] =	stream.linear.gather [hbm4b:s4+s3], $0x2880, $0x38;
	[tilespmem:$0x3180] =	vst v63  }
0xe: {  	_ =	swait.ge [sflag:s8], $0x2880  }
0xf: {  	[sflag:s8] =	ssyncset.done $0x0  }
0x10: {  	[sflag:s8] =	ssyncadd.s32 $0xFFFFD780  }
0x11: {  	[tilespmem:$0x2C00] =	vst v0  }
0x12: {  	[tilespmem:$0x2C10] =	vst v0  }
0x13: {  	[tilespmem:$0x2C20] =	vst v0  }
0x14: {  	[tilespmem:$0x2C30] =	vst v0  }
0x15: {  	[tilespmem:$0x2C40] =	vst v0  }
0x16: {  	[tilespmem:$0x2C50] =	vst v0  }
0x17: {  	[tilespmem:$0x2C60] =	vst v0  }
0x18: {  	[tilespmem:$0x2C70] =	vst v0  }
0x19: {  	[tilespmem:$0x2C80] =	vst v1  }
0x1a: {  	[tilespmem:$0x2C90] =	vst v1  }
0x1b: {  	[tilespmem:$0x2CA0] =	vst v1  }
0x1c: {  	[tilespmem:$0x2CB0] =	vst v1  }
0x1d: {  	[tilespmem:$0x2CC0] =	vst v1  }
0x1e: {  	[tilespmem:$0x2CD0] =	vst v1  }
0x1f: {  	[tilespmem:$0x2CE0] =	vst v1  }
0x20: {  	[tilespmem:$0x2CF0] =	vst v1  }
0x21: {  	[tilespmem:$0x2D00] =	vst v1  }
0x22: {  	[tilespmem:$0x2D10] =	vst v1  }
0x23: {  	[tilespmem:$0x2D20] =	vst v1  }
0x24: {  	[tilespmem:$0x2D30] =	vst v1  }
0x25: {  	[tilespmem:$0x2D40] =	vst v1  }
0x26: {  	[tilespmem:$0x2D50] =	vst v1  }
0x27: {  	[tilespmem:$0x2D60] =	vst v1  }
0x28: {  	[tilespmem:$0x2D70] =	vst v1  }
0x29: {  	[tilespmem:$0x2D80] =	vst v1  }
0x2a: {  	[tilespmem:$0x2D90] =	vst v1  }
0x2b: {  	[tilespmem:$0x2DA0] =	vst v1  }
0x2c: {  	[tilespmem:$0x2DB0] =	vst v1  }
0x2d: {  	[tilespmem:$0x2DC0] =	vst v1  }
0x2e: {  	[tilespmem:$0x2DD0] =	vst v1  }
0x2f: {  	[tilespmem:$0x2DE0] =	vst v1  }
0x30: {  	[tilespmem:$0x2DF0] =	vst v1  }
0x31: {  	[tilespmem:$0x2E00] =	vst v1  }
0x32: {  	[tilespmem:$0x2E10] =	vst v1  }
0x33: {  	[tilespmem:$0x2E20] =	vst v1  }
0x34: {  	[tilespmem:$0x2E30] =	vst v1  }
0x35: {  	[tilespmem:$0x2E40] =	vst v1  }
0x36: {  	[tilespmem:$0x2E50] =	vst v1  }
0x37: {  	[tilespmem:$0x2E60] =	vst v1  }
0x38: {  	[tilespmem:$0x2E70] =	vst v1  }
0x39: {  	[tilespmem:$0x2E80] =	vst v1  }
0x3a: {  	[tilespmem:$0x2E90] =	vst v1  }
0x3b: {  	[tilespmem:$0x2EA0] =	vst v1  }
0x3c: {  	[tilespmem:$0x2EB0] =	vst v1  }
0x3d: {  	[tilespmem:$0x2EC0] =	vst v1  }
0x3e: {  	[tilespmem:$0x2ED0] =	vst v1  }
0x3f: {  	[tilespmem:$0x2EE0] =	vst v1  }
0x40: {  	[tilespmem:$0x2EF0] =	vst v1  }
0x41: {  	[spmem:s5] =	stream.linear.scatter [tilespmem:s9], [sflag:$0x1], $0x280, $0x38;
	[tilespmem:$0x3180] =	vst v63  }
0x42: {  	_ =	swait.ge [sflag:s8], $0x280  }
0x43: {  	[sflag:s8] =	ssyncset.done $0x0  }
0x44: {  	[sflag:s8] =	ssyncadd.s32 $0xFFFFFD80  }
0x45: {  	s15 =	simm.s32 $0x0;
	[bflag:$0x0] =	sbarrier.arrive $0xFFFF  }
0x46: {  	[spmem:s2] =	stream.indirect.scatter.add.f32 [tilespmem:s11], [sflag:$0x1], $0x1, s15, s10, $0xb8;
	[tilespmem:$0x3180] =	vst v63  }
0x47: {  	_ =	swait.ge [sflag:s8], $0x80  }
0x48: {  	s15 =	simm.s32 $0x200;
	[sflag:s8] =	ssyncset.done $0x0  }
.LBB2_2:
0x49: {  	s16 =	sshra.s32 s15, $0x2;
	[sflag:s8] =	ssyncadd.s32 $0xFFFFFF80;
	p0 =	sne.s32 s15, $0xA000  }
0x4a: {  	[spmem:s2] =	stream.indirect.scatter.add.f32 [tilespmem:s11], [sflag:$0x1], $0x1, s16, s10, $0xb8;
	[tilespmem:$0x3180] =	vst v63  }
.Ltmp0:
0x4b: {  	_ = 	snop;
	(pc) =	sbr.rel @p0 .LBB2_2-.Ltmp0, $4  }
0x4c: {  	_ = 	snop  }
0x4d: {  	s15 =	sadd.s32 $0x200, s15  }
0x4e: {  	_ =	swait.ge [sflag:s8], $0x80  }
0x4f: {  	[sflag:s8] =	ssyncset.done $0x0  }
0x50: {  	s14 =	sadd.s32 $0x1, s14  }
0x51: {  	[sflag:s8] =	ssyncadd.s32 $0xFFFFFF80;
	p0 =	sne.s32 s14, s7  }
.Ltmp1:
0x52: {  	[bflag:$0x0] =	sbarrier.arrive $0xFFFF;
	(pc) =	sbr.rel @p0 .LBB2_1-.Ltmp1, $4  }
0x53: {  	[hbm:s6], [sflag:s12] =	dma.local [spmem:s13], $0x50  }
0x54: {  	_ =	swait.ge [sflag:s8], $0x50  }
0x55: {  	[sflag:s8] =	ssyncset.done $0x0  }
0x56: {  	[sflag:s8] =	ssyncadd.s32 $0xFFFFFFB0  }
0x57: {  	_ =	sfence.sel $0x180000  }
0x58: {  	[bflag:$0x0] =	sbarrier.arrive $0xFFFF  }
0x59: {  	p0 =	sne.s32 s0, $0x0;
	_ =	strace $0x90000047  }
0x5a: {  	s0 =	sadd.s32 @!p0 $0x100000, s1;
	[bflag:$0x2] =	sbarrier.arrive $0xFFFF  }
0x5b: {  	[sflag:s0] =	ssyncadd.tile.s32 @!p0 $0x1;
	_ =	shalt  }
.Lfunc_end2:
_tile_overlayer_lowered:
.L_overlay_start_2:
0x5c: {  	(tag) =	ssettag $0x2  }
0x5d: {  	s0 =	rddreg [dreg:$0x0];
	s2 =	stileid.u32  }
0x5e: {  	s1 =	rddreg [dreg:$0x1];
	p0 =	sne.s32 s2, $0x0  }
0x5f: {  	s3 =	rddreg [dreg:$0x2];
	[bflag:$0x3] =	sbarrier.arrive $0xFFFF;
	s2 =	simm.s32 @!p0 $0x1C01  }
0x60: {  	[timem:s3], [sflag:s2] =	dma.local @!p0 [hbm:s0], s1  }
0x61: {  	s0 =	simm.s32 @!p0 $0x1  }
0x62: {  	_ =	swait.ge @!p0 [sflag:s0], s1  }
0x63: {  	s1 =	ssub.s32 @!p0 $0x0, s1;
	[sflag:s0] =	ssyncset.done @!p0 $0x0  }
0x64: {  	[sflag:s0] =	ssyncadd.s32 @!p0 s1  }
0x65: {  	[bflag:$0x3] =	sbarrier.arrive $0xFFFF  }
0x66: {  	_ =	shalt  }

// kernel: kernel.13.cloned.1.call-start
scs
__scs_entry_jumppad:
0x0: {  	(pc) =	sbr.rel $0x88, $3  }
0x1: {  	(tag) =	ssettag $0x0;
	lr =	simm.s32 $0x1  }
0x2: {  	[smem:$0x3F97] =	sst lr;
	_ =	strace $0xD0000000  }
0x3: {  	_ = 	snop  }
0x4: {  	_ = 	snop  }
0x5: {  	_ = 	snop  }
0x6: {  	_ = 	snop  }
0x7: {  	_ = 	snop  }
__scs_overlays_trampoline_lowered:
0x8: {  	[smem:$0x3FA6] =	sst s0  }
0x9: {  	[smem:$0x3FA7] =	sst s1  }
0xa: {  	[smem:$0x3FA8] =	sst s2  }
0xb: {  	[smem:$0x3FA9] =	sst s3  }
0xc: {  	[smem:$0x3FAA] =	sst s4  }
0xd: {  	[smem:$0x3FAB] =	sst s5  }
0xe: {  	[smem:$0x3FAC] =	sst s6  }
0xf: {  	[smem:$0x3FAD] =	sst s7  }
0x10: {  	[smem:$0x3FAE] =	sst s8  }
0x11: {  	[smem:$0x3FAF] =	sst s9;
	s0 =	simm.s32 @!p0 $0x0  }
0x12: {  	s1 =	sld [smem:$0x3F95];
	s0 =	simm.s32 @p0 $0x1  }
0x13: {  	[smem:$0x3FB0] =	sst s0;
	s0 =	simm.s32 @!p1 $0x0  }
0x14: {  	s2 =	sld [smem:$0x3F94];
	s0 =	simm.s32 @p1 $0x1  }
0x15: {  	[smem:$0x3FB1] =	sst s0;
	s0 =	simm.s32 @!p2 $0x0  }
0x16: {  	s3 =	sld [smem:$0x3FDB];
	s0 =	simm.s32 @p2 $0x1  }
0x17: {  	s4 =	simm.s32 $0x1BF5;
	[smem:$0x3FB3] =	sst s0  }
0x18: {  	s0 =	sld [smem:$0x3F96];
	_ =	swait.ge [sflag:s4], $0x0  }
0x19: {  	s7 =	sld [smem:$0x3F97]  }
0x1a: {  	s8 =	sadd.s32 $0xFFFFE003, lr  }
0x1b: {  	s9 =	sadd.s32 $0xFFFFFEF7, lr;
	s5 =	simm.s32 $0xFFFFFFFF;
	p2 =	slt.u32 s8, $0xFFFFF086  }
0x1c: {  	p1 =	slt.u32 s9, $0xF7A;
	s5 =	simm.s32 @!p2 $0x0  }
0x1d: {  	s5 =	simm.s32 @p1 $0x1;
	p0 =	seq.s32 s7, s2  }
0x1e: {  	s7 =	smul.u32 @!p0 $0xF7A, s2;
	p2 =	seq.s32 @!p0 s5, $0x0  }
0x1f: {  	s9 =	smul.u32 $0xF7A, s1;
	s8 =	simm.s32 @!p0 $0x1BF5;
	p2 =	por !p2, p0  }
0x20: {  	[sflag:s8] =	ssyncset.s32 @!p0 $0xFFFFF086;
	s6 =	sadd.s32 @!p0 s3, s7;
	s7 =	simm.s32 @!p0 $0x108  }
0x21: {  	s3 =	sadd.s32 s3, s9;
	s6 =	sadd.s32 @!p0 $0x88, s6;
	s7 =	simm.s32 @p2 $0x1082  }
0x22: {  	[simem:s7], [sflag:s8] =	dma.local @!p0 [hbm:s6], $0xF7A  }
0x23: {  	s9 =	sor.u32 $0xD0000000, s2;
	s6 =	simm.s32 $0x108;
	_ =	swait.ge @!p0 [sflag:s8], $0x0  }
0x24: {  	s3 =	sadd.s32 $0x88, s3;
	s6 =	simm.s32 @!p1 $0x1082;
	[sflag:s4] =	ssyncset.s32 $0xFFFFF086  }
0x25: {  	[simem:s6], [sflag:s4] =	dma.local [hbm:s3], $0xF7A  }
0x26: {  	[smem:$0x3F97] =	sst s1;
	(tag) =	ssettag s2;
	_ =	strace s9  }
0x27: {  	s1 =	sld [smem:$0x3FA7]  }
0x28: {  	s2 =	sld [smem:$0x3FA8]  }
0x29: {  	s4 =	sld [smem:$0x3FAA]  }
0x2a: {  	p0 =	seq.s32 s5, $0x0;
	s5 =	sld [smem:$0x3FAB]  }
0x2b: {  	s6 =	sld [smem:$0x3FAC]  }
0x2c: {  	s7 =	sld [smem:$0x3FAD]  }
0x2d: {  	s3 =	simm.s32 $0x108;
	s8 =	sld [smem:$0x3FAE]  }
0x2e: {  	s3 =	simm.s32 @!p0 $0x1082;
	s9 =	sld [smem:$0x3FAF]  }
0x2f: {  	lr =	sadd.s32 s0, s3;
	s0 =	sld [smem:$0x3FA6]  }
0x30: {  	s3 =	sld [smem:$0x3FA9]  }
0x31: {  	[smem:$0x3FB2] =	sst s10  }
0x32: {  	s10 =	sld [smem:$0x3FB0];
	_ =	sdelay $0x3  }
0x33: {  	p0 =	seq.s32 s10, $0x1;
	s10 =	sld [smem:$0x3FB2];
	_ =	sdelay $0x3  }
0x34: {  	[smem:$0x3FB2] =	sst s10  }
0x35: {  	s10 =	sld [smem:$0x3FB1];
	_ =	sdelay $0x3  }
0x36: {  	p1 =	seq.s32 s10, $0x1;
	s10 =	sld [smem:$0x3FB2];
	_ =	sdelay $0x3  }
0x37: {  	[smem:$0x3FB2] =	sst s10  }
0x38: {  	s10 =	sld [smem:$0x3FB3]  }
0x39: {  	_ = 	snop;
	(pc) =	sbr.ind lr, $3  }
0x3a: {  	_ = 	snop  }
0x3b: {  	_ = 	snop  }
0x3c: {  	p2 =	seq.s32 s10, $0x1;
	s10 =	sld [smem:$0x3FB2]  }
0x3d: {  	_ =	shalt  }
0x3e: {  	_ =	shalt  }
0x3f: {  	_ =	shalt  }
0x40: {  	_ =	shalt  }
0x41: {  	_ =	shalt  }
0x42: {  	_ =	shalt  }
0x43: {  	_ =	shalt  }
0x44: {  	_ =	shalt  }
0x45: {  	_ =	shalt  }
0x46: {  	_ =	shalt  }
0x47: {  	_ =	shalt  }
0x48: {  	_ =	shalt  }
0x49: {  	_ =	shalt  }
0x4a: {  	_ =	shalt  }
0x4b: {  	_ =	shalt  }
0x4c: {  	_ =	shalt  }
0x4d: {  	_ =	shalt  }
0x4e: {  	_ =	shalt  }
0x4f: {  	_ =	shalt  }
0x50: {  	_ =	shalt  }
0x51: {  	_ =	shalt  }
0x52: {  	_ =	shalt  }
0x53: {  	_ =	shalt  }
0x54: {  	_ =	shalt  }
0x55: {  	_ =	shalt  }
0x56: {  	_ =	shalt  }
0x57: {  	_ =	shalt  }
0x58: {  	_ =	shalt  }
0x59: {  	_ =	shalt  }
0x5a: {  	_ =	shalt  }
0x5b: {  	_ =	shalt  }
0x5c: {  	_ =	shalt  }
0x5d: {  	_ =	shalt  }
0x5e: {  	_ =	shalt  }
0x5f: {  	_ =	shalt  }
0x60: {  	_ =	shalt  }
0x61: {  	_ =	shalt  }
0x62: {  	_ =	shalt  }
0x63: {  	_ =	shalt  }
0x64: {  	_ =	shalt  }
0x65: {  	_ =	shalt  }
0x66: {  	_ =	shalt  }
0x67: {  	_ =	shalt  }
0x68: {  	_ =	shalt  }
0x69: {  	_ =	shalt  }
0x6a: {  	_ =	shalt  }
0x6b: {  	_ =	shalt  }
0x6c: {  	_ =	shalt  }
0x6d: {  	_ =	shalt  }
0x6e: {  	_ =	shalt  }
0x6f: {  	_ =	shalt  }
0x70: {  	_ =	shalt  }
0x71: {  	_ =	shalt  }
0x72: {  	_ =	shalt  }
0x73: {  	_ =	shalt  }
0x74: {  	_ =	shalt  }
0x75: {  	_ =	shalt  }
0x76: {  	_ =	shalt  }
0x77: {  	_ =	shalt  }
0x78: {  	_ =	shalt  }
0x79: {  	_ =	shalt  }
0x7a: {  	_ =	shalt  }
0x7b: {  	_ =	shalt  }
0x7c: {  	_ =	shalt  }
0x7d: {  	_ =	shalt  }
0x7e: {  	_ =	shalt  }
0x7f: {  	_ =	shalt  }
0x80: {  	_ =	shalt  }
0x81: {  	_ =	shalt  }
0x82: {  	_ =	shalt  }
0x83: {  	_ =	shalt  }
0x84: {  	_ =	shalt  }
0x85: {  	_ =	shalt  }
0x86: {  	_ =	shalt  }
0x87: {  	_ =	shalt  }
.Lfunc_end0:
.L_simem_size_0:
called_computation.1_lowered:
.L_overlay_start_0:
0x88: {  	s2 =	sld [smem:$0x3FD9]  }
0x89: {  	s3 =	sld [smem:$0x3FFE];
	_ =	sdelay $0x1  }
0x8a: {  	s1 =	srdreg.scid  }
0x8b: {  	s0 =	sand.u32 $0x1, s1  }
0x8c: {  	s17 =	sshll.u32 s0, $0xA;
	s2 =	sadd.s32 s3, s2  }
0x8d: {  	s2 =	sadd.s32 s2, s17  }
0x8e: {  	[smem:$0x3FBE] =	sst s2  }
0x8f: {  	_ = 	snop  }
0x90: {  	s2 =	sld [smem:$0x3FD0];
	(tm) =	ssettm $0x1  }
0x91: {  	s18 =	sld [smem:$0x3FFB];
	_ =	sdelay $0x3  }
0x92: {  	_ =	strace s18  }
0x93: {  	s3 =	sld [smem:$0x3FFC];
	_ =	sdelay $0x3  }
0x94: {  	_ =	strace s3  }
0x95: {  	s3 =	sld [smem:$0x3FFD];
	_ =	sdelay $0x3  }
0x96: {  	_ =	strace s3  }
0x97: {  	_ =	strace $0x8FFFFFFF  }
0x98: {  	s19 =	sld [smem:$0x3FDB];
	_ =	sdelay $0x1  }
0x99: {  	s4 =	simm.s32 $_scs_section_size  }
0x9a: {  	s5 =	simm.s32 $_size__tile_overlayer_lowered;
	s6 =	simm.s32 $_tile_overlayer_lowered  }
0x9b: {  	s22 =	simm.s32 $0x1BFF;
	s21 =	sshll.u32 s6, $0x1;
	s3 =	sadd.s32 s4, s19  }
0x9c: {  	s7 =	simm.s32 $0x0;
	s20 =	sshll.u32 s5, $0x1;
	s5 =	sadd.s32 s21, s3  }
0x9d: {  	[timem:s7], [sflag:s22] =	dma.local [hbm:s5], s20  }
0x9e: {  	_ =	swait.ge [sflag:s22], s20  }
0x9f: {  	s4 =	ssub.s32 $0x0, s20;
	[sflag:s22] =	ssyncset.done $0x0  }
0xa0: {  	[sflag:s22] =	ssyncadd.s32 s4;
	_ =	sdelay $0x1  }
0xa1: {  	s23 =	simm.s32 $0x1B8B  }
0xa2: {  	_ =	swait.ge [sflag:s23], $0x1  }
0xa3: {  	[sflag:s23] =	ssyncset.done $0x0  }
0xa4: {  	s25 =	simm.s32 $0x1B8E;
	s24 =	sld [smem:$0x3FFE];
	[sflag:s23] =	ssyncadd.s32 $0xFFFFFFFF  }
0xa5: {  	s26 =	simm.s32 $execute0_lowered;
	[smem:$0x3FD2] =	sst s25  }
0xa6: {  	s5 =	sshll.u32 s26, $0x1;
	_ =	strace $0x80000049;
	[dreg:$0x1] =	wrdreg $0xFFFFFFFF  }
0xa7: {  	s28 =	simm.s32 $_size_execute0_lowered;
	s3 =	sadd.s32 s3, s5;
	[dreg:$0x0] =	wrdreg $0x0  }
0xa8: {  	s5 =	sshll.u32 s28, $0x1;
	[dreg:$0x2] =	wrdreg s3  }
0xa9: {  	[dreg:$0x3] =	wrdreg s5  }
0xaa: {  	[dreg:$0x4] =	wrdreg $0xC0  }
0xab: {  	_ =	task [dreg:s7], $0x5FFFF  }
0xac: {  	[dreg:$0x1] =	wrdreg $0xFFFFFFFF  }
0xad: {  	[dreg:$0x0] =	wrdreg $0x60  }
0xae: {  	[dreg:$0x2] =	wrdreg s2  }
0xaf: {  	[dreg:$0x3] =	wrdreg s24  }
0xb0: {  	[dreg:$0x4] =	wrdreg $0xC3000  }
0xb1: {  	[dreg:$0x5] =	wrdreg $0x9  }
0xb2: {  	_ =	task.clear_ibuf [dreg:s7], $0x6FFFF;
	_ =	strace $0x90000049  }
0xb3: {  	s29 =	simm.s32 $0x9;
	_ =	strace $0x8000004B  }
0xb4: {  	_ =	swait.ge [sflag:s29], $0x1  }
0xb5: {  	[sflag:s29] =	ssyncadd.s32 $0xFFFFFFFF  }
0xb6: {  	_ =	strace $0x9000004B  }
0xb7: {  	_ =	sfence  }
0xb8: {  	s30 =	sld [smem:$0x0];
	_ =	sdelay $0x2  }
0xb9: {  	s31 =	sshll.u32 s1, $0xD;
	s1 =	sshrl.u32 s1, $0x2  }
0xba: {  	s3 =	sand.u32 $0x4000, s31;
	s1 =	sadd.s32 s1, s30  }
0xbb: {  	s0 =	sor.u32 s3, s0;
	s1 =	sshll.u32 s1, $0x11  }
0xbc: {  	s0 =	sor.u32 s1, s0  }
0xbd: {  	s0 =	sadd.s32 $0x8F2B, s0  }
0xbe: {  	[sflag:s0] =	ssyncadd.remote.s32 $0x1  }
0xbf: {  	_ =	sfence.sel $0xFFFF  }
0xc0: {  	[dreg:$0x0] =	wrdreg $0xFFFFFFFF;
	(pc) =	sbr.abs _section_cstart, $3  }
0xc1: {  	[dreg:$0x1] =	wrdreg $0xFFFFFFFF  }
0xc2: {  	_ =	task.clear_ibuf [dreg:s7], $0x2FFFF;
	_ =	strace $0x9FFFFFFF  }
0xc3: {  	(tm) =	ssettm $0x7FFFFFFF  }
tec
execute0_lowered:
.L_overlay_start_1:
0x0: {  	(tag) =	ssettag $0x1  }
0x1: {  	s1 =	rddreg [dreg:$0x0]  }
0x2: {  	s0 =	rddreg [dreg:$0x1]  }
0x3: {  	s2 =	rddreg [dreg:$0x2];
	s3 =	simm.s32 $0x0;
	s4 =	srdreg.scid  }
0x4: {  	s10 =	stileid.u32;
	s28 =	simm.s32 $0x180;
	s29 =	simm.s32 $0x80  }
0x5: {  	s30 =	simm.s32 $0x200;
	s31 =	simm.s32 $0x100;
	[smem:$0x7FF] =	sst s3  }
0x6: {  	s6 =	sand.u32 $0x1, s4;
	s4 =	sadd.s32 $0x3000, s0;
	s5 =	sadd.s32 $0xD200, s0  }
0x7: {  	s8 =	sadd.s32 $0x17400, s0;
	s0 =	sadd.s32 $0x19C00, s0;
	s9 =	smul.u32 $0x4E000, s10  }
0x8: {  	p0 =	seq.s32 s10, $0xF;
	p3 =	sne.s32 s10, $0xF;
	s22 =	smul.u32 $0x2700, s10  }
0x9: {  	s25 =	sadd.s32 $0x124800, s2;
	s11 =	sadd.s32 $0x24900, s1;
	s14 =	smul.u32 $0x13800, s10  }
0xa: {  	s17 =	smul.u32 $0x2880, s10;
	_ =	strace $0x8000004A;
	s7 =	ssub.s32 $0x2, s6  }
0xb: {  	[dreg:$0x4] =	wrdreg s8;
	s21 =	sshll.u32 s6, $0x4;
	p1 =	seq.s32 s6, $0x0  }
0xc: {  	[dreg:$0x6] =	wrdreg s11;
	p6 =	seq.s32 s6, $0x1;
	s13 =	smul.u32 $0x138800, s6  }
0xd: {  	s6 =	smul.u32 $0x28800, s6;
	[dreg:$0x5] =	wrdreg s25;
	s20 =	sshrl.u32 s7, $0x1  }
0xe: {  	s8 =	sor.u32 s10, s21;
	p2 =	por !p1, !p3;
	p4 =	por !p1, !p0  }
0xf: {  	s9 =	sshrl.u32 s9, $0x2;
	p3 =	por !p3, !p6;
	s23 =	sadd.s32 s1, s22  }
0x10: {  	s10 =	simm.s32 $0x0;
	s7 =	ssub.s32 s7, s20;
	p1 =	por !p2, !p2  }
0x11: {  	p2 =	por !p4, !p4;
	s8 =	smul.u32 $0x2880, s8;
	s9 =	sadd.s32 s9, s2  }
0x12: {  	[dreg:$0x8] =	wrdreg s23;
	p3 =	por !p3, !p3;
	s16 =	sshrl.u32 s13, $0x3  }
0x13: {  	s20 =	sadd.s32 s17, s6;
	p4 =	por !p0, !p6;
	s17 =	simm.s32 $0x7  }
0x14: {  	[dreg:$0x7] =	wrdreg s9;
	s18 =	sadd.s32 s0, s16;
	s22 =	smax.u32 s7, $0x1  }
0x15: {  	s23 =	sadd.s32 $0x280, s20;
	p4 =	por !p4, !p4;
	s16 =	simm.s32 $0x1  }
0x16: {  	s8 =	sshrl.u32 s8, $0x3;
	[dreg:$0x11] =	wrdreg s22;
	s6 =	sshrl.u32 s23, $0x3  }
0x17: {  	p4 =	por !p4, p3;
	s24 =	sadd.s32 s4, s8;
	s26 =	sadd.s32 s5, s8  }
0x18: {  	s11 =	sadd.s32 $0x10, s8;
	s8 =	sadd.s32 $0x20, s8;
	s21 =	sadd.s32 s6, s5  }
0x19: {  	s22 =	sadd.s32 s6, s4;
	s6 =	simm.s32 $0x9;
	[dreg:$0x9] =	wrdreg s24  }
0x1a: {  	[dreg:$0xa] =	wrdreg s26;
	s12 =	sadd.s32 s4, s11;
	s9 =	sadd.s32 s5, s11  }
0x1b: {  	s15 =	sadd.s32 s4, s8;
	s11 =	sadd.s32 s14, s13;
	[dreg:$0xb] =	wrdreg s12  }
0x1c: {  	s8 =	sadd.s32 s5, s8;
	s24 =	sadd.s32 $0x200, s20;
	[dreg:$0xc] =	wrdreg s9  }
0x1d: {  	s13 =	simm.s32 $0x4300;
	s14 =	simm.s32 $0x6;
	[dreg:$0xd] =	wrdreg s15  }
0x1e: {  	[dreg:$0xe] =	wrdreg s8;
	s19 =	sshrl.u32 s11, $0x3;
	s8 =	sadd.s32 $0x24900, s18  }
0x1f: {  	s26 =	sshrl.u32 s24, $0x3;
	s9 =	simm.s32 $0x4;
	s11 =	simm.s32 $0x300  }
.Ltmp0:
0x20: {  	s12 =	simm.s32 $0x5;
	s15 =	simm.s32 $0x8300;
	(pc) =	sbr.rel .LBB2_1-.Ltmp0, $4  }
0x21: {  	s18 =	simm.s32 $0x2;
	[dreg:$0xf] =	wrdreg s8;
	s0 =	sadd.s32 s0, s19  }
0x22: {  	s23 =	sadd.s32 s26, s5;
	s24 =	sadd.s32 s26, s4;
	s26 =	simm.s32 $0xA  }
0x23: {  	s19 =	simm.s32 $0x8;
	[dreg:$0x10] =	wrdreg s0;
	s0 =	sadd.s32 $0x180, s20  }
0x24: {  	s20 =	simm.s32 $0x3;
	[dreg:$0x12] =	wrdreg s0;
	s0 =	simm.s32 $0x280  }
.LBB2_9:
0x25: {  	_ =	swait.ge [sflag:s18], $0x4000  }
0x26: {  	[sflag:s18] =	ssyncset.done $0x0  }
0x27: {  	[sflag:s18] =	ssyncadd.s32 $0xFFFFC000  }
0x28: {  	_ =	swait.ge [sflag:s19], $0x80  }
0x29: {  	[sflag:s19] =	ssyncset.done $0x0  }
0x2a: {  	[sflag:s19] =	ssyncadd.s32 $0xFFFFFF80  }
0x2b: {  	[spmem:s2] =	stream.indirect.scatter.add.f32 [tilespmem:s13], [sflag:$0xA], $0x80, s30, s29, $0xb8;
	[tilespmem:$0x1FEC0] =	vst v63  }
0x2c: {  	_ =	swait.ge [sflag:s26], $0x4000  }
0x2d: {  	[sflag:s26] =	ssyncset.done $0x0  }
0x2e: {  	[sflag:s26] =	ssyncadd.s32 $0xFFFFC000  }
0x2f: {  	_ =	swait.ge [sflag:s20], $0x4000  }
0x30: {  	[sflag:s20] =	ssyncset.done $0x0  }
0x31: {  	[sflag:s20] =	ssyncadd.s32 $0xFFFFC000  }
0x32: {  	_ =	swait.ge [sflag:s6], $0x80  }
0x33: {  	[sflag:s6] =	ssyncset.done $0x0  }
0x34: {  	[sflag:s6] =	ssyncadd.s32 $0xFFFFFF80  }
0x35: {  	[spmem:s2] =	stream.indirect.scatter.add.f32 [tilespmem:s15], [sflag:$0xA], $0x80, s0, s29, $0xb8;
	[tilespmem:$0x1FEC0] =	vst v63  }
0x36: {  	_ =	swait.ge [sflag:s26], $0x4000  }
0x37: {  	[sflag:s26] =	ssyncset.done $0x0  }
0x38: {  	[sflag:s26] =	ssyncadd.s32 $0xFFFFC000  }
0x39: {  	[bflag:$0x0] =	sbarrier.arrive $0xFFFF  }
0x3a: {  	s25 =	rddreg [dreg:$0x5]  }
0x3b: {  	s8 =	simm.s32 @p0 $0x1FCA;
	s10 =	rddreg [dreg:$0xf];
	s7 =	sshrl.u32 @p0 s25, $0x3  }
0x3c: {  	[hbm:s10], [sflag:s8] =	dma.local @p0 [spmem:s7], $0x2800  }
0x3d: {  	s7 =	simm.s32 @p0 $0xA  }
0x3e: {  	s8 =	stileid.u32;
	_ =	swait.ge @p0 [sflag:s7], $0x2800  }
0x3f: {  	s8 =	sshll.u32 @!p0 s8, $0x6;
	[sflag:s7] =	ssyncset.done @p0 $0x0  }
0x40: {  	[sflag:s7] =	ssyncadd.s32 @p0 $0xFFFFD800;
	s7 =	sor.u32 @!p0 $0x1C0A, s8;
	s8 =	rddreg [dreg:$0x7]  }
0x41: {  	s10 =	rddreg [dreg:$0x10];
	s8 =	sshrl.u32 @!p0 s8, $0x3  }
0x42: {  	[hbm:s10], [sflag:s7] =	dma.local @!p0 [spmem:s8], $0x2700  }
0x43: {  	s7 =	simm.s32 @!p0 $0xA  }
0x44: {  	_ =	swait.ge @!p0 [sflag:s7], $0x2700  }
0x45: {  	s8 =	rddreg [dreg:$0x13]  }
0x46: {  	s10 =	sadd.s32 $0x1, s8;
	s8 =	rddreg [dreg:$0x11]  }
0x47: {  	p5 =	sne.s32 s10, s8  }
.Ltmp1:
0x48: {  	_ = 	snop;
	(pc) =	sbr.rel @!p5 .LBB2_10-.Ltmp1, $3  }
0x49: {  	_ =	sdelay $0x1  }
0x4a: {  	[sflag:s7] =	ssyncset.done @!p0 $0x0  }
0x4b: {  	[sflag:s7] =	ssyncadd.s32 @!p0 $0xFFFFD900  }
.LBB2_1:
.Ltmp2:
0x4c: {  	(pc) =	sbr.rel @!p1 .LBB2_4-.Ltmp2, $2  }
0x4d: {  	_ =	sdelay $0x2  }
0x4e: {  	[dreg:$0x13] =	wrdreg s10;
	s10 =	stileid.u32  }
0x4f: {  	s7 =	sshll.u32 s10, $0x6  }
0x50: {  	s8 =	rddreg [dreg:$0x7];
	s7 =	sor.u32 $0x1C0A, s7  }
0x51: {  	[dreg:$0x14] =	wrdreg s7  }
0x52: {  	s7 =	rddreg [dreg:$0x8]  }
.Ltmp3:
0x53: {  	s8 =	sshrl.u32 s8, $0x3;
	s25 =	rddreg [dreg:$0x14];
	(pc) =	sbr.rel .LBB2_3-.Ltmp3, $4  }
0x54: {  	[spmem:s8], [sflag:s25] =	dma.local [hbm:s7], $0x2700  }
0x55: {  	s25 =	rddreg [dreg:$0x5];
	_ =	swait.ge [sflag:s26], $0x2700  }
0x56: {  	[sflag:s26] =	ssyncset.done $0x0  }
0x57: {  	[sflag:s26] =	ssyncadd.s32 $0xFFFFD900  }
.LBB2_4:
.Ltmp4:
0x58: {  	(pc) =	sbr.rel @!p2 .LBB2_3-.Ltmp4, $1  }
0x59: {  	_ =	sdelay $0x3  }
0x5a: {  	s7 =	sshrl.u32 s25, $0x3  }
.Ltmp5:
0x5b: {  	s8 =	rddreg [dreg:$0x6];
	s10 =	simm.s32 $0x1FCA;
	(pc) =	sbr.rel .LBB2_6-.Ltmp5, $4  }
0x5c: {  	[spmem:s7], [sflag:s10] =	dma.local [hbm:s8], $0x2800  }
0x5d: {  	_ =	swait.ge [sflag:s26], $0x2800  }
0x5e: {  	[sflag:s26] =	ssyncset.done $0x0  }
0x5f: {  	[sflag:s26] =	ssyncadd.s32 $0xFFFFD800  }
.LBB2_3:
0x60: {  	s7 =	sshrl.u32 @!p4 s25, $0x3;
	s8 =	simm.s32 @!p4 $0x1FCA;
	s25 =	rddreg [dreg:$0x4]  }
0x61: {  	[spmem:s7], [sflag:s8] =	dma.local @!p4 [hbm:s25], $0x2800  }
0x62: {  	s7 =	simm.s32 @!p4 $0xA  }
0x63: {  	_ =	swait.ge @!p4 [sflag:s7], $0x2800  }
0x64: {  	s8 =	sshll.u32 @p3 s10, $0x6;
	[sflag:s7] =	ssyncset.done @!p4 $0x0  }
0x65: {  	[sflag:s7] =	ssyncadd.s32 @!p4 $0xFFFFD800;
	s7 =	sor.u32 @p3 $0x1C0A, s8;
	s8 =	rddreg [dreg:$0x7]  }
0x66: {  	s8 =	sshrl.u32 @p3 s8, $0x3  }
0x67: {  	[spmem:s8], [sflag:s7] =	dma.local @p3 [hbm:s25], $0x2700  }
0x68: {  	s7 =	simm.s32 @p3 $0xA  }
0x69: {  	_ =	swait.ge @p3 [sflag:s7], $0x2700  }
0x6a: {  	[sflag:s7] =	ssyncset.done @p3 $0x0  }
0x6b: {  	[sflag:s7] =	ssyncadd.s32 @p3 $0xFFFFD900  }
.LBB2_6:
0x6c: {  	[bflag:$0x0] =	sbarrier.arrive $0xFFFF  }
0x6d: {  	s7 =	simm.s32 $0x0;
	s8 =	rddreg [dreg:$0x9]  }
0x6e: {  	[tilespmem:s7], [sflag:$0x4] =	stream.linear.gather [hbm4b:s8+s7], $0x80, $0x38;
	[tilespmem:$0x1FEC0] =	vst v63  }
0x6f: {  	s25 =	rddreg [dreg:$0xa]  }
0x70: {  	[tilespmem:s28], [sflag:$0x7] =	stream.linear.gather [hbm4b:s25+s7], $0x80, $0x38;
	[tilespmem:$0x1FEC0] =	vst v63  }
0x71: {  	s10 =	rddreg [dreg:$0xb]  }
0x72: {  	[tilespmem:s29], [sflag:$0x5] =	stream.linear.gather [hbm4b:s10+s7], $0x80, $0x38;
	[tilespmem:$0x1FEC0] =	vst v63  }
0x73: {  	s25 =	rddreg [dreg:$0xc]  }
0x74: {  	[tilespmem:s30], [sflag:$0x8] =	stream.linear.gather [hbm4b:s25+s7], $0x80, $0x38;
	[tilespmem:$0x1FEC0] =	vst v63  }
0x75: {  	s10 =	rddreg [dreg:$0xd]  }
0x76: {  	[tilespmem:s31], [sflag:$0x6] =	stream.linear.gather [hbm4b:s10+s7], $0x80, $0x38;
	[tilespmem:$0x1FEC0] =	vst v63  }
0x77: {  	s25 =	rddreg [dreg:$0xe]  }
0x78: {  	[tilespmem:s0], [sflag:$0x9] =	stream.linear.gather [hbm4b:s25+s7], $0x80, $0x38;
	[tilespmem:$0x1FEC0] =	vst v63  }
0x79: {  	_ =	swait.ge [sflag:s9], $0x80  }
0x7a: {  	[sflag:s9] =	ssyncset.done $0x0  }
0x7b: {  	[sflag:s9] =	ssyncadd.s32 $0xFFFFFF80  }
0x7c: {  	[tilespmem:s11], [sflag:$0x1] =	stream.indirect.gather [hbm4b:s1+s29], $0x80, s7, s29, $0xb8;
	[tilespmem:$0x1FEC0] =	vst v63  }
0x7d: {  	_ =	swait.ge [sflag:s12], $0x80  }
0x7e: {  	[sflag:s12] =	ssyncset.done $0x0  }
0x7f: {  	[sflag:s12] =	ssyncadd.s32 $0xFFFFFF80  }
0x80: {  	[tilespmem:s13], [sflag:$0x2] =	stream.indirect.gather [hbm4b:s1+s29], $0x80, s29, s29, $0xb8;
	[tilespmem:$0x1FEC0] =	vst v63  }
0x81: {  	_ =	swait.ge [sflag:s14], $0x80  }
0x82: {  	[sflag:s14] =	ssyncset.done $0x0  }
0x83: {  	s8 =	rddreg [dreg:$0x12];
	[sflag:s14] =	ssyncadd.s32 $0xFFFFFF80  }
0x84: {  	[tilespmem:s15], [sflag:$0x3] =	stream.indirect.gather [hbm4b:s1+s29], $0x80, s31, s29, $0xb8;
	[tilespmem:$0x1FEC0] =	vst v63  }
.LBB2_7:
0x85: {  	_ =	swait.ge [sflag:s16], $0x4000;
	p5 =	seq.s32 s7, $0x4E0  }
0x86: {  	[sflag:s16] =	ssyncset.done $0x0;
	s10 =	sshrl.u32 @!p5 s8, $0x3  }
0x87: {  	s25 =	simm.s32 @!p5 $0x0;
	[sflag:s16] =	ssyncadd.s32 $0xFFFFC000;
	s10 =	sadd.s32 @!p5 s4, s10  }
0x88: {  	[tilespmem:s25], [sflag:$0x4] =	stream.linear.gather @!p5 [hbm4b:s10+s25], $0x80, $0x38;
	[tilespmem:$0x1FEC0] =	vst v63  }
0x89: {  	_ =	swait.ge [sflag:s17], $0x80  }
0x8a: {  	[sflag:s17] =	ssyncset.done $0x0  }
.Ltmp6:
0x8b: {  	[sflag:s17] =	ssyncadd.s32 $0xFFFFFF80;
	(pc) =	sbr.rel @p5 .LBB2_9-.Ltmp6, $4  }
0x8c: {  	[spmem:s2] =	stream.indirect.scatter.add.f32 [tilespmem:s11], [sflag:$0xA], $0x80, s28, s29, $0xb8;
	[tilespmem:$0x1FEC0] =	vst v63  }
0x8d: {  	_ =	swait.ge [sflag:s26], $0x4000  }
0x8e: {  	[sflag:s26] =	ssyncset.done $0x0  }
0x8f: {  	[sflag:s26] =	ssyncadd.s32 $0xFFFFC000  }
0x90: {  	s10 =	sshrl.u32 s8, $0x3  }
0x91: {  	s10 =	sadd.s32 s5, s10  }
0x92: {  	[tilespmem:s28], [sflag:$0x7] =	stream.linear.gather [hbm4b:s10+s3], $0x80, $0x38;
	[tilespmem:$0x1FEC0] =	vst v63  }
0x93: {  	_ =	swait.ge [sflag:s9], $0x80  }
0x94: {  	[sflag:s9] =	ssyncset.done $0x0  }
0x95: {  	[sflag:s9] =	ssyncadd.s32 $0xFFFFFF80  }
0x96: {  	[tilespmem:s11], [sflag:$0x1] =	stream.indirect.gather [hbm4b:s1+s29], $0x80, s3, s29, $0xb8;
	[tilespmem:$0x1FEC0] =	vst v63  }
0x97: {  	_ =	swait.ge [sflag:s18], $0x4000  }
0x98: {  	[sflag:s18] =	ssyncset.done $0x0  }
0x99: {  	s25 =	sadd.s32 s7, s24;
	[sflag:s18] =	ssyncadd.s32 $0xFFFFC000  }
0x9a: {  	[tilespmem:s29], [sflag:$0x5] =	stream.linear.gather [hbm4b:s25+s3], $0x80, $0x38;
	[tilespmem:$0x1FEC0] =	vst v63  }
0x9b: {  	_ =	swait.ge [sflag:s19], $0x80  }
0x9c: {  	[sflag:s19] =	ssyncset.done $0x0  }
0x9d: {  	[sflag:s19] =	ssyncadd.s32 $0xFFFFFF80  }
0x9e: {  	[spmem:s2] =	stream.indirect.scatter.add.f32 [tilespmem:s13], [sflag:$0xA], $0x80, s30, s29, $0xb8;
	[tilespmem:$0x1FEC0] =	vst v63  }
0x9f: {  	_ =	swait.ge [sflag:s26], $0x4000  }
0xa0: {  	[sflag:s26] =	ssyncset.done $0x0  }
0xa1: {  	s25 =	sadd.s32 s7, s23;
	[sflag:s26] =	ssyncadd.s32 $0xFFFFC000  }
0xa2: {  	[tilespmem:s30], [sflag:$0x8] =	stream.linear.gather [hbm4b:s25+s3], $0x80, $0x38;
	[tilespmem:$0x1FEC0] =	vst v63  }
0xa3: {  	_ =	swait.ge [sflag:s12], $0x80  }
0xa4: {  	[sflag:s12] =	ssyncset.done $0x0  }
0xa5: {  	[sflag:s12] =	ssyncadd.s32 $0xFFFFFF80  }
0xa6: {  	[tilespmem:s13], [sflag:$0x2] =	stream.indirect.gather [hbm4b:s1+s29], $0x80, s29, s29, $0xb8;
	[tilespmem:$0x1FEC0] =	vst v63  }
0xa7: {  	_ =	swait.ge [sflag:s20], $0x4000  }
0xa8: {  	[sflag:s20] =	ssyncset.done $0x0  }
0xa9: {  	s25 =	sadd.s32 s7, s22;
	[sflag:s20] =	ssyncadd.s32 $0xFFFFC000  }
0xaa: {  	[tilespmem:s31], [sflag:$0x6] =	stream.linear.gather [hbm4b:s25+s3], $0x80, $0x38;
	[tilespmem:$0x1FEC0] =	vst v63  }
0xab: {  	_ =	swait.ge [sflag:s6], $0x80  }
0xac: {  	[sflag:s6] =	ssyncset.done $0x0  }
0xad: {  	[sflag:s6] =	ssyncadd.s32 $0xFFFFFF80  }
0xae: {  	[spmem:s2] =	stream.indirect.scatter.add.f32 [tilespmem:s15], [sflag:$0xA], $0x80, s0, s29, $0xb8;
	[tilespmem:$0x1FEC0] =	vst v63  }
0xaf: {  	_ =	swait.ge [sflag:s26], $0x4000  }
0xb0: {  	[sflag:s26] =	ssyncset.done $0x0  }
0xb1: {  	s25 =	sadd.s32 s7, s21;
	[sflag:s26] =	ssyncadd.s32 $0xFFFFC000  }
0xb2: {  	[tilespmem:s0], [sflag:$0x9] =	stream.linear.gather [hbm4b:s25+s3], $0x80, $0x38;
	[tilespmem:$0x1FEC0] =	vst v63  }
.Ltmp7:
0xb3: {  	_ = 	snop;
	(pc) =	sbr.rel .LBB2_7-.Ltmp7, $4  }
0xb4: {  	_ =	swait.ge [sflag:s14], $0x80  }
0xb5: {  	[sflag:s14] =	ssyncset.done $0x0  }
0xb6: {  	s8 =	sadd.s32 $0x180, s8;
	s7 =	sadd.s32 $0x30, s7;
	[sflag:s14] =	ssyncadd.s32 $0xFFFFFF80  }
0xb7: {  	[tilespmem:s15], [sflag:$0x3] =	stream.indirect.gather [hbm4b:s1+s29], $0x80, s31, s29, $0xb8;
	[tilespmem:$0x1FEC0] =	vst v63  }
.LBB2_10:
0xb8: {  	_ =	sfence.sel $0x180000  }
0xb9: {  	[bflag:$0x0] =	sbarrier.arrive $0xFFFF  }
0xba: {  	_ =	strace $0x9000004A  }
0xbb: {  	s0 =	stileid.u32;
	[bflag:$0x2] =	sbarrier.arrive $0xFFFF  }
0xbc: {  	p0 =	sne.s32 s0, $0x0;
	s0 =	rddreg [dreg:$0x3]  }
0xbd: {  	s0 =	sadd.s32 @!p0 $0x100000, s0  }
0xbe: {  	[sflag:s0] =	ssyncadd.tile.s32 @!p0 $0x1;
	_ =	shalt  }
.Lfunc_end2:
_tile_overlayer_lowered:
.L_overlay_start_2:
0xbf: {  	(tag) =	ssettag $0x2  }
0xc0: {  	s0 =	rddreg [dreg:$0x0];
	s2 =	stileid.u32  }
0xc1: {  	s1 =	rddreg [dreg:$0x1];
	p0 =	sne.s32 s2, $0x0  }
0xc2: {  	s3 =	rddreg [dreg:$0x2];
	[bflag:$0x3] =	sbarrier.arrive $0xFFFF;
	s2 =	simm.s32 @!p0 $0x1C0A  }
0xc3: {  	[timem:s3], [sflag:s2] =	dma.local @!p0 [hbm:s0], s1  }
0xc4: {  	s0 =	simm.s32 @!p0 $0xA  }
0xc5: {  	_ =	swait.ge @!p0 [sflag:s0], s1  }
0xc6: {  	s1 =	ssub.s32 @!p0 $0x0, s1;
	[sflag:s0] =	ssyncset.done @!p0 $0x0  }
0xc7: {  	[sflag:s0] =	ssyncadd.s32 @!p0 s1  }
0xc8: {  	[bflag:$0x3] =	sbarrier.arrive $0xFFFF  }
0xc9: {  	_ =	shalt  }

// kernel: kernel.16.cloned.1.call-start
scs
__scs_entry_jumppad:
0x0: {  	(pc) =	sbr.rel $0x88, $3  }
0x1: {  	(tag) =	ssettag $0x0;
	lr =	simm.s32 $0x1  }
0x2: {  	[smem:$0x3F97] =	sst lr;
	_ =	strace $0xD0000000  }
0x3: {  	_ = 	snop  }
0x4: {  	_ = 	snop  }
0x5: {  	_ = 	snop  }
0x6: {  	_ = 	snop  }
0x7: {  	_ = 	snop  }
__scs_overlays_trampoline_lowered:
0x8: {  	[smem:$0x3FA6] =	sst s0  }
0x9: {  	[smem:$0x3FA7] =	sst s1  }
0xa: {  	[smem:$0x3FA8] =	sst s2  }
0xb: {  	[smem:$0x3FA9] =	sst s3  }
0xc: {  	[smem:$0x3FAA] =	sst s4  }
0xd: {  	[smem:$0x3FAB] =	sst s5  }
0xe: {  	[smem:$0x3FAC] =	sst s6  }
0xf: {  	[smem:$0x3FAD] =	sst s7  }
0x10: {  	[smem:$0x3FAE] =	sst s8  }
0x11: {  	[smem:$0x3FAF] =	sst s9;
	s0 =	simm.s32 @!p0 $0x0  }
0x12: {  	s1 =	sld [smem:$0x3F95];
	s0 =	simm.s32 @p0 $0x1  }
0x13: {  	[smem:$0x3FB0] =	sst s0;
	s0 =	simm.s32 @!p1 $0x0  }
0x14: {  	s2 =	sld [smem:$0x3F94];
	s0 =	simm.s32 @p1 $0x1  }
0x15: {  	[smem:$0x3FB1] =	sst s0;
	s0 =	simm.s32 @!p2 $0x0  }
0x16: {  	s3 =	sld [smem:$0x3FDB];
	s0 =	simm.s32 @p2 $0x1  }
0x17: {  	s4 =	simm.s32 $0x1BF5;
	[smem:$0x3FB3] =	sst s0  }
0x18: {  	s0 =	sld [smem:$0x3F96];
	_ =	swait.ge [sflag:s4], $0x0  }
0x19: {  	s7 =	sld [smem:$0x3F97]  }
0x1a: {  	s8 =	sadd.s32 $0xFFFFE003, lr  }
0x1b: {  	s9 =	sadd.s32 $0xFFFFFEF7, lr;
	s5 =	simm.s32 $0xFFFFFFFF;
	p2 =	slt.u32 s8, $0xFFFFF086  }
0x1c: {  	p1 =	slt.u32 s9, $0xF7A;
	s5 =	simm.s32 @!p2 $0x0  }
0x1d: {  	s5 =	simm.s32 @p1 $0x1;
	p0 =	seq.s32 s7, s2  }
0x1e: {  	s7 =	smul.u32 @!p0 $0xF7A, s2;
	p2 =	seq.s32 @!p0 s5, $0x0  }
0x1f: {  	s9 =	smul.u32 $0xF7A, s1;
	s8 =	simm.s32 @!p0 $0x1BF5;
	p2 =	por !p2, p0  }
0x20: {  	[sflag:s8] =	ssyncset.s32 @!p0 $0xFFFFF086;
	s6 =	sadd.s32 @!p0 s3, s7;
	s7 =	simm.s32 @!p0 $0x108  }
0x21: {  	s3 =	sadd.s32 s3, s9;
	s6 =	sadd.s32 @!p0 $0x88, s6;
	s7 =	simm.s32 @p2 $0x1082  }
0x22: {  	[simem:s7], [sflag:s8] =	dma.local @!p0 [hbm:s6], $0xF7A  }
0x23: {  	s9 =	sor.u32 $0xD0000000, s2;
	s6 =	simm.s32 $0x108;
	_ =	swait.ge @!p0 [sflag:s8], $0x0  }
0x24: {  	s3 =	sadd.s32 $0x88, s3;
	s6 =	simm.s32 @!p1 $0x1082;
	[sflag:s4] =	ssyncset.s32 $0xFFFFF086  }
0x25: {  	[simem:s6], [sflag:s4] =	dma.local [hbm:s3], $0xF7A  }
0x26: {  	[smem:$0x3F97] =	sst s1;
	(tag) =	ssettag s2;
	_ =	strace s9  }
0x27: {  	s1 =	sld [smem:$0x3FA7]  }
0x28: {  	s2 =	sld [smem:$0x3FA8]  }
0x29: {  	s4 =	sld [smem:$0x3FAA]  }
0x2a: {  	p0 =	seq.s32 s5, $0x0;
	s5 =	sld [smem:$0x3FAB]  }
0x2b: {  	s6 =	sld [smem:$0x3FAC]  }
0x2c: {  	s7 =	sld [smem:$0x3FAD]  }
0x2d: {  	s3 =	simm.s32 $0x108;
	s8 =	sld [smem:$0x3FAE]  }
0x2e: {  	s3 =	simm.s32 @!p0 $0x1082;
	s9 =	sld [smem:$0x3FAF]  }
0x2f: {  	lr =	sadd.s32 s0, s3;
	s0 =	sld [smem:$0x3FA6]  }
0x30: {  	s3 =	sld [smem:$0x3FA9]  }
0x31: {  	[smem:$0x3FB2] =	sst s10  }
0x32: {  	s10 =	sld [smem:$0x3FB0];
	_ =	sdelay $0x3  }
0x33: {  	p0 =	seq.s32 s10, $0x1;
	s10 =	sld [smem:$0x3FB2];
	_ =	sdelay $0x3  }
0x34: {  	[smem:$0x3FB2] =	sst s10  }
0x35: {  	s10 =	sld [smem:$0x3FB1];
	_ =	sdelay $0x3  }
0x36: {  	p1 =	seq.s32 s10, $0x1;
	s10 =	sld [smem:$0x3FB2];
	_ =	sdelay $0x3  }
0x37: {  	[smem:$0x3FB2] =	sst s10  }
0x38: {  	s10 =	sld [smem:$0x3FB3]  }
0x39: {  	_ = 	snop;
	(pc) =	sbr.ind lr, $3  }
0x3a: {  	_ = 	snop  }
0x3b: {  	_ = 	snop  }
0x3c: {  	p2 =	seq.s32 s10, $0x1;
	s10 =	sld [smem:$0x3FB2]  }
0x3d: {  	_ =	shalt  }
0x3e: {  	_ =	shalt  }
0x3f: {  	_ =	shalt  }
0x40: {  	_ =	shalt  }
0x41: {  	_ =	shalt  }
0x42: {  	_ =	shalt  }
0x43: {  	_ =	shalt  }
0x44: {  	_ =	shalt  }
0x45: {  	_ =	shalt  }
0x46: {  	_ =	shalt  }
0x47: {  	_ =	shalt  }
0x48: {  	_ =	shalt  }
0x49: {  	_ =	shalt  }
0x4a: {  	_ =	shalt  }
0x4b: {  	_ =	shalt  }
0x4c: {  	_ =	shalt  }
0x4d: {  	_ =	shalt  }
0x4e: {  	_ =	shalt  }
0x4f: {  	_ =	shalt  }
0x50: {  	_ =	shalt  }
0x51: {  	_ =	shalt  }
0x52: {  	_ =	shalt  }
0x53: {  	_ =	shalt  }
0x54: {  	_ =	shalt  }
0x55: {  	_ =	shalt  }
0x56: {  	_ =	shalt  }
0x57: {  	_ =	shalt  }
0x58: {  	_ =	shalt  }
0x59: {  	_ =	shalt  }
0x5a: {  	_ =	shalt  }
0x5b: {  	_ =	shalt  }
0x5c: {  	_ =	shalt  }
0x5d: {  	_ =	shalt  }
0x5e: {  	_ =	shalt  }
0x5f: {  	_ =	shalt  }
0x60: {  	_ =	shalt  }
0x61: {  	_ =	shalt  }
0x62: {  	_ =	shalt  }
0x63: {  	_ =	shalt  }
0x64: {  	_ =	shalt  }
0x65: {  	_ =	shalt  }
0x66: {  	_ =	shalt  }
0x67: {  	_ =	shalt  }
0x68: {  	_ =	shalt  }
0x69: {  	_ =	shalt  }
0x6a: {  	_ =	shalt  }
0x6b: {  	_ =	shalt  }
0x6c: {  	_ =	shalt  }
0x6d: {  	_ =	shalt  }
0x6e: {  	_ =	shalt  }
0x6f: {  	_ =	shalt  }
0x70: {  	_ =	shalt  }
0x71: {  	_ =	shalt  }
0x72: {  	_ =	shalt  }
0x73: {  	_ =	shalt  }
0x74: {  	_ =	shalt  }
0x75: {  	_ =	shalt  }
0x76: {  	_ =	shalt  }
0x77: {  	_ =	shalt  }
0x78: {  	_ =	shalt  }
0x79: {  	_ =	shalt  }
0x7a: {  	_ =	shalt  }
0x7b: {  	_ =	shalt  }
0x7c: {  	_ =	shalt  }
0x7d: {  	_ =	shalt  }
0x7e: {  	_ =	shalt  }
0x7f: {  	_ =	shalt  }
0x80: {  	_ =	shalt  }
0x81: {  	_ =	shalt  }
0x82: {  	_ =	shalt  }
0x83: {  	_ =	shalt  }
0x84: {  	_ =	shalt  }
0x85: {  	_ =	shalt  }
0x86: {  	_ =	shalt  }
0x87: {  	_ =	shalt  }
.Lfunc_end0:
.L_simem_size_0:
called_computation.2_lowered:
.L_overlay_start_0:
0x88: {  	s2 =	sld [smem:$0x3FD9]  }
0x89: {  	s3 =	sld [smem:$0x3FFE];
	_ =	sdelay $0x1  }
0x8a: {  	s1 =	srdreg.scid  }
0x8b: {  	s0 =	sand.u32 $0x1, s1  }
0x8c: {  	s17 =	sshll.u32 s0, $0xA;
	s2 =	sadd.s32 s3, s2  }
0x8d: {  	s2 =	sadd.s32 s2, s17  }
0x8e: {  	[smem:$0x3FBE] =	sst s2  }
0x8f: {  	_ = 	snop  }
0x90: {  	s2 =	sld [smem:$0x3FD0];
	(tm) =	ssettm $0x1  }
0x91: {  	s18 =	sld [smem:$0x3FFB];
	_ =	sdelay $0x3  }
0x92: {  	_ =	strace s18  }
0x93: {  	s3 =	sld [smem:$0x3FFC];
	_ =	sdelay $0x3  }
0x94: {  	_ =	strace s3  }
0x95: {  	s3 =	sld [smem:$0x3FFD];
	_ =	sdelay $0x3  }
0x96: {  	_ =	strace s3  }
0x97: {  	_ =	strace $0x8FFFFFFF  }
0x98: {  	s19 =	sld [smem:$0x3FDB];
	_ =	sdelay $0x1  }
0x99: {  	s4 =	simm.s32 $_scs_section_size  }
0x9a: {  	s5 =	simm.s32 $_size__tile_overlayer_lowered;
	s6 =	simm.s32 $_tile_overlayer_lowered  }
0x9b: {  	s22 =	simm.s32 $0x1BFF;
	s21 =	sshll.u32 s6, $0x1;
	s3 =	sadd.s32 s4, s19  }
0x9c: {  	s7 =	simm.s32 $0x0;
	s20 =	sshll.u32 s5, $0x1;
	s5 =	sadd.s32 s21, s3  }
0x9d: {  	[timem:s7], [sflag:s22] =	dma.local [hbm:s5], s20  }
0x9e: {  	_ =	swait.ge [sflag:s22], s20  }
0x9f: {  	s4 =	ssub.s32 $0x0, s20;
	[sflag:s22] =	ssyncset.done $0x0  }
0xa0: {  	[sflag:s22] =	ssyncadd.s32 s4;
	_ =	sdelay $0x1  }
0xa1: {  	s23 =	simm.s32 $0x1B8B  }
0xa2: {  	_ =	swait.ge [sflag:s23], $0x1  }
0xa3: {  	[sflag:s23] =	ssyncset.done $0x0  }
0xa4: {  	s25 =	simm.s32 $0x1B8E;
	s24 =	sld [smem:$0x3FFE];
	[sflag:s23] =	ssyncadd.s32 $0xFFFFFFFF  }
0xa5: {  	s26 =	simm.s32 $execute0_lowered;
	[smem:$0x3FD2] =	sst s25  }
0xa6: {  	s5 =	sshll.u32 s26, $0x1;
	_ =	strace $0x8000004C;
	[dreg:$0x1] =	wrdreg $0xFFFFFFFF  }
0xa7: {  	s28 =	simm.s32 $_size_execute0_lowered;
	s3 =	sadd.s32 s3, s5;
	[dreg:$0x0] =	wrdreg $0x0  }
0xa8: {  	s5 =	sshll.u32 s28, $0x1;
	[dreg:$0x2] =	wrdreg s3  }
0xa9: {  	[dreg:$0x3] =	wrdreg s5  }
0xaa: {  	[dreg:$0x4] =	wrdreg $0xC0  }
0xab: {  	_ =	task [dreg:s7], $0x5FFFF  }
0xac: {  	[dreg:$0x1] =	wrdreg $0xFFFFFFFF  }
0xad: {  	[dreg:$0x0] =	wrdreg $0x60  }
0xae: {  	[dreg:$0x2] =	wrdreg s2  }
0xaf: {  	[dreg:$0x3] =	wrdreg s24  }
0xb0: {  	[dreg:$0x4] =	wrdreg $0xC3000  }
0xb1: {  	[dreg:$0x5] =	wrdreg $0x9  }
0xb2: {  	_ =	task.clear_ibuf [dreg:s7], $0x6FFFF;
	_ =	strace $0x9000004C  }
0xb3: {  	s29 =	simm.s32 $0x9;
	_ =	strace $0x8000004E  }
0xb4: {  	_ =	swait.ge [sflag:s29], $0x1  }
0xb5: {  	[sflag:s29] =	ssyncadd.s32 $0xFFFFFFFF  }
0xb6: {  	_ =	strace $0x9000004E  }
0xb7: {  	_ =	sfence  }
0xb8: {  	s30 =	sld [smem:$0x0];
	_ =	sdelay $0x2  }
0xb9: {  	s31 =	sshll.u32 s1, $0xD;
	s1 =	sshrl.u32 s1, $0x2  }
0xba: {  	s3 =	sand.u32 $0x4000, s31;
	s1 =	sadd.s32 s1, s30  }
0xbb: {  	s0 =	sor.u32 s3, s0;
	s1 =	sshll.u32 s1, $0x11  }
0xbc: {  	s0 =	sor.u32 s1, s0  }
0xbd: {  	s0 =	sadd.s32 $0x8F2B, s0  }
0xbe: {  	[sflag:s0] =	ssyncadd.remote.s32 $0x1  }
0xbf: {  	_ =	sfence.sel $0xFFFF  }
0xc0: {  	[dreg:$0x0] =	wrdreg $0xFFFFFFFF;
	(pc) =	sbr.abs _section_cstart, $3  }
0xc1: {  	[dreg:$0x1] =	wrdreg $0xFFFFFFFF  }
0xc2: {  	_ =	task.clear_ibuf [dreg:s7], $0x2FFFF;
	_ =	strace $0x9FFFFFFF  }
0xc3: {  	(tm) =	ssettm $0x7FFFFFFF  }
tec
execute0_lowered:
.L_overlay_start_1:
0x0: {  	(tag) =	ssettag $0x1  }
0x1: {  	s1 =	rddreg [dreg:$0x0]  }
0x2: {  	s0 =	rddreg [dreg:$0x1]  }
0x3: {  	s2 =	rddreg [dreg:$0x2];
	s3 =	simm.s32 $0x0;
	s4 =	srdreg.scid  }
0x4: {  	s10 =	stileid.u32;
	s28 =	simm.s32 $0x180;
	s29 =	simm.s32 $0x80  }
0x5: {  	s30 =	simm.s32 $0x200;
	s31 =	simm.s32 $0x100;
	[smem:$0x7FF] =	sst s3  }
0x6: {  	s6 =	sand.u32 $0x1, s4;
	s4 =	sadd.s32 $0x3000, s0;
	s5 =	sadd.s32 $0xD200, s0  }
0x7: {  	s8 =	sadd.s32 $0x17400, s0;
	s0 =	sadd.s32 $0x19C00, s0;
	s9 =	smul.u32 $0x4E000, s10  }
0x8: {  	p0 =	seq.s32 s10, $0xF;
	p3 =	sne.s32 s10, $0xF;
	s22 =	smul.u32 $0x2700, s10  }
0x9: {  	s25 =	sadd.s32 $0x124800, s2;
	s11 =	sadd.s32 $0x24900, s1;
	s14 =	smul.u32 $0x13800, s10  }
0xa: {  	s17 =	smul.u32 $0x2880, s10;
	_ =	strace $0x8000004D;
	s7 =	ssub.s32 $0x2, s6  }
0xb: {  	[dreg:$0x4] =	wrdreg s8;
	s21 =	sshll.u32 s6, $0x4;
	p1 =	seq.s32 s6, $0x0  }
0xc: {  	[dreg:$0x6] =	wrdreg s11;
	p6 =	seq.s32 s6, $0x1;
	s13 =	smul.u32 $0x138800, s6  }
0xd: {  	s6 =	smul.u32 $0x28800, s6;
	[dreg:$0x5] =	wrdreg s25;
	s20 =	sshrl.u32 s7, $0x1  }
0xe: {  	s8 =	sor.u32 s10, s21;
	p2 =	por !p1, !p3;
	p4 =	por !p1, !p0  }
0xf: {  	s9 =	sshrl.u32 s9, $0x2;
	p3 =	por !p3, !p6;
	s23 =	sadd.s32 s1, s22  }
0x10: {  	s10 =	simm.s32 $0x0;
	s7 =	ssub.s32 s7, s20;
	p1 =	por !p2, !p2  }
0x11: {  	p2 =	por !p4, !p4;
	s8 =	smul.u32 $0x2880, s8;
	s9 =	sadd.s32 s9, s2  }
0x12: {  	[dreg:$0x8] =	wrdreg s23;
	p3 =	por !p3, !p3;
	s16 =	sshrl.u32 s13, $0x3  }
0x13: {  	s20 =	sadd.s32 s17, s6;
	p4 =	por !p0, !p6;
	s17 =	simm.s32 $0x7  }
0x14: {  	[dreg:$0x7] =	wrdreg s9;
	s18 =	sadd.s32 s0, s16;
	s22 =	smax.u32 s7, $0x1  }
0x15: {  	s23 =	sadd.s32 $0x280, s20;
	p4 =	por !p4, !p4;
	s16 =	simm.s32 $0x1  }
0x16: {  	s8 =	sshrl.u32 s8, $0x3;
	[dreg:$0x11] =	wrdreg s22;
	s6 =	sshrl.u32 s23, $0x3  }
0x17: {  	p4 =	por !p4, p3;
	s24 =	sadd.s32 s4, s8;
	s26 =	sadd.s32 s5, s8  }
0x18: {  	s11 =	sadd.s32 $0x10, s8;
	s8 =	sadd.s32 $0x20, s8;
	s21 =	sadd.s32 s6, s5  }
0x19: {  	s22 =	sadd.s32 s6, s4;
	s6 =	simm.s32 $0x9;
	[dreg:$0x9] =	wrdreg s24  }
0x1a: {  	[dreg:$0xa] =	wrdreg s26;
	s12 =	sadd.s32 s4, s11;
	s9 =	sadd.s32 s5, s11  }
0x1b: {  	s15 =	sadd.s32 s4, s8;
	s11 =	sadd.s32 s14, s13;
	[dreg:$0xb] =	wrdreg s12  }
0x1c: {  	s8 =	sadd.s32 s5, s8;
	s24 =	sadd.s32 $0x200, s20;
	[dreg:$0xc] =	wrdreg s9  }
0x1d: {  	s13 =	simm.s32 $0x4300;
	s14 =	simm.s32 $0x6;
	[dreg:$0xd] =	wrdreg s15  }
0x1e: {  	[dreg:$0xe] =	wrdreg s8;
	s19 =	sshrl.u32 s11, $0x3;
	s8 =	sadd.s32 $0x24900, s18  }
0x1f: {  	s26 =	sshrl.u32 s24, $0x3;
	s9 =	simm.s32 $0x4;
	s11 =	simm.s32 $0x300  }
.Ltmp0:
0x20: {  	s12 =	simm.s32 $0x5;
	s15 =	simm.s32 $0x8300;
	(pc) =	sbr.rel .LBB2_1-.Ltmp0, $4  }
0x21: {  	s18 =	simm.s32 $0x2;
	[dreg:$0xf] =	wrdreg s8;
	s0 =	sadd.s32 s0, s19  }
0x22: {  	s23 =	sadd.s32 s26, s5;
	s24 =	sadd.s32 s26, s4;
	s26 =	simm.s32 $0xA  }
0x23: {  	s19 =	simm.s32 $0x8;
	[dreg:$0x10] =	wrdreg s0;
	s0 =	sadd.s32 $0x180, s20  }
0x24: {  	s20 =	simm.s32 $0x3;
	[dreg:$0x12] =	wrdreg s0;
	s0 =	simm.s32 $0x280  }
.LBB2_9:
0x25: {  	_ =	swait.ge [sflag:s18], $0x4000  }
0x26: {  	[sflag:s18] =	ssyncset.done $0x0  }
0x27: {  	[sflag:s18] =	ssyncadd.s32 $0xFFFFC000  }
0x28: {  	_ =	swait.ge [sflag:s19], $0x80  }
0x29: {  	[sflag:s19] =	ssyncset.done $0x0  }
0x2a: {  	[sflag:s19] =	ssyncadd.s32 $0xFFFFFF80  }
0x2b: {  	[spmem:s2] =	stream.indirect.scatter.add.f32 [tilespmem:s13], [sflag:$0xA], $0x80, s30, s29, $0xb8;
	[tilespmem:$0x1FEC0] =	vst v63  }
0x2c: {  	_ =	swait.ge [sflag:s26], $0x4000  }
0x2d: {  	[sflag:s26] =	ssyncset.done $0x0  }
0x2e: {  	[sflag:s26] =	ssyncadd.s32 $0xFFFFC000  }
0x2f: {  	_ =	swait.ge [sflag:s20], $0x4000  }
0x30: {  	[sflag:s20] =	ssyncset.done $0x0  }
0x31: {  	[sflag:s20] =	ssyncadd.s32 $0xFFFFC000  }
0x32: {  	_ =	swait.ge [sflag:s6], $0x80  }
0x33: {  	[sflag:s6] =	ssyncset.done $0x0  }
0x34: {  	[sflag:s6] =	ssyncadd.s32 $0xFFFFFF80  }
0x35: {  	[spmem:s2] =	stream.indirect.scatter.add.f32 [tilespmem:s15], [sflag:$0xA], $0x80, s0, s29, $0xb8;
	[tilespmem:$0x1FEC0] =	vst v63  }
0x36: {  	_ =	swait.ge [sflag:s26], $0x4000  }
0x37: {  	[sflag:s26] =	ssyncset.done $0x0  }
0x38: {  	[sflag:s26] =	ssyncadd.s32 $0xFFFFC000  }
0x39: {  	[bflag:$0x0] =	sbarrier.arrive $0xFFFF  }
0x3a: {  	s25 =	rddreg [dreg:$0x5]  }
0x3b: {  	s8 =	simm.s32 @p0 $0x1FCA;
	s10 =	rddreg [dreg:$0xf];
	s7 =	sshrl.u32 @p0 s25, $0x3  }
0x3c: {  	[hbm:s10], [sflag:s8] =	dma.local @p0 [spmem:s7], $0x2800  }
0x3d: {  	s7 =	simm.s32 @p0 $0xA  }
0x3e: {  	s8 =	stileid.u32;
	_ =	swait.ge @p0 [sflag:s7], $0x2800  }
0x3f: {  	s8 =	sshll.u32 @!p0 s8, $0x6;
	[sflag:s7] =	ssyncset.done @p0 $0x0  }
0x40: {  	[sflag:s7] =	ssyncadd.s32 @p0 $0xFFFFD800;
	s7 =	sor.u32 @!p0 $0x1C0A, s8;
	s8 =	rddreg [dreg:$0x7]  }
0x41: {  	s10 =	rddreg [dreg:$0x10];
	s8 =	sshrl.u32 @!p0 s8, $0x3  }
0x42: {  	[hbm:s10], [sflag:s7] =	dma.local @!p0 [spmem:s8], $0x2700  }
0x43: {  	s7 =	simm.s32 @!p0 $0xA  }
0x44: {  	_ =	swait.ge @!p0 [sflag:s7], $0x2700  }
0x45: {  	s8 =	rddreg [dreg:$0x13]  }
0x46: {  	s10 =	sadd.s32 $0x1, s8;
	s8 =	rddreg [dreg:$0x11]  }
0x47: {  	p5 =	sne.s32 s10, s8  }
.Ltmp1:
0x48: {  	_ = 	snop;
	(pc) =	sbr.rel @!p5 .LBB2_10-.Ltmp1, $3  }
0x49: {  	_ =	sdelay $0x1  }
0x4a: {  	[sflag:s7] =	ssyncset.done @!p0 $0x0  }
0x4b: {  	[sflag:s7] =	ssyncadd.s32 @!p0 $0xFFFFD900  }
.LBB2_1:
.Ltmp2:
0x4c: {  	(pc) =	sbr.rel @!p1 .LBB2_4-.Ltmp2, $2  }
0x4d: {  	_ =	sdelay $0x2  }
0x4e: {  	[dreg:$0x13] =	wrdreg s10;
	s10 =	stileid.u32  }
0x4f: {  	s7 =	sshll.u32 s10, $0x6  }
0x50: {  	s8 =	rddreg [dreg:$0x7];
	s7 =	sor.u32 $0x1C0A, s7  }
0x51: {  	[dreg:$0x14] =	wrdreg s7  }
0x52: {  	s7 =	rddreg [dreg:$0x8]  }
.Ltmp3:
0x53: {  	s8 =	sshrl.u32 s8, $0x3;
	s25 =	rddreg [dreg:$0x14];
	(pc) =	sbr.rel .LBB2_3-.Ltmp3, $4  }
0x54: {  	[spmem:s8], [sflag:s25] =	dma.local [hbm:s7], $0x2700  }
0x55: {  	s25 =	rddreg [dreg:$0x5];
	_ =	swait.ge [sflag:s26], $0x2700  }
0x56: {  	[sflag:s26] =	ssyncset.done $0x0  }
0x57: {  	[sflag:s26] =	ssyncadd.s32 $0xFFFFD900  }
.LBB2_4:
.Ltmp4:
0x58: {  	(pc) =	sbr.rel @!p2 .LBB2_3-.Ltmp4, $1  }
0x59: {  	_ =	sdelay $0x3  }
0x5a: {  	s7 =	sshrl.u32 s25, $0x3  }
.Ltmp5:
0x5b: {  	s8 =	rddreg [dreg:$0x6];
	s10 =	simm.s32 $0x1FCA;
	(pc) =	sbr.rel .LBB2_6-.Ltmp5, $4  }
0x5c: {  	[spmem:s7], [sflag:s10] =	dma.local [hbm:s8], $0x2800  }
0x5d: {  	_ =	swait.ge [sflag:s26], $0x2800  }
0x5e: {  	[sflag:s26] =	ssyncset.done $0x0  }
0x5f: {  	[sflag:s26] =	ssyncadd.s32 $0xFFFFD800  }
.LBB2_3:
0x60: {  	s7 =	sshrl.u32 @!p4 s25, $0x3;
	s8 =	simm.s32 @!p4 $0x1FCA;
	s25 =	rddreg [dreg:$0x4]  }
0x61: {  	[spmem:s7], [sflag:s8] =	dma.local @!p4 [hbm:s25], $0x2800  }
0x62: {  	s7 =	simm.s32 @!p4 $0xA  }
0x63: {  	_ =	swait.ge @!p4 [sflag:s7], $0x2800  }
0x64: {  	s8 =	sshll.u32 @p3 s10, $0x6;
	[sflag:s7] =	ssyncset.done @!p4 $0x0  }
0x65: {  	[sflag:s7] =	ssyncadd.s32 @!p4 $0xFFFFD800;
	s7 =	sor.u32 @p3 $0x1C0A, s8;
	s8 =	rddreg [dreg:$0x7]  }
0x66: {  	s8 =	sshrl.u32 @p3 s8, $0x3  }
0x67: {  	[spmem:s8], [sflag:s7] =	dma.local @p3 [hbm:s25], $0x2700  }
0x68: {  	s7 =	simm.s32 @p3 $0xA  }
0x69: {  	_ =	swait.ge @p3 [sflag:s7], $0x2700  }
0x6a: {  	[sflag:s7] =	ssyncset.done @p3 $0x0  }
0x6b: {  	[sflag:s7] =	ssyncadd.s32 @p3 $0xFFFFD900  }
.LBB2_6:
0x6c: {  	[bflag:$0x0] =	sbarrier.arrive $0xFFFF  }
0x6d: {  	s7 =	simm.s32 $0x0;
	s8 =	rddreg [dreg:$0x9]  }
0x6e: {  	[tilespmem:s7], [sflag:$0x4] =	stream.linear.gather [hbm4b:s8+s7], $0x80, $0x38;
	[tilespmem:$0x1FEC0] =	vst v63  }
0x6f: {  	s25 =	rddreg [dreg:$0xa]  }
0x70: {  	[tilespmem:s28], [sflag:$0x7] =	stream.linear.gather [hbm4b:s25+s7], $0x80, $0x38;
	[tilespmem:$0x1FEC0] =	vst v63  }
0x71: {  	s10 =	rddreg [dreg:$0xb]  }
0x72: {  	[tilespmem:s29], [sflag:$0x5] =	stream.linear.gather [hbm4b:s10+s7], $0x80, $0x38;
	[tilespmem:$0x1FEC0] =	vst v63  }
0x73: {  	s25 =	rddreg [dreg:$0xc]  }
0x74: {  	[tilespmem:s30], [sflag:$0x8] =	stream.linear.gather [hbm4b:s25+s7], $0x80, $0x38;
	[tilespmem:$0x1FEC0] =	vst v63  }
0x75: {  	s10 =	rddreg [dreg:$0xd]  }
0x76: {  	[tilespmem:s31], [sflag:$0x6] =	stream.linear.gather [hbm4b:s10+s7], $0x80, $0x38;
	[tilespmem:$0x1FEC0] =	vst v63  }
0x77: {  	s25 =	rddreg [dreg:$0xe]  }
0x78: {  	[tilespmem:s0], [sflag:$0x9] =	stream.linear.gather [hbm4b:s25+s7], $0x80, $0x38;
	[tilespmem:$0x1FEC0] =	vst v63  }
0x79: {  	_ =	swait.ge [sflag:s9], $0x80  }
0x7a: {  	[sflag:s9] =	ssyncset.done $0x0  }
0x7b: {  	[sflag:s9] =	ssyncadd.s32 $0xFFFFFF80  }
0x7c: {  	[tilespmem:s11], [sflag:$0x1] =	stream.indirect.gather [hbm4b:s1+s29], $0x80, s7, s29, $0xb8;
	[tilespmem:$0x1FEC0] =	vst v63  }
0x7d: {  	_ =	swait.ge [sflag:s12], $0x80  }
0x7e: {  	[sflag:s12] =	ssyncset.done $0x0  }
0x7f: {  	[sflag:s12] =	ssyncadd.s32 $0xFFFFFF80  }
0x80: {  	[tilespmem:s13], [sflag:$0x2] =	stream.indirect.gather [hbm4b:s1+s29], $0x80, s29, s29, $0xb8;
	[tilespmem:$0x1FEC0] =	vst v63  }
0x81: {  	_ =	swait.ge [sflag:s14], $0x80  }
0x82: {  	[sflag:s14] =	ssyncset.done $0x0  }
0x83: {  	s8 =	rddreg [dreg:$0x12];
	[sflag:s14] =	ssyncadd.s32 $0xFFFFFF80  }
0x84: {  	[tilespmem:s15], [sflag:$0x3] =	stream.indirect.gather [hbm4b:s1+s29], $0x80, s31, s29, $0xb8;
	[tilespmem:$0x1FEC0] =	vst v63  }
.LBB2_7:
0x85: {  	_ =	swait.ge [sflag:s16], $0x4000;
	p5 =	seq.s32 s7, $0x4E0  }
0x86: {  	[sflag:s16] =	ssyncset.done $0x0;
	s10 =	sshrl.u32 @!p5 s8, $0x3  }
0x87: {  	s25 =	simm.s32 @!p5 $0x0;
	[sflag:s16] =	ssyncadd.s32 $0xFFFFC000;
	s10 =	sadd.s32 @!p5 s4, s10  }
0x88: {  	[tilespmem:s25], [sflag:$0x4] =	stream.linear.gather @!p5 [hbm4b:s10+s25], $0x80, $0x38;
	[tilespmem:$0x1FEC0] =	vst v63  }
0x89: {  	_ =	swait.ge [sflag:s17], $0x80  }
0x8a: {  	[sflag:s17] =	ssyncset.done $0x0  }
.Ltmp6:
0x8b: {  	[sflag:s17] =	ssyncadd.s32 $0xFFFFFF80;
	(pc) =	sbr.rel @p5 .LBB2_9-.Ltmp6, $4  }
0x8c: {  	[spmem:s2] =	stream.indirect.scatter.add.f32 [tilespmem:s11], [sflag:$0xA], $0x80, s28, s29, $0xb8;
	[tilespmem:$0x1FEC0] =	vst v63  }
0x8d: {  	_ =	swait.ge [sflag:s26], $0x4000  }
0x8e: {  	[sflag:s26] =	ssyncset.done $0x0  }
0x8f: {  	[sflag:s26] =	ssyncadd.s32 $0xFFFFC000  }
0x90: {  	s10 =	sshrl.u32 s8, $0x3  }
0x91: {  	s10 =	sadd.s32 s5, s10  }
0x92: {  	[tilespmem:s28], [sflag:$0x7] =	stream.linear.gather [hbm4b:s10+s3], $0x80, $0x38;
	[tilespmem:$0x1FEC0] =	vst v63  }
0x93: {  	_ =	swait.ge [sflag:s9], $0x80  }
0x94: {  	[sflag:s9] =	ssyncset.done $0x0  }
0x95: {  	[sflag:s9] =	ssyncadd.s32 $0xFFFFFF80  }
0x96: {  	[tilespmem:s11], [sflag:$0x1] =	stream.indirect.gather [hbm4b:s1+s29], $0x80, s3, s29, $0xb8;
	[tilespmem:$0x1FEC0] =	vst v63  }
0x97: {  	_ =	swait.ge [sflag:s18], $0x4000  }
0x98: {  	[sflag:s18] =	ssyncset.done $0x0  }
0x99: {  	s25 =	sadd.s32 s7, s24;
	[sflag:s18] =	ssyncadd.s32 $0xFFFFC000  }
0x9a: {  	[tilespmem:s29], [sflag:$0x5] =	stream.linear.gather [hbm4b:s25+s3], $0x80, $0x38;
	[tilespmem:$0x1FEC0] =	vst v63  }
0x9b: {  	_ =	swait.ge [sflag:s19], $0x80  }
0x9c: {  	[sflag:s19] =	ssyncset.done $0x0  }
0x9d: {  	[sflag:s19] =	ssyncadd.s32 $0xFFFFFF80  }
0x9e: {  	[spmem:s2] =	stream.indirect.scatter.add.f32 [tilespmem:s13], [sflag:$0xA], $0x80, s30, s29, $0xb8;
	[tilespmem:$0x1FEC0] =	vst v63  }
0x9f: {  	_ =	swait.ge [sflag:s26], $0x4000  }
0xa0: {  	[sflag:s26] =	ssyncset.done $0x0  }
0xa1: {  	s25 =	sadd.s32 s7, s23;
	[sflag:s26] =	ssyncadd.s32 $0xFFFFC000  }
0xa2: {  	[tilespmem:s30], [sflag:$0x8] =	stream.linear.gather [hbm4b:s25+s3], $0x80, $0x38;
	[tilespmem:$0x1FEC0] =	vst v63  }
0xa3: {  	_ =	swait.ge [sflag:s12], $0x80  }
0xa4: {  	[sflag:s12] =	ssyncset.done $0x0  }
0xa5: {  	[sflag:s12] =	ssyncadd.s32 $0xFFFFFF80  }
0xa6: {  	[tilespmem:s13], [sflag:$0x2] =	stream.indirect.gather [hbm4b:s1+s29], $0x80, s29, s29, $0xb8;
	[tilespmem:$0x1FEC0] =	vst v63  }
0xa7: {  	_ =	swait.ge [sflag:s20], $0x4000  }
0xa8: {  	[sflag:s20] =	ssyncset.done $0x0  }
0xa9: {  	s25 =	sadd.s32 s7, s22;
	[sflag:s20] =	ssyncadd.s32 $0xFFFFC000  }
0xaa: {  	[tilespmem:s31], [sflag:$0x6] =	stream.linear.gather [hbm4b:s25+s3], $0x80, $0x38;
	[tilespmem:$0x1FEC0] =	vst v63  }
0xab: {  	_ =	swait.ge [sflag:s6], $0x80  }
0xac: {  	[sflag:s6] =	ssyncset.done $0x0  }
0xad: {  	[sflag:s6] =	ssyncadd.s32 $0xFFFFFF80  }
0xae: {  	[spmem:s2] =	stream.indirect.scatter.add.f32 [tilespmem:s15], [sflag:$0xA], $0x80, s0, s29, $0xb8;
	[tilespmem:$0x1FEC0] =	vst v63  }
0xaf: {  	_ =	swait.ge [sflag:s26], $0x4000  }
0xb0: {  	[sflag:s26] =	ssyncset.done $0x0  }
0xb1: {  	s25 =	sadd.s32 s7, s21;
	[sflag:s26] =	ssyncadd.s32 $0xFFFFC000  }
0xb2: {  	[tilespmem:s0], [sflag:$0x9] =	stream.linear.gather [hbm4b:s25+s3], $0x80, $0x38;
	[tilespmem:$0x1FEC0] =	vst v63  }
.Ltmp7:
0xb3: {  	_ = 	snop;
	(pc) =	sbr.rel .LBB2_7-.Ltmp7, $4  }
0xb4: {  	_ =	swait.ge [sflag:s14], $0x80  }
0xb5: {  	[sflag:s14] =	ssyncset.done $0x0  }
0xb6: {  	s8 =	sadd.s32 $0x180, s8;
	s7 =	sadd.s32 $0x30, s7;
	[sflag:s14] =	ssyncadd.s32 $0xFFFFFF80  }
0xb7: {  	[tilespmem:s15], [sflag:$0x3] =	stream.indirect.gather [hbm4b:s1+s29], $0x80, s31, s29, $0xb8;
	[tilespmem:$0x1FEC0] =	vst v63  }
.LBB2_10:
0xb8: {  	_ =	sfence.sel $0x180000  }
0xb9: {  	[bflag:$0x0] =	sbarrier.arrive $0xFFFF  }
0xba: {  	_ =	strace $0x9000004D  }
0xbb: {  	s0 =	stileid.u32;
	[bflag:$0x2] =	sbarrier.arrive $0xFFFF  }
0xbc: {  	p0 =	sne.s32 s0, $0x0;
	s0 =	rddreg [dreg:$0x3]  }
0xbd: {  	s0 =	sadd.s32 @!p0 $0x100000, s0  }
0xbe: {  	[sflag:s0] =	ssyncadd.tile.s32 @!p0 $0x1;
	_ =	shalt  }
.Lfunc_end2:
_tile_overlayer_lowered:
.L_overlay_start_2:
0xbf: {  	(tag) =	ssettag $0x2  }
0xc0: {  	s0 =	rddreg [dreg:$0x0];
	s2 =	stileid.u32  }
0xc1: {  	s1 =	rddreg [dreg:$0x1];
	p0 =	sne.s32 s2, $0x0  }
0xc2: {  	s3 =	rddreg [dreg:$0x2];
	[bflag:$0x3] =	sbarrier.arrive $0xFFFF;
	s2 =	simm.s32 @!p0 $0x1C0A  }
0xc3: {  	[timem:s3], [sflag:s2] =	dma.local @!p0 [hbm:s0], s1  }
0xc4: {  	s0 =	simm.s32 @!p0 $0xA  }
0xc5: {  	_ =	swait.ge @!p0 [sflag:s0], s1  }
0xc6: {  	s1 =	ssub.s32 @!p0 $0x0, s1;
	[sflag:s0] =	ssyncset.done @!p0 $0x0  }
0xc7: {  	[sflag:s0] =	ssyncadd.s32 @!p0 s1  }
0xc8: {  	[bflag:$0x3] =	sbarrier.arrive $0xFFFF  }
0xc9: {  	_ =	shalt  }

// kernel: kernel.19.cloned.1.call-start
scs
__scs_entry_jumppad:
0x0: {  	(pc) =	sbr.rel $0x88, $3  }
0x1: {  	(tag) =	ssettag $0x0;
	lr =	simm.s32 $0x1  }
0x2: {  	[smem:$0x3F97] =	sst lr;
	_ =	strace $0xD0000000  }
0x3: {  	_ = 	snop  }
0x4: {  	_ = 	snop  }
0x5: {  	_ = 	snop  }
0x6: {  	_ = 	snop  }
0x7: {  	_ = 	snop  }
__scs_overlays_trampoline_lowered:
0x8: {  	[smem:$0x3FA6] =	sst s0  }
0x9: {  	[smem:$0x3FA7] =	sst s1  }
0xa: {  	[smem:$0x3FA8] =	sst s2  }
0xb: {  	[smem:$0x3FA9] =	sst s3  }
0xc: {  	[smem:$0x3FAA] =	sst s4  }
0xd: {  	[smem:$0x3FAB] =	sst s5  }
0xe: {  	[smem:$0x3FAC] =	sst s6  }
0xf: {  	[smem:$0x3FAD] =	sst s7  }
0x10: {  	[smem:$0x3FAE] =	sst s8  }
0x11: {  	[smem:$0x3FAF] =	sst s9;
	s0 =	simm.s32 @!p0 $0x0  }
0x12: {  	s1 =	sld [smem:$0x3F95];
	s0 =	simm.s32 @p0 $0x1  }
0x13: {  	[smem:$0x3FB0] =	sst s0;
	s0 =	simm.s32 @!p1 $0x0  }
0x14: {  	s2 =	sld [smem:$0x3F94];
	s0 =	simm.s32 @p1 $0x1  }
0x15: {  	[smem:$0x3FB1] =	sst s0;
	s0 =	simm.s32 @!p2 $0x0  }
0x16: {  	s3 =	sld [smem:$0x3FDB];
	s0 =	simm.s32 @p2 $0x1  }
0x17: {  	s4 =	simm.s32 $0x1BF5;
	[smem:$0x3FB3] =	sst s0  }
0x18: {  	s0 =	sld [smem:$0x3F96];
	_ =	swait.ge [sflag:s4], $0x0  }
0x19: {  	s7 =	sld [smem:$0x3F97]  }
0x1a: {  	s8 =	sadd.s32 $0xFFFFE003, lr  }
0x1b: {  	s9 =	sadd.s32 $0xFFFFFEF7, lr;
	s5 =	simm.s32 $0xFFFFFFFF;
	p2 =	slt.u32 s8, $0xFFFFF086  }
0x1c: {  	p1 =	slt.u32 s9, $0xF7A;
	s5 =	simm.s32 @!p2 $0x0  }
0x1d: {  	s5 =	simm.s32 @p1 $0x1;
	p0 =	seq.s32 s7, s2  }
0x1e: {  	s7 =	smul.u32 @!p0 $0xF7A, s2;
	p2 =	seq.s32 @!p0 s5, $0x0  }
0x1f: {  	s9 =	smul.u32 $0xF7A, s1;
	s8 =	simm.s32 @!p0 $0x1BF5;
	p2 =	por !p2, p0  }
0x20: {  	[sflag:s8] =	ssyncset.s32 @!p0 $0xFFFFF086;
	s6 =	sadd.s32 @!p0 s3, s7;
	s7 =	simm.s32 @!p0 $0x108  }
0x21: {  	s3 =	sadd.s32 s3, s9;
	s6 =	sadd.s32 @!p0 $0x88, s6;
	s7 =	simm.s32 @p2 $0x1082  }
0x22: {  	[simem:s7], [sflag:s8] =	dma.local @!p0 [hbm:s6], $0xF7A  }
0x23: {  	s9 =	sor.u32 $0xD0000000, s2;
	s6 =	simm.s32 $0x108;
	_ =	swait.ge @!p0 [sflag:s8], $0x0  }
0x24: {  	s3 =	sadd.s32 $0x88, s3;
	s6 =	simm.s32 @!p1 $0x1082;
	[sflag:s4] =	ssyncset.s32 $0xFFFFF086  }
0x25: {  	[simem:s6], [sflag:s4] =	dma.local [hbm:s3], $0xF7A  }
0x26: {  	[smem:$0x3F97] =	sst s1;
	(tag) =	ssettag s2;
	_ =	strace s9  }
0x27: {  	s1 =	sld [smem:$0x3FA7]  }
0x28: {  	s2 =	sld [smem:$0x3FA8]  }
0x29: {  	s4 =	sld [smem:$0x3FAA]  }
0x2a: {  	p0 =	seq.s32 s5, $0x0;
	s5 =	sld [smem:$0x3FAB]  }
0x2b: {  	s6 =	sld [smem:$0x3FAC]  }
0x2c: {  	s7 =	sld [smem:$0x3FAD]  }
0x2d: {  	s3 =	simm.s32 $0x108;
	s8 =	sld [smem:$0x3FAE]  }
0x2e: {  	s3 =	simm.s32 @!p0 $0x1082;
	s9 =	sld [smem:$0x3FAF]  }
0x2f: {  	lr =	sadd.s32 s0, s3;
	s0 =	sld [smem:$0x3FA6]  }
0x30: {  	s3 =	sld [smem:$0x3FA9]  }
0x31: {  	[smem:$0x3FB2] =	sst s10  }
0x32: {  	s10 =	sld [smem:$0x3FB0];
	_ =	sdelay $0x3  }
0x33: {  	p0 =	seq.s32 s10, $0x1;
	s10 =	sld [smem:$0x3FB2];
	_ =	sdelay $0x3  }
0x34: {  	[smem:$0x3FB2] =	sst s10  }
0x35: {  	s10 =	sld [smem:$0x3FB1];
	_ =	sdelay $0x3  }
0x36: {  	p1 =	seq.s32 s10, $0x1;
	s10 =	sld [smem:$0x3FB2];
	_ =	sdelay $0x3  }
0x37: {  	[smem:$0x3FB2] =	sst s10  }
0x38: {  	s10 =	sld [smem:$0x3FB3]  }
0x39: {  	_ = 	snop;
	(pc) =	sbr.ind lr, $3  }
0x3a: {  	_ = 	snop  }
0x3b: {  	_ = 	snop  }
0x3c: {  	p2 =	seq.s32 s10, $0x1;
	s10 =	sld [smem:$0x3FB2]  }
0x3d: {  	_ =	shalt  }
0x3e: {  	_ =	shalt  }
0x3f: {  	_ =	shalt  }
0x40: {  	_ =	shalt  }
0x41: {  	_ =	shalt  }
0x42: {  	_ =	shalt  }
0x43: {  	_ =	shalt  }
0x44: {  	_ =	shalt  }
0x45: {  	_ =	shalt  }
0x46: {  	_ =	shalt  }
0x47: {  	_ =	shalt  }
0x48: {  	_ =	shalt  }
0x49: {  	_ =	shalt  }
0x4a: {  	_ =	shalt  }
0x4b: {  	_ =	shalt  }
0x4c: {  	_ =	shalt  }
0x4d: {  	_ =	shalt  }
0x4e: {  	_ =	shalt  }
0x4f: {  	_ =	shalt  }
0x50: {  	_ =	shalt  }
0x51: {  	_ =	shalt  }
0x52: {  	_ =	shalt  }
0x53: {  	_ =	shalt  }
0x54: {  	_ =	shalt  }
0x55: {  	_ =	shalt  }
0x56: {  	_ =	shalt  }
0x57: {  	_ =	shalt  }
0x58: {  	_ =	shalt  }
0x59: {  	_ =	shalt  }
0x5a: {  	_ =	shalt  }
0x5b: {  	_ =	shalt  }
0x5c: {  	_ =	shalt  }
0x5d: {  	_ =	shalt  }
0x5e: {  	_ =	shalt  }
0x5f: {  	_ =	shalt  }
0x60: {  	_ =	shalt  }
0x61: {  	_ =	shalt  }
0x62: {  	_ =	shalt  }
0x63: {  	_ =	shalt  }
0x64: {  	_ =	shalt  }
0x65: {  	_ =	shalt  }
0x66: {  	_ =	shalt  }
0x67: {  	_ =	shalt  }
0x68: {  	_ =	shalt  }
0x69: {  	_ =	shalt  }
0x6a: {  	_ =	shalt  }
0x6b: {  	_ =	shalt  }
0x6c: {  	_ =	shalt  }
0x6d: {  	_ =	shalt  }
0x6e: {  	_ =	shalt  }
0x6f: {  	_ =	shalt  }
0x70: {  	_ =	shalt  }
0x71: {  	_ =	shalt  }
0x72: {  	_ =	shalt  }
0x73: {  	_ =	shalt  }
0x74: {  	_ =	shalt  }
0x75: {  	_ =	shalt  }
0x76: {  	_ =	shalt  }
0x77: {  	_ =	shalt  }
0x78: {  	_ =	shalt  }
0x79: {  	_ =	shalt  }
0x7a: {  	_ =	shalt  }
0x7b: {  	_ =	shalt  }
0x7c: {  	_ =	shalt  }
0x7d: {  	_ =	shalt  }
0x7e: {  	_ =	shalt  }
0x7f: {  	_ =	shalt  }
0x80: {  	_ =	shalt  }
0x81: {  	_ =	shalt  }
0x82: {  	_ =	shalt  }
0x83: {  	_ =	shalt  }
0x84: {  	_ =	shalt  }
0x85: {  	_ =	shalt  }
0x86: {  	_ =	shalt  }
0x87: {  	_ =	shalt  }
.Lfunc_end0:
.L_simem_size_0:
called_computation.3_lowered:
.L_overlay_start_0:
0x88: {  	s2 =	sld [smem:$0x3FD9]  }
0x89: {  	s3 =	sld [smem:$0x3FFE];
	_ =	sdelay $0x1  }
0x8a: {  	s1 =	srdreg.scid  }
0x8b: {  	s0 =	sand.u32 $0x1, s1  }
0x8c: {  	s17 =	sshll.u32 s0, $0xA;
	s2 =	sadd.s32 s3, s2  }
0x8d: {  	s2 =	sadd.s32 s2, s17  }
0x8e: {  	[smem:$0x3FBE] =	sst s2  }
0x8f: {  	_ = 	snop  }
0x90: {  	s2 =	sld [smem:$0x3FD0];
	(tm) =	ssettm $0x1  }
0x91: {  	s18 =	sld [smem:$0x3FFB];
	_ =	sdelay $0x3  }
0x92: {  	_ =	strace s18  }
0x93: {  	s3 =	sld [smem:$0x3FFC];
	_ =	sdelay $0x3  }
0x94: {  	_ =	strace s3  }
0x95: {  	s3 =	sld [smem:$0x3FFD];
	_ =	sdelay $0x3  }
0x96: {  	_ =	strace s3  }
0x97: {  	_ =	strace $0x8FFFFFFF  }
0x98: {  	s19 =	sld [smem:$0x3FDB];
	_ =	sdelay $0x1  }
0x99: {  	s4 =	simm.s32 $_scs_section_size  }
0x9a: {  	s5 =	simm.s32 $_size__tile_overlayer_lowered;
	s6 =	simm.s32 $_tile_overlayer_lowered  }
0x9b: {  	s22 =	simm.s32 $0x1BFF;
	s21 =	sshll.u32 s6, $0x1;
	s3 =	sadd.s32 s4, s19  }
0x9c: {  	s7 =	simm.s32 $0x0;
	s20 =	sshll.u32 s5, $0x1;
	s5 =	sadd.s32 s21, s3  }
0x9d: {  	[timem:s7], [sflag:s22] =	dma.local [hbm:s5], s20  }
0x9e: {  	_ =	swait.ge [sflag:s22], s20  }
0x9f: {  	s4 =	ssub.s32 $0x0, s20;
	[sflag:s22] =	ssyncset.done $0x0  }
0xa0: {  	[sflag:s22] =	ssyncadd.s32 s4;
	_ =	sdelay $0x1  }
0xa1: {  	s23 =	simm.s32 $0x1B8B  }
0xa2: {  	_ =	swait.ge [sflag:s23], $0x1  }
0xa3: {  	[sflag:s23] =	ssyncset.done $0x0  }
0xa4: {  	s25 =	simm.s32 $0x1B8E;
	s24 =	sld [smem:$0x3FFE];
	[sflag:s23] =	ssyncadd.s32 $0xFFFFFFFF  }
0xa5: {  	s26 =	simm.s32 $execute0_lowered;
	[smem:$0x3FD2] =	sst s25  }
0xa6: {  	s5 =	sshll.u32 s26, $0x1;
	_ =	strace $0x8000004F;
	[dreg:$0x1] =	wrdreg $0xFFFFFFFF  }
0xa7: {  	s28 =	simm.s32 $_size_execute0_lowered;
	s3 =	sadd.s32 s3, s5;
	[dreg:$0x0] =	wrdreg $0x0  }
0xa8: {  	s5 =	sshll.u32 s28, $0x1;
	[dreg:$0x2] =	wrdreg s3  }
0xa9: {  	[dreg:$0x3] =	wrdreg s5  }
0xaa: {  	[dreg:$0x4] =	wrdreg $0xC0  }
0xab: {  	_ =	task [dreg:s7], $0x5FFFF  }
0xac: {  	[dreg:$0x1] =	wrdreg $0xFFFFFFFF  }
0xad: {  	[dreg:$0x0] =	wrdreg $0x60  }
0xae: {  	[dreg:$0x2] =	wrdreg s2  }
0xaf: {  	[dreg:$0x3] =	wrdreg s24  }
0xb0: {  	[dreg:$0x4] =	wrdreg $0xC3000  }
0xb1: {  	[dreg:$0x5] =	wrdreg $0x9  }
0xb2: {  	_ =	task.clear_ibuf [dreg:s7], $0x6FFFF;
	_ =	strace $0x9000004F  }
0xb3: {  	s29 =	simm.s32 $0x9;
	_ =	strace $0x80000051  }
0xb4: {  	_ =	swait.ge [sflag:s29], $0x1  }
0xb5: {  	[sflag:s29] =	ssyncadd.s32 $0xFFFFFFFF  }
0xb6: {  	_ =	strace $0x90000051  }
0xb7: {  	_ =	sfence  }
0xb8: {  	s30 =	sld [smem:$0x0];
	_ =	sdelay $0x2  }
0xb9: {  	s31 =	sshll.u32 s1, $0xD;
	s1 =	sshrl.u32 s1, $0x2  }
0xba: {  	s3 =	sand.u32 $0x4000, s31;
	s1 =	sadd.s32 s1, s30  }
0xbb: {  	s0 =	sor.u32 s3, s0;
	s1 =	sshll.u32 s1, $0x11  }
0xbc: {  	s0 =	sor.u32 s1, s0  }
0xbd: {  	s0 =	sadd.s32 $0x8F2B, s0  }
0xbe: {  	[sflag:s0] =	ssyncadd.remote.s32 $0x1  }
0xbf: {  	_ =	sfence.sel $0xFFFF  }
0xc0: {  	[dreg:$0x0] =	wrdreg $0xFFFFFFFF;
	(pc) =	sbr.abs _section_cstart, $3  }
0xc1: {  	[dreg:$0x1] =	wrdreg $0xFFFFFFFF  }
0xc2: {  	_ =	task.clear_ibuf [dreg:s7], $0x2FFFF;
	_ =	strace $0x9FFFFFFF  }
0xc3: {  	(tm) =	ssettm $0x7FFFFFFF  }
tec
execute0_lowered:
.L_overlay_start_1:
0x0: {  	(tag) =	ssettag $0x1  }
0x1: {  	s1 =	rddreg [dreg:$0x0]  }
0x2: {  	s0 =	rddreg [dreg:$0x1]  }
0x3: {  	s2 =	rddreg [dreg:$0x2];
	s3 =	simm.s32 $0x0;
	s4 =	srdreg.scid  }
0x4: {  	s10 =	stileid.u32;
	s28 =	simm.s32 $0x180;
	s29 =	simm.s32 $0x80  }
0x5: {  	s30 =	simm.s32 $0x200;
	s31 =	simm.s32 $0x100;
	[smem:$0x7FF] =	sst s3  }
0x6: {  	s6 =	sand.u32 $0x1, s4;
	s4 =	sadd.s32 $0x3000, s0;
	s5 =	sadd.s32 $0xD200, s0  }
0x7: {  	s8 =	sadd.s32 $0x17400, s0;
	s0 =	sadd.s32 $0x19C00, s0;
	s9 =	smul.u32 $0x4E000, s10  }
0x8: {  	p0 =	seq.s32 s10, $0xF;
	p3 =	sne.s32 s10, $0xF;
	s22 =	smul.u32 $0x2700, s10  }
0x9: {  	s25 =	sadd.s32 $0x124800, s2;
	s11 =	sadd.s32 $0x24900, s1;
	s14 =	smul.u32 $0x13800, s10  }
0xa: {  	s17 =	smul.u32 $0x2880, s10;
	_ =	strace $0x80000050;
	s7 =	ssub.s32 $0x2, s6  }
0xb: {  	[dreg:$0x4] =	wrdreg s8;
	s21 =	sshll.u32 s6, $0x4;
	p1 =	seq.s32 s6, $0x0  }
0xc: {  	[dreg:$0x6] =	wrdreg s11;
	p6 =	seq.s32 s6, $0x1;
	s13 =	smul.u32 $0x138800, s6  }
0xd: {  	s6 =	smul.u32 $0x28800, s6;
	[dreg:$0x5] =	wrdreg s25;
	s20 =	sshrl.u32 s7, $0x1  }
0xe: {  	s8 =	sor.u32 s10, s21;
	p2 =	por !p1, !p3;
	p4 =	por !p1, !p0  }
0xf: {  	s9 =	sshrl.u32 s9, $0x2;
	p3 =	por !p3, !p6;
	s23 =	sadd.s32 s1, s22  }
0x10: {  	s10 =	simm.s32 $0x0;
	s7 =	ssub.s32 s7, s20;
	p1 =	por !p2, !p2  }
0x11: {  	p2 =	por !p4, !p4;
	s8 =	smul.u32 $0x2880, s8;
	s9 =	sadd.s32 s9, s2  }
0x12: {  	[dreg:$0x8] =	wrdreg s23;
	p3 =	por !p3, !p3;
	s16 =	sshrl.u32 s13, $0x3  }
0x13: {  	s20 =	sadd.s32 s17, s6;
	p4 =	por !p0, !p6;
	s17 =	simm.s32 $0x7  }
0x14: {  	[dreg:$0x7] =	wrdreg s9;
	s18 =	sadd.s32 s0, s16;
	s22 =	smax.u32 s7, $0x1  }
0x15: {  	s23 =	sadd.s32 $0x280, s20;
	p4 =	por !p4, !p4;
	s16 =	simm.s32 $0x1  }
0x16: {  	s8 =	sshrl.u32 s8, $0x3;
	[dreg:$0x11] =	wrdreg s22;
	s6 =	sshrl.u32 s23, $0x3  }
0x17: {  	p4 =	por !p4, p3;
	s24 =	sadd.s32 s4, s8;
	s26 =	sadd.s32 s5, s8  }
0x18: {  	s11 =	sadd.s32 $0x10, s8;
	s8 =	sadd.s32 $0x20, s8;
	s21 =	sadd.s32 s6, s5  }
0x19: {  	s22 =	sadd.s32 s6, s4;
	s6 =	simm.s32 $0x9;
	[dreg:$0x9] =	wrdreg s24  }
0x1a: {  	[dreg:$0xa] =	wrdreg s26;
	s12 =	sadd.s32 s4, s11;
	s9 =	sadd.s32 s5, s11  }
0x1b: {  	s15 =	sadd.s32 s4, s8;
	s11 =	sadd.s32 s14, s13;
	[dreg:$0xb] =	wrdreg s12  }
0x1c: {  	s8 =	sadd.s32 s5, s8;
	s24 =	sadd.s32 $0x200, s20;
	[dreg:$0xc] =	wrdreg s9  }
0x1d: {  	s13 =	simm.s32 $0x4300;
	s14 =	simm.s32 $0x6;
	[dreg:$0xd] =	wrdreg s15  }
0x1e: {  	[dreg:$0xe] =	wrdreg s8;
	s19 =	sshrl.u32 s11, $0x3;
	s8 =	sadd.s32 $0x24900, s18  }
0x1f: {  	s26 =	sshrl.u32 s24, $0x3;
	s9 =	simm.s32 $0x4;
	s11 =	simm.s32 $0x300  }
.Ltmp0:
0x20: {  	s12 =	simm.s32 $0x5;
	s15 =	simm.s32 $0x8300;
	(pc) =	sbr.rel .LBB2_1-.Ltmp0, $4  }
0x21: {  	s18 =	simm.s32 $0x2;
	[dreg:$0xf] =	wrdreg s8;
	s0 =	sadd.s32 s0, s19  }
0x22: {  	s23 =	sadd.s32 s26, s5;
	s24 =	sadd.s32 s26, s4;
	s26 =	simm.s32 $0xA  }
0x23: {  	s19 =	simm.s32 $0x8;
	[dreg:$0x10] =	wrdreg s0;
	s0 =	sadd.s32 $0x180, s20  }
0x24: {  	s20 =	simm.s32 $0x3;
	[dreg:$0x12] =	wrdreg s0;
	s0 =	simm.s32 $0x280  }
.LBB2_9:
0x25: {  	_ =	swait.ge [sflag:s18], $0x4000  }
0x26: {  	[sflag:s18] =	ssyncset.done $0x0  }
0x27: {  	[sflag:s18] =	ssyncadd.s32 $0xFFFFC000  }
0x28: {  	_ =	swait.ge [sflag:s19], $0x80  }
0x29: {  	[sflag:s19] =	ssyncset.done $0x0  }
0x2a: {  	[sflag:s19] =	ssyncadd.s32 $0xFFFFFF80  }
0x2b: {  	[spmem:s2] =	stream.indirect.scatter.add.f32 [tilespmem:s13], [sflag:$0xA], $0x80, s30, s29, $0xb8;
	[tilespmem:$0x1FEC0] =	vst v63  }
0x2c: {  	_ =	swait.ge [sflag:s26], $0x4000  }
0x2d: {  	[sflag:s26] =	ssyncset.done $0x0  }
0x2e: {  	[sflag:s26] =	ssyncadd.s32 $0xFFFFC000  }
0x2f: {  	_ =	swait.ge [sflag:s20], $0x4000  }
0x30: {  	[sflag:s20] =	ssyncset.done $0x0  }
0x31: {  	[sflag:s20] =	ssyncadd.s32 $0xFFFFC000  }
0x32: {  	_ =	swait.ge [sflag:s6], $0x80  }
0x33: {  	[sflag:s6] =	ssyncset.done $0x0  }
0x34: {  	[sflag:s6] =	ssyncadd.s32 $0xFFFFFF80  }
0x35: {  	[spmem:s2] =	stream.indirect.scatter.add.f32 [tilespmem:s15], [sflag:$0xA], $0x80, s0, s29, $0xb8;
	[tilespmem:$0x1FEC0] =	vst v63  }
0x36: {  	_ =	swait.ge [sflag:s26], $0x4000  }
0x37: {  	[sflag:s26] =	ssyncset.done $0x0  }
0x38: {  	[sflag:s26] =	ssyncadd.s32 $0xFFFFC000  }
0x39: {  	[bflag:$0x0] =	sbarrier.arrive $0xFFFF  }
0x3a: {  	s25 =	rddreg [dreg:$0x5]  }
0x3b: {  	s8 =	simm.s32 @p0 $0x1FCA;
	s10 =	rddreg [dreg:$0xf];
	s7 =	sshrl.u32 @p0 s25, $0x3  }
0x3c: {  	[hbm:s10], [sflag:s8] =	dma.local @p0 [spmem:s7], $0x2800  }
0x3d: {  	s7 =	simm.s32 @p0 $0xA  }
0x3e: {  	s8 =	stileid.u32;
	_ =	swait.ge @p0 [sflag:s7], $0x2800  }
0x3f: {  	s8 =	sshll.u32 @!p0 s8, $0x6;
	[sflag:s7] =	ssyncset.done @p0 $0x0  }
0x40: {  	[sflag:s7] =	ssyncadd.s32 @p0 $0xFFFFD800;
	s7 =	sor.u32 @!p0 $0x1C0A, s8;
	s8 =	rddreg [dreg:$0x7]  }
0x41: {  	s10 =	rddreg [dreg:$0x10];
	s8 =	sshrl.u32 @!p0 s8, $0x3  }
0x42: {  	[hbm:s10], [sflag:s7] =	dma.local @!p0 [spmem:s8], $0x2700  }
0x43: {  	s7 =	simm.s32 @!p0 $0xA  }
0x44: {  	_ =	swait.ge @!p0 [sflag:s7], $0x2700  }
0x45: {  	s8 =	rddreg [dreg:$0x13]  }
0x46: {  	s10 =	sadd.s32 $0x1, s8;
	s8 =	rddreg [dreg:$0x11]  }
0x47: {  	p5 =	sne.s32 s10, s8  }
.Ltmp1:
0x48: {  	_ = 	snop;
	(pc) =	sbr.rel @!p5 .LBB2_10-.Ltmp1, $3  }
0x49: {  	_ =	sdelay $0x1  }
0x4a: {  	[sflag:s7] =	ssyncset.done @!p0 $0x0  }
0x4b: {  	[sflag:s7] =	ssyncadd.s32 @!p0 $0xFFFFD900  }
.LBB2_1:
.Ltmp2:
0x4c: {  	(pc) =	sbr.rel @!p1 .LBB2_4-.Ltmp2, $2  }
0x4d: {  	_ =	sdelay $0x2  }
0x4e: {  	[dreg:$0x13] =	wrdreg s10;
	s10 =	stileid.u32  }
0x4f: {  	s7 =	sshll.u32 s10, $0x6  }
0x50: {  	s8 =	rddreg [dreg:$0x7];
	s7 =	sor.u32 $0x1C0A, s7  }
0x51: {  	[dreg:$0x14] =	wrdreg s7  }
0x52: {  	s7 =	rddreg [dreg:$0x8]  }
.Ltmp3:
0x53: {  	s8 =	sshrl.u32 s8, $0x3;
	s25 =	rddreg [dreg:$0x14];
	(pc) =	sbr.rel .LBB2_3-.Ltmp3, $4  }
0x54: {  	[spmem:s8], [sflag:s25] =	dma.local [hbm:s7], $0x2700  }
0x55: {  	s25 =	rddreg [dreg:$0x5];
	_ =	swait.ge [sflag:s26], $0x2700  }
0x56: {  	[sflag:s26] =	ssyncset.done $0x0  }
0x57: {  	[sflag:s26] =	ssyncadd.s32 $0xFFFFD900  }
.LBB2_4:
.Ltmp4:
0x58: {  	(pc) =	sbr.rel @!p2 .LBB2_3-.Ltmp4, $1  }
0x59: {  	_ =	sdelay $0x3  }
0x5a: {  	s7 =	sshrl.u32 s25, $0x3  }
.Ltmp5:
0x5b: {  	s8 =	rddreg [dreg:$0x6];
	s10 =	simm.s32 $0x1FCA;
	(pc) =	sbr.rel .LBB2_6-.Ltmp5, $4  }
0x5c: {  	[spmem:s7], [sflag:s10] =	dma.local [hbm:s8], $0x2800  }
0x5d: {  	_ =	swait.ge [sflag:s26], $0x2800  }
0x5e: {  	[sflag:s26] =	ssyncset.done $0x0  }
0x5f: {  	[sflag:s26] =	ssyncadd.s32 $0xFFFFD800  }
.LBB2_3:
0x60: {  	s7 =	sshrl.u32 @!p4 s25, $0x3;
	s8 =	simm.s32 @!p4 $0x1FCA;
	s25 =	rddreg [dreg:$0x4]  }
0x61: {  	[spmem:s7], [sflag:s8] =	dma.local @!p4 [hbm:s25], $0x2800  }
0x62: {  	s7 =	simm.s32 @!p4 $0xA  }
0x63: {  	_ =	swait.ge @!p4 [sflag:s7], $0x2800  }
0x64: {  	s8 =	sshll.u32 @p3 s10, $0x6;
	[sflag:s7] =	ssyncset.done @!p4 $0x0  }
0x65: {  	[sflag:s7] =	ssyncadd.s32 @!p4 $0xFFFFD800;
	s7 =	sor.u32 @p3 $0x1C0A, s8;
	s8 =	rddreg [dreg:$0x7]  }
0x66: {  	s8 =	sshrl.u32 @p3 s8, $0x3  }
0x67: {  	[spmem:s8], [sflag:s7] =	dma.local @p3 [hbm:s25], $0x2700  }
0x68: {  	s7 =	simm.s32 @p3 $0xA  }
0x69: {  	_ =	swait.ge @p3 [sflag:s7], $0x2700  }
0x6a: {  	[sflag:s7] =	ssyncset.done @p3 $0x0  }
0x6b: {  	[sflag:s7] =	ssyncadd.s32 @p3 $0xFFFFD900  }
.LBB2_6:
0x6c: {  	[bflag:$0x0] =	sbarrier.arrive $0xFFFF  }
0x6d: {  	s7 =	simm.s32 $0x0;
	s8 =	rddreg [dreg:$0x9]  }
0x6e: {  	[tilespmem:s7], [sflag:$0x4] =	stream.linear.gather [hbm4b:s8+s7], $0x80, $0x38;
	[tilespmem:$0x1FEC0] =	vst v63  }
0x6f: {  	s25 =	rddreg [dreg:$0xa]  }
0x70: {  	[tilespmem:s28], [sflag:$0x7] =	stream.linear.gather [hbm4b:s25+s7], $0x80, $0x38;
	[tilespmem:$0x1FEC0] =	vst v63  }
0x71: {  	s10 =	rddreg [dreg:$0xb]  }
0x72: {  	[tilespmem:s29], [sflag:$0x5] =	stream.linear.gather [hbm4b:s10+s7], $0x80, $0x38;
	[tilespmem:$0x1FEC0] =	vst v63  }
0x73: {  	s25 =	rddreg [dreg:$0xc]  }
0x74: {  	[tilespmem:s30], [sflag:$0x8] =	stream.linear.gather [hbm4b:s25+s7], $0x80, $0x38;
	[tilespmem:$0x1FEC0] =	vst v63  }
0x75: {  	s10 =	rddreg [dreg:$0xd]  }
0x76: {  	[tilespmem:s31], [sflag:$0x6] =	stream.linear.gather [hbm4b:s10+s7], $0x80, $0x38;
	[tilespmem:$0x1FEC0] =	vst v63  }
0x77: {  	s25 =	rddreg [dreg:$0xe]  }
0x78: {  	[tilespmem:s0], [sflag:$0x9] =	stream.linear.gather [hbm4b:s25+s7], $0x80, $0x38;
	[tilespmem:$0x1FEC0] =	vst v63  }
0x79: {  	_ =	swait.ge [sflag:s9], $0x80  }
0x7a: {  	[sflag:s9] =	ssyncset.done $0x0  }
0x7b: {  	[sflag:s9] =	ssyncadd.s32 $0xFFFFFF80  }
0x7c: {  	[tilespmem:s11], [sflag:$0x1] =	stream.indirect.gather [hbm4b:s1+s29], $0x80, s7, s29, $0xb8;
	[tilespmem:$0x1FEC0] =	vst v63  }
0x7d: {  	_ =	swait.ge [sflag:s12], $0x80  }
0x7e: {  	[sflag:s12] =	ssyncset.done $0x0  }
0x7f: {  	[sflag:s12] =	ssyncadd.s32 $0xFFFFFF80  }
0x80: {  	[tilespmem:s13], [sflag:$0x2] =	stream.indirect.gather [hbm4b:s1+s29], $0x80, s29, s29, $0xb8;
	[tilespmem:$0x1FEC0] =	vst v63  }
0x81: {  	_ =	swait.ge [sflag:s14], $0x80  }
0x82: {  	[sflag:s14] =	ssyncset.done $0x0  }
0x83: {  	s8 =	rddreg [dreg:$0x12];
	[sflag:s14] =	ssyncadd.s32 $0xFFFFFF80  }
0x84: {  	[tilespmem:s15], [sflag:$0x3] =	stream.indirect.gather [hbm4b:s1+s29], $0x80, s31, s29, $0xb8;
	[tilespmem:$0x1FEC0] =	vst v63  }
.LBB2_7:
0x85: {  	_ =	swait.ge [sflag:s16], $0x4000;
	p5 =	seq.s32 s7, $0x4E0  }
0x86: {  	[sflag:s16] =	ssyncset.done $0x0;
	s10 =	sshrl.u32 @!p5 s8, $0x3  }
0x87: {  	s25 =	simm.s32 @!p5 $0x0;
	[sflag:s16] =	ssyncadd.s32 $0xFFFFC000;
	s10 =	sadd.s32 @!p5 s4, s10  }
0x88: {  	[tilespmem:s25], [sflag:$0x4] =	stream.linear.gather @!p5 [hbm4b:s10+s25], $0x80, $0x38;
	[tilespmem:$0x1FEC0] =	vst v63  }
0x89: {  	_ =	swait.ge [sflag:s17], $0x80  }
0x8a: {  	[sflag:s17] =	ssyncset.done $0x0  }
.Ltmp6:
0x8b: {  	[sflag:s17] =	ssyncadd.s32 $0xFFFFFF80;
	(pc) =	sbr.rel @p5 .LBB2_9-.Ltmp6, $4  }
0x8c: {  	[spmem:s2] =	stream.indirect.scatter.add.f32 [tilespmem:s11], [sflag:$0xA], $0x80, s28, s29, $0xb8;
	[tilespmem:$0x1FEC0] =	vst v63  }
0x8d: {  	_ =	swait.ge [sflag:s26], $0x4000  }
0x8e: {  	[sflag:s26] =	ssyncset.done $0x0  }
0x8f: {  	[sflag:s26] =	ssyncadd.s32 $0xFFFFC000  }
0x90: {  	s10 =	sshrl.u32 s8, $0x3  }
0x91: {  	s10 =	sadd.s32 s5, s10  }
0x92: {  	[tilespmem:s28], [sflag:$0x7] =	stream.linear.gather [hbm4b:s10+s3], $0x80, $0x38;
	[tilespmem:$0x1FEC0] =	vst v63  }
0x93: {  	_ =	swait.ge [sflag:s9], $0x80  }
0x94: {  	[sflag:s9] =	ssyncset.done $0x0  }
0x95: {  	[sflag:s9] =	ssyncadd.s32 $0xFFFFFF80  }
0x96: {  	[tilespmem:s11], [sflag:$0x1] =	stream.indirect.gather [hbm4b:s1+s29], $0x80, s3, s29, $0xb8;
	[tilespmem:$0x1FEC0] =	vst v63  }
0x97: {  	_ =	swait.ge [sflag:s18], $0x4000  }
0x98: {  	[sflag:s18] =	ssyncset.done $0x0  }
0x99: {  	s25 =	sadd.s32 s7, s24;
	[sflag:s18] =	ssyncadd.s32 $0xFFFFC000  }
0x9a: {  	[tilespmem:s29], [sflag:$0x5] =	stream.linear.gather [hbm4b:s25+s3], $0x80, $0x38;
	[tilespmem:$0x1FEC0] =	vst v63  }
0x9b: {  	_ =	swait.ge [sflag:s19], $0x80  }
0x9c: {  	[sflag:s19] =	ssyncset.done $0x0  }
0x9d: {  	[sflag:s19] =	ssyncadd.s32 $0xFFFFFF80  }
0x9e: {  	[spmem:s2] =	stream.indirect.scatter.add.f32 [tilespmem:s13], [sflag:$0xA], $0x80, s30, s29, $0xb8;
	[tilespmem:$0x1FEC0] =	vst v63  }
0x9f: {  	_ =	swait.ge [sflag:s26], $0x4000  }
0xa0: {  	[sflag:s26] =	ssyncset.done $0x0  }
0xa1: {  	s25 =	sadd.s32 s7, s23;
	[sflag:s26] =	ssyncadd.s32 $0xFFFFC000  }
0xa2: {  	[tilespmem:s30], [sflag:$0x8] =	stream.linear.gather [hbm4b:s25+s3], $0x80, $0x38;
	[tilespmem:$0x1FEC0] =	vst v63  }
0xa3: {  	_ =	swait.ge [sflag:s12], $0x80  }
0xa4: {  	[sflag:s12] =	ssyncset.done $0x0  }
0xa5: {  	[sflag:s12] =	ssyncadd.s32 $0xFFFFFF80  }
0xa6: {  	[tilespmem:s13], [sflag:$0x2] =	stream.indirect.gather [hbm4b:s1+s29], $0x80, s29, s29, $0xb8;
	[tilespmem:$0x1FEC0] =	vst v63  }
0xa7: {  	_ =	swait.ge [sflag:s20], $0x4000  }
0xa8: {  	[sflag:s20] =	ssyncset.done $0x0  }
0xa9: {  	s25 =	sadd.s32 s7, s22;
	[sflag:s20] =	ssyncadd.s32 $0xFFFFC000  }
0xaa: {  	[tilespmem:s31], [sflag:$0x6] =	stream.linear.gather [hbm4b:s25+s3], $0x80, $0x38;
	[tilespmem:$0x1FEC0] =	vst v63  }
0xab: {  	_ =	swait.ge [sflag:s6], $0x80  }
0xac: {  	[sflag:s6] =	ssyncset.done $0x0  }
0xad: {  	[sflag:s6] =	ssyncadd.s32 $0xFFFFFF80  }
0xae: {  	[spmem:s2] =	stream.indirect.scatter.add.f32 [tilespmem:s15], [sflag:$0xA], $0x80, s0, s29, $0xb8;
	[tilespmem:$0x1FEC0] =	vst v63  }
0xaf: {  	_ =	swait.ge [sflag:s26], $0x4000  }
0xb0: {  	[sflag:s26] =	ssyncset.done $0x0  }
0xb1: {  	s25 =	sadd.s32 s7, s21;
	[sflag:s26] =	ssyncadd.s32 $0xFFFFC000  }
0xb2: {  	[tilespmem:s0], [sflag:$0x9] =	stream.linear.gather [hbm4b:s25+s3], $0x80, $0x38;
	[tilespmem:$0x1FEC0] =	vst v63  }
.Ltmp7:
0xb3: {  	_ = 	snop;
	(pc) =	sbr.rel .LBB2_7-.Ltmp7, $4  }
0xb4: {  	_ =	swait.ge [sflag:s14], $0x80  }
0xb5: {  	[sflag:s14] =	ssyncset.done $0x0  }
0xb6: {  	s8 =	sadd.s32 $0x180, s8;
	s7 =	sadd.s32 $0x30, s7;
	[sflag:s14] =	ssyncadd.s32 $0xFFFFFF80  }
0xb7: {  	[tilespmem:s15], [sflag:$0x3] =	stream.indirect.gather [hbm4b:s1+s29], $0x80, s31, s29, $0xb8;
	[tilespmem:$0x1FEC0] =	vst v63  }
.LBB2_10:
0xb8: {  	_ =	sfence.sel $0x180000  }
0xb9: {  	[bflag:$0x0] =	sbarrier.arrive $0xFFFF  }
0xba: {  	_ =	strace $0x90000050  }
0xbb: {  	s0 =	stileid.u32;
	[bflag:$0x2] =	sbarrier.arrive $0xFFFF  }
0xbc: {  	p0 =	sne.s32 s0, $0x0;
	s0 =	rddreg [dreg:$0x3]  }
0xbd: {  	s0 =	sadd.s32 @!p0 $0x100000, s0  }
0xbe: {  	[sflag:s0] =	ssyncadd.tile.s32 @!p0 $0x1;
	_ =	shalt  }
.Lfunc_end2:
_tile_overlayer_lowered:
.L_overlay_start_2:
0xbf: {  	(tag) =	ssettag $0x2  }
0xc0: {  	s0 =	rddreg [dreg:$0x0];
	s2 =	stileid.u32  }
0xc1: {  	s1 =	rddreg [dreg:$0x1];
	p0 =	sne.s32 s2, $0x0  }
0xc2: {  	s3 =	rddreg [dreg:$0x2];
	[bflag:$0x3] =	sbarrier.arrive $0xFFFF;
	s2 =	simm.s32 @!p0 $0x1C0A  }
0xc3: {  	[timem:s3], [sflag:s2] =	dma.local @!p0 [hbm:s0], s1  }
0xc4: {  	s0 =	simm.s32 @!p0 $0xA  }
0xc5: {  	_ =	swait.ge @!p0 [sflag:s0], s1  }
0xc6: {  	s1 =	ssub.s32 @!p0 $0x0, s1;
	[sflag:s0] =	ssyncset.done @!p0 $0x0  }
0xc7: {  	[sflag:s0] =	ssyncadd.s32 @!p0 s1  }
0xc8: {  	[bflag:$0x3] =	sbarrier.arrive $0xFFFF  }
0xc9: {  	_ =	shalt  }

</sc_bundles>
